<compile_context>
chip_gen: v7x
topology: tpu7x:2x2x1
jax: 0.10.2.dev20260603
libtpu: 0.0.44.dev20260713+nightly
codegen_flags: <defaults>
</compile_context>

<pallas_src>
import jax
import jax.numpy as jnp
from jax import lax
from jax.experimental import pallas as pl
from jax.experimental.pallas import tpu as pltpu
from jax.experimental.pallas import tpu_sc as plsc

_IOU_THRESH = 0.5
_MAX_KEEP = 100

_N = 5000
_NSUB = 16
_PER = 320
_NPAD = _NSUB * _PER
_SLICES = _PER // 16
_TAB = _NSUB * 16

_NEG_INF = float("-inf")


def _nms_body(bfh, sh, outh,
              civ, x1v, y1v, x2v, y2v, msv, arv, outv, stv, rbv, shared):
    wid = lax.axis_index("s")
    base = wid * _PER
    base_f = base.astype(jnp.float32)

    lane = lax.iota(jnp.int32, 16)
    lane_f = lane.astype(jnp.float32)
    zeros16 = jnp.zeros((16,), jnp.float32)
    neg16 = jnp.full((16,), _NEG_INF, jnp.float32)

    def _stage_full(_):
        pltpu.sync_copy(bfh.at[pl.ds(4 * base, 4 * _PER)], civ)
        pltpu.sync_copy(sh.at[pl.ds(base, _PER)], msv)
        return 0

    def _stage_tail(_):
        pltpu.sync_copy(bfh.at[pl.ds(4 * base, 4 * (_N - (_NPAD - _PER)))],
                        civ.at[pl.ds(0, 4 * (_N - (_NPAD - _PER)))])
        pltpu.sync_copy(sh.at[pl.ds(base, _N - (_NPAD - _PER))],
                        msv.at[pl.ds(0, _N - (_NPAD - _PER))])
        return 0

    lax.cond(wid == _NSUB - 1, _stage_tail, _stage_full, 0)

    for j in range(_SLICES):
        sl = pl.ds(16 * j, 16)
        outv[sl] = zeros16
        gidx = (base + 16 * j) + lane
        real = gidx < _N
        bidx = 64 * j + 4 * lane
        x1v[sl] = jnp.where(real, plsc.load_gather(civ, [bidx]), 0.0)
        y1v[sl] = jnp.where(real, plsc.load_gather(civ, [bidx + 1]), 0.0)
        x2v[sl] = jnp.where(real, plsc.load_gather(civ, [bidx + 2]), 0.0)
        y2v[sl] = jnp.where(real, plsc.load_gather(civ, [bidx + 3]), 0.0)
        msv[sl] = jnp.where(real, msv[sl], neg16)
        arv[sl] = (x2v[sl] - x1v[sl]) * (y2v[sl] - y1v[sl])

    def top2_update(v, gi, s):
        bv1, bi1, bv2, bi2 = s
        u1 = v > bv1
        u2 = (v > bv2) & jnp.logical_not(u1)
        bv2 = jnp.where(u1, bv1, jnp.where(u2, v, bv2))
        bi2 = jnp.where(u1, bi1, jnp.where(u2, gi, bi2))
        bv1 = jnp.where(u1, v, bv1)
        bi1 = jnp.where(u1, gi, bi1)
        return (bv1, bi1, bv2, bi2)

    s0 = (neg16, base_f + lane_f, neg16, base_f + lane_f)
    for j in range(_SLICES):
        v = msv[pl.ds(16 * j, 16)]
        gi = (base_f + 16.0 * j) + lane_f
        s0 = top2_update(v, gi, s0)

    def iou_pre(x1s, y1s, x2s, y2s, areas, x1w, y1w, x2w, y2w, aw):
        ix1 = jnp.maximum(x1s, x1w)
        iy1 = jnp.maximum(y1s, y1w)
        ix2 = jnp.minimum(x2s, x2w)
        iy2 = jnp.minimum(y2s, y2w)
        iw = jnp.maximum(ix2 - ix1, 0.0)
        ih = jnp.maximum(iy2 - iy1, 0.0)
        inter = iw * ih
        union = (aw + areas) - inter
        return inter / (union + 1e-6)

    def iou_vs(x1s, y1s, x2s, y2s, x1w, y1w, x2w, y2w, aw):
        areas = (x2s - x1s) * (y2s - y1s)
        return iou_pre(x1s, y1s, x2s, y2s, areas, x1w, y1w, x2w, y2w, aw)

    def step_body(carry):
        t, e, bv1, bi1, bv2, bi2 = carry

        lm1 = jnp.max(bv1)
        lif1 = jnp.min(jnp.where(bv1 == lm1, bi1, 1e9))
        sel1 = (bv1 == lm1) & (bi1 == lif1)
        v2c = jnp.where(sel1, bv2, bv1)
        bic = jnp.where(sel1, bi2, bi1)
        lm2 = jnp.max(v2c)
        lif2 = jnp.min(jnp.where(v2c == lm2, bic, 1e9))

        li1 = (lif1 - base_f).astype(jnp.int32)
        li2 = (lif2 - base_f).astype(jnp.int32)
        li2 = jnp.clip(li2, 0, _PER - 1)
        li1_vec = jnp.full((16,), li1, jnp.int32)
        li2_vec = jnp.full((16,), li2, jnp.int32)
        x1a = plsc.load_gather(x1v, [li1_vec])
        y1a = plsc.load_gather(y1v, [li1_vec])
        x2a = plsc.load_gather(x2v, [li1_vec])
        y2a = plsc.load_gather(y2v, [li1_vec])
        x1b = plsc.load_gather(x1v, [li2_vec])
        y1b = plsc.load_gather(y1v, [li2_vec])
        x2b = plsc.load_gather(x2v, [li2_vec])
        y2b = plsc.load_gather(y2v, [li2_vec])

        st = jnp.where(lane == 0, jnp.full((16,), lm1), zeros16)
        st = jnp.where(lane == 1, jnp.full((16,), lif1), st)
        st = jnp.where(lane == 2, x1a, st)
        st = jnp.where(lane == 3, y1a, st)
        st = jnp.where(lane == 4, x2a, st)
        st = jnp.where(lane == 5, y2a, st)
        st = jnp.where(lane == 8, jnp.full((16,), lm2), st)
        st = jnp.where(lane == 9, jnp.full((16,), lif2), st)
        st = jnp.where(lane == 10, x1b, st)
        st = jnp.where(lane == 11, y1b, st)
        st = jnp.where(lane == 12, x2b, st)
        st = jnp.where(lane == 13, y2b, st)
        stv[...] = st
        par = (e & 1) * _TAB
        pltpu.sync_copy(stv, shared.at[pl.ds(par + wid * 16, 16)])
        plsc.subcore_barrier()

        pltpu.sync_copy(shared.at[pl.ds(par, _TAB)], rbv)
        flat = lane * 16
        v1 = plsc.load_gather(rbv, [flat])
        i1 = plsc.load_gather(rbv, [flat + 1])
        e1x1 = plsc.load_gather(rbv, [flat + 2])
        e1y1 = plsc.load_gather(rbv, [flat + 3])
        e1x2 = plsc.load_gather(rbv, [flat + 4])
        e1y2 = plsc.load_gather(rbv, [flat + 5])
        v2 = plsc.load_gather(rbv, [flat + 8])
        i2 = plsc.load_gather(rbv, [flat + 9])
        e2x1 = plsc.load_gather(rbv, [flat + 10])
        e2y1 = plsc.load_gather(rbv, [flat + 11])
        e2x2 = plsc.load_gather(rbv, [flat + 12])
        e2y2 = plsc.load_gather(rbv, [flat + 13])

        m1 = jnp.max(v1)
        g1_f = jnp.min(jnp.where(v1 == m1, i1, 1e9))
        g1_i = g1_f.astype(jnp.int32)
        wb1 = jnp.full((16,), (g1_i // _PER) * 16, jnp.int32)
        valid1 = m1 > -1e30
        x1w = jnp.where(valid1, plsc.load_gather(rbv, [wb1 + 2]), 0.0)
        y1w = jnp.where(valid1, plsc.load_gather(rbv, [wb1 + 3]), 0.0)
        x2w = jnp.where(valid1, plsc.load_gather(rbv, [wb1 + 4]), 0.0)
        y2w = jnp.where(valid1, plsc.load_gather(rbv, [wb1 + 5]), 0.0)
        aw1 = (x2w - x1w) * (y2w - y1w)

        iou_e1 = iou_vs(e1x1, e1y1, e1x2, e1y2, x1w, y1w, x2w, y2w, aw1)
        iou_e2 = iou_vs(e2x1, e2y1, e2x2, e2y2, x1w, y1w, x2w, y2w, aw1)
        s1 = (iou_e1 > _IOU_THRESH) & valid1 & (v1 > -1e30)
        s2 = (iou_e2 > _IOU_THRESH) & valid1 & (v2 > -1e30)
        untrusted = jnp.any(s1 & s2)
        do2 = jnp.logical_not(untrusted) & (t + 1 < _MAX_KEEP)

        cand_v = jnp.where(s1, jnp.where(s2, _NEG_INF, v2), v1)
        cand_i = jnp.where(s1, jnp.where(s2, 1e9, i2), i1)
        m2 = jnp.max(cand_v)
        g2_f = jnp.min(jnp.where(cand_v == m2, cand_i, 1e9))
        g2_i = jnp.clip(g2_f.astype(jnp.int32), 0, _NPAD - 1)
        valid2 = m2 > -1e30
        wb2 = jnp.full((16,), (g2_i // _PER) * 16, jnp.int32)
        i1w2 = plsc.load_gather(rbv, [wb2 + 1])
        slot1 = i1w2 == g2_f
        x1u = jnp.where(slot1, plsc.load_gather(rbv, [wb2 + 2]),
                        plsc.load_gather(rbv, [wb2 + 10]))
        y1u = jnp.where(slot1, plsc.load_gather(rbv, [wb2 + 3]),
                        plsc.load_gather(rbv, [wb2 + 11]))
        x2u = jnp.where(slot1, plsc.load_gather(rbv, [wb2 + 4]),
                        plsc.load_gather(rbv, [wb2 + 12]))
        y2u = jnp.where(slot1, plsc.load_gather(rbv, [wb2 + 5]),
                        plsc.load_gather(rbv, [wb2 + 13]))
        v2on = valid2 & do2
        x1u = jnp.where(v2on, x1u, 0.0)
        y1u = jnp.where(v2on, y1u, 0.0)
        x2u = jnp.where(v2on, x2u, 0.0)
        y2u = jnp.where(v2on, y2u, 0.0)
        aw2 = (x2u - x1u) * (y2u - y1u)

        lidx1 = g1_i - base
        own1 = (lidx1 >= 0) & (lidx1 < _PER)
        plsc.store_scatter(
            outv,
            [jnp.full((16,), jnp.clip(lidx1, 0, _PER - 1), jnp.int32)],
            jnp.full((16,), jnp.where(valid1, m1, 0.0)),
            mask=(lane == 0) & own1,
        )
        lidx2 = g2_i - base
        own2 = (lidx2 >= 0) & (lidx2 < _PER)
        plsc.store_scatter(
            outv,
            [jnp.full((16,), jnp.clip(lidx2, 0, _PER - 1), jnp.int32)],
            jnp.full((16,), jnp.where(valid2, m2, 0.0)),
            mask=(lane == 0) & own2 & do2,
        )

        ns = (neg16, base_f + lane_f, neg16, base_f + lane_f)
        for j in range(_SLICES):
            sl = pl.ds(16 * j, 16)
            x1s = x1v[sl]
            y1s = y1v[sl]
            x2s = x2v[sl]
            y2s = y2v[sl]
            ars = arv[sl]
            iou1 = iou_pre(x1s, y1s, x2s, y2s, ars, x1w, y1w, x2w, y2w, aw1)
            iou2 = iou_pre(x1s, y1s, x2s, y2s, ars, x1u, y1u, x2u, y2u, aw2)
            supp = (iou1 > _IOU_THRESH) | (iou2 > _IOU_THRESH)
            new = jnp.where(supp, _NEG_INF, msv[sl])
            msv[sl] = new
            gi = (base_f + 16.0 * j) + lane_f
            ns = top2_update(new, gi, ns)
        t_next = t + jnp.where(do2, jnp.int32(2), jnp.int32(1))
        return (t_next, e + 1, ns[0], ns[1], ns[2], ns[3])

    lax.while_loop(
        lambda c: c[0] < _MAX_KEEP,
        step_body,
        (jnp.int32(0), jnp.int32(0), s0[0], s0[1], s0[2], s0[3]),
    )

    def _out_full(_):
        pltpu.sync_copy(outv, outh.at[pl.ds(base, _PER)])
        return 0

    def _out_tail(_):
        pltpu.sync_copy(outv.at[pl.ds(0, _N - (_NPAD - _PER))],
                        outh.at[pl.ds(base, _N - (_NPAD - _PER))])
        return 0

    lax.cond(wid == _NSUB - 1, _out_tail, _out_full, 0)


@jax.jit
def kernel(boxes, scores):
    nms = pl.kernel(
        _nms_body,
        out_type=jax.ShapeDtypeStruct((_N,), jnp.float32),
        mesh=plsc.VectorSubcoreMesh(
            core_axis_name="c", subcore_axis_name="s", num_cores=1
        ),
        scratch_types=[
            pltpu.VMEM((4 * _PER,), jnp.float32),
            pltpu.VMEM((_PER,), jnp.float32),
            pltpu.VMEM((_PER,), jnp.float32),
            pltpu.VMEM((_PER,), jnp.float32),
            pltpu.VMEM((_PER,), jnp.float32),
            pltpu.VMEM((_PER,), jnp.float32),
            pltpu.VMEM((_PER,), jnp.float32),
            pltpu.VMEM((_PER,), jnp.float32),
            pltpu.VMEM((16,), jnp.float32),
            pltpu.VMEM((_TAB,), jnp.float32),
            pltpu.VMEM_SHARED((2 * _TAB,), jnp.float32),
        ],
        compiler_params=pltpu.CompilerParams(needs_layout_passes=False),
    )
    return nms(boxes.reshape(-1), scores)

# --- scband reference (transcript-rebuilt; emitter-appended) ---
"""Pipeline reference for scband-dknet-42288247996638 (READ-ONLY COPY).

The authoritative reference and input builder live on the scoring server;
editing this copy changes nothing except your own understanding.
"""

import jax, jax.numpy as jnp
import numpy as np

IOU_THRESH = 0.5
MAX_KEEP = 100


def setup_inputs(seed: int = 0) -> dict:
    key = jax.random.key(seed)
    k1, k2, k3 = jax.random.split(key, 3)
    N = 5000
    xy = jax.random.uniform(k1, (N, 2), dtype=jnp.float32) * 512.0
    wh = jax.random.uniform(k2, (N, 2), dtype=jnp.float32) * 64.0 + 1.0
    boxes = jnp.concatenate([xy, xy + wh], axis=1)
    scores = jax.random.uniform(k3, (N,), dtype=jnp.float32)
    return {"boxes": boxes, "scores": scores}


def _pairwise_iou(boxes):
    x1, y1, x2, y2 = boxes[:, 0], boxes[:, 1], boxes[:, 2], boxes[:, 3]
    areas = (x2 - x1) * (y2 - y1)
    ix1 = jnp.maximum(x1[:, None], x1[None, :])
    iy1 = jnp.maximum(y1[:, None], y1[None, :])
    ix2 = jnp.minimum(x2[:, None], x2[None, :])
    iy2 = jnp.minimum(y2[:, None], y2[None, :])
    iw = jnp.clip(ix2 - ix1, 0.0)
    ih = jnp.clip(iy2 - iy1, 0.0)
    inter = iw * ih
    union = areas[:, None] + areas[None, :] - inter
    return inter / (union + 1e-6)


def reference(boxes, scores):
    # Greedy top-K NMS (models DKNet.topk_nms_d_sem candidate selection with
    # score-peak picking + overlap/radius suppression, expressed as box IoU NMS).
    N = scores.shape[0]
    iou = _pairwise_iou(boxes)  # (N, N) compute-heavy pairwise overlap

    def body(i, state):
        keep, active = state
        ms = jnp.where(active, scores, -jnp.inf)
        idx = jnp.argmax(ms)
        valid = active[idx]
        keep = keep.at[idx].set(valid)
        suppress = (iou[idx] > IOU_THRESH) & valid  # suppresses idx itself too (iou=1)
        active = active & jnp.logical_not(suppress)
        return (keep, active)

    keep0 = jnp.zeros((N,), dtype=bool)
    active0 = jnp.ones((N,), dtype=bool)
    keep, active = jax.lax.fori_loop(0, MAX_KEEP, body, (keep0, active0))
    # surviving candidate scores (zeroed where suppressed), like input[topk_idxs]
    return scores * keep.astype(scores.dtype)

if __name__ == "__main__":
    import jax
    _d = setup_inputs()
    print(jax.jit(kernel)(*tuple(_d.values())))

</pallas_src>

<mosaic_0001>
#map = affine_map<(d0, d1) -> (0)>
module attributes {stable_mosaic.version = 14 : i64} {
  func.func @_nms_body(%arg0: i32, %arg1: i32, %arg2: memref<20000xf32, #tpu.memory_space<hbm>>, %arg3: memref<5000xf32, #tpu.memory_space<hbm>>, %arg4: memref<5000xf32, #tpu.memory_space<hbm>>, %arg5: memref<1280xf32, #tpu.memory_space<vmem>>, %arg6: memref<320xf32, #tpu.memory_space<vmem>>, %arg7: memref<320xf32, #tpu.memory_space<vmem>>, %arg8: memref<320xf32, #tpu.memory_space<vmem>>, %arg9: memref<320xf32, #tpu.memory_space<vmem>>, %arg10: memref<320xf32, #tpu.memory_space<vmem>>, %arg11: memref<320xf32, #tpu.memory_space<vmem>>, %arg12: memref<320xf32, #tpu.memory_space<vmem>>, %arg13: memref<16xf32, #tpu.memory_space<vmem>>, %arg14: memref<256xf32, #tpu.memory_space<vmem>>, %arg15: memref<512xf32, #tpu.memory_space<vmem_shared>>) attributes {dimension_semantics = [#tpu.dimension_semantics<core_parallel>, #tpu.dimension_semantics<subcore_parallel>], iteration_bounds = array<i64: 1, 16>, scalar_prefetch = 0 : i64, scratch_operands = 11 : i64, tpu.core_type = #tpu.core_type<sc_vector_subcore>, window_params = [{transform_indices = #map}, {transform_indices = #map}, {transform_indices = #map}]} {
    %mul3A = arith.constant 320 : i32
    %mul3A_0 = arith.muli %arg1, %mul3A : i32
    %convert_element_type3A = arith.sitofp %mul3A_0 : i32 to f32
    %iota3A = tpu.iota {dimensions = array<i32: 0>} : vector<16xi32>
    %convert_element_type3A_1 = arith.sitofp %iota3A : vector<16xi32> to vector<16xf32>
    %broadcast_in_dim3A = arith.constant 0.000000e+00 : f32
    %broadcast_in_dim3A_2 = vector.broadcast %broadcast_in_dim3A : f32 to vector<16xf32>
    %broadcast_in_dim3A_3 = arith.constant 0xFF800000 : f32
    %broadcast_in_dim3A_4 = vector.broadcast %broadcast_in_dim3A_3 : f32 to vector<16xf32>
    %eq3A = arith.constant 15 : i32
    %eq3A_5 = arith.cmpi eq, %arg1, %eq3A : i32
    %convert_element_type3A_6 = arith.extui %eq3A_5 : i1 to i32
    %cond3A = arith.constant 0 : i32
    %cond3A_7 = arith.constant 0 : i32
    %cond3A_8 = arith.cmpi ne, %convert_element_type3A_6, %cond3A_7 : i32
    %cond3A_9 = scf.if %cond3A_8 -> (i32) {
      %mul3A_1672 = arith.constant 4 : i32
      %mul3A_1673 = arith.muli %mul3A_1672, %mul3A_0 : i32
      "tpu.region"() ({
        %run_scoped3A = tpu.sem_alloc : memref<!tpu.dma_semaphore, #tpu.memory_space<semaphore_mem>>
        %dma_start3A = arith.constant 0 : i32
        %dma_start3A_1675 = tpu.memref_slice %arg5[%dma_start3A] : memref<1280xf32, #tpu.memory_space<vmem>> -> memref<800xf32, #tpu.memory_space<vmem>>
        %dma_start3A_1676 = tpu.memref_slice %arg2[%mul3A_1673] : memref<20000xf32, #tpu.memory_space<hbm>> -> memref<800xf32, #tpu.memory_space<hbm>>
        %dma_start3A_1677 = arith.constant 0 : i32
        %dma_start3A_1678 = tpu.memref_slice %arg5[%dma_start3A_1677] : memref<1280xf32, #tpu.memory_space<vmem>> -> memref<800xf32, #tpu.memory_space<vmem>>
        %dma_start3A_1679 = tpu.memref_slice %arg2[%mul3A_1673] : memref<20000xf32, #tpu.memory_space<hbm>> -> memref<800xf32, #tpu.memory_space<hbm>>
        tpu.enqueue_dma source(%dma_start3A_1679 : memref<800xf32, #tpu.memory_space<hbm>>) target(%dma_start3A_1678 : memref<800xf32, #tpu.memory_space<vmem>>) target_semaphore(%run_scoped3A : memref<!tpu.dma_semaphore, #tpu.memory_space<semaphore_mem>>)
        %dma_wait3A = arith.constant 0 : i32
        %dma_wait3A_1680 = tpu.memref_slice %arg5[%dma_wait3A] : memref<1280xf32, #tpu.memory_space<vmem>> -> memref<800xf32, #tpu.memory_space<vmem>>
        %dma_wait3A_1681 = tpu.memref_slice %arg2[%mul3A_1673] : memref<20000xf32, #tpu.memory_space<hbm>> -> memref<800xf32, #tpu.memory_space<hbm>>
        %dma_wait3A_1682 = arith.constant 0 : i32
        %dma_wait3A_1683 = tpu.memref_slice %arg5[%dma_wait3A_1682] : memref<1280xf32, #tpu.memory_space<vmem>> -> memref<800xf32, #tpu.memory_space<vmem>>
        %dma_wait3A_1684 = tpu.memref_slice %arg2[%mul3A_1673] : memref<20000xf32, #tpu.memory_space<hbm>> -> memref<800xf32, #tpu.memory_space<hbm>>
        tpu.wait_dma2 semaphore(%run_scoped3A : memref<!tpu.dma_semaphore, #tpu.memory_space<semaphore_mem>>) src(%dma_wait3A_1684 : memref<800xf32, #tpu.memory_space<hbm>>) dst(%dma_wait3A_1683 : memref<800xf32, #tpu.memory_space<vmem>>)
        tpu.yield
      }) : () -> ()
      "tpu.region"() ({
        %run_scoped3A = tpu.sem_alloc : memref<!tpu.dma_semaphore, #tpu.memory_space<semaphore_mem>>
        %dma_start3A = arith.constant 0 : i32
        %dma_start3A_1675 = tpu.memref_slice %arg10[%dma_start3A] : memref<320xf32, #tpu.memory_space<vmem>> -> memref<200xf32, #tpu.memory_space<vmem>>
        %dma_start3A_1676 = tpu.memref_slice %arg3[%mul3A_0] : memref<5000xf32, #tpu.memory_space<hbm>> -> memref<200xf32, #tpu.memory_space<hbm>>
        %dma_start3A_1677 = arith.constant 0 : i32
        %dma_start3A_1678 = tpu.memref_slice %arg10[%dma_start3A_1677] : memref<320xf32, #tpu.memory_space<vmem>> -> memref<200xf32, #tpu.memory_space<vmem>>
        %dma_start3A_1679 = tpu.memref_slice %arg3[%mul3A_0] : memref<5000xf32, #tpu.memory_space<hbm>> -> memref<200xf32, #tpu.memory_space<hbm>>
        tpu.enqueue_dma source(%dma_start3A_1679 : memref<200xf32, #tpu.memory_space<hbm>>) target(%dma_start3A_1678 : memref<200xf32, #tpu.memory_space<vmem>>) target_semaphore(%run_scoped3A : memref<!tpu.dma_semaphore, #tpu.memory_space<semaphore_mem>>)
        %dma_wait3A = arith.constant 0 : i32
        %dma_wait3A_1680 = tpu.memref_slice %arg10[%dma_wait3A] : memref<320xf32, #tpu.memory_space<vmem>> -> memref<200xf32, #tpu.memory_space<vmem>>
        %dma_wait3A_1681 = tpu.memref_slice %arg3[%mul3A_0] : memref<5000xf32, #tpu.memory_space<hbm>> -> memref<200xf32, #tpu.memory_space<hbm>>
        %dma_wait3A_1682 = arith.constant 0 : i32
        %dma_wait3A_1683 = tpu.memref_slice %arg10[%dma_wait3A_1682] : memref<320xf32, #tpu.memory_space<vmem>> -> memref<200xf32, #tpu.memory_space<vmem>>
        %dma_wait3A_1684 = tpu.memref_slice %arg3[%mul3A_0] : memref<5000xf32, #tpu.memory_space<hbm>> -> memref<200xf32, #tpu.memory_space<hbm>>
        tpu.wait_dma2 semaphore(%run_scoped3A : memref<!tpu.dma_semaphore, #tpu.memory_space<semaphore_mem>>) src(%dma_wait3A_1684 : memref<200xf32, #tpu.memory_space<hbm>>) dst(%dma_wait3A_1683 : memref<200xf32, #tpu.memory_space<vmem>>)
        tpu.yield
      }) : () -> ()
      %cond3A_1674 = arith.constant 0 : i32
      scf.yield %cond3A_1674 : i32
    } else {
      %mul3A_1672 = arith.constant 4 : i32
      %mul3A_1673 = arith.muli %mul3A_1672, %mul3A_0 : i32
      "tpu.region"() ({
        %run_scoped3A = tpu.sem_alloc : memref<!tpu.dma_semaphore, #tpu.memory_space<semaphore_mem>>
        %dma_start3A = tpu.memref_slice %arg2[%mul3A_1673] : memref<20000xf32, #tpu.memory_space<hbm>> -> memref<1280xf32, #tpu.memory_space<hbm>>
        %dma_start3A_1675 = tpu.memref_slice %arg2[%mul3A_1673] : memref<20000xf32, #tpu.memory_space<hbm>> -> memref<1280xf32, #tpu.memory_space<hbm>>
        tpu.enqueue_dma source(%dma_start3A_1675 : memref<1280xf32, #tpu.memory_space<hbm>>) target(%arg5 : memref<1280xf32, #tpu.memory_space<vmem>>) target_semaphore(%run_scoped3A : memref<!tpu.dma_semaphore, #tpu.memory_space<semaphore_mem>>)
        %dma_wait3A = tpu.memref_slice %arg2[%mul3A_1673] : memref<20000xf32, #tpu.memory_space<hbm>> -> memref<1280xf32, #tpu.memory_space<hbm>>
        %dma_wait3A_1676 = tpu.memref_slice %arg2[%mul3A_1673] : memref<20000xf32, #tpu.memory_space<hbm>> -> memref<1280xf32, #tpu.memory_space<hbm>>
        tpu.wait_dma2 semaphore(%run_scoped3A : memref<!tpu.dma_semaphore, #tpu.memory_space<semaphore_mem>>) src(%dma_wait3A_1676 : memref<1280xf32, #tpu.memory_space<hbm>>) dst(%arg5 : memref<1280xf32, #tpu.memory_space<vmem>>)
        tpu.yield
      }) : () -> ()
      "tpu.region"() ({
        %run_scoped3A = tpu.sem_alloc : memref<!tpu.dma_semaphore, #tpu.memory_space<semaphore_mem>>
        %dma_start3A = tpu.memref_slice %arg3[%mul3A_0] : memref<5000xf32, #tpu.memory_space<hbm>> -> memref<320xf32, #tpu.memory_space<hbm>>
        %dma_start3A_1675 = tpu.memref_slice %arg3[%mul3A_0] : memref<5000xf32, #tpu.memory_space<hbm>> -> memref<320xf32, #tpu.memory_space<hbm>>
        tpu.enqueue_dma source(%dma_start3A_1675 : memref<320xf32, #tpu.memory_space<hbm>>) target(%arg10 : memref<320xf32, #tpu.memory_space<vmem>>) target_semaphore(%run_scoped3A : memref<!tpu.dma_semaphore, #tpu.memory_space<semaphore_mem>>)
        %dma_wait3A = tpu.memref_slice %arg3[%mul3A_0] : memref<5000xf32, #tpu.memory_space<hbm>> -> memref<320xf32, #tpu.memory_space<hbm>>
        %dma_wait3A_1676 = tpu.memref_slice %arg3[%mul3A_0] : memref<5000xf32, #tpu.memory_space<hbm>> -> memref<320xf32, #tpu.memory_space<hbm>>
        tpu.wait_dma2 semaphore(%run_scoped3A : memref<!tpu.dma_semaphore, #tpu.memory_space<semaphore_mem>>) src(%dma_wait3A_1676 : memref<320xf32, #tpu.memory_space<hbm>>) dst(%arg10 : memref<320xf32, #tpu.memory_space<vmem>>)
        tpu.yield
      }) : () -> ()
      %cond3A_1674 = arith.constant 0 : i32
      scf.yield %cond3A_1674 : i32
    }
    %swap3A = arith.constant 0 : index
    %swap3A_10 = tpu.vector_load %arg12[%swap3A] {strides = array<i32>} : memref<320xf32, #tpu.memory_space<vmem>>, vector<16xf32>,
    tpu.vector_store %arg12[%swap3A], %broadcast_in_dim3A_2 {strides = array<i32>} : memref<320xf32, #tpu.memory_space<vmem>>, vector<16xf32>,
    %add3A = arith.constant 0 : i32
    %add3A_11 = arith.addi %mul3A_0, %add3A : i32
    %add3A_12 = vector.broadcast %add3A_11 : i32 to vector<16xi32>
    %add3A_13 = arith.addi %add3A_12, %iota3A : vector<16xi32>
    %lt3A = arith.constant 5000 : i32
    %lt3A_14 = vector.broadcast %lt3A : i32 to vector<16xi32>
    %lt3A_15 = arith.cmpi slt, %add3A_13, %lt3A_14 : vector<16xi32>
    %mul3A_16 = arith.constant 4 : i32
    %mul3A_17 = vector.broadcast %mul3A_16 : i32 to vector<16xi32>
    %mul3A_18 = arith.muli %mul3A_17, %iota3A : vector<16xi32>
    %add3A_19 = arith.constant 0 : i32
    %add3A_20 = vector.broadcast %add3A_19 : i32 to vector<16xi32>
    %add3A_21 = arith.addi %add3A_20, %mul3A_18 : vector<16xi32>
    %gather3A = tpu.vector_load_idx %arg5[%add3A_21] : memref<1280xf32, #tpu.memory_space<vmem>>[vector<16xi32>], vector<16xf32>,
    %jit3A = arith.constant 0.000000e+00 : f32
    %broadcast_in_dim3A_22 = vector.broadcast %jit3A : f32 to vector<16xf32>
    %select_n3A = arith.select %lt3A_15, %gather3A, %broadcast_in_dim3A_22 : vector<16xi1>, vector<16xf32>
    %swap3A_23 = arith.constant 0 : index
    %swap3A_24 = tpu.vector_load %arg6[%swap3A_23] {strides = array<i32>} : memref<320xf32, #tpu.memory_space<vmem>>, vector<16xf32>,
    tpu.vector_store %arg6[%swap3A_23], %select_n3A {strides = array<i32>} : memref<320xf32, #tpu.memory_space<vmem>>, vector<16xf32>,
    %add3A_25 = arith.constant 1 : i32
    %add3A_26 = vector.broadcast %add3A_25 : i32 to vector<16xi32>
    %add3A_27 = arith.addi %add3A_21, %add3A_26 : vector<16xi32>
    %gather3A_28 = tpu.vector_load_idx %arg5[%add3A_27] : memref<1280xf32, #tpu.memory_space<vmem>>[vector<16xi32>], vector<16xf32>,
    %jit3A_29 = arith.constant 0.000000e+00 : f32
    %broadcast_in_dim3A_30 = vector.broadcast %jit3A_29 : f32 to vector<16xf32>
    %select_n3A_31 = arith.select %lt3A_15, %gather3A_28, %broadcast_in_dim3A_30 : vector<16xi1>, vector<16xf32>
    %swap3A_32 = arith.constant 0 : index
    %swap3A_33 = tpu.vector_load %arg7[%swap3A_32] {strides = array<i32>} : memref<320xf32, #tpu.memory_space<vmem>>, vector<16xf32>,
    tpu.vector_store %arg7[%swap3A_32], %select_n3A_31 {strides = array<i32>} : memref<320xf32, #tpu.memory_space<vmem>>, vector<16xf32>,
    %add3A_34 = arith.constant 2 : i32
    %add3A_35 = vector.broadcast %add3A_34 : i32 to vector<16xi32>
    %add3A_36 = arith.addi %add3A_21, %add3A_35 : vector<16xi32>
    %gather3A_37 = tpu.vector_load_idx %arg5[%add3A_36] : memref<1280xf32, #tpu.memory_space<vmem>>[vector<16xi32>], vector<16xf32>,
    %jit3A_38 = arith.constant 0.000000e+00 : f32
    %broadcast_in_dim3A_39 = vector.broadcast %jit3A_38 : f32 to vector<16xf32>
    %select_n3A_40 = arith.select %lt3A_15, %gather3A_37, %broadcast_in_dim3A_39 : vector<16xi1>, vector<16xf32>
    %swap3A_41 = arith.constant 0 : index
    %swap3A_42 = tpu.vector_load %arg8[%swap3A_41] {strides = array<i32>} : memref<320xf32, #tpu.memory_space<vmem>>, vector<16xf32>,
    tpu.vector_store %arg8[%swap3A_41], %select_n3A_40 {strides = array<i32>} : memref<320xf32, #tpu.memory_space<vmem>>, vector<16xf32>,
    %add3A_43 = arith.constant 3 : i32
    %add3A_44 = vector.broadcast %add3A_43 : i32 to vector<16xi32>
    %add3A_45 = arith.addi %add3A_21, %add3A_44 : vector<16xi32>
    %gather3A_46 = tpu.vector_load_idx %arg5[%add3A_45] : memref<1280xf32, #tpu.memory_space<vmem>>[vector<16xi32>], vector<16xf32>,
    %jit3A_47 = arith.constant 0.000000e+00 : f32
    %broadcast_in_dim3A_48 = vector.broadcast %jit3A_47 : f32 to vector<16xf32>
    %select_n3A_49 = arith.select %lt3A_15, %gather3A_46, %broadcast_in_dim3A_48 : vector<16xi1>, vector<16xf32>
    %swap3A_50 = arith.constant 0 : index
    %swap3A_51 = tpu.vector_load %arg9[%swap3A_50] {strides = array<i32>} : memref<320xf32, #tpu.memory_space<vmem>>, vector<16xf32>,
    tpu.vector_store %arg9[%swap3A_50], %select_n3A_49 {strides = array<i32>} : memref<320xf32, #tpu.memory_space<vmem>>, vector<16xf32>,
    %get3A = arith.constant 0 : index
    %get3A_52 = tpu.vector_load %arg10[%get3A] {strides = array<i32>} : memref<320xf32, #tpu.memory_space<vmem>>, vector<16xf32>,
    %select_n3A_53 = arith.select %lt3A_15, %get3A_52, %broadcast_in_dim3A_4 : vector<16xi1>, vector<16xf32>
    %swap3A_54 = arith.constant 0 : index
    %swap3A_55 = tpu.vector_load %arg10[%swap3A_54] {strides = array<i32>} : memref<320xf32, #tpu.memory_space<vmem>>, vector<16xf32>,
    tpu.vector_store %arg10[%swap3A_54], %select_n3A_53 {strides = array<i32>} : memref<320xf32, #tpu.memory_space<vmem>>, vector<16xf32>,
    %get3A_56 = arith.constant 0 : index
    %get3A_57 = tpu.vector_load %arg8[%get3A_56] {strides = array<i32>} : memref<320xf32, #tpu.memory_space<vmem>>, vector<16xf32>,
    %get3A_58 = arith.constant 0 : index
    %get3A_59 = tpu.vector_load %arg6[%get3A_58] {strides = array<i32>} : memref<320xf32, #tpu.memory_space<vmem>>, vector<16xf32>,
    %sub3A = arith.subf %get3A_57, %get3A_59 : vector<16xf32>
    %get3A_60 = arith.constant 0 : index
    %get3A_61 = tpu.vector_load %arg9[%get3A_60] {strides = array<i32>} : memref<320xf32, #tpu.memory_space<vmem>>, vector<16xf32>,
    %get3A_62 = arith.constant 0 : index
    %get3A_63 = tpu.vector_load %arg7[%get3A_62] {strides = array<i32>} : memref<320xf32, #tpu.memory_space<vmem>>, vector<16xf32>,
    %sub3A_64 = arith.subf %get3A_61, %get3A_63 : vector<16xf32>
    %mul3A_65 = arith.mulf %sub3A, %sub3A_64 : vector<16xf32>
    %swap3A_66 = arith.constant 0 : index
    %swap3A_67 = tpu.vector_load %arg11[%swap3A_66] {strides = array<i32>} : memref<320xf32, #tpu.memory_space<vmem>>, vector<16xf32>,
    tpu.vector_store %arg11[%swap3A_66], %mul3A_65 {strides = array<i32>} : memref<320xf32, #tpu.memory_space<vmem>>, vector<16xf32>,
    %swap3A_68 = arith.constant 16 : index
    %swap3A_69 = tpu.vector_load %arg12[%swap3A_68] {strides = array<i32>} : memref<320xf32, #tpu.memory_space<vmem>>, vector<16xf32>,
    tpu.vector_store %arg12[%swap3A_68], %broadcast_in_dim3A_2 {strides = array<i32>} : memref<320xf32, #tpu.memory_space<vmem>>, vector<16xf32>,
    %add3A_70 = arith.constant 16 : i32
    %add3A_71 = arith.addi %mul3A_0, %add3A_70 : i32
    %add3A_72 = vector.broadcast %add3A_71 : i32 to vector<16xi32>
    %add3A_73 = arith.addi %add3A_72, %iota3A : vector<16xi32>
    %lt3A_74 = arith.constant 5000 : i32
    %lt3A_75 = vector.broadcast %lt3A_74 : i32 to vector<16xi32>
    %lt3A_76 = arith.cmpi slt, %add3A_73, %lt3A_75 : vector<16xi32>
    %mul3A_77 = arith.constant 4 : i32
    %mul3A_78 = vector.broadcast %mul3A_77 : i32 to vector<16xi32>
    %mul3A_79 = arith.muli %mul3A_78, %iota3A : vector<16xi32>
    %add3A_80 = arith.constant 64 : i32
    %add3A_81 = vector.broadcast %add3A_80 : i32 to vector<16xi32>
    %add3A_82 = arith.addi %add3A_81, %mul3A_79 : vector<16xi32>
    %gather3A_83 = tpu.vector_load_idx %arg5[%add3A_82] : memref<1280xf32, #tpu.memory_space<vmem>>[vector<16xi32>], vector<16xf32>,
    %jit3A_84 = arith.constant 0.000000e+00 : f32
    %broadcast_in_dim3A_85 = vector.broadcast %jit3A_84 : f32 to vector<16xf32>
    %select_n3A_86 = arith.select %lt3A_76, %gather3A_83, %broadcast_in_dim3A_85 : vector<16xi1>, vector<16xf32>
    %swap3A_87 = arith.constant 16 : index
    %swap3A_88 = tpu.vector_load %arg6[%swap3A_87] {strides = array<i32>} : memref<320xf32, #tpu.memory_space<vmem>>, vector<16xf32>,
    tpu.vector_store %arg6[%swap3A_87], %select_n3A_86 {strides = array<i32>} : memref<320xf32, #tpu.memory_space<vmem>>, vector<16xf32>,
    %add3A_89 = arith.constant 1 : i32
    %add3A_90 = vector.broadcast %add3A_89 : i32 to vector<16xi32>
    %add3A_91 = arith.addi %add3A_82, %add3A_90 : vector<16xi32>
    %gather3A_92 = tpu.vector_load_idx %arg5[%add3A_91] : memref<1280xf32, #tpu.memory_space<vmem>>[vector<16xi32>], vector<16xf32>,
    %jit3A_93 = arith.constant 0.000000e+00 : f32
    %broadcast_in_dim3A_94 = vector.broadcast %jit3A_93 : f32 to vector<16xf32>
    %select_n3A_95 = arith.select %lt3A_76, %gather3A_92, %broadcast_in_dim3A_94 : vector<16xi1>, vector<16xf32>
    %swap3A_96 = arith.constant 16 : index
    %swap3A_97 = tpu.vector_load %arg7[%swap3A_96] {strides = array<i32>} : memref<320xf32, #tpu.memory_space<vmem>>, vector<16xf32>,
    tpu.vector_store %arg7[%swap3A_96], %select_n3A_95 {strides = array<i32>} : memref<320xf32, #tpu.memory_space<vmem>>, vector<16xf32>,
    %add3A_98 = arith.constant 2 : i32
    %add3A_99 = vector.broadcast %add3A_98 : i32 to vector<16xi32>
    %add3A_100 = arith.addi %add3A_82, %add3A_99 : vector<16xi32>
    %gather3A_101 = tpu.vector_load_idx %arg5[%add3A_100] : memref<1280xf32, #tpu.memory_space<vmem>>[vector<16xi32>], vector<16xf32>,
    %jit3A_102 = arith.constant 0.000000e+00 : f32
    %broadcast_in_dim3A_103 = vector.broadcast %jit3A_102 : f32 to vector<16xf32>
    %select_n3A_104 = arith.select %lt3A_76, %gather3A_101, %broadcast_in_dim3A_103 : vector<16xi1>, vector<16xf32>
    %swap3A_105 = arith.constant 16 : index
    %swap3A_106 = tpu.vector_load %arg8[%swap3A_105] {strides = array<i32>} : memref<320xf32, #tpu.memory_space<vmem>>, vector<16xf32>,
    tpu.vector_store %arg8[%swap3A_105], %select_n3A_104 {strides = array<i32>} : memref<320xf32, #tpu.memory_space<vmem>>, vector<16xf32>,
    %add3A_107 = arith.constant 3 : i32
    %add3A_108 = vector.broadcast %add3A_107 : i32 to vector<16xi32>
    %add3A_109 = arith.addi %add3A_82, %add3A_108 : vector<16xi32>
    %gather3A_110 = tpu.vector_load_idx %arg5[%add3A_109] : memref<1280xf32, #tpu.memory_space<vmem>>[vector<16xi32>], vector<16xf32>,
    %jit3A_111 = arith.constant 0.000000e+00 : f32
    %broadcast_in_dim3A_112 = vector.broadcast %jit3A_111 : f32 to vector<16xf32>
    %select_n3A_113 = arith.select %lt3A_76, %gather3A_110, %broadcast_in_dim3A_112 : vector<16xi1>, vector<16xf32>
    %swap3A_114 = arith.constant 16 : index
    %swap3A_115 = tpu.vector_load %arg9[%swap3A_114] {strides = array<i32>} : memref<320xf32, #tpu.memory_space<vmem>>, vector<16xf32>,
    tpu.vector_store %arg9[%swap3A_114], %select_n3A_113 {strides = array<i32>} : memref<320xf32, #tpu.memory_space<vmem>>, vector<16xf32>,
    %get3A_116 = arith.constant 16 : index
    %get3A_117 = tpu.vector_load %arg10[%get3A_116] {strides = array<i32>} : memref<320xf32, #tpu.memory_space<vmem>>, vector<16xf32>,
    %select_n3A_118 = arith.select %lt3A_76, %get3A_117, %broadcast_in_dim3A_4 : vector<16xi1>, vector<16xf32>
    %swap3A_119 = arith.constant 16 : index
    %swap3A_120 = tpu.vector_load %arg10[%swap3A_119] {strides = array<i32>} : memref<320xf32, #tpu.memory_space<vmem>>, vector<16xf32>,
    tpu.vector_store %arg10[%swap3A_119], %select_n3A_118 {strides = array<i32>} : memref<320xf32, #tpu.memory_space<vmem>>, vector<16xf32>,
    %get3A_121 = arith.constant 16 : index
    %get3A_122 = tpu.vector_load %arg8[%get3A_121] {strides = array<i32>} : memref<320xf32, #tpu.memory_space<vmem>>, vector<16xf32>,
    %get3A_123 = arith.constant 16 : index
    %get3A_124 = tpu.vector_load %arg6[%get3A_123] {strides = array<i32>} : memref<320xf32, #tpu.memory_space<vmem>>, vector<16xf32>,
    %sub3A_125 = arith.subf %get3A_122, %get3A_124 : vector<16xf32>
    %get3A_126 = arith.constant 16 : index
    %get3A_127 = tpu.vector_load %arg9[%get3A_126] {strides = array<i32>} : memref<320xf32, #tpu.memory_space<vmem>>, vector<16xf32>,
    %get3A_128 = arith.constant 16 : index
    %get3A_129 = tpu.vector_load %arg7[%get3A_128] {strides = array<i32>} : memref<320xf32, #tpu.memory_space<vmem>>, vector<16xf32>,
    %sub3A_130 = arith.subf %get3A_127, %get3A_129 : vector<16xf32>
    %mul3A_131 = arith.mulf %sub3A_125, %sub3A_130 : vector<16xf32>
    %swap3A_132 = arith.constant 16 : index
    %swap3A_133 = tpu.vector_load %arg11[%swap3A_132] {strides = array<i32>} : memref<320xf32, #tpu.memory_space<vmem>>, vector<16xf32>,
    tpu.vector_store %arg11[%swap3A_132], %mul3A_131 {strides = array<i32>} : memref<320xf32, #tpu.memory_space<vmem>>, vector<16xf32>,
    %swap3A_134 = arith.constant 32 : index
    %swap3A_135 = tpu.vector_load %arg12[%swap3A_134] {strides = array<i32>} : memref<320xf32, #tpu.memory_space<vmem>>, vector<16xf32>,
    tpu.vector_store %arg12[%swap3A_134], %broadcast_in_dim3A_2 {strides = array<i32>} : memref<320xf32, #tpu.memory_space<vmem>>, vector<16xf32>,
    %add3A_136 = arith.constant 32 : i32
    %add3A_137 = arith.addi %mul3A_0, %add3A_136 : i32
    %add3A_138 = vector.broadcast %add3A_137 : i32 to vector<16xi32>
    %add3A_139 = arith.addi %add3A_138, %iota3A : vector<16xi32>
    %lt3A_140 = arith.constant 5000 : i32
    %lt3A_141 = vector.broadcast %lt3A_140 : i32 to vector<16xi32>
    %lt3A_142 = arith.cmpi slt, %add3A_139, %lt3A_141 : vector<16xi32>
    %mul3A_143 = arith.constant 4 : i32
    %mul3A_144 = vector.broadcast %mul3A_143 : i32 to vector<16xi32>
    %mul3A_145 = arith.muli %mul3A_144, %iota3A : vector<16xi32>
    %add3A_146 = arith.constant 128 : i32
    %add3A_147 = vector.broadcast %add3A_146 : i32 to vector<16xi32>
    %add3A_148 = arith.addi %add3A_147, %mul3A_145 : vector<16xi32>
    %gather3A_149 = tpu.vector_load_idx %arg5[%add3A_148] : memref<1280xf32, #tpu.memory_space<vmem>>[vector<16xi32>], vector<16xf32>,
    %jit3A_150 = arith.constant 0.000000e+00 : f32
    %broadcast_in_dim3A_151 = vector.broadcast %jit3A_150 : f32 to vector<16xf32>
    %select_n3A_152 = arith.select %lt3A_142, %gather3A_149, %broadcast_in_dim3A_151 : vector<16xi1>, vector<16xf32>
    %swap3A_153 = arith.constant 32 : index
    %swap3A_154 = tpu.vector_load %arg6[%swap3A_153] {strides = array<i32>} : memref<320xf32, #tpu.memory_space<vmem>>, vector<16xf32>,
    tpu.vector_store %arg6[%swap3A_153], %select_n3A_152 {strides = array<i32>} : memref<320xf32, #tpu.memory_space<vmem>>, vector<16xf32>,
    %add3A_155 = arith.constant 1 : i32
    %add3A_156 = vector.broadcast %add3A_155 : i32 to vector<16xi32>
    %add3A_157 = arith.addi %add3A_148, %add3A_156 : vector<16xi32>
    %gather3A_158 = tpu.vector_load_idx %arg5[%add3A_157] : memref<1280xf32, #tpu.memory_space<vmem>>[vector<16xi32>], vector<16xf32>,
    %jit3A_159 = arith.constant 0.000000e+00 : f32
    %broadcast_in_dim3A_160 = vector.broadcast %jit3A_159 : f32 to vector<16xf32>
    %select_n3A_161 = arith.select %lt3A_142, %gather3A_158, %broadcast_in_dim3A_160 : vector<16xi1>, vector<16xf32>
    %swap3A_162 = arith.constant 32 : index
    %swap3A_163 = tpu.vector_load %arg7[%swap3A_162] {strides = array<i32>} : memref<320xf32, #tpu.memory_space<vmem>>, vector<16xf32>,
    tpu.vector_store %arg7[%swap3A_162], %select_n3A_161 {strides = array<i32>} : memref<320xf32, #tpu.memory_space<vmem>>, vector<16xf32>,
    %add3A_164 = arith.constant 2 : i32
    %add3A_165 = vector.broadcast %add3A_164 : i32 to vector<16xi32>
    %add3A_166 = arith.addi %add3A_148, %add3A_165 : vector<16xi32>
    %gather3A_167 = tpu.vector_load_idx %arg5[%add3A_166] : memref<1280xf32, #tpu.memory_space<vmem>>[vector<16xi32>], vector<16xf32>,
    %jit3A_168 = arith.constant 0.000000e+00 : f32
    %broadcast_in_dim3A_169 = vector.broadcast %jit3A_168 : f32 to vector<16xf32>
    %select_n3A_170 = arith.select %lt3A_142, %gather3A_167, %broadcast_in_dim3A_169 : vector<16xi1>, vector<16xf32>
    %swap3A_171 = arith.constant 32 : index
    %swap3A_172 = tpu.vector_load %arg8[%swap3A_171] {strides = array<i32>} : memref<320xf32, #tpu.memory_space<vmem>>, vector<16xf32>,
    tpu.vector_store %arg8[%swap3A_171], %select_n3A_170 {strides = array<i32>} : memref<320xf32, #tpu.memory_space<vmem>>, vector<16xf32>,
    %add3A_173 = arith.constant 3 : i32
    %add3A_174 = vector.broadcast %add3A_173 : i32 to vector<16xi32>
    %add3A_175 = arith.addi %add3A_148, %add3A_174 : vector<16xi32>
    %gather3A_176 = tpu.vector_load_idx %arg5[%add3A_175] : memref<1280xf32, #tpu.memory_space<vmem>>[vector<16xi32>], vector<16xf32>,
    %jit3A_177 = arith.constant 0.000000e+00 : f32
    %broadcast_in_dim3A_178 = vector.broadcast %jit3A_177 : f32 to vector<16xf32>
    %select_n3A_179 = arith.select %lt3A_142, %gather3A_176, %broadcast_in_dim3A_178 : vector<16xi1>, vector<16xf32>
    %swap3A_180 = arith.constant 32 : index
    %swap3A_181 = tpu.vector_load %arg9[%swap3A_180] {strides = array<i32>} : memref<320xf32, #tpu.memory_space<vmem>>, vector<16xf32>,
    tpu.vector_store %arg9[%swap3A_180], %select_n3A_179 {strides = array<i32>} : memref<320xf32, #tpu.memory_space<vmem>>, vector<16xf32>,
    %get3A_182 = arith.constant 32 : index
    %get3A_183 = tpu.vector_load %arg10[%get3A_182] {strides = array<i32>} : memref<320xf32, #tpu.memory_space<vmem>>, vector<16xf32>,
    %select_n3A_184 = arith.select %lt3A_142, %get3A_183, %broadcast_in_dim3A_4 : vector<16xi1>, vector<16xf32>
    %swap3A_185 = arith.constant 32 : index
    %swap3A_186 = tpu.vector_load %arg10[%swap3A_185] {strides = array<i32>} : memref<320xf32, #tpu.memory_space<vmem>>, vector<16xf32>,
    tpu.vector_store %arg10[%swap3A_185], %select_n3A_184 {strides = array<i32>} : memref<320xf32, #tpu.memory_space<vmem>>, vector<16xf32>,
    %get3A_187 = arith.constant 32 : index
    %get3A_188 = tpu.vector_load %arg8[%get3A_187] {strides = array<i32>} : memref<320xf32, #tpu.memory_space<vmem>>, vector<16xf32>,
    %get3A_189 = arith.constant 32 : index
    %get3A_190 = tpu.vector_load %arg6[%get3A_189] {strides = array<i32>} : memref<320xf32, #tpu.memory_space<vmem>>, vector<16xf32>,
    %sub3A_191 = arith.subf %get3A_188, %get3A_190 : vector<16xf32>
    %get3A_192 = arith.constant 32 : index
    %get3A_193 = tpu.vector_load %arg9[%get3A_192] {strides = array<i32>} : memref<320xf32, #tpu.memory_space<vmem>>, vector<16xf32>,
    %get3A_194 = arith.constant 32 : index
    %get3A_195 = tpu.vector_load %arg7[%get3A_194] {strides = array<i32>} : memref<320xf32, #tpu.memory_space<vmem>>, vector<16xf32>,
    %sub3A_196 = arith.subf %get3A_193, %get3A_195 : vector<16xf32>
    %mul3A_197 = arith.mulf %sub3A_191, %sub3A_196 : vector<16xf32>
    %swap3A_198 = arith.constant 32 : index
    %swap3A_199 = tpu.vector_load %arg11[%swap3A_198] {strides = array<i32>} : memref<320xf32, #tpu.memory_space<vmem>>, vector<16xf32>,
    tpu.vector_store %arg11[%swap3A_198], %mul3A_197 {strides = array<i32>} : memref<320xf32, #tpu.memory_space<vmem>>, vector<16xf32>,
    %swap3A_200 = arith.constant 48 : index
    %swap3A_201 = tpu.vector_load %arg12[%swap3A_200] {strides = array<i32>} : memref<320xf32, #tpu.memory_space<vmem>>, vector<16xf32>,
    tpu.vector_store %arg12[%swap3A_200], %broadcast_in_dim3A_2 {strides = array<i32>} : memref<320xf32, #tpu.memory_space<vmem>>, vector<16xf32>,
    %add3A_202 = arith.constant 48 : i32
    %add3A_203 = arith.addi %mul3A_0, %add3A_202 : i32
    %add3A_204 = vector.broadcast %add3A_203 : i32 to vector<16xi32>
    %add3A_205 = arith.addi %add3A_204, %iota3A : vector<16xi32>
    %lt3A_206 = arith.constant 5000 : i32
    %lt3A_207 = vector.broadcast %lt3A_206 : i32 to vector<16xi32>
    %lt3A_208 = arith.cmpi slt, %add3A_205, %lt3A_207 : vector<16xi32>
    %mul3A_209 = arith.constant 4 : i32
    %mul3A_210 = vector.broadcast %mul3A_209 : i32 to vector<16xi32>
    %mul3A_211 = arith.muli %mul3A_210, %iota3A : vector<16xi32>
    %add3A_212 = arith.constant 192 : i32
    %add3A_213 = vector.broadcast %add3A_212 : i32 to vector<16xi32>
    %add3A_214 = arith.addi %add3A_213, %mul3A_211 : vector<16xi32>
    %gather3A_215 = tpu.vector_load_idx %arg5[%add3A_214] : memref<1280xf32, #tpu.memory_space<vmem>>[vector<16xi32>], vector<16xf32>,
    %jit3A_216 = arith.constant 0.000000e+00 : f32
    %broadcast_in_dim3A_217 = vector.broadcast %jit3A_216 : f32 to vector<16xf32>
    %select_n3A_218 = arith.select %lt3A_208, %gather3A_215, %broadcast_in_dim3A_217 : vector<16xi1>, vector<16xf32>
    %swap3A_219 = arith.constant 48 : index
    %swap3A_220 = tpu.vector_load %arg6[%swap3A_219] {strides = array<i32>} : memref<320xf32, #tpu.memory_space<vmem>>, vector<16xf32>,
    tpu.vector_store %arg6[%swap3A_219], %select_n3A_218 {strides = array<i32>} : memref<320xf32, #tpu.memory_space<vmem>>, vector<16xf32>,
    %add3A_221 = arith.constant 1 : i32
    %add3A_222 = vector.broadcast %add3A_221 : i32 to vector<16xi32>
    %add3A_223 = arith.addi %add3A_214, %add3A_222 : vector<16xi32>
    %gather3A_224 = tpu.vector_load_idx %arg5[%add3A_223] : memref<1280xf32, #tpu.memory_space<vmem>>[vector<16xi32>], vector<16xf32>,
    %jit3A_225 = arith.constant 0.000000e+00 : f32
    %broadcast_in_dim3A_226 = vector.broadcast %jit3A_225 : f32 to vector<16xf32>
    %select_n3A_227 = arith.select %lt3A_208, %gather3A_224, %broadcast_in_dim3A_226 : vector<16xi1>, vector<16xf32>
    %swap3A_228 = arith.constant 48 : index
    %swap3A_229 = tpu.vector_load %arg7[%swap3A_228] {strides = array<i32>} : memref<320xf32, #tpu.memory_space<vmem>>, vector<16xf32>,
    tpu.vector_store %arg7[%swap3A_228], %select_n3A_227 {strides = array<i32>} : memref<320xf32, #tpu.memory_space<vmem>>, vector<16xf32>,
    %add3A_230 = arith.constant 2 : i32
    %add3A_231 = vector.broadcast %add3A_230 : i32 to vector<16xi32>
    %add3A_232 = arith.addi %add3A_214, %add3A_231 : vector<16xi32>
    %gather3A_233 = tpu.vector_load_idx %arg5[%add3A_232] : memref<1280xf32, #tpu.memory_space<vmem>>[vector<16xi32>], vector<16xf32>,
    %jit3A_234 = arith.constant 0.000000e+00 : f32
    %broadcast_in_dim3A_235 = vector.broadcast %jit3A_234 : f32 to vector<16xf32>
    %select_n3A_236 = arith.select %lt3A_208, %gather3A_233, %broadcast_in_dim3A_235 : vector<16xi1>, vector<16xf32>
    %swap3A_237 = arith.constant 48 : index
    %swap3A_238 = tpu.vector_load %arg8[%swap3A_237] {strides = array<i32>} : memref<320xf32, #tpu.memory_space<vmem>>, vector<16xf32>,
    tpu.vector_store %arg8[%swap3A_237], %select_n3A_236 {strides = array<i32>} : memref<320xf32, #tpu.memory_space<vmem>>, vector<16xf32>,
    %add3A_239 = arith.constant 3 : i32
    %add3A_240 = vector.broadcast %add3A_239 : i32 to vector<16xi32>
    %add3A_241 = arith.addi %add3A_214, %add3A_240 : vector<16xi32>
    %gather3A_242 = tpu.vector_load_idx %arg5[%add3A_241] : memref<1280xf32, #tpu.memory_space<vmem>>[vector<16xi32>], vector<16xf32>,
    %jit3A_243 = arith.constant 0.000000e+00 : f32
    %broadcast_in_dim3A_244 = vector.broadcast %jit3A_243 : f32 to vector<16xf32>
    %select_n3A_245 = arith.select %lt3A_208, %gather3A_242, %broadcast_in_dim3A_244 : vector<16xi1>, vector<16xf32>
    %swap3A_246 = arith.constant 48 : index
    %swap3A_247 = tpu.vector_load %arg9[%swap3A_246] {strides = array<i32>} : memref<320xf32, #tpu.memory_space<vmem>>, vector<16xf32>,
    tpu.vector_store %arg9[%swap3A_246], %select_n3A_245 {strides = array<i32>} : memref<320xf32, #tpu.memory_space<vmem>>, vector<16xf32>,
    %get3A_248 = arith.constant 48 : index
    %get3A_249 = tpu.vector_load %arg10[%get3A_248] {strides = array<i32>} : memref<320xf32, #tpu.memory_space<vmem>>, vector<16xf32>,
    %select_n3A_250 = arith.select %lt3A_208, %get3A_249, %broadcast_in_dim3A_4 : vector<16xi1>, vector<16xf32>
    %swap3A_251 = arith.constant 48 : index
    %swap3A_252 = tpu.vector_load %arg10[%swap3A_251] {strides = array<i32>} : memref<320xf32, #tpu.memory_space<vmem>>, vector<16xf32>,
    tpu.vector_store %arg10[%swap3A_251], %select_n3A_250 {strides = array<i32>} : memref<320xf32, #tpu.memory_space<vmem>>, vector<16xf32>,
    %get3A_253 = arith.constant 48 : index
    %get3A_254 = tpu.vector_load %arg8[%get3A_253] {strides = array<i32>} : memref<320xf32, #tpu.memory_space<vmem>>, vector<16xf32>,
    %get3A_255 = arith.constant 48 : index
    %get3A_256 = tpu.vector_load %arg6[%get3A_255] {strides = array<i32>} : memref<320xf32, #tpu.memory_space<vmem>>, vector<16xf32>,
    %sub3A_257 = arith.subf %get3A_254, %get3A_256 : vector<16xf32>
    %get3A_258 = arith.constant 48 : index
    %get3A_259 = tpu.vector_load %arg9[%get3A_258] {strides = array<i32>} : memref<320xf32, #tpu.memory_space<vmem>>, vector<16xf32>,
    %get3A_260 = arith.constant 48 : index
    %get3A_261 = tpu.vector_load %arg7[%get3A_260] {strides = array<i32>} : memref<320xf32, #tpu.memory_space<vmem>>, vector<16xf32>,
    %sub3A_262 = arith.subf %get3A_259, %get3A_261 : vector<16xf32>
    %mul3A_263 = arith.mulf %sub3A_257, %sub3A_262 : vector<16xf32>
    %swap3A_264 = arith.constant 48 : index
    %swap3A_265 = tpu.vector_load %arg11[%swap3A_264] {strides = array<i32>} : memref<320xf32, #tpu.memory_space<vmem>>, vector<16xf32>,
    tpu.vector_store %arg11[%swap3A_264], %mul3A_263 {strides = array<i32>} : memref<320xf32, #tpu.memory_space<vmem>>, vector<16xf32>,
    %swap3A_266 = arith.constant 64 : index
    %swap3A_267 = tpu.vector_load %arg12[%swap3A_266] {strides = array<i32>} : memref<320xf32, #tpu.memory_space<vmem>>, vector<16xf32>,
    tpu.vector_store %arg12[%swap3A_266], %broadcast_in_dim3A_2 {strides = array<i32>} : memref<320xf32, #tpu.memory_space<vmem>>, vector<16xf32>,
    %add3A_268 = arith.constant 64 : i32
    %add3A_269 = arith.addi %mul3A_0, %add3A_268 : i32
    %add3A_270 = vector.broadcast %add3A_269 : i32 to vector<16xi32>
    %add3A_271 = arith.addi %add3A_270, %iota3A : vector<16xi32>
    %lt3A_272 = arith.constant 5000 : i32
    %lt3A_273 = vector.broadcast %lt3A_272 : i32 to vector<16xi32>
    %lt3A_274 = arith.cmpi slt, %add3A_271, %lt3A_273 : vector<16xi32>
    %mul3A_275 = arith.constant 4 : i32
    %mul3A_276 = vector.broadcast %mul3A_275 : i32 to vector<16xi32>
    %mul3A_277 = arith.muli %mul3A_276, %iota3A : vector<16xi32>
    %add3A_278 = arith.constant 256 : i32
    %add3A_279 = vector.broadcast %add3A_278 : i32 to vector<16xi32>
    %add3A_280 = arith.addi %add3A_279, %mul3A_277 : vector<16xi32>
    %gather3A_281 = tpu.vector_load_idx %arg5[%add3A_280] : memref<1280xf32, #tpu.memory_space<vmem>>[vector<16xi32>], vector<16xf32>,
    %jit3A_282 = arith.constant 0.000000e+00 : f32
    %broadcast_in_dim3A_283 = vector.broadcast %jit3A_282 : f32 to vector<16xf32>
    %select_n3A_284 = arith.select %lt3A_274, %gather3A_281, %broadcast_in_dim3A_283 : vector<16xi1>, vector<16xf32>
    %swap3A_285 = arith.constant 64 : index
    %swap3A_286 = tpu.vector_load %arg6[%swap3A_285] {strides = array<i32>} : memref<320xf32, #tpu.memory_space<vmem>>, vector<16xf32>,
    tpu.vector_store %arg6[%swap3A_285], %select_n3A_284 {strides = array<i32>} : memref<320xf32, #tpu.memory_space<vmem>>, vector<16xf32>,
    %add3A_287 = arith.constant 1 : i32
    %add3A_288 = vector.broadcast %add3A_287 : i32 to vector<16xi32>
    %add3A_289 = arith.addi %add3A_280, %add3A_288 : vector<16xi32>
    %gather3A_290 = tpu.vector_load_idx %arg5[%add3A_289] : memref<1280xf32, #tpu.memory_space<vmem>>[vector<16xi32>], vector<16xf32>,
    %jit3A_291 = arith.constant 0.000000e+00 : f32
    %broadcast_in_dim3A_292 = vector.broadcast %jit3A_291 : f32 to vector<16xf32>
    %select_n3A_293 = arith.select %lt3A_274, %gather3A_290, %broadcast_in_dim3A_292 : vector<16xi1>, vector<16xf32>
    %swap3A_294 = arith.constant 64 : index
    %swap3A_295 = tpu.vector_load %arg7[%swap3A_294] {strides = array<i32>} : memref<320xf32, #tpu.memory_space<vmem>>, vector<16xf32>,
    tpu.vector_store %arg7[%swap3A_294], %select_n3A_293 {strides = array<i32>} : memref<320xf32, #tpu.memory_space<vmem>>, vector<16xf32>,
    %add3A_296 = arith.constant 2 : i32
    %add3A_297 = vector.broadcast %add3A_296 : i32 to vector<16xi32>
    %add3A_298 = arith.addi %add3A_280, %add3A_297 : vector<16xi32>
    %gather3A_299 = tpu.vector_load_idx %arg5[%add3A_298] : memref<1280xf32, #tpu.memory_space<vmem>>[vector<16xi32>], vector<16xf32>,
    %jit3A_300 = arith.constant 0.000000e+00 : f32
    %broadcast_in_dim3A_301 = vector.broadcast %jit3A_300 : f32 to vector<16xf32>
    %select_n3A_302 = arith.select %lt3A_274, %gather3A_299, %broadcast_in_dim3A_301 : vector<16xi1>, vector<16xf32>
    %swap3A_303 = arith.constant 64 : index
    %swap3A_304 = tpu.vector_load %arg8[%swap3A_303] {strides = array<i32>} : memref<320xf32, #tpu.memory_space<vmem>>, vector<16xf32>,
    tpu.vector_store %arg8[%swap3A_303], %select_n3A_302 {strides = array<i32>} : memref<320xf32, #tpu.memory_space<vmem>>, vector<16xf32>,
    %add3A_305 = arith.constant 3 : i32
    %add3A_306 = vector.broadcast %add3A_305 : i32 to vector<16xi32>
    %add3A_307 = arith.addi %add3A_280, %add3A_306 : vector<16xi32>
    %gather3A_308 = tpu.vector_load_idx %arg5[%add3A_307] : memref<1280xf32, #tpu.memory_space<vmem>>[vector<16xi32>], vector<16xf32>,
    %jit3A_309 = arith.constant 0.000000e+00 : f32
    %broadcast_in_dim3A_310 = vector.broadcast %jit3A_309 : f32 to vector<16xf32>
    %select_n3A_311 = arith.select %lt3A_274, %gather3A_308, %broadcast_in_dim3A_310 : vector<16xi1>, vector<16xf32>
    %swap3A_312 = arith.constant 64 : index
    %swap3A_313 = tpu.vector_load %arg9[%swap3A_312] {strides = array<i32>} : memref<320xf32, #tpu.memory_space<vmem>>, vector<16xf32>,
    tpu.vector_store %arg9[%swap3A_312], %select_n3A_311 {strides = array<i32>} : memref<320xf32, #tpu.memory_space<vmem>>, vector<16xf32>,
    %get3A_314 = arith.constant 64 : index
    %get3A_315 = tpu.vector_load %arg10[%get3A_314] {strides = array<i32>} : memref<320xf32, #tpu.memory_space<vmem>>, vector<16xf32>,
    %select_n3A_316 = arith.select %lt3A_274, %get3A_315, %broadcast_in_dim3A_4 : vector<16xi1>, vector<16xf32>
    %swap3A_317 = arith.constant 64 : index
    %swap3A_318 = tpu.vector_load %arg10[%swap3A_317] {strides = array<i32>} : memref<320xf32, #tpu.memory_space<vmem>>, vector<16xf32>,
    tpu.vector_store %arg10[%swap3A_317], %select_n3A_316 {strides = array<i32>} : memref<320xf32, #tpu.memory_space<vmem>>, vector<16xf32>,
    %get3A_319 = arith.constant 64 : index
    %get3A_320 = tpu.vector_load %arg8[%get3A_319] {strides = array<i32>} : memref<320xf32, #tpu.memory_space<vmem>>, vector<16xf32>,
    %get3A_321 = arith.constant 64 : index
    %get3A_322 = tpu.vector_load %arg6[%get3A_321] {strides = array<i32>} : memref<320xf32, #tpu.memory_space<vmem>>, vector<16xf32>,
    %sub3A_323 = arith.subf %get3A_320, %get3A_322 : vector<16xf32>
    %get3A_324 = arith.constant 64 : index
    %get3A_325 = tpu.vector_load %arg9[%get3A_324] {strides = array<i32>} : memref<320xf32, #tpu.memory_space<vmem>>, vector<16xf32>,
    %get3A_326 = arith.constant 64 : index
    %get3A_327 = tpu.vector_load %arg7[%get3A_326] {strides = array<i32>} : memref<320xf32, #tpu.memory_space<vmem>>, vector<16xf32>,
    %sub3A_328 = arith.subf %get3A_325, %get3A_327 : vector<16xf32>
    %mul3A_329 = arith.mulf %sub3A_323, %sub3A_328 : vector<16xf32>
    %swap3A_330 = arith.constant 64 : index
    %swap3A_331 = tpu.vector_load %arg11[%swap3A_330] {strides = array<i32>} : memref<320xf32, #tpu.memory_space<vmem>>, vector<16xf32>,
    tpu.vector_store %arg11[%swap3A_330], %mul3A_329 {strides = array<i32>} : memref<320xf32, #tpu.memory_space<vmem>>, vector<16xf32>,
    %swap3A_332 = arith.constant 80 : index
    %swap3A_333 = tpu.vector_load %arg12[%swap3A_332] {strides = array<i32>} : memref<320xf32, #tpu.memory_space<vmem>>, vector<16xf32>,
    tpu.vector_store %arg12[%swap3A_332], %broadcast_in_dim3A_2 {strides = array<i32>} : memref<320xf32, #tpu.memory_space<vmem>>, vector<16xf32>,
    %add3A_334 = arith.constant 80 : i32
    %add3A_335 = arith.addi %mul3A_0, %add3A_334 : i32
    %add3A_336 = vector.broadcast %add3A_335 : i32 to vector<16xi32>
    %add3A_337 = arith.addi %add3A_336, %iota3A : vector<16xi32>
    %lt3A_338 = arith.constant 5000 : i32
    %lt3A_339 = vector.broadcast %lt3A_338 : i32 to vector<16xi32>
    %lt3A_340 = arith.cmpi slt, %add3A_337, %lt3A_339 : vector<16xi32>
    %mul3A_341 = arith.constant 4 : i32
    %mul3A_342 = vector.broadcast %mul3A_341 : i32 to vector<16xi32>
    %mul3A_343 = arith.muli %mul3A_342, %iota3A : vector<16xi32>
    %add3A_344 = arith.constant 320 : i32
    %add3A_345 = vector.broadcast %add3A_344 : i32 to vector<16xi32>
    %add3A_346 = arith.addi %add3A_345, %mul3A_343 : vector<16xi32>
    %gather3A_347 = tpu.vector_load_idx %arg5[%add3A_346] : memref<1280xf32, #tpu.memory_space<vmem>>[vector<16xi32>], vector<16xf32>,
    %jit3A_348 = arith.constant 0.000000e+00 : f32
    %broadcast_in_dim3A_349 = vector.broadcast %jit3A_348 : f32 to vector<16xf32>
    %select_n3A_350 = arith.select %lt3A_340, %gather3A_347, %broadcast_in_dim3A_349 : vector<16xi1>, vector<16xf32>
    %swap3A_351 = arith.constant 80 : index
    %swap3A_352 = tpu.vector_load %arg6[%swap3A_351] {strides = array<i32>} : memref<320xf32, #tpu.memory_space<vmem>>, vector<16xf32>,
    tpu.vector_store %arg6[%swap3A_351], %select_n3A_350 {strides = array<i32>} : memref<320xf32, #tpu.memory_space<vmem>>, vector<16xf32>,
    %add3A_353 = arith.constant 1 : i32
    %add3A_354 = vector.broadcast %add3A_353 : i32 to vector<16xi32>
    %add3A_355 = arith.addi %add3A_346, %add3A_354 : vector<16xi32>
    %gather3A_356 = tpu.vector_load_idx %arg5[%add3A_355] : memref<1280xf32, #tpu.memory_space<vmem>>[vector<16xi32>], vector<16xf32>,
    %jit3A_357 = arith.constant 0.000000e+00 : f32
    %broadcast_in_dim3A_358 = vector.broadcast %jit3A_357 : f32 to vector<16xf32>
    %select_n3A_359 = arith.select %lt3A_340, %gather3A_356, %broadcast_in_dim3A_358 : vector<16xi1>, vector<16xf32>
    %swap3A_360 = arith.constant 80 : index
    %swap3A_361 = tpu.vector_load %arg7[%swap3A_360] {strides = array<i32>} : memref<320xf32, #tpu.memory_space<vmem>>, vector<16xf32>,
    tpu.vector_store %arg7[%swap3A_360], %select_n3A_359 {strides = array<i32>} : memref<320xf32, #tpu.memory_space<vmem>>, vector<16xf32>,
    %add3A_362 = arith.constant 2 : i32
    %add3A_363 = vector.broadcast %add3A_362 : i32 to vector<16xi32>
    %add3A_364 = arith.addi %add3A_346, %add3A_363 : vector<16xi32>
    %gather3A_365 = tpu.vector_load_idx %arg5[%add3A_364] : memref<1280xf32, #tpu.memory_space<vmem>>[vector<16xi32>], vector<16xf32>,
    %jit3A_366 = arith.constant 0.000000e+00 : f32
    %broadcast_in_dim3A_367 = vector.broadcast %jit3A_366 : f32 to vector<16xf32>
    %select_n3A_368 = arith.select %lt3A_340, %gather3A_365, %broadcast_in_dim3A_367 : vector<16xi1>, vector<16xf32>
    %swap3A_369 = arith.constant 80 : index
    %swap3A_370 = tpu.vector_load %arg8[%swap3A_369] {strides = array<i32>} : memref<320xf32, #tpu.memory_space<vmem>>, vector<16xf32>,
    tpu.vector_store %arg8[%swap3A_369], %select_n3A_368 {strides = array<i32>} : memref<320xf32, #tpu.memory_space<vmem>>, vector<16xf32>,
    %add3A_371 = arith.constant 3 : i32
    %add3A_372 = vector.broadcast %add3A_371 : i32 to vector<16xi32>
    %add3A_373 = arith.addi %add3A_346, %add3A_372 : vector<16xi32>
    %gather3A_374 = tpu.vector_load_idx %arg5[%add3A_373] : memref<1280xf32, #tpu.memory_space<vmem>>[vector<16xi32>], vector<16xf32>,
    %jit3A_375 = arith.constant 0.000000e+00 : f32
    %broadcast_in_dim3A_376 = vector.broadcast %jit3A_375 : f32 to vector<16xf32>
    %select_n3A_377 = arith.select %lt3A_340, %gather3A_374, %broadcast_in_dim3A_376 : vector<16xi1>, vector<16xf32>
    %swap3A_378 = arith.constant 80 : index
    %swap3A_379 = tpu.vector_load %arg9[%swap3A_378] {strides = array<i32>} : memref<320xf32, #tpu.memory_space<vmem>>, vector<16xf32>,
    tpu.vector_store %arg9[%swap3A_378], %select_n3A_377 {strides = array<i32>} : memref<320xf32, #tpu.memory_space<vmem>>, vector<16xf32>,
    %get3A_380 = arith.constant 80 : index
    %get3A_381 = tpu.vector_load %arg10[%get3A_380] {strides = array<i32>} : memref<320xf32, #tpu.memory_space<vmem>>, vector<16xf32>,
    %select_n3A_382 = arith.select %lt3A_340, %get3A_381, %broadcast_in_dim3A_4 : vector<16xi1>, vector<16xf32>
    %swap3A_383 = arith.constant 80 : index
    %swap3A_384 = tpu.vector_load %arg10[%swap3A_383] {strides = array<i32>} : memref<320xf32, #tpu.memory_space<vmem>>, vector<16xf32>,
    tpu.vector_store %arg10[%swap3A_383], %select_n3A_382 {strides = array<i32>} : memref<320xf32, #tpu.memory_space<vmem>>, vector<16xf32>,
    %get3A_385 = arith.constant 80 : index
    %get3A_386 = tpu.vector_load %arg8[%get3A_385] {strides = array<i32>} : memref<320xf32, #tpu.memory_space<vmem>>, vector<16xf32>,
    %get3A_387 = arith.constant 80 : index
    %get3A_388 = tpu.vector_load %arg6[%get3A_387] {strides = array<i32>} : memref<320xf32, #tpu.memory_space<vmem>>, vector<16xf32>,
    %sub3A_389 = arith.subf %get3A_386, %get3A_388 : vector<16xf32>
    %get3A_390 = arith.constant 80 : index
    %get3A_391 = tpu.vector_load %arg9[%get3A_390] {strides = array<i32>} : memref<320xf32, #tpu.memory_space<vmem>>, vector<16xf32>,
    %get3A_392 = arith.constant 80 : index
    %get3A_393 = tpu.vector_load %arg7[%get3A_392] {strides = array<i32>} : memref<320xf32, #tpu.memory_space<vmem>>, vector<16xf32>,
    %sub3A_394 = arith.subf %get3A_391, %get3A_393 : vector<16xf32>
    %mul3A_395 = arith.mulf %sub3A_389, %sub3A_394 : vector<16xf32>
    %swap3A_396 = arith.constant 80 : index
    %swap3A_397 = tpu.vector_load %arg11[%swap3A_396] {strides = array<i32>} : memref<320xf32, #tpu.memory_space<vmem>>, vector<16xf32>,
    tpu.vector_store %arg11[%swap3A_396], %mul3A_395 {strides = array<i32>} : memref<320xf32, #tpu.memory_space<vmem>>, vector<16xf32>,
    %swap3A_398 = arith.constant 96 : index
    %swap3A_399 = tpu.vector_load %arg12[%swap3A_398] {strides = array<i32>} : memref<320xf32, #tpu.memory_space<vmem>>, vector<16xf32>,
    tpu.vector_store %arg12[%swap3A_398], %broadcast_in_dim3A_2 {strides = array<i32>} : memref<320xf32, #tpu.memory_space<vmem>>, vector<16xf32>,
    %add3A_400 = arith.constant 96 : i32
    %add3A_401 = arith.addi %mul3A_0, %add3A_400 : i32
    %add3A_402 = vector.broadcast %add3A_401 : i32 to vector<16xi32>
    %add3A_403 = arith.addi %add3A_402, %iota3A : vector<16xi32>
    %lt3A_404 = arith.constant 5000 : i32
    %lt3A_405 = vector.broadcast %lt3A_404 : i32 to vector<16xi32>
    %lt3A_406 = arith.cmpi slt, %add3A_403, %lt3A_405 : vector<16xi32>
    %mul3A_407 = arith.constant 4 : i32
    %mul3A_408 = vector.broadcast %mul3A_407 : i32 to vector<16xi32>
    %mul3A_409 = arith.muli %mul3A_408, %iota3A : vector<16xi32>
    %add3A_410 = arith.constant 384 : i32
    %add3A_411 = vector.broadcast %add3A_410 : i32 to vector<16xi32>
    %add3A_412 = arith.addi %add3A_411, %mul3A_409 : vector<16xi32>
    %gather3A_413 = tpu.vector_load_idx %arg5[%add3A_412] : memref<1280xf32, #tpu.memory_space<vmem>>[vector<16xi32>], vector<16xf32>,
    %jit3A_414 = arith.constant 0.000000e+00 : f32
    %broadcast_in_dim3A_415 = vector.broadcast %jit3A_414 : f32 to vector<16xf32>
    %select_n3A_416 = arith.select %lt3A_406, %gather3A_413, %broadcast_in_dim3A_415 : vector<16xi1>, vector<16xf32>
    %swap3A_417 = arith.constant 96 : index
    %swap3A_418 = tpu.vector_load %arg6[%swap3A_417] {strides = array<i32>} : memref<320xf32, #tpu.memory_space<vmem>>, vector<16xf32>,
    tpu.vector_store %arg6[%swap3A_417], %select_n3A_416 {strides = array<i32>} : memref<320xf32, #tpu.memory_space<vmem>>, vector<16xf32>,
    %add3A_419 = arith.constant 1 : i32
    %add3A_420 = vector.broadcast %add3A_419 : i32 to vector<16xi32>
    %add3A_421 = arith.addi %add3A_412, %add3A_420 : vector<16xi32>
    %gather3A_422 = tpu.vector_load_idx %arg5[%add3A_421] : memref<1280xf32, #tpu.memory_space<vmem>>[vector<16xi32>], vector<16xf32>,
    %jit3A_423 = arith.constant 0.000000e+00 : f32
    %broadcast_in_dim3A_424 = vector.broadcast %jit3A_423 : f32 to vector<16xf32>
    %select_n3A_425 = arith.select %lt3A_406, %gather3A_422, %broadcast_in_dim3A_424 : vector<16xi1>, vector<16xf32>
    %swap3A_426 = arith.constant 96 : index
    %swap3A_427 = tpu.vector_load %arg7[%swap3A_426] {strides = array<i32>} : memref<320xf32, #tpu.memory_space<vmem>>, vector<16xf32>,
    tpu.vector_store %arg7[%swap3A_426], %select_n3A_425 {strides = array<i32>} : memref<320xf32, #tpu.memory_space<vmem>>, vector<16xf32>,
    %add3A_428 = arith.constant 2 : i32
    %add3A_429 = vector.broadcast %add3A_428 : i32 to vector<16xi32>
    %add3A_430 = arith.addi %add3A_412, %add3A_429 : vector<16xi32>
    %gather3A_431 = tpu.vector_load_idx %arg5[%add3A_430] : memref<1280xf32, #tpu.memory_space<vmem>>[vector<16xi32>], vector<16xf32>,
    %jit3A_432 = arith.constant 0.000000e+00 : f32
    %broadcast_in_dim3A_433 = vector.broadcast %jit3A_432 : f32 to vector<16xf32>
    %select_n3A_434 = arith.select %lt3A_406, %gather3A_431, %broadcast_in_dim3A_433 : vector<16xi1>, vector<16xf32>
    %swap3A_435 = arith.constant 96 : index
    %swap3A_436 = tpu.vector_load %arg8[%swap3A_435] {strides = array<i32>} : memref<320xf32, #tpu.memory_space<vmem>>, vector<16xf32>,
    tpu.vector_store %arg8[%swap3A_435], %select_n3A_434 {strides = array<i32>} : memref<320xf32, #tpu.memory_space<vmem>>, vector<16xf32>,
    %add3A_437 = arith.constant 3 : i32
    %add3A_438 = vector.broadcast %add3A_437 : i32 to vector<16xi32>
    %add3A_439 = arith.addi %add3A_412, %add3A_438 : vector<16xi32>
    %gather3A_440 = tpu.vector_load_idx %arg5[%add3A_439] : memref<1280xf32, #tpu.memory_space<vmem>>[vector<16xi32>], vector<16xf32>,
    %jit3A_441 = arith.constant 0.000000e+00 : f32
    %broadcast_in_dim3A_442 = vector.broadcast %jit3A_441 : f32 to vector<16xf32>
    %select_n3A_443 = arith.select %lt3A_406, %gather3A_440, %broadcast_in_dim3A_442 : vector<16xi1>, vector<16xf32>
    %swap3A_444 = arith.constant 96 : index
    %swap3A_445 = tpu.vector_load %arg9[%swap3A_444] {strides = array<i32>} : memref<320xf32, #tpu.memory_space<vmem>>, vector<16xf32>,
    tpu.vector_store %arg9[%swap3A_444], %select_n3A_443 {strides = array<i32>} : memref<320xf32, #tpu.memory_space<vmem>>, vector<16xf32>,
    %get3A_446 = arith.constant 96 : index
    %get3A_447 = tpu.vector_load %arg10[%get3A_446] {strides = array<i32>} : memref<320xf32, #tpu.memory_space<vmem>>, vector<16xf32>,
    %select_n3A_448 = arith.select %lt3A_406, %get3A_447, %broadcast_in_dim3A_4 : vector<16xi1>, vector<16xf32>
    %swap3A_449 = arith.constant 96 : index
    %swap3A_450 = tpu.vector_load %arg10[%swap3A_449] {strides = array<i32>} : memref<320xf32, #tpu.memory_space<vmem>>, vector<16xf32>,
    tpu.vector_store %arg10[%swap3A_449], %select_n3A_448 {strides = array<i32>} : memref<320xf32, #tpu.memory_space<vmem>>, vector<16xf32>,
    %get3A_451 = arith.constant 96 : index
    %get3A_452 = tpu.vector_load %arg8[%get3A_451] {strides = array<i32>} : memref<320xf32, #tpu.memory_space<vmem>>, vector<16xf32>,
    %get3A_453 = arith.constant 96 : index
    %get3A_454 = tpu.vector_load %arg6[%get3A_453] {strides = array<i32>} : memref<320xf32, #tpu.memory_space<vmem>>, vector<16xf32>,
    %sub3A_455 = arith.subf %get3A_452, %get3A_454 : vector<16xf32>
    %get3A_456 = arith.constant 96 : index
    %get3A_457 = tpu.vector_load %arg9[%get3A_456] {strides = array<i32>} : memref<320xf32, #tpu.memory_space<vmem>>, vector<16xf32>,
    %get3A_458 = arith.constant 96 : index
    %get3A_459 = tpu.vector_load %arg7[%get3A_458] {strides = array<i32>} : memref<320xf32, #tpu.memory_space<vmem>>, vector<16xf32>,
    %sub3A_460 = arith.subf %get3A_457, %get3A_459 : vector<16xf32>
    %mul3A_461 = arith.mulf %sub3A_455, %sub3A_460 : vector<16xf32>
    %swap3A_462 = arith.constant 96 : index
    %swap3A_463 = tpu.vector_load %arg11[%swap3A_462] {strides = array<i32>} : memref<320xf32, #tpu.memory_space<vmem>>, vector<16xf32>,
    tpu.vector_store %arg11[%swap3A_462], %mul3A_461 {strides = array<i32>} : memref<320xf32, #tpu.memory_space<vmem>>, vector<16xf32>,
    %swap3A_464 = arith.constant 112 : index
    %swap3A_465 = tpu.vector_load %arg12[%swap3A_464] {strides = array<i32>} : memref<320xf32, #tpu.memory_space<vmem>>, vector<16xf32>,
    tpu.vector_store %arg12[%swap3A_464], %broadcast_in_dim3A_2 {strides = array<i32>} : memref<320xf32, #tpu.memory_space<vmem>>, vector<16xf32>,
    %add3A_466 = arith.constant 112 : i32
    %add3A_467 = arith.addi %mul3A_0, %add3A_466 : i32
    %add3A_468 = vector.broadcast %add3A_467 : i32 to vector<16xi32>
    %add3A_469 = arith.addi %add3A_468, %iota3A : vector<16xi32>
    %lt3A_470 = arith.constant 5000 : i32
    %lt3A_471 = vector.broadcast %lt3A_470 : i32 to vector<16xi32>
    %lt3A_472 = arith.cmpi slt, %add3A_469, %lt3A_471 : vector<16xi32>
    %mul3A_473 = arith.constant 4 : i32
    %mul3A_474 = vector.broadcast %mul3A_473 : i32 to vector<16xi32>
    %mul3A_475 = arith.muli %mul3A_474, %iota3A : vector<16xi32>
    %add3A_476 = arith.constant 448 : i32
    %add3A_477 = vector.broadcast %add3A_476 : i32 to vector<16xi32>
    %add3A_478 = arith.addi %add3A_477, %mul3A_475 : vector<16xi32>
    %gather3A_479 = tpu.vector_load_idx %arg5[%add3A_478] : memref<1280xf32, #tpu.memory_space<vmem>>[vector<16xi32>], vector<16xf32>,
    %jit3A_480 = arith.constant 0.000000e+00 : f32
    %broadcast_in_dim3A_481 = vector.broadcast %jit3A_480 : f32 to vector<16xf32>
    %select_n3A_482 = arith.select %lt3A_472, %gather3A_479, %broadcast_in_dim3A_481 : vector<16xi1>, vector<16xf32>
    %swap3A_483 = arith.constant 112 : index
    %swap3A_484 = tpu.vector_load %arg6[%swap3A_483] {strides = array<i32>} : memref<320xf32, #tpu.memory_space<vmem>>, vector<16xf32>,
    tpu.vector_store %arg6[%swap3A_483], %select_n3A_482 {strides = array<i32>} : memref<320xf32, #tpu.memory_space<vmem>>, vector<16xf32>,
    %add3A_485 = arith.constant 1 : i32
    %add3A_486 = vector.broadcast %add3A_485 : i32 to vector<16xi32>
    %add3A_487 = arith.addi %add3A_478, %add3A_486 : vector<16xi32>
    %gather3A_488 = tpu.vector_load_idx %arg5[%add3A_487] : memref<1280xf32, #tpu.memory_space<vmem>>[vector<16xi32>], vector<16xf32>,
    %jit3A_489 = arith.constant 0.000000e+00 : f32
    %broadcast_in_dim3A_490 = vector.broadcast %jit3A_489 : f32 to vector<16xf32>
    %select_n3A_491 = arith.select %lt3A_472, %gather3A_488, %broadcast_in_dim3A_490 : vector<16xi1>, vector<16xf32>
    %swap3A_492 = arith.constant 112 : index
    %swap3A_493 = tpu.vector_load %arg7[%swap3A_492] {strides = array<i32>} : memref<320xf32, #tpu.memory_space<vmem>>, vector<16xf32>,
    tpu.vector_store %arg7[%swap3A_492], %select_n3A_491 {strides = array<i32>} : memref<320xf32, #tpu.memory_space<vmem>>, vector<16xf32>,
    %add3A_494 = arith.constant 2 : i32
    %add3A_495 = vector.broadcast %add3A_494 : i32 to vector<16xi32>
    %add3A_496 = arith.addi %add3A_478, %add3A_495 : vector<16xi32>
    %gather3A_497 = tpu.vector_load_idx %arg5[%add3A_496] : memref<1280xf32, #tpu.memory_space<vmem>>[vector<16xi32>], vector<16xf32>,
    %jit3A_498 = arith.constant 0.000000e+00 : f32
    %broadcast_in_dim3A_499 = vector.broadcast %jit3A_498 : f32 to vector<16xf32>
    %select_n3A_500 = arith.select %lt3A_472, %gather3A_497, %broadcast_in_dim3A_499 : vector<16xi1>, vector<16xf32>
    %swap3A_501 = arith.constant 112 : index
    %swap3A_502 = tpu.vector_load %arg8[%swap3A_501] {strides = array<i32>} : memref<320xf32, #tpu.memory_space<vmem>>, vector<16xf32>,
    tpu.vector_store %arg8[%swap3A_501], %select_n3A_500 {strides = array<i32>} : memref<320xf32, #tpu.memory_space<vmem>>, vector<16xf32>,
    %add3A_503 = arith.constant 3 : i32
    %add3A_504 = vector.broadcast %add3A_503 : i32 to vector<16xi32>
    %add3A_505 = arith.addi %add3A_478, %add3A_504 : vector<16xi32>
    %gather3A_506 = tpu.vector_load_idx %arg5[%add3A_505] : memref<1280xf32, #tpu.memory_space<vmem>>[vector<16xi32>], vector<16xf32>,
    %jit3A_507 = arith.constant 0.000000e+00 : f32
    %broadcast_in_dim3A_508 = vector.broadcast %jit3A_507 : f32 to vector<16xf32>
    %select_n3A_509 = arith.select %lt3A_472, %gather3A_506, %broadcast_in_dim3A_508 : vector<16xi1>, vector<16xf32>
    %swap3A_510 = arith.constant 112 : index
    %swap3A_511 = tpu.vector_load %arg9[%swap3A_510] {strides = array<i32>} : memref<320xf32, #tpu.memory_space<vmem>>, vector<16xf32>,
    tpu.vector_store %arg9[%swap3A_510], %select_n3A_509 {strides = array<i32>} : memref<320xf32, #tpu.memory_space<vmem>>, vector<16xf32>,
    %get3A_512 = arith.constant 112 : index
    %get3A_513 = tpu.vector_load %arg10[%get3A_512] {strides = array<i32>} : memref<320xf32, #tpu.memory_space<vmem>>, vector<16xf32>,
    %select_n3A_514 = arith.select %lt3A_472, %get3A_513, %broadcast_in_dim3A_4 : vector<16xi1>, vector<16xf32>
    %swap3A_515 = arith.constant 112 : index
    %swap3A_516 = tpu.vector_load %arg10[%swap3A_515] {strides = array<i32>} : memref<320xf32, #tpu.memory_space<vmem>>, vector<16xf32>,
    tpu.vector_store %arg10[%swap3A_515], %select_n3A_514 {strides = array<i32>} : memref<320xf32, #tpu.memory_space<vmem>>, vector<16xf32>,
    %get3A_517 = arith.constant 112 : index
    %get3A_518 = tpu.vector_load %arg8[%get3A_517] {strides = array<i32>} : memref<320xf32, #tpu.memory_space<vmem>>, vector<16xf32>,
    %get3A_519 = arith.constant 112 : index
    %get3A_520 = tpu.vector_load %arg6[%get3A_519] {strides = array<i32>} : memref<320xf32, #tpu.memory_space<vmem>>, vector<16xf32>,
    %sub3A_521 = arith.subf %get3A_518, %get3A_520 : vector<16xf32>
    %get3A_522 = arith.constant 112 : index
    %get3A_523 = tpu.vector_load %arg9[%get3A_522] {strides = array<i32>} : memref<320xf32, #tpu.memory_space<vmem>>, vector<16xf32>,
    %get3A_524 = arith.constant 112 : index
    %get3A_525 = tpu.vector_load %arg7[%get3A_524] {strides = array<i32>} : memref<320xf32, #tpu.memory_space<vmem>>, vector<16xf32>,
    %sub3A_526 = arith.subf %get3A_523, %get3A_525 : vector<16xf32>
    %mul3A_527 = arith.mulf %sub3A_521, %sub3A_526 : vector<16xf32>
    %swap3A_528 = arith.constant 112 : index
    %swap3A_529 = tpu.vector_load %arg11[%swap3A_528] {strides = array<i32>} : memref<320xf32, #tpu.memory_space<vmem>>, vector<16xf32>,
    tpu.vector_store %arg11[%swap3A_528], %mul3A_527 {strides = array<i32>} : memref<320xf32, #tpu.memory_space<vmem>>, vector<16xf32>,
    %swap3A_530 = arith.constant 128 : index
    %swap3A_531 = tpu.vector_load %arg12[%swap3A_530] {strides = array<i32>} : memref<320xf32, #tpu.memory_space<vmem>>, vector<16xf32>,
    tpu.vector_store %arg12[%swap3A_530], %broadcast_in_dim3A_2 {strides = array<i32>} : memref<320xf32, #tpu.memory_space<vmem>>, vector<16xf32>,
    %add3A_532 = arith.constant 128 : i32
    %add3A_533 = arith.addi %mul3A_0, %add3A_532 : i32
    %add3A_534 = vector.broadcast %add3A_533 : i32 to vector<16xi32>
    %add3A_535 = arith.addi %add3A_534, %iota3A : vector<16xi32>
    %lt3A_536 = arith.constant 5000 : i32
    %lt3A_537 = vector.broadcast %lt3A_536 : i32 to vector<16xi32>
    %lt3A_538 = arith.cmpi slt, %add3A_535, %lt3A_537 : vector<16xi32>
    %mul3A_539 = arith.constant 4 : i32
    %mul3A_540 = vector.broadcast %mul3A_539 : i32 to vector<16xi32>
    %mul3A_541 = arith.muli %mul3A_540, %iota3A : vector<16xi32>
    %add3A_542 = arith.constant 512 : i32
    %add3A_543 = vector.broadcast %add3A_542 : i32 to vector<16xi32>
    %add3A_544 = arith.addi %add3A_543, %mul3A_541 : vector<16xi32>
    %gather3A_545 = tpu.vector_load_idx %arg5[%add3A_544] : memref<1280xf32, #tpu.memory_space<vmem>>[vector<16xi32>], vector<16xf32>,
    %jit3A_546 = arith.constant 0.000000e+00 : f32
    %broadcast_in_dim3A_547 = vector.broadcast %jit3A_546 : f32 to vector<16xf32>
    %select_n3A_548 = arith.select %lt3A_538, %gather3A_545, %broadcast_in_dim3A_547 : vector<16xi1>, vector<16xf32>
    %swap3A_549 = arith.constant 128 : index
    %swap3A_550 = tpu.vector_load %arg6[%swap3A_549] {strides = array<i32>} : memref<320xf32, #tpu.memory_space<vmem>>, vector<16xf32>,
    tpu.vector_store %arg6[%swap3A_549], %select_n3A_548 {strides = array<i32>} : memref<320xf32, #tpu.memory_space<vmem>>, vector<16xf32>,
    %add3A_551 = arith.constant 1 : i32
    %add3A_552 = vector.broadcast %add3A_551 : i32 to vector<16xi32>
    %add3A_553 = arith.addi %add3A_544, %add3A_552 : vector<16xi32>
    %gather3A_554 = tpu.vector_load_idx %arg5[%add3A_553] : memref<1280xf32, #tpu.memory_space<vmem>>[vector<16xi32>], vector<16xf32>,
    %jit3A_555 = arith.constant 0.000000e+00 : f32
    %broadcast_in_dim3A_556 = vector.broadcast %jit3A_555 : f32 to vector<16xf32>
    %select_n3A_557 = arith.select %lt3A_538, %gather3A_554, %broadcast_in_dim3A_556 : vector<16xi1>, vector<16xf32>
    %swap3A_558 = arith.constant 128 : index
    %swap3A_559 = tpu.vector_load %arg7[%swap3A_558] {strides = array<i32>} : memref<320xf32, #tpu.memory_space<vmem>>, vector<16xf32>,
    tpu.vector_store %arg7[%swap3A_558], %select_n3A_557 {strides = array<i32>} : memref<320xf32, #tpu.memory_space<vmem>>, vector<16xf32>,
    %add3A_560 = arith.constant 2 : i32
    %add3A_561 = vector.broadcast %add3A_560 : i32 to vector<16xi32>
    %add3A_562 = arith.addi %add3A_544, %add3A_561 : vector<16xi32>
    %gather3A_563 = tpu.vector_load_idx %arg5[%add3A_562] : memref<1280xf32, #tpu.memory_space<vmem>>[vector<16xi32>], vector<16xf32>,
    %jit3A_564 = arith.constant 0.000000e+00 : f32
    %broadcast_in_dim3A_565 = vector.broadcast %jit3A_564 : f32 to vector<16xf32>
    %select_n3A_566 = arith.select %lt3A_538, %gather3A_563, %broadcast_in_dim3A_565 : vector<16xi1>, vector<16xf32>
    %swap3A_567 = arith.constant 128 : index
    %swap3A_568 = tpu.vector_load %arg8[%swap3A_567] {strides = array<i32>} : memref<320xf32, #tpu.memory_space<vmem>>, vector<16xf32>,
    tpu.vector_store %arg8[%swap3A_567], %select_n3A_566 {strides = array<i32>} : memref<320xf32, #tpu.memory_space<vmem>>, vector<16xf32>,
    %add3A_569 = arith.constant 3 : i32
    %add3A_570 = vector.broadcast %add3A_569 : i32 to vector<16xi32>
    %add3A_571 = arith.addi %add3A_544, %add3A_570 : vector<16xi32>
    %gather3A_572 = tpu.vector_load_idx %arg5[%add3A_571] : memref<1280xf32, #tpu.memory_space<vmem>>[vector<16xi32>], vector<16xf32>,
    %jit3A_573 = arith.constant 0.000000e+00 : f32
    %broadcast_in_dim3A_574 = vector.broadcast %jit3A_573 : f32 to vector<16xf32>
    %select_n3A_575 = arith.select %lt3A_538, %gather3A_572, %broadcast_in_dim3A_574 : vector<16xi1>, vector<16xf32>
    %swap3A_576 = arith.constant 128 : index
    %swap3A_577 = tpu.vector_load %arg9[%swap3A_576] {strides = array<i32>} : memref<320xf32, #tpu.memory_space<vmem>>, vector<16xf32>,
    tpu.vector_store %arg9[%swap3A_576], %select_n3A_575 {strides = array<i32>} : memref<320xf32, #tpu.memory_space<vmem>>, vector<16xf32>,
    %get3A_578 = arith.constant 128 : index
    %get3A_579 = tpu.vector_load %arg10[%get3A_578] {strides = array<i32>} : memref<320xf32, #tpu.memory_space<vmem>>, vector<16xf32>,
    %select_n3A_580 = arith.select %lt3A_538, %get3A_579, %broadcast_in_dim3A_4 : vector<16xi1>, vector<16xf32>
    %swap3A_581 = arith.constant 128 : index
    %swap3A_582 = tpu.vector_load %arg10[%swap3A_581] {strides = array<i32>} : memref<320xf32, #tpu.memory_space<vmem>>, vector<16xf32>,
    tpu.vector_store %arg10[%swap3A_581], %select_n3A_580 {strides = array<i32>} : memref<320xf32, #tpu.memory_space<vmem>>, vector<16xf32>,
    %get3A_583 = arith.constant 128 : index
    %get3A_584 = tpu.vector_load %arg8[%get3A_583] {strides = array<i32>} : memref<320xf32, #tpu.memory_space<vmem>>, vector<16xf32>,
    %get3A_585 = arith.constant 128 : index
    %get3A_586 = tpu.vector_load %arg6[%get3A_585] {strides = array<i32>} : memref<320xf32, #tpu.memory_space<vmem>>, vector<16xf32>,
    %sub3A_587 = arith.subf %get3A_584, %get3A_586 : vector<16xf32>
    %get3A_588 = arith.constant 128 : index
    %get3A_589 = tpu.vector_load %arg9[%get3A_588] {strides = array<i32>} : memref<320xf32, #tpu.memory_space<vmem>>, vector<16xf32>,
    %get3A_590 = arith.constant 128 : index
    %get3A_591 = tpu.vector_load %arg7[%get3A_590] {strides = array<i32>} : memref<320xf32, #tpu.memory_space<vmem>>, vector<16xf32>,
    %sub3A_592 = arith.subf %get3A_589, %get3A_591 : vector<16xf32>
    %mul3A_593 = arith.mulf %sub3A_587, %sub3A_592 : vector<16xf32>
    %swap3A_594 = arith.constant 128 : index
    %swap3A_595 = tpu.vector_load %arg11[%swap3A_594] {strides = array<i32>} : memref<320xf32, #tpu.memory_space<vmem>>, vector<16xf32>,
    tpu.vector_store %arg11[%swap3A_594], %mul3A_593 {strides = array<i32>} : memref<320xf32, #tpu.memory_space<vmem>>, vector<16xf32>,
    %swap3A_596 = arith.constant 144 : index
    %swap3A_597 = tpu.vector_load %arg12[%swap3A_596] {strides = array<i32>} : memref<320xf32, #tpu.memory_space<vmem>>, vector<16xf32>,
    tpu.vector_store %arg12[%swap3A_596], %broadcast_in_dim3A_2 {strides = array<i32>} : memref<320xf32, #tpu.memory_space<vmem>>, vector<16xf32>,
    %add3A_598 = arith.constant 144 : i32
    %add3A_599 = arith.addi %mul3A_0, %add3A_598 : i32
    %add3A_600 = vector.broadcast %add3A_599 : i32 to vector<16xi32>
    %add3A_601 = arith.addi %add3A_600, %iota3A : vector<16xi32>
    %lt3A_602 = arith.constant 5000 : i32
    %lt3A_603 = vector.broadcast %lt3A_602 : i32 to vector<16xi32>
    %lt3A_604 = arith.cmpi slt, %add3A_601, %lt3A_603 : vector<16xi32>
    %mul3A_605 = arith.constant 4 : i32
    %mul3A_606 = vector.broadcast %mul3A_605 : i32 to vector<16xi32>
    %mul3A_607 = arith.muli %mul3A_606, %iota3A : vector<16xi32>
    %add3A_608 = arith.constant 576 : i32
    %add3A_609 = vector.broadcast %add3A_608 : i32 to vector<16xi32>
    %add3A_610 = arith.addi %add3A_609, %mul3A_607 : vector<16xi32>
    %gather3A_611 = tpu.vector_load_idx %arg5[%add3A_610] : memref<1280xf32, #tpu.memory_space<vmem>>[vector<16xi32>], vector<16xf32>,
    %jit3A_612 = arith.constant 0.000000e+00 : f32
    %broadcast_in_dim3A_613 = vector.broadcast %jit3A_612 : f32 to vector<16xf32>
    %select_n3A_614 = arith.select %lt3A_604, %gather3A_611, %broadcast_in_dim3A_613 : vector<16xi1>, vector<16xf32>
    %swap3A_615 = arith.constant 144 : index
    %swap3A_616 = tpu.vector_load %arg6[%swap3A_615] {strides = array<i32>} : memref<320xf32, #tpu.memory_space<vmem>>, vector<16xf32>,
    tpu.vector_store %arg6[%swap3A_615], %select_n3A_614 {strides = array<i32>} : memref<320xf32, #tpu.memory_space<vmem>>, vector<16xf32>,
    %add3A_617 = arith.constant 1 : i32
    %add3A_618 = vector.broadcast %add3A_617 : i32 to vector<16xi32>
    %add3A_619 = arith.addi %add3A_610, %add3A_618 : vector<16xi32>
    %gather3A_620 = tpu.vector_load_idx %arg5[%add3A_619] : memref<1280xf32, #tpu.memory_space<vmem>>[vector<16xi32>], vector<16xf32>,
    %jit3A_621 = arith.constant 0.000000e+00 : f32
    %broadcast_in_dim3A_622 = vector.broadcast %jit3A_621 : f32 to vector<16xf32>
    %select_n3A_623 = arith.select %lt3A_604, %gather3A_620, %broadcast_in_dim3A_622 : vector<16xi1>, vector<16xf32>
    %swap3A_624 = arith.constant 144 : index
    %swap3A_625 = tpu.vector_load %arg7[%swap3A_624] {strides = array<i32>} : memref<320xf32, #tpu.memory_space<vmem>>, vector<16xf32>,
    tpu.vector_store %arg7[%swap3A_624], %select_n3A_623 {strides = array<i32>} : memref<320xf32, #tpu.memory_space<vmem>>, vector<16xf32>,
    %add3A_626 = arith.constant 2 : i32
    %add3A_627 = vector.broadcast %add3A_626 : i32 to vector<16xi32>
    %add3A_628 = arith.addi %add3A_610, %add3A_627 : vector<16xi32>
    %gather3A_629 = tpu.vector_load_idx %arg5[%add3A_628] : memref<1280xf32, #tpu.memory_space<vmem>>[vector<16xi32>], vector<16xf32>,
    %jit3A_630 = arith.constant 0.000000e+00 : f32
    %broadcast_in_dim3A_631 = vector.broadcast %jit3A_630 : f32 to vector<16xf32>
    %select_n3A_632 = arith.select %lt3A_604, %gather3A_629, %broadcast_in_dim3A_631 : vector<16xi1>, vector<16xf32>
    %swap3A_633 = arith.constant 144 : index
    %swap3A_634 = tpu.vector_load %arg8[%swap3A_633] {strides = array<i32>} : memref<320xf32, #tpu.memory_space<vmem>>, vector<16xf32>,
    tpu.vector_store %arg8[%swap3A_633], %select_n3A_632 {strides = array<i32>} : memref<320xf32, #tpu.memory_space<vmem>>, vector<16xf32>,
    %add3A_635 = arith.constant 3 : i32
    %add3A_636 = vector.broadcast %add3A_635 : i32 to vector<16xi32>
    %add3A_637 = arith.addi %add3A_610, %add3A_636 : vector<16xi32>
    %gather3A_638 = tpu.vector_load_idx %arg5[%add3A_637] : memref<1280xf32, #tpu.memory_space<vmem>>[vector<16xi32>], vector<16xf32>,
    %jit3A_639 = arith.constant 0.000000e+00 : f32
    %broadcast_in_dim3A_640 = vector.broadcast %jit3A_639 : f32 to vector<16xf32>
    %select_n3A_641 = arith.select %lt3A_604, %gather3A_638, %broadcast_in_dim3A_640 : vector<16xi1>, vector<16xf32>
    %swap3A_642 = arith.constant 144 : index
    %swap3A_643 = tpu.vector_load %arg9[%swap3A_642] {strides = array<i32>} : memref<320xf32, #tpu.memory_space<vmem>>, vector<16xf32>,
    tpu.vector_store %arg9[%swap3A_642], %select_n3A_641 {strides = array<i32>} : memref<320xf32, #tpu.memory_space<vmem>>, vector<16xf32>,
    %get3A_644 = arith.constant 144 : index
    %get3A_645 = tpu.vector_load %arg10[%get3A_644] {strides = array<i32>} : memref<320xf32, #tpu.memory_space<vmem>>, vector<16xf32>,
    %select_n3A_646 = arith.select %lt3A_604, %get3A_645, %broadcast_in_dim3A_4 : vector<16xi1>, vector<16xf32>
    %swap3A_647 = arith.constant 144 : index
    %swap3A_648 = tpu.vector_load %arg10[%swap3A_647] {strides = array<i32>} : memref<320xf32, #tpu.memory_space<vmem>>, vector<16xf32>,
    tpu.vector_store %arg10[%swap3A_647], %select_n3A_646 {strides = array<i32>} : memref<320xf32, #tpu.memory_space<vmem>>, vector<16xf32>,
    %get3A_649 = arith.constant 144 : index
    %get3A_650 = tpu.vector_load %arg8[%get3A_649] {strides = array<i32>} : memref<320xf32, #tpu.memory_space<vmem>>, vector<16xf32>,
    %get3A_651 = arith.constant 144 : index
    %get3A_652 = tpu.vector_load %arg6[%get3A_651] {strides = array<i32>} : memref<320xf32, #tpu.memory_space<vmem>>, vector<16xf32>,
    %sub3A_653 = arith.subf %get3A_650, %get3A_652 : vector<16xf32>
    %get3A_654 = arith.constant 144 : index
    %get3A_655 = tpu.vector_load %arg9[%get3A_654] {strides = array<i32>} : memref<320xf32, #tpu.memory_space<vmem>>, vector<16xf32>,
    %get3A_656 = arith.constant 144 : index
    %get3A_657 = tpu.vector_load %arg7[%get3A_656] {strides = array<i32>} : memref<320xf32, #tpu.memory_space<vmem>>, vector<16xf32>,
    %sub3A_658 = arith.subf %get3A_655, %get3A_657 : vector<16xf32>
    %mul3A_659 = arith.mulf %sub3A_653, %sub3A_658 : vector<16xf32>
    %swap3A_660 = arith.constant 144 : index
    %swap3A_661 = tpu.vector_load %arg11[%swap3A_660] {strides = array<i32>} : memref<320xf32, #tpu.memory_space<vmem>>, vector<16xf32>,
    tpu.vector_store %arg11[%swap3A_660], %mul3A_659 {strides = array<i32>} : memref<320xf32, #tpu.memory_space<vmem>>, vector<16xf32>,
    %swap3A_662 = arith.constant 160 : index
    %swap3A_663 = tpu.vector_load %arg12[%swap3A_662] {strides = array<i32>} : memref<320xf32, #tpu.memory_space<vmem>>, vector<16xf32>,
    tpu.vector_store %arg12[%swap3A_662], %broadcast_in_dim3A_2 {strides = array<i32>} : memref<320xf32, #tpu.memory_space<vmem>>, vector<16xf32>,
    %add3A_664 = arith.constant 160 : i32
    %add3A_665 = arith.addi %mul3A_0, %add3A_664 : i32
    %add3A_666 = vector.broadcast %add3A_665 : i32 to vector<16xi32>
    %add3A_667 = arith.addi %add3A_666, %iota3A : vector<16xi32>
    %lt3A_668 = arith.constant 5000 : i32
    %lt3A_669 = vector.broadcast %lt3A_668 : i32 to vector<16xi32>
    %lt3A_670 = arith.cmpi slt, %add3A_667, %lt3A_669 : vector<16xi32>
    %mul3A_671 = arith.constant 4 : i32
    %mul3A_672 = vector.broadcast %mul3A_671 : i32 to vector<16xi32>
    %mul3A_673 = arith.muli %mul3A_672, %iota3A : vector<16xi32>
    %add3A_674 = arith.constant 640 : i32
    %add3A_675 = vector.broadcast %add3A_674 : i32 to vector<16xi32>
    %add3A_676 = arith.addi %add3A_675, %mul3A_673 : vector<16xi32>
    %gather3A_677 = tpu.vector_load_idx %arg5[%add3A_676] : memref<1280xf32, #tpu.memory_space<vmem>>[vector<16xi32>], vector<16xf32>,
    %jit3A_678 = arith.constant 0.000000e+00 : f32
    %broadcast_in_dim3A_679 = vector.broadcast %jit3A_678 : f32 to vector<16xf32>
    %select_n3A_680 = arith.select %lt3A_670, %gather3A_677, %broadcast_in_dim3A_679 : vector<16xi1>, vector<16xf32>
    %swap3A_681 = arith.constant 160 : index
    %swap3A_682 = tpu.vector_load %arg6[%swap3A_681] {strides = array<i32>} : memref<320xf32, #tpu.memory_space<vmem>>, vector<16xf32>,
    tpu.vector_store %arg6[%swap3A_681], %select_n3A_680 {strides = array<i32>} : memref<320xf32, #tpu.memory_space<vmem>>, vector<16xf32>,
    %add3A_683 = arith.constant 1 : i32
    %add3A_684 = vector.broadcast %add3A_683 : i32 to vector<16xi32>
    %add3A_685 = arith.addi %add3A_676, %add3A_684 : vector<16xi32>
    %gather3A_686 = tpu.vector_load_idx %arg5[%add3A_685] : memref<1280xf32, #tpu.memory_space<vmem>>[vector<16xi32>], vector<16xf32>,
    %jit3A_687 = arith.constant 0.000000e+00 : f32
    %broadcast_in_dim3A_688 = vector.broadcast %jit3A_687 : f32 to vector<16xf32>
    %select_n3A_689 = arith.select %lt3A_670, %gather3A_686, %broadcast_in_dim3A_688 : vector<16xi1>, vector<16xf32>
    %swap3A_690 = arith.constant 160 : index
    %swap3A_691 = tpu.vector_load %arg7[%swap3A_690] {strides = array<i32>} : memref<320xf32, #tpu.memory_space<vmem>>, vector<16xf32>,
    tpu.vector_store %arg7[%swap3A_690], %select_n3A_689 {strides = array<i32>} : memref<320xf32, #tpu.memory_space<vmem>>, vector<16xf32>,
    %add3A_692 = arith.constant 2 : i32
    %add3A_693 = vector.broadcast %add3A_692 : i32 to vector<16xi32>
    %add3A_694 = arith.addi %add3A_676, %add3A_693 : vector<16xi32>
    %gather3A_695 = tpu.vector_load_idx %arg5[%add3A_694] : memref<1280xf32, #tpu.memory_space<vmem>>[vector<16xi32>], vector<16xf32>,
    %jit3A_696 = arith.constant 0.000000e+00 : f32
    %broadcast_in_dim3A_697 = vector.broadcast %jit3A_696 : f32 to vector<16xf32>
    %select_n3A_698 = arith.select %lt3A_670, %gather3A_695, %broadcast_in_dim3A_697 : vector<16xi1>, vector<16xf32>
    %swap3A_699 = arith.constant 160 : index
    %swap3A_700 = tpu.vector_load %arg8[%swap3A_699] {strides = array<i32>} : memref<320xf32, #tpu.memory_space<vmem>>, vector<16xf32>,
    tpu.vector_store %arg8[%swap3A_699], %select_n3A_698 {strides = array<i32>} : memref<320xf32, #tpu.memory_space<vmem>>, vector<16xf32>,
    %add3A_701 = arith.constant 3 : i32
    %add3A_702 = vector.broadcast %add3A_701 : i32 to vector<16xi32>
    %add3A_703 = arith.addi %add3A_676, %add3A_702 : vector<16xi32>
    %gather3A_704 = tpu.vector_load_idx %arg5[%add3A_703] : memref<1280xf32, #tpu.memory_space<vmem>>[vector<16xi32>], vector<16xf32>,
    %jit3A_705 = arith.constant 0.000000e+00 : f32
    %broadcast_in_dim3A_706 = vector.broadcast %jit3A_705 : f32 to vector<16xf32>
    %select_n3A_707 = arith.select %lt3A_670, %gather3A_704, %broadcast_in_dim3A_706 : vector<16xi1>, vector<16xf32>
    %swap3A_708 = arith.constant 160 : index
    %swap3A_709 = tpu.vector_load %arg9[%swap3A_708] {strides = array<i32>} : memref<320xf32, #tpu.memory_space<vmem>>, vector<16xf32>,
    tpu.vector_store %arg9[%swap3A_708], %select_n3A_707 {strides = array<i32>} : memref<320xf32, #tpu.memory_space<vmem>>, vector<16xf32>,
    %get3A_710 = arith.constant 160 : index
    %get3A_711 = tpu.vector_load %arg10[%get3A_710] {strides = array<i32>} : memref<320xf32, #tpu.memory_space<vmem>>, vector<16xf32>,
    %select_n3A_712 = arith.select %lt3A_670, %get3A_711, %broadcast_in_dim3A_4 : vector<16xi1>, vector<16xf32>
    %swap3A_713 = arith.constant 160 : index
    %swap3A_714 = tpu.vector_load %arg10[%swap3A_713] {strides = array<i32>} : memref<320xf32, #tpu.memory_space<vmem>>, vector<16xf32>,
    tpu.vector_store %arg10[%swap3A_713], %select_n3A_712 {strides = array<i32>} : memref<320xf32, #tpu.memory_space<vmem>>, vector<16xf32>,
    %get3A_715 = arith.constant 160 : index
    %get3A_716 = tpu.vector_load %arg8[%get3A_715] {strides = array<i32>} : memref<320xf32, #tpu.memory_space<vmem>>, vector<16xf32>,
    %get3A_717 = arith.constant 160 : index
    %get3A_718 = tpu.vector_load %arg6[%get3A_717] {strides = array<i32>} : memref<320xf32, #tpu.memory_space<vmem>>, vector<16xf32>,
    %sub3A_719 = arith.subf %get3A_716, %get3A_718 : vector<16xf32>
    %get3A_720 = arith.constant 160 : index
    %get3A_721 = tpu.vector_load %arg9[%get3A_720] {strides = array<i32>} : memref<320xf32, #tpu.memory_space<vmem>>, vector<16xf32>,
    %get3A_722 = arith.constant 160 : index
    %get3A_723 = tpu.vector_load %arg7[%get3A_722] {strides = array<i32>} : memref<320xf32, #tpu.memory_space<vmem>>, vector<16xf32>,
    %sub3A_724 = arith.subf %get3A_721, %get3A_723 : vector<16xf32>
    %mul3A_725 = arith.mulf %sub3A_719, %sub3A_724 : vector<16xf32>
    %swap3A_726 = arith.constant 160 : index
    %swap3A_727 = tpu.vector_load %arg11[%swap3A_726] {strides = array<i32>} : memref<320xf32, #tpu.memory_space<vmem>>, vector<16xf32>,
    tpu.vector_store %arg11[%swap3A_726], %mul3A_725 {strides = array<i32>} : memref<320xf32, #tpu.memory_space<vmem>>, vector<16xf32>,
    %swap3A_728 = arith.constant 176 : index
    %swap3A_729 = tpu.vector_load %arg12[%swap3A_728] {strides = array<i32>} : memref<320xf32, #tpu.memory_space<vmem>>, vector<16xf32>,
    tpu.vector_store %arg12[%swap3A_728], %broadcast_in_dim3A_2 {strides = array<i32>} : memref<320xf32, #tpu.memory_space<vmem>>, vector<16xf32>,
    %add3A_730 = arith.constant 176 : i32
    %add3A_731 = arith.addi %mul3A_0, %add3A_730 : i32
    %add3A_732 = vector.broadcast %add3A_731 : i32 to vector<16xi32>
    %add3A_733 = arith.addi %add3A_732, %iota3A : vector<16xi32>
    %lt3A_734 = arith.constant 5000 : i32
    %lt3A_735 = vector.broadcast %lt3A_734 : i32 to vector<16xi32>
    %lt3A_736 = arith.cmpi slt, %add3A_733, %lt3A_735 : vector<16xi32>
    %mul3A_737 = arith.constant 4 : i32
    %mul3A_738 = vector.broadcast %mul3A_737 : i32 to vector<16xi32>
    %mul3A_739 = arith.muli %mul3A_738, %iota3A : vector<16xi32>
    %add3A_740 = arith.constant 704 : i32
    %add3A_741 = vector.broadcast %add3A_740 : i32 to vector<16xi32>
    %add3A_742 = arith.addi %add3A_741, %mul3A_739 : vector<16xi32>
    %gather3A_743 = tpu.vector_load_idx %arg5[%add3A_742] : memref<1280xf32, #tpu.memory_space<vmem>>[vector<16xi32>], vector<16xf32>,
    %jit3A_744 = arith.constant 0.000000e+00 : f32
    %broadcast_in_dim3A_745 = vector.broadcast %jit3A_744 : f32 to vector<16xf32>
    %select_n3A_746 = arith.select %lt3A_736, %gather3A_743, %broadcast_in_dim3A_745 : vector<16xi1>, vector<16xf32>
    %swap3A_747 = arith.constant 176 : index
    %swap3A_748 = tpu.vector_load %arg6[%swap3A_747] {strides = array<i32>} : memref<320xf32, #tpu.memory_space<vmem>>, vector<16xf32>,
    tpu.vector_store %arg6[%swap3A_747], %select_n3A_746 {strides = array<i32>} : memref<320xf32, #tpu.memory_space<vmem>>, vector<16xf32>,
    %add3A_749 = arith.constant 1 : i32
    %add3A_750 = vector.broadcast %add3A_749 : i32 to vector<16xi32>
    %add3A_751 = arith.addi %add3A_742, %add3A_750 : vector<16xi32>
    %gather3A_752 = tpu.vector_load_idx %arg5[%add3A_751] : memref<1280xf32, #tpu.memory_space<vmem>>[vector<16xi32>], vector<16xf32>,
    %jit3A_753 = arith.constant 0.000000e+00 : f32
    %broadcast_in_dim3A_754 = vector.broadcast %jit3A_753 : f32 to vector<16xf32>
    %select_n3A_755 = arith.select %lt3A_736, %gather3A_752, %broadcast_in_dim3A_754 : vector<16xi1>, vector<16xf32>
    %swap3A_756 = arith.constant 176 : index
    %swap3A_757 = tpu.vector_load %arg7[%swap3A_756] {strides = array<i32>} : memref<320xf32, #tpu.memory_space<vmem>>, vector<16xf32>,
    tpu.vector_store %arg7[%swap3A_756], %select_n3A_755 {strides = array<i32>} : memref<320xf32, #tpu.memory_space<vmem>>, vector<16xf32>,
    %add3A_758 = arith.constant 2 : i32
    %add3A_759 = vector.broadcast %add3A_758 : i32 to vector<16xi32>
    %add3A_760 = arith.addi %add3A_742, %add3A_759 : vector<16xi32>
    %gather3A_761 = tpu.vector_load_idx %arg5[%add3A_760] : memref<1280xf32, #tpu.memory_space<vmem>>[vector<16xi32>], vector<16xf32>,
    %jit3A_762 = arith.constant 0.000000e+00 : f32
    %broadcast_in_dim3A_763 = vector.broadcast %jit3A_762 : f32 to vector<16xf32>
    %select_n3A_764 = arith.select %lt3A_736, %gather3A_761, %broadcast_in_dim3A_763 : vector<16xi1>, vector<16xf32>
    %swap3A_765 = arith.constant 176 : index
    %swap3A_766 = tpu.vector_load %arg8[%swap3A_765] {strides = array<i32>} : memref<320xf32, #tpu.memory_space<vmem>>, vector<16xf32>,
    tpu.vector_store %arg8[%swap3A_765], %select_n3A_764 {strides = array<i32>} : memref<320xf32, #tpu.memory_space<vmem>>, vector<16xf32>,
    %add3A_767 = arith.constant 3 : i32
    %add3A_768 = vector.broadcast %add3A_767 : i32 to vector<16xi32>
    %add3A_769 = arith.addi %add3A_742, %add3A_768 : vector<16xi32>
    %gather3A_770 = tpu.vector_load_idx %arg5[%add3A_769] : memref<1280xf32, #tpu.memory_space<vmem>>[vector<16xi32>], vector<16xf32>,
    %jit3A_771 = arith.constant 0.000000e+00 : f32
    %broadcast_in_dim3A_772 = vector.broadcast %jit3A_771 : f32 to vector<16xf32>
    %select_n3A_773 = arith.select %lt3A_736, %gather3A_770, %broadcast_in_dim3A_772 : vector<16xi1>, vector<16xf32>
    %swap3A_774 = arith.constant 176 : index
    %swap3A_775 = tpu.vector_load %arg9[%swap3A_774] {strides = array<i32>} : memref<320xf32, #tpu.memory_space<vmem>>, vector<16xf32>,
    tpu.vector_store %arg9[%swap3A_774], %select_n3A_773 {strides = array<i32>} : memref<320xf32, #tpu.memory_space<vmem>>, vector<16xf32>,
    %get3A_776 = arith.constant 176 : index
    %get3A_777 = tpu.vector_load %arg10[%get3A_776] {strides = array<i32>} : memref<320xf32, #tpu.memory_space<vmem>>, vector<16xf32>,
    %select_n3A_778 = arith.select %lt3A_736, %get3A_777, %broadcast_in_dim3A_4 : vector<16xi1>, vector<16xf32>
    %swap3A_779 = arith.constant 176 : index
    %swap3A_780 = tpu.vector_load %arg10[%swap3A_779] {strides = array<i32>} : memref<320xf32, #tpu.memory_space<vmem>>, vector<16xf32>,
    tpu.vector_store %arg10[%swap3A_779], %select_n3A_778 {strides = array<i32>} : memref<320xf32, #tpu.memory_space<vmem>>, vector<16xf32>,
    %get3A_781 = arith.constant 176 : index
    %get3A_782 = tpu.vector_load %arg8[%get3A_781] {strides = array<i32>} : memref<320xf32, #tpu.memory_space<vmem>>, vector<16xf32>,
    %get3A_783 = arith.constant 176 : index
    %get3A_784 = tpu.vector_load %arg6[%get3A_783] {strides = array<i32>} : memref<320xf32, #tpu.memory_space<vmem>>, vector<16xf32>,
    %sub3A_785 = arith.subf %get3A_782, %get3A_784 : vector<16xf32>
    %get3A_786 = arith.constant 176 : index
    %get3A_787 = tpu.vector_load %arg9[%get3A_786] {strides = array<i32>} : memref<320xf32, #tpu.memory_space<vmem>>, vector<16xf32>,
    %get3A_788 = arith.constant 176 : index
    %get3A_789 = tpu.vector_load %arg7[%get3A_788] {strides = array<i32>} : memref<320xf32, #tpu.memory_space<vmem>>, vector<16xf32>,
    %sub3A_790 = arith.subf %get3A_787, %get3A_789 : vector<16xf32>
    %mul3A_791 = arith.mulf %sub3A_785, %sub3A_790 : vector<16xf32>
    %swap3A_792 = arith.constant 176 : index
    %swap3A_793 = tpu.vector_load %arg11[%swap3A_792] {strides = array<i32>} : memref<320xf32, #tpu.memory_space<vmem>>, vector<16xf32>,
    tpu.vector_store %arg11[%swap3A_792], %mul3A_791 {strides = array<i32>} : memref<320xf32, #tpu.memory_space<vmem>>, vector<16xf32>,
    %swap3A_794 = arith.constant 192 : index
    %swap3A_795 = tpu.vector_load %arg12[%swap3A_794] {strides = array<i32>} : memref<320xf32, #tpu.memory_space<vmem>>, vector<16xf32>,
    tpu.vector_store %arg12[%swap3A_794], %broadcast_in_dim3A_2 {strides = array<i32>} : memref<320xf32, #tpu.memory_space<vmem>>, vector<16xf32>,
    %add3A_796 = arith.constant 192 : i32
    %add3A_797 = arith.addi %mul3A_0, %add3A_796 : i32
    %add3A_798 = vector.broadcast %add3A_797 : i32 to vector<16xi32>
    %add3A_799 = arith.addi %add3A_798, %iota3A : vector<16xi32>
    %lt3A_800 = arith.constant 5000 : i32
    %lt3A_801 = vector.broadcast %lt3A_800 : i32 to vector<16xi32>
    %lt3A_802 = arith.cmpi slt, %add3A_799, %lt3A_801 : vector<16xi32>
    %mul3A_803 = arith.constant 4 : i32
    %mul3A_804 = vector.broadcast %mul3A_803 : i32 to vector<16xi32>
    %mul3A_805 = arith.muli %mul3A_804, %iota3A : vector<16xi32>
    %add3A_806 = arith.constant 768 : i32
    %add3A_807 = vector.broadcast %add3A_806 : i32 to vector<16xi32>
    %add3A_808 = arith.addi %add3A_807, %mul3A_805 : vector<16xi32>
    %gather3A_809 = tpu.vector_load_idx %arg5[%add3A_808] : memref<1280xf32, #tpu.memory_space<vmem>>[vector<16xi32>], vector<16xf32>,
    %jit3A_810 = arith.constant 0.000000e+00 : f32
    %broadcast_in_dim3A_811 = vector.broadcast %jit3A_810 : f32 to vector<16xf32>
    %select_n3A_812 = arith.select %lt3A_802, %gather3A_809, %broadcast_in_dim3A_811 : vector<16xi1>, vector<16xf32>
    %swap3A_813 = arith.constant 192 : index
    %swap3A_814 = tpu.vector_load %arg6[%swap3A_813] {strides = array<i32>} : memref<320xf32, #tpu.memory_space<vmem>>, vector<16xf32>,
    tpu.vector_store %arg6[%swap3A_813], %select_n3A_812 {strides = array<i32>} : memref<320xf32, #tpu.memory_space<vmem>>, vector<16xf32>,
    %add3A_815 = arith.constant 1 : i32
    %add3A_816 = vector.broadcast %add3A_815 : i32 to vector<16xi32>
    %add3A_817 = arith.addi %add3A_808, %add3A_816 : vector<16xi32>
    %gather3A_818 = tpu.vector_load_idx %arg5[%add3A_817] : memref<1280xf32, #tpu.memory_space<vmem>>[vector<16xi32>], vector<16xf32>,
    %jit3A_819 = arith.constant 0.000000e+00 : f32
    %broadcast_in_dim3A_820 = vector.broadcast %jit3A_819 : f32 to vector<16xf32>
    %select_n3A_821 = arith.select %lt3A_802, %gather3A_818, %broadcast_in_dim3A_820 : vector<16xi1>, vector<16xf32>
    %swap3A_822 = arith.constant 192 : index
    %swap3A_823 = tpu.vector_load %arg7[%swap3A_822] {strides = array<i32>} : memref<320xf32, #tpu.memory_space<vmem>>, vector<16xf32>,
    tpu.vector_store %arg7[%swap3A_822], %select_n3A_821 {strides = array<i32>} : memref<320xf32, #tpu.memory_space<vmem>>, vector<16xf32>,
    %add3A_824 = arith.constant 2 : i32
    %add3A_825 = vector.broadcast %add3A_824 : i32 to vector<16xi32>
    %add3A_826 = arith.addi %add3A_808, %add3A_825 : vector<16xi32>
    %gather3A_827 = tpu.vector_load_idx %arg5[%add3A_826] : memref<1280xf32, #tpu.memory_space<vmem>>[vector<16xi32>], vector<16xf32>,
    %jit3A_828 = arith.constant 0.000000e+00 : f32
    %broadcast_in_dim3A_829 = vector.broadcast %jit3A_828 : f32 to vector<16xf32>
    %select_n3A_830 = arith.select %lt3A_802, %gather3A_827, %broadcast_in_dim3A_829 : vector<16xi1>, vector<16xf32>
    %swap3A_831 = arith.constant 192 : index
    %swap3A_832 = tpu.vector_load %arg8[%swap3A_831] {strides = array<i32>} : memref<320xf32, #tpu.memory_space<vmem>>, vector<16xf32>,
    tpu.vector_store %arg8[%swap3A_831], %select_n3A_830 {strides = array<i32>} : memref<320xf32, #tpu.memory_space<vmem>>, vector<16xf32>,
    %add3A_833 = arith.constant 3 : i32
    %add3A_834 = vector.broadcast %add3A_833 : i32 to vector<16xi32>
    %add3A_835 = arith.addi %add3A_808, %add3A_834 : vector<16xi32>
    %gather3A_836 = tpu.vector_load_idx %arg5[%add3A_835] : memref<1280xf32, #tpu.memory_space<vmem>>[vector<16xi32>], vector<16xf32>,
    %jit3A_837 = arith.constant 0.000000e+00 : f32
    %broadcast_in_dim3A_838 = vector.broadcast %jit3A_837 : f32 to vector<16xf32>
    %select_n3A_839 = arith.select %lt3A_802, %gather3A_836, %broadcast_in_dim3A_838 : vector<16xi1>, vector<16xf32>
    %swap3A_840 = arith.constant 192 : index
    %swap3A_841 = tpu.vector_load %arg9[%swap3A_840] {strides = array<i32>} : memref<320xf32, #tpu.memory_space<vmem>>, vector<16xf32>,
    tpu.vector_store %arg9[%swap3A_840], %select_n3A_839 {strides = array<i32>} : memref<320xf32, #tpu.memory_space<vmem>>, vector<16xf32>,
    %get3A_842 = arith.constant 192 : index
    %get3A_843 = tpu.vector_load %arg10[%get3A_842] {strides = array<i32>} : memref<320xf32, #tpu.memory_space<vmem>>, vector<16xf32>,
    %select_n3A_844 = arith.select %lt3A_802, %get3A_843, %broadcast_in_dim3A_4 : vector<16xi1>, vector<16xf32>
    %swap3A_845 = arith.constant 192 : index
    %swap3A_846 = tpu.vector_load %arg10[%swap3A_845] {strides = array<i32>} : memref<320xf32, #tpu.memory_space<vmem>>, vector<16xf32>,
    tpu.vector_store %arg10[%swap3A_845], %select_n3A_844 {strides = array<i32>} : memref<320xf32, #tpu.memory_space<vmem>>, vector<16xf32>,
    %get3A_847 = arith.constant 192 : index
    %get3A_848 = tpu.vector_load %arg8[%get3A_847] {strides = array<i32>} : memref<320xf32, #tpu.memory_space<vmem>>, vector<16xf32>,
    %get3A_849 = arith.constant 192 : index
    %get3A_850 = tpu.vector_load %arg6[%get3A_849] {strides = array<i32>} : memref<320xf32, #tpu.memory_space<vmem>>, vector<16xf32>,
    %sub3A_851 = arith.subf %get3A_848, %get3A_850 : vector<16xf32>
    %get3A_852 = arith.constant 192 : index
    %get3A_853 = tpu.vector_load %arg9[%get3A_852] {strides = array<i32>} : memref<320xf32, #tpu.memory_space<vmem>>, vector<16xf32>,
    %get3A_854 = arith.constant 192 : index
    %get3A_855 = tpu.vector_load %arg7[%get3A_854] {strides = array<i32>} : memref<320xf32, #tpu.memory_space<vmem>>, vector<16xf32>,
    %sub3A_856 = arith.subf %get3A_853, %get3A_855 : vector<16xf32>
    %mul3A_857 = arith.mulf %sub3A_851, %sub3A_856 : vector<16xf32>
    %swap3A_858 = arith.constant 192 : index
    %swap3A_859 = tpu.vector_load %arg11[%swap3A_858] {strides = array<i32>} : memref<320xf32, #tpu.memory_space<vmem>>, vector<16xf32>,
    tpu.vector_store %arg11[%swap3A_858], %mul3A_857 {strides = array<i32>} : memref<320xf32, #tpu.memory_space<vmem>>, vector<16xf32>,
    %swap3A_860 = arith.constant 208 : index
    %swap3A_861 = tpu.vector_load %arg12[%swap3A_860] {strides = array<i32>} : memref<320xf32, #tpu.memory_space<vmem>>, vector<16xf32>,
    tpu.vector_store %arg12[%swap3A_860], %broadcast_in_dim3A_2 {strides = array<i32>} : memref<320xf32, #tpu.memory_space<vmem>>, vector<16xf32>,
    %add3A_862 = arith.constant 208 : i32
    %add3A_863 = arith.addi %mul3A_0, %add3A_862 : i32
    %add3A_864 = vector.broadcast %add3A_863 : i32 to vector<16xi32>
    %add3A_865 = arith.addi %add3A_864, %iota3A : vector<16xi32>
    %lt3A_866 = arith.constant 5000 : i32
    %lt3A_867 = vector.broadcast %lt3A_866 : i32 to vector<16xi32>
    %lt3A_868 = arith.cmpi slt, %add3A_865, %lt3A_867 : vector<16xi32>
    %mul3A_869 = arith.constant 4 : i32
    %mul3A_870 = vector.broadcast %mul3A_869 : i32 to vector<16xi32>
    %mul3A_871 = arith.muli %mul3A_870, %iota3A : vector<16xi32>
    %add3A_872 = arith.constant 832 : i32
    %add3A_873 = vector.broadcast %add3A_872 : i32 to vector<16xi32>
    %add3A_874 = arith.addi %add3A_873, %mul3A_871 : vector<16xi32>
    %gather3A_875 = tpu.vector_load_idx %arg5[%add3A_874] : memref<1280xf32, #tpu.memory_space<vmem>>[vector<16xi32>], vector<16xf32>,
    %jit3A_876 = arith.constant 0.000000e+00 : f32
    %broadcast_in_dim3A_877 = vector.broadcast %jit3A_876 : f32 to vector<16xf32>
    %select_n3A_878 = arith.select %lt3A_868, %gather3A_875, %broadcast_in_dim3A_877 : vector<16xi1>, vector<16xf32>
    %swap3A_879 = arith.constant 208 : index
    %swap3A_880 = tpu.vector_load %arg6[%swap3A_879] {strides = array<i32>} : memref<320xf32, #tpu.memory_space<vmem>>, vector<16xf32>,
    tpu.vector_store %arg6[%swap3A_879], %select_n3A_878 {strides = array<i32>} : memref<320xf32, #tpu.memory_space<vmem>>, vector<16xf32>,
    %add3A_881 = arith.constant 1 : i32
    %add3A_882 = vector.broadcast %add3A_881 : i32 to vector<16xi32>
    %add3A_883 = arith.addi %add3A_874, %add3A_882 : vector<16xi32>
    %gather3A_884 = tpu.vector_load_idx %arg5[%add3A_883] : memref<1280xf32, #tpu.memory_space<vmem>>[vector<16xi32>], vector<16xf32>,
    %jit3A_885 = arith.constant 0.000000e+00 : f32
    %broadcast_in_dim3A_886 = vector.broadcast %jit3A_885 : f32 to vector<16xf32>
    %select_n3A_887 = arith.select %lt3A_868, %gather3A_884, %broadcast_in_dim3A_886 : vector<16xi1>, vector<16xf32>
    %swap3A_888 = arith.constant 208 : index
    %swap3A_889 = tpu.vector_load %arg7[%swap3A_888] {strides = array<i32>} : memref<320xf32, #tpu.memory_space<vmem>>, vector<16xf32>,
    tpu.vector_store %arg7[%swap3A_888], %select_n3A_887 {strides = array<i32>} : memref<320xf32, #tpu.memory_space<vmem>>, vector<16xf32>,
    %add3A_890 = arith.constant 2 : i32
    %add3A_891 = vector.broadcast %add3A_890 : i32 to vector<16xi32>
    %add3A_892 = arith.addi %add3A_874, %add3A_891 : vector<16xi32>
    %gather3A_893 = tpu.vector_load_idx %arg5[%add3A_892] : memref<1280xf32, #tpu.memory_space<vmem>>[vector<16xi32>], vector<16xf32>,
    %jit3A_894 = arith.constant 0.000000e+00 : f32
    %broadcast_in_dim3A_895 = vector.broadcast %jit3A_894 : f32 to vector<16xf32>
    %select_n3A_896 = arith.select %lt3A_868, %gather3A_893, %broadcast_in_dim3A_895 : vector<16xi1>, vector<16xf32>
    %swap3A_897 = arith.constant 208 : index
    %swap3A_898 = tpu.vector_load %arg8[%swap3A_897] {strides = array<i32>} : memref<320xf32, #tpu.memory_space<vmem>>, vector<16xf32>,
    tpu.vector_store %arg8[%swap3A_897], %select_n3A_896 {strides = array<i32>} : memref<320xf32, #tpu.memory_space<vmem>>, vector<16xf32>,
    %add3A_899 = arith.constant 3 : i32
    %add3A_900 = vector.broadcast %add3A_899 : i32 to vector<16xi32>
    %add3A_901 = arith.addi %add3A_874, %add3A_900 : vector<16xi32>
    %gather3A_902 = tpu.vector_load_idx %arg5[%add3A_901] : memref<1280xf32, #tpu.memory_space<vmem>>[vector<16xi32>], vector<16xf32>,
    %jit3A_903 = arith.constant 0.000000e+00 : f32
    %broadcast_in_dim3A_904 = vector.broadcast %jit3A_903 : f32 to vector<16xf32>
    %select_n3A_905 = arith.select %lt3A_868, %gather3A_902, %broadcast_in_dim3A_904 : vector<16xi1>, vector<16xf32>
    %swap3A_906 = arith.constant 208 : index
    %swap3A_907 = tpu.vector_load %arg9[%swap3A_906] {strides = array<i32>} : memref<320xf32, #tpu.memory_space<vmem>>, vector<16xf32>,
    tpu.vector_store %arg9[%swap3A_906], %select_n3A_905 {strides = array<i32>} : memref<320xf32, #tpu.memory_space<vmem>>, vector<16xf32>,
    %get3A_908 = arith.constant 208 : index
    %get3A_909 = tpu.vector_load %arg10[%get3A_908] {strides = array<i32>} : memref<320xf32, #tpu.memory_space<vmem>>, vector<16xf32>,
    %select_n3A_910 = arith.select %lt3A_868, %get3A_909, %broadcast_in_dim3A_4 : vector<16xi1>, vector<16xf32>
    %swap3A_911 = arith.constant 208 : index
    %swap3A_912 = tpu.vector_load %arg10[%swap3A_911] {strides = array<i32>} : memref<320xf32, #tpu.memory_space<vmem>>, vector<16xf32>,
    tpu.vector_store %arg10[%swap3A_911], %select_n3A_910 {strides = array<i32>} : memref<320xf32, #tpu.memory_space<vmem>>, vector<16xf32>,
    %get3A_913 = arith.constant 208 : index
    %get3A_914 = tpu.vector_load %arg8[%get3A_913] {strides = array<i32>} : memref<320xf32, #tpu.memory_space<vmem>>, vector<16xf32>,
    %get3A_915 = arith.constant 208 : index
    %get3A_916 = tpu.vector_load %arg6[%get3A_915] {strides = array<i32>} : memref<320xf32, #tpu.memory_space<vmem>>, vector<16xf32>,
    %sub3A_917 = arith.subf %get3A_914, %get3A_916 : vector<16xf32>
    %get3A_918 = arith.constant 208 : index
    %get3A_919 = tpu.vector_load %arg9[%get3A_918] {strides = array<i32>} : memref<320xf32, #tpu.memory_space<vmem>>, vector<16xf32>,
    %get3A_920 = arith.constant 208 : index
    %get3A_921 = tpu.vector_load %arg7[%get3A_920] {strides = array<i32>} : memref<320xf32, #tpu.memory_space<vmem>>, vector<16xf32>,
    %sub3A_922 = arith.subf %get3A_919, %get3A_921 : vector<16xf32>
    %mul3A_923 = arith.mulf %sub3A_917, %sub3A_922 : vector<16xf32>
    %swap3A_924 = arith.constant 208 : index
    %swap3A_925 = tpu.vector_load %arg11[%swap3A_924] {strides = array<i32>} : memref<320xf32, #tpu.memory_space<vmem>>, vector<16xf32>,
    tpu.vector_store %arg11[%swap3A_924], %mul3A_923 {strides = array<i32>} : memref<320xf32, #tpu.memory_space<vmem>>, vector<16xf32>,
    %swap3A_926 = arith.constant 224 : index
    %swap3A_927 = tpu.vector_load %arg12[%swap3A_926] {strides = array<i32>} : memref<320xf32, #tpu.memory_space<vmem>>, vector<16xf32>,
    tpu.vector_store %arg12[%swap3A_926], %broadcast_in_dim3A_2 {strides = array<i32>} : memref<320xf32, #tpu.memory_space<vmem>>, vector<16xf32>,
    %add3A_928 = arith.constant 224 : i32
    %add3A_929 = arith.addi %mul3A_0, %add3A_928 : i32
    %add3A_930 = vector.broadcast %add3A_929 : i32 to vector<16xi32>
    %add3A_931 = arith.addi %add3A_930, %iota3A : vector<16xi32>
    %lt3A_932 = arith.constant 5000 : i32
    %lt3A_933 = vector.broadcast %lt3A_932 : i32 to vector<16xi32>
    %lt3A_934 = arith.cmpi slt, %add3A_931, %lt3A_933 : vector<16xi32>
    %mul3A_935 = arith.constant 4 : i32
    %mul3A_936 = vector.broadcast %mul3A_935 : i32 to vector<16xi32>
    %mul3A_937 = arith.muli %mul3A_936, %iota3A : vector<16xi32>
    %add3A_938 = arith.constant 896 : i32
    %add3A_939 = vector.broadcast %add3A_938 : i32 to vector<16xi32>
    %add3A_940 = arith.addi %add3A_939, %mul3A_937 : vector<16xi32>
    %gather3A_941 = tpu.vector_load_idx %arg5[%add3A_940] : memref<1280xf32, #tpu.memory_space<vmem>>[vector<16xi32>], vector<16xf32>,
    %jit3A_942 = arith.constant 0.000000e+00 : f32
    %broadcast_in_dim3A_943 = vector.broadcast %jit3A_942 : f32 to vector<16xf32>
    %select_n3A_944 = arith.select %lt3A_934, %gather3A_941, %broadcast_in_dim3A_943 : vector<16xi1>, vector<16xf32>
    %swap3A_945 = arith.constant 224 : index
    %swap3A_946 = tpu.vector_load %arg6[%swap3A_945] {strides = array<i32>} : memref<320xf32, #tpu.memory_space<vmem>>, vector<16xf32>,
    tpu.vector_store %arg6[%swap3A_945], %select_n3A_944 {strides = array<i32>} : memref<320xf32, #tpu.memory_space<vmem>>, vector<16xf32>,
    %add3A_947 = arith.constant 1 : i32
    %add3A_948 = vector.broadcast %add3A_947 : i32 to vector<16xi32>
    %add3A_949 = arith.addi %add3A_940, %add3A_948 : vector<16xi32>
    %gather3A_950 = tpu.vector_load_idx %arg5[%add3A_949] : memref<1280xf32, #tpu.memory_space<vmem>>[vector<16xi32>], vector<16xf32>,
    %jit3A_951 = arith.constant 0.000000e+00 : f32
    %broadcast_in_dim3A_952 = vector.broadcast %jit3A_951 : f32 to vector<16xf32>
    %select_n3A_953 = arith.select %lt3A_934, %gather3A_950, %broadcast_in_dim3A_952 : vector<16xi1>, vector<16xf32>
    %swap3A_954 = arith.constant 224 : index
    %swap3A_955 = tpu.vector_load %arg7[%swap3A_954] {strides = array<i32>} : memref<320xf32, #tpu.memory_space<vmem>>, vector<16xf32>,
    tpu.vector_store %arg7[%swap3A_954], %select_n3A_953 {strides = array<i32>} : memref<320xf32, #tpu.memory_space<vmem>>, vector<16xf32>,
    %add3A_956 = arith.constant 2 : i32
    %add3A_957 = vector.broadcast %add3A_956 : i32 to vector<16xi32>
    %add3A_958 = arith.addi %add3A_940, %add3A_957 : vector<16xi32>
    %gather3A_959 = tpu.vector_load_idx %arg5[%add3A_958] : memref<1280xf32, #tpu.memory_space<vmem>>[vector<16xi32>], vector<16xf32>,
    %jit3A_960 = arith.constant 0.000000e+00 : f32
    %broadcast_in_dim3A_961 = vector.broadcast %jit3A_960 : f32 to vector<16xf32>
    %select_n3A_962 = arith.select %lt3A_934, %gather3A_959, %broadcast_in_dim3A_961 : vector<16xi1>, vector<16xf32>
    %swap3A_963 = arith.constant 224 : index
    %swap3A_964 = tpu.vector_load %arg8[%swap3A_963] {strides = array<i32>} : memref<320xf32, #tpu.memory_space<vmem>>, vector<16xf32>,
    tpu.vector_store %arg8[%swap3A_963], %select_n3A_962 {strides = array<i32>} : memref<320xf32, #tpu.memory_space<vmem>>, vector<16xf32>,
    %add3A_965 = arith.constant 3 : i32
    %add3A_966 = vector.broadcast %add3A_965 : i32 to vector<16xi32>
    %add3A_967 = arith.addi %add3A_940, %add3A_966 : vector<16xi32>
    %gather3A_968 = tpu.vector_load_idx %arg5[%add3A_967] : memref<1280xf32, #tpu.memory_space<vmem>>[vector<16xi32>], vector<16xf32>,
    %jit3A_969 = arith.constant 0.000000e+00 : f32
    %broadcast_in_dim3A_970 = vector.broadcast %jit3A_969 : f32 to vector<16xf32>
    %select_n3A_971 = arith.select %lt3A_934, %gather3A_968, %broadcast_in_dim3A_970 : vector<16xi1>, vector<16xf32>
    %swap3A_972 = arith.constant 224 : index
    %swap3A_973 = tpu.vector_load %arg9[%swap3A_972] {strides = array<i32>} : memref<320xf32, #tpu.memory_space<vmem>>, vector<16xf32>,
    tpu.vector_store %arg9[%swap3A_972], %select_n3A_971 {strides = array<i32>} : memref<320xf32, #tpu.memory_space<vmem>>, vector<16xf32>,
    %get3A_974 = arith.constant 224 : index
    %get3A_975 = tpu.vector_load %arg10[%get3A_974] {strides = array<i32>} : memref<320xf32, #tpu.memory_space<vmem>>, vector<16xf32>,
    %select_n3A_976 = arith.select %lt3A_934, %get3A_975, %broadcast_in_dim3A_4 : vector<16xi1>, vector<16xf32>
    %swap3A_977 = arith.constant 224 : index
    %swap3A_978 = tpu.vector_load %arg10[%swap3A_977] {strides = array<i32>} : memref<320xf32, #tpu.memory_space<vmem>>, vector<16xf32>,
    tpu.vector_store %arg10[%swap3A_977], %select_n3A_976 {strides = array<i32>} : memref<320xf32, #tpu.memory_space<vmem>>, vector<16xf32>,
    %get3A_979 = arith.constant 224 : index
    %get3A_980 = tpu.vector_load %arg8[%get3A_979] {strides = array<i32>} : memref<320xf32, #tpu.memory_space<vmem>>, vector<16xf32>,
    %get3A_981 = arith.constant 224 : index
    %get3A_982 = tpu.vector_load %arg6[%get3A_981] {strides = array<i32>} : memref<320xf32, #tpu.memory_space<vmem>>, vector<16xf32>,
    %sub3A_983 = arith.subf %get3A_980, %get3A_982 : vector<16xf32>
    %get3A_984 = arith.constant 224 : index
    %get3A_985 = tpu.vector_load %arg9[%get3A_984] {strides = array<i32>} : memref<320xf32, #tpu.memory_space<vmem>>, vector<16xf32>,
    %get3A_986 = arith.constant 224 : index
    %get3A_987 = tpu.vector_load %arg7[%get3A_986] {strides = array<i32>} : memref<320xf32, #tpu.memory_space<vmem>>, vector<16xf32>,
    %sub3A_988 = arith.subf %get3A_985, %get3A_987 : vector<16xf32>
    %mul3A_989 = arith.mulf %sub3A_983, %sub3A_988 : vector<16xf32>
    %swap3A_990 = arith.constant 224 : index
    %swap3A_991 = tpu.vector_load %arg11[%swap3A_990] {strides = array<i32>} : memref<320xf32, #tpu.memory_space<vmem>>, vector<16xf32>,
    tpu.vector_store %arg11[%swap3A_990], %mul3A_989 {strides = array<i32>} : memref<320xf32, #tpu.memory_space<vmem>>, vector<16xf32>,
    %swap3A_992 = arith.constant 240 : index
    %swap3A_993 = tpu.vector_load %arg12[%swap3A_992] {strides = array<i32>} : memref<320xf32, #tpu.memory_space<vmem>>, vector<16xf32>,
    tpu.vector_store %arg12[%swap3A_992], %broadcast_in_dim3A_2 {strides = array<i32>} : memref<320xf32, #tpu.memory_space<vmem>>, vector<16xf32>,
    %add3A_994 = arith.constant 240 : i32
    %add3A_995 = arith.addi %mul3A_0, %add3A_994 : i32
    %add3A_996 = vector.broadcast %add3A_995 : i32 to vector<16xi32>
    %add3A_997 = arith.addi %add3A_996, %iota3A : vector<16xi32>
    %lt3A_998 = arith.constant 5000 : i32
    %lt3A_999 = vector.broadcast %lt3A_998 : i32 to vector<16xi32>
    %lt3A_1000 = arith.cmpi slt, %add3A_997, %lt3A_999 : vector<16xi32>
    %mul3A_1001 = arith.constant 4 : i32
    %mul3A_1002 = vector.broadcast %mul3A_1001 : i32 to vector<16xi32>
    %mul3A_1003 = arith.muli %mul3A_1002, %iota3A : vector<16xi32>
    %add3A_1004 = arith.constant 960 : i32
    %add3A_1005 = vector.broadcast %add3A_1004 : i32 to vector<16xi32>
    %add3A_1006 = arith.addi %add3A_1005, %mul3A_1003 : vector<16xi32>
    %gather3A_1007 = tpu.vector_load_idx %arg5[%add3A_1006] : memref<1280xf32, #tpu.memory_space<vmem>>[vector<16xi32>], vector<16xf32>,
    %jit3A_1008 = arith.constant 0.000000e+00 : f32
    %broadcast_in_dim3A_1009 = vector.broadcast %jit3A_1008 : f32 to vector<16xf32>
    %select_n3A_1010 = arith.select %lt3A_1000, %gather3A_1007, %broadcast_in_dim3A_1009 : vector<16xi1>, vector<16xf32>
    %swap3A_1011 = arith.constant 240 : index
    %swap3A_1012 = tpu.vector_load %arg6[%swap3A_1011] {strides = array<i32>} : memref<320xf32, #tpu.memory_space<vmem>>, vector<16xf32>,
    tpu.vector_store %arg6[%swap3A_1011], %select_n3A_1010 {strides = array<i32>} : memref<320xf32, #tpu.memory_space<vmem>>, vector<16xf32>,
    %add3A_1013 = arith.constant 1 : i32
    %add3A_1014 = vector.broadcast %add3A_1013 : i32 to vector<16xi32>
    %add3A_1015 = arith.addi %add3A_1006, %add3A_1014 : vector<16xi32>
    %gather3A_1016 = tpu.vector_load_idx %arg5[%add3A_1015] : memref<1280xf32, #tpu.memory_space<vmem>>[vector<16xi32>], vector<16xf32>,
    %jit3A_1017 = arith.constant 0.000000e+00 : f32
    %broadcast_in_dim3A_1018 = vector.broadcast %jit3A_1017 : f32 to vector<16xf32>
    %select_n3A_1019 = arith.select %lt3A_1000, %gather3A_1016, %broadcast_in_dim3A_1018 : vector<16xi1>, vector<16xf32>
    %swap3A_1020 = arith.constant 240 : index
    %swap3A_1021 = tpu.vector_load %arg7[%swap3A_1020] {strides = array<i32>} : memref<320xf32, #tpu.memory_space<vmem>>, vector<16xf32>,
    tpu.vector_store %arg7[%swap3A_1020], %select_n3A_1019 {strides = array<i32>} : memref<320xf32, #tpu.memory_space<vmem>>, vector<16xf32>,
    %add3A_1022 = arith.constant 2 : i32
    %add3A_1023 = vector.broadcast %add3A_1022 : i32 to vector<16xi32>
    %add3A_1024 = arith.addi %add3A_1006, %add3A_1023 : vector<16xi32>
    %gather3A_1025 = tpu.vector_load_idx %arg5[%add3A_1024] : memref<1280xf32, #tpu.memory_space<vmem>>[vector<16xi32>], vector<16xf32>,
    %jit3A_1026 = arith.constant 0.000000e+00 : f32
    %broadcast_in_dim3A_1027 = vector.broadcast %jit3A_1026 : f32 to vector<16xf32>
    %select_n3A_1028 = arith.select %lt3A_1000, %gather3A_1025, %broadcast_in_dim3A_1027 : vector<16xi1>, vector<16xf32>
    %swap3A_1029 = arith.constant 240 : index
    %swap3A_1030 = tpu.vector_load %arg8[%swap3A_1029] {strides = array<i32>} : memref<320xf32, #tpu.memory_space<vmem>>, vector<16xf32>,
    tpu.vector_store %arg8[%swap3A_1029], %select_n3A_1028 {strides = array<i32>} : memref<320xf32, #tpu.memory_space<vmem>>, vector<16xf32>,
    %add3A_1031 = arith.constant 3 : i32
    %add3A_1032 = vector.broadcast %add3A_1031 : i32 to vector<16xi32>
    %add3A_1033 = arith.addi %add3A_1006, %add3A_1032 : vector<16xi32>
    %gather3A_1034 = tpu.vector_load_idx %arg5[%add3A_1033] : memref<1280xf32, #tpu.memory_space<vmem>>[vector<16xi32>], vector<16xf32>,
    %jit3A_1035 = arith.constant 0.000000e+00 : f32
    %broadcast_in_dim3A_1036 = vector.broadcast %jit3A_1035 : f32 to vector<16xf32>
    %select_n3A_1037 = arith.select %lt3A_1000, %gather3A_1034, %broadcast_in_dim3A_1036 : vector<16xi1>, vector<16xf32>
    %swap3A_1038 = arith.constant 240 : index
    %swap3A_1039 = tpu.vector_load %arg9[%swap3A_1038] {strides = array<i32>} : memref<320xf32, #tpu.memory_space<vmem>>, vector<16xf32>,
    tpu.vector_store %arg9[%swap3A_1038], %select_n3A_1037 {strides = array<i32>} : memref<320xf32, #tpu.memory_space<vmem>>, vector<16xf32>,
    %get3A_1040 = arith.constant 240 : index
    %get3A_1041 = tpu.vector_load %arg10[%get3A_1040] {strides = array<i32>} : memref<320xf32, #tpu.memory_space<vmem>>, vector<16xf32>,
    %select_n3A_1042 = arith.select %lt3A_1000, %get3A_1041, %broadcast_in_dim3A_4 : vector<16xi1>, vector<16xf32>
    %swap3A_1043 = arith.constant 240 : index
    %swap3A_1044 = tpu.vector_load %arg10[%swap3A_1043] {strides = array<i32>} : memref<320xf32, #tpu.memory_space<vmem>>, vector<16xf32>,
    tpu.vector_store %arg10[%swap3A_1043], %select_n3A_1042 {strides = array<i32>} : memref<320xf32, #tpu.memory_space<vmem>>, vector<16xf32>,
    %get3A_1045 = arith.constant 240 : index
    %get3A_1046 = tpu.vector_load %arg8[%get3A_1045] {strides = array<i32>} : memref<320xf32, #tpu.memory_space<vmem>>, vector<16xf32>,
    %get3A_1047 = arith.constant 240 : index
    %get3A_1048 = tpu.vector_load %arg6[%get3A_1047] {strides = array<i32>} : memref<320xf32, #tpu.memory_space<vmem>>, vector<16xf32>,
    %sub3A_1049 = arith.subf %get3A_1046, %get3A_1048 : vector<16xf32>
    %get3A_1050 = arith.constant 240 : index
    %get3A_1051 = tpu.vector_load %arg9[%get3A_1050] {strides = array<i32>} : memref<320xf32, #tpu.memory_space<vmem>>, vector<16xf32>,
    %get3A_1052 = arith.constant 240 : index
    %get3A_1053 = tpu.vector_load %arg7[%get3A_1052] {strides = array<i32>} : memref<320xf32, #tpu.memory_space<vmem>>, vector<16xf32>,
    %sub3A_1054 = arith.subf %get3A_1051, %get3A_1053 : vector<16xf32>
    %mul3A_1055 = arith.mulf %sub3A_1049, %sub3A_1054 : vector<16xf32>
    %swap3A_1056 = arith.constant 240 : index
    %swap3A_1057 = tpu.vector_load %arg11[%swap3A_1056] {strides = array<i32>} : memref<320xf32, #tpu.memory_space<vmem>>, vector<16xf32>,
    tpu.vector_store %arg11[%swap3A_1056], %mul3A_1055 {strides = array<i32>} : memref<320xf32, #tpu.memory_space<vmem>>, vector<16xf32>,
    %swap3A_1058 = arith.constant 256 : index
    %swap3A_1059 = tpu.vector_load %arg12[%swap3A_1058] {strides = array<i32>} : memref<320xf32, #tpu.memory_space<vmem>>, vector<16xf32>,
    tpu.vector_store %arg12[%swap3A_1058], %broadcast_in_dim3A_2 {strides = array<i32>} : memref<320xf32, #tpu.memory_space<vmem>>, vector<16xf32>,
    %add3A_1060 = arith.constant 256 : i32
    %add3A_1061 = arith.addi %mul3A_0, %add3A_1060 : i32
    %add3A_1062 = vector.broadcast %add3A_1061 : i32 to vector<16xi32>
    %add3A_1063 = arith.addi %add3A_1062, %iota3A : vector<16xi32>
    %lt3A_1064 = arith.constant 5000 : i32
    %lt3A_1065 = vector.broadcast %lt3A_1064 : i32 to vector<16xi32>
    %lt3A_1066 = arith.cmpi slt, %add3A_1063, %lt3A_1065 : vector<16xi32>
    %mul3A_1067 = arith.constant 4 : i32
    %mul3A_1068 = vector.broadcast %mul3A_1067 : i32 to vector<16xi32>
    %mul3A_1069 = arith.muli %mul3A_1068, %iota3A : vector<16xi32>
    %add3A_1070 = arith.constant 1024 : i32
    %add3A_1071 = vector.broadcast %add3A_1070 : i32 to vector<16xi32>
    %add3A_1072 = arith.addi %add3A_1071, %mul3A_1069 : vector<16xi32>
    %gather3A_1073 = tpu.vector_load_idx %arg5[%add3A_1072] : memref<1280xf32, #tpu.memory_space<vmem>>[vector<16xi32>], vector<16xf32>,
    %jit3A_1074 = arith.constant 0.000000e+00 : f32
    %broadcast_in_dim3A_1075 = vector.broadcast %jit3A_1074 : f32 to vector<16xf32>
    %select_n3A_1076 = arith.select %lt3A_1066, %gather3A_1073, %broadcast_in_dim3A_1075 : vector<16xi1>, vector<16xf32>
    %swap3A_1077 = arith.constant 256 : index
    %swap3A_1078 = tpu.vector_load %arg6[%swap3A_1077] {strides = array<i32>} : memref<320xf32, #tpu.memory_space<vmem>>, vector<16xf32>,
    tpu.vector_store %arg6[%swap3A_1077], %select_n3A_1076 {strides = array<i32>} : memref<320xf32, #tpu.memory_space<vmem>>, vector<16xf32>,
    %add3A_1079 = arith.constant 1 : i32
    %add3A_1080 = vector.broadcast %add3A_1079 : i32 to vector<16xi32>
    %add3A_1081 = arith.addi %add3A_1072, %add3A_1080 : vector<16xi32>
    %gather3A_1082 = tpu.vector_load_idx %arg5[%add3A_1081] : memref<1280xf32, #tpu.memory_space<vmem>>[vector<16xi32>], vector<16xf32>,
    %jit3A_1083 = arith.constant 0.000000e+00 : f32
    %broadcast_in_dim3A_1084 = vector.broadcast %jit3A_1083 : f32 to vector<16xf32>
    %select_n3A_1085 = arith.select %lt3A_1066, %gather3A_1082, %broadcast_in_dim3A_1084 : vector<16xi1>, vector<16xf32>
    %swap3A_1086 = arith.constant 256 : index
    %swap3A_1087 = tpu.vector_load %arg7[%swap3A_1086] {strides = array<i32>} : memref<320xf32, #tpu.memory_space<vmem>>, vector<16xf32>,
    tpu.vector_store %arg7[%swap3A_1086], %select_n3A_1085 {strides = array<i32>} : memref<320xf32, #tpu.memory_space<vmem>>, vector<16xf32>,
    %add3A_1088 = arith.constant 2 : i32
    %add3A_1089 = vector.broadcast %add3A_1088 : i32 to vector<16xi32>
    %add3A_1090 = arith.addi %add3A_1072, %add3A_1089 : vector<16xi32>
    %gather3A_1091 = tpu.vector_load_idx %arg5[%add3A_1090] : memref<1280xf32, #tpu.memory_space<vmem>>[vector<16xi32>], vector<16xf32>,
    %jit3A_1092 = arith.constant 0.000000e+00 : f32
    %broadcast_in_dim3A_1093 = vector.broadcast %jit3A_1092 : f32 to vector<16xf32>
    %select_n3A_1094 = arith.select %lt3A_1066, %gather3A_1091, %broadcast_in_dim3A_1093 : vector<16xi1>, vector<16xf32>
    %swap3A_1095 = arith.constant 256 : index
    %swap3A_1096 = tpu.vector_load %arg8[%swap3A_1095] {strides = array<i32>} : memref<320xf32, #tpu.memory_space<vmem>>, vector<16xf32>,
    tpu.vector_store %arg8[%swap3A_1095], %select_n3A_1094 {strides = array<i32>} : memref<320xf32, #tpu.memory_space<vmem>>, vector<16xf32>,
    %add3A_1097 = arith.constant 3 : i32
    %add3A_1098 = vector.broadcast %add3A_1097 : i32 to vector<16xi32>
    %add3A_1099 = arith.addi %add3A_1072, %add3A_1098 : vector<16xi32>
    %gather3A_1100 = tpu.vector_load_idx %arg5[%add3A_1099] : memref<1280xf32, #tpu.memory_space<vmem>>[vector<16xi32>], vector<16xf32>,
    %jit3A_1101 = arith.constant 0.000000e+00 : f32
    %broadcast_in_dim3A_1102 = vector.broadcast %jit3A_1101 : f32 to vector<16xf32>
    %select_n3A_1103 = arith.select %lt3A_1066, %gather3A_1100, %broadcast_in_dim3A_1102 : vector<16xi1>, vector<16xf32>
    %swap3A_1104 = arith.constant 256 : index
    %swap3A_1105 = tpu.vector_load %arg9[%swap3A_1104] {strides = array<i32>} : memref<320xf32, #tpu.memory_space<vmem>>, vector<16xf32>,
    tpu.vector_store %arg9[%swap3A_1104], %select_n3A_1103 {strides = array<i32>} : memref<320xf32, #tpu.memory_space<vmem>>, vector<16xf32>,
    %get3A_1106 = arith.constant 256 : index
    %get3A_1107 = tpu.vector_load %arg10[%get3A_1106] {strides = array<i32>} : memref<320xf32, #tpu.memory_space<vmem>>, vector<16xf32>,
    %select_n3A_1108 = arith.select %lt3A_1066, %get3A_1107, %broadcast_in_dim3A_4 : vector<16xi1>, vector<16xf32>
    %swap3A_1109 = arith.constant 256 : index
    %swap3A_1110 = tpu.vector_load %arg10[%swap3A_1109] {strides = array<i32>} : memref<320xf32, #tpu.memory_space<vmem>>, vector<16xf32>,
    tpu.vector_store %arg10[%swap3A_1109], %select_n3A_1108 {strides = array<i32>} : memref<320xf32, #tpu.memory_space<vmem>>, vector<16xf32>,
    %get3A_1111 = arith.constant 256 : index
    %get3A_1112 = tpu.vector_load %arg8[%get3A_1111] {strides = array<i32>} : memref<320xf32, #tpu.memory_space<vmem>>, vector<16xf32>,
    %get3A_1113 = arith.constant 256 : index
    %get3A_1114 = tpu.vector_load %arg6[%get3A_1113] {strides = array<i32>} : memref<320xf32, #tpu.memory_space<vmem>>, vector<16xf32>,
    %sub3A_1115 = arith.subf %get3A_1112, %get3A_1114 : vector<16xf32>
    %get3A_1116 = arith.constant 256 : index
    %get3A_1117 = tpu.vector_load %arg9[%get3A_1116] {strides = array<i32>} : memref<320xf32, #tpu.memory_space<vmem>>, vector<16xf32>,
    %get3A_1118 = arith.constant 256 : index
    %get3A_1119 = tpu.vector_load %arg7[%get3A_1118] {strides = array<i32>} : memref<320xf32, #tpu.memory_space<vmem>>, vector<16xf32>,
    %sub3A_1120 = arith.subf %get3A_1117, %get3A_1119 : vector<16xf32>
    %mul3A_1121 = arith.mulf %sub3A_1115, %sub3A_1120 : vector<16xf32>
    %swap3A_1122 = arith.constant 256 : index
    %swap3A_1123 = tpu.vector_load %arg11[%swap3A_1122] {strides = array<i32>} : memref<320xf32, #tpu.memory_space<vmem>>, vector<16xf32>,
    tpu.vector_store %arg11[%swap3A_1122], %mul3A_1121 {strides = array<i32>} : memref<320xf32, #tpu.memory_space<vmem>>, vector<16xf32>,
    %swap3A_1124 = arith.constant 272 : index
    %swap3A_1125 = tpu.vector_load %arg12[%swap3A_1124] {strides = array<i32>} : memref<320xf32, #tpu.memory_space<vmem>>, vector<16xf32>,
    tpu.vector_store %arg12[%swap3A_1124], %broadcast_in_dim3A_2 {strides = array<i32>} : memref<320xf32, #tpu.memory_space<vmem>>, vector<16xf32>,
    %add3A_1126 = arith.constant 272 : i32
    %add3A_1127 = arith.addi %mul3A_0, %add3A_1126 : i32
    %add3A_1128 = vector.broadcast %add3A_1127 : i32 to vector<16xi32>
    %add3A_1129 = arith.addi %add3A_1128, %iota3A : vector<16xi32>
    %lt3A_1130 = arith.constant 5000 : i32
    %lt3A_1131 = vector.broadcast %lt3A_1130 : i32 to vector<16xi32>
    %lt3A_1132 = arith.cmpi slt, %add3A_1129, %lt3A_1131 : vector<16xi32>
    %mul3A_1133 = arith.constant 4 : i32
    %mul3A_1134 = vector.broadcast %mul3A_1133 : i32 to vector<16xi32>
    %mul3A_1135 = arith.muli %mul3A_1134, %iota3A : vector<16xi32>
    %add3A_1136 = arith.constant 1088 : i32
    %add3A_1137 = vector.broadcast %add3A_1136 : i32 to vector<16xi32>
    %add3A_1138 = arith.addi %add3A_1137, %mul3A_1135 : vector<16xi32>
    %gather3A_1139 = tpu.vector_load_idx %arg5[%add3A_1138] : memref<1280xf32, #tpu.memory_space<vmem>>[vector<16xi32>], vector<16xf32>,
    %jit3A_1140 = arith.constant 0.000000e+00 : f32
    %broadcast_in_dim3A_1141 = vector.broadcast %jit3A_1140 : f32 to vector<16xf32>
    %select_n3A_1142 = arith.select %lt3A_1132, %gather3A_1139, %broadcast_in_dim3A_1141 : vector<16xi1>, vector<16xf32>
    %swap3A_1143 = arith.constant 272 : index
    %swap3A_1144 = tpu.vector_load %arg6[%swap3A_1143] {strides = array<i32>} : memref<320xf32, #tpu.memory_space<vmem>>, vector<16xf32>,
    tpu.vector_store %arg6[%swap3A_1143], %select_n3A_1142 {strides = array<i32>} : memref<320xf32, #tpu.memory_space<vmem>>, vector<16xf32>,
    %add3A_1145 = arith.constant 1 : i32
    %add3A_1146 = vector.broadcast %add3A_1145 : i32 to vector<16xi32>
    %add3A_1147 = arith.addi %add3A_1138, %add3A_1146 : vector<16xi32>
    %gather3A_1148 = tpu.vector_load_idx %arg5[%add3A_1147] : memref<1280xf32, #tpu.memory_space<vmem>>[vector<16xi32>], vector<16xf32>,
    %jit3A_1149 = arith.constant 0.000000e+00 : f32
    %broadcast_in_dim3A_1150 = vector.broadcast %jit3A_1149 : f32 to vector<16xf32>
    %select_n3A_1151 = arith.select %lt3A_1132, %gather3A_1148, %broadcast_in_dim3A_1150 : vector<16xi1>, vector<16xf32>
    %swap3A_1152 = arith.constant 272 : index
    %swap3A_1153 = tpu.vector_load %arg7[%swap3A_1152] {strides = array<i32>} : memref<320xf32, #tpu.memory_space<vmem>>, vector<16xf32>,
    tpu.vector_store %arg7[%swap3A_1152], %select_n3A_1151 {strides = array<i32>} : memref<320xf32, #tpu.memory_space<vmem>>, vector<16xf32>,
    %add3A_1154 = arith.constant 2 : i32
    %add3A_1155 = vector.broadcast %add3A_1154 : i32 to vector<16xi32>
    %add3A_1156 = arith.addi %add3A_1138, %add3A_1155 : vector<16xi32>
    %gather3A_1157 = tpu.vector_load_idx %arg5[%add3A_1156] : memref<1280xf32, #tpu.memory_space<vmem>>[vector<16xi32>], vector<16xf32>,
    %jit3A_1158 = arith.constant 0.000000e+00 : f32
    %broadcast_in_dim3A_1159 = vector.broadcast %jit3A_1158 : f32 to vector<16xf32>
    %select_n3A_1160 = arith.select %lt3A_1132, %gather3A_1157, %broadcast_in_dim3A_1159 : vector<16xi1>, vector<16xf32>
    %swap3A_1161 = arith.constant 272 : index
    %swap3A_1162 = tpu.vector_load %arg8[%swap3A_1161] {strides = array<i32>} : memref<320xf32, #tpu.memory_space<vmem>>, vector<16xf32>,
    tpu.vector_store %arg8[%swap3A_1161], %select_n3A_1160 {strides = array<i32>} : memref<320xf32, #tpu.memory_space<vmem>>, vector<16xf32>,
    %add3A_1163 = arith.constant 3 : i32
    %add3A_1164 = vector.broadcast %add3A_1163 : i32 to vector<16xi32>
    %add3A_1165 = arith.addi %add3A_1138, %add3A_1164 : vector<16xi32>
    %gather3A_1166 = tpu.vector_load_idx %arg5[%add3A_1165] : memref<1280xf32, #tpu.memory_space<vmem>>[vector<16xi32>], vector<16xf32>,
    %jit3A_1167 = arith.constant 0.000000e+00 : f32
    %broadcast_in_dim3A_1168 = vector.broadcast %jit3A_1167 : f32 to vector<16xf32>
    %select_n3A_1169 = arith.select %lt3A_1132, %gather3A_1166, %broadcast_in_dim3A_1168 : vector<16xi1>, vector<16xf32>
    %swap3A_1170 = arith.constant 272 : index
    %swap3A_1171 = tpu.vector_load %arg9[%swap3A_1170] {strides = array<i32>} : memref<320xf32, #tpu.memory_space<vmem>>, vector<16xf32>,
    tpu.vector_store %arg9[%swap3A_1170], %select_n3A_1169 {strides = array<i32>} : memref<320xf32, #tpu.memory_space<vmem>>, vector<16xf32>,
    %get3A_1172 = arith.constant 272 : index
    %get3A_1173 = tpu.vector_load %arg10[%get3A_1172] {strides = array<i32>} : memref<320xf32, #tpu.memory_space<vmem>>, vector<16xf32>,
    %select_n3A_1174 = arith.select %lt3A_1132, %get3A_1173, %broadcast_in_dim3A_4 : vector<16xi1>, vector<16xf32>
    %swap3A_1175 = arith.constant 272 : index
    %swap3A_1176 = tpu.vector_load %arg10[%swap3A_1175] {strides = array<i32>} : memref<320xf32, #tpu.memory_space<vmem>>, vector<16xf32>,
    tpu.vector_store %arg10[%swap3A_1175], %select_n3A_1174 {strides = array<i32>} : memref<320xf32, #tpu.memory_space<vmem>>, vector<16xf32>,
    %get3A_1177 = arith.constant 272 : index
    %get3A_1178 = tpu.vector_load %arg8[%get3A_1177] {strides = array<i32>} : memref<320xf32, #tpu.memory_space<vmem>>, vector<16xf32>,
    %get3A_1179 = arith.constant 272 : index
    %get3A_1180 = tpu.vector_load %arg6[%get3A_1179] {strides = array<i32>} : memref<320xf32, #tpu.memory_space<vmem>>, vector<16xf32>,
    %sub3A_1181 = arith.subf %get3A_1178, %get3A_1180 : vector<16xf32>
    %get3A_1182 = arith.constant 272 : index
    %get3A_1183 = tpu.vector_load %arg9[%get3A_1182] {strides = array<i32>} : memref<320xf32, #tpu.memory_space<vmem>>, vector<16xf32>,
    %get3A_1184 = arith.constant 272 : index
    %get3A_1185 = tpu.vector_load %arg7[%get3A_1184] {strides = array<i32>} : memref<320xf32, #tpu.memory_space<vmem>>, vector<16xf32>,
    %sub3A_1186 = arith.subf %get3A_1183, %get3A_1185 : vector<16xf32>
    %mul3A_1187 = arith.mulf %sub3A_1181, %sub3A_1186 : vector<16xf32>
    %swap3A_1188 = arith.constant 272 : index
    %swap3A_1189 = tpu.vector_load %arg11[%swap3A_1188] {strides = array<i32>} : memref<320xf32, #tpu.memory_space<vmem>>, vector<16xf32>,
    tpu.vector_store %arg11[%swap3A_1188], %mul3A_1187 {strides = array<i32>} : memref<320xf32, #tpu.memory_space<vmem>>, vector<16xf32>,
    %swap3A_1190 = arith.constant 288 : index
    %swap3A_1191 = tpu.vector_load %arg12[%swap3A_1190] {strides = array<i32>} : memref<320xf32, #tpu.memory_space<vmem>>, vector<16xf32>,
    tpu.vector_store %arg12[%swap3A_1190], %broadcast_in_dim3A_2 {strides = array<i32>} : memref<320xf32, #tpu.memory_space<vmem>>, vector<16xf32>,
    %add3A_1192 = arith.constant 288 : i32
    %add3A_1193 = arith.addi %mul3A_0, %add3A_1192 : i32
    %add3A_1194 = vector.broadcast %add3A_1193 : i32 to vector<16xi32>
    %add3A_1195 = arith.addi %add3A_1194, %iota3A : vector<16xi32>
    %lt3A_1196 = arith.constant 5000 : i32
    %lt3A_1197 = vector.broadcast %lt3A_1196 : i32 to vector<16xi32>
    %lt3A_1198 = arith.cmpi slt, %add3A_1195, %lt3A_1197 : vector<16xi32>
    %mul3A_1199 = arith.constant 4 : i32
    %mul3A_1200 = vector.broadcast %mul3A_1199 : i32 to vector<16xi32>
    %mul3A_1201 = arith.muli %mul3A_1200, %iota3A : vector<16xi32>
    %add3A_1202 = arith.constant 1152 : i32
    %add3A_1203 = vector.broadcast %add3A_1202 : i32 to vector<16xi32>
    %add3A_1204 = arith.addi %add3A_1203, %mul3A_1201 : vector<16xi32>
    %gather3A_1205 = tpu.vector_load_idx %arg5[%add3A_1204] : memref<1280xf32, #tpu.memory_space<vmem>>[vector<16xi32>], vector<16xf32>,
    %jit3A_1206 = arith.constant 0.000000e+00 : f32
    %broadcast_in_dim3A_1207 = vector.broadcast %jit3A_1206 : f32 to vector<16xf32>
    %select_n3A_1208 = arith.select %lt3A_1198, %gather3A_1205, %broadcast_in_dim3A_1207 : vector<16xi1>, vector<16xf32>
    %swap3A_1209 = arith.constant 288 : index
    %swap3A_1210 = tpu.vector_load %arg6[%swap3A_1209] {strides = array<i32>} : memref<320xf32, #tpu.memory_space<vmem>>, vector<16xf32>,
    tpu.vector_store %arg6[%swap3A_1209], %select_n3A_1208 {strides = array<i32>} : memref<320xf32, #tpu.memory_space<vmem>>, vector<16xf32>,
    %add3A_1211 = arith.constant 1 : i32
    %add3A_1212 = vector.broadcast %add3A_1211 : i32 to vector<16xi32>
    %add3A_1213 = arith.addi %add3A_1204, %add3A_1212 : vector<16xi32>
    %gather3A_1214 = tpu.vector_load_idx %arg5[%add3A_1213] : memref<1280xf32, #tpu.memory_space<vmem>>[vector<16xi32>], vector<16xf32>,
    %jit3A_1215 = arith.constant 0.000000e+00 : f32
    %broadcast_in_dim3A_1216 = vector.broadcast %jit3A_1215 : f32 to vector<16xf32>
    %select_n3A_1217 = arith.select %lt3A_1198, %gather3A_1214, %broadcast_in_dim3A_1216 : vector<16xi1>, vector<16xf32>
    %swap3A_1218 = arith.constant 288 : index
    %swap3A_1219 = tpu.vector_load %arg7[%swap3A_1218] {strides = array<i32>} : memref<320xf32, #tpu.memory_space<vmem>>, vector<16xf32>,
    tpu.vector_store %arg7[%swap3A_1218], %select_n3A_1217 {strides = array<i32>} : memref<320xf32, #tpu.memory_space<vmem>>, vector<16xf32>,
    %add3A_1220 = arith.constant 2 : i32
    %add3A_1221 = vector.broadcast %add3A_1220 : i32 to vector<16xi32>
    %add3A_1222 = arith.addi %add3A_1204, %add3A_1221 : vector<16xi32>
    %gather3A_1223 = tpu.vector_load_idx %arg5[%add3A_1222] : memref<1280xf32, #tpu.memory_space<vmem>>[vector<16xi32>], vector<16xf32>,
    %jit3A_1224 = arith.constant 0.000000e+00 : f32
    %broadcast_in_dim3A_1225 = vector.broadcast %jit3A_1224 : f32 to vector<16xf32>
    %select_n3A_1226 = arith.select %lt3A_1198, %gather3A_1223, %broadcast_in_dim3A_1225 : vector<16xi1>, vector<16xf32>
    %swap3A_1227 = arith.constant 288 : index
    %swap3A_1228 = tpu.vector_load %arg8[%swap3A_1227] {strides = array<i32>} : memref<320xf32, #tpu.memory_space<vmem>>, vector<16xf32>,
    tpu.vector_store %arg8[%swap3A_1227], %select_n3A_1226 {strides = array<i32>} : memref<320xf32, #tpu.memory_space<vmem>>, vector<16xf32>,
    %add3A_1229 = arith.constant 3 : i32
    %add3A_1230 = vector.broadcast %add3A_1229 : i32 to vector<16xi32>
    %add3A_1231 = arith.addi %add3A_1204, %add3A_1230 : vector<16xi32>
    %gather3A_1232 = tpu.vector_load_idx %arg5[%add3A_1231] : memref<1280xf32, #tpu.memory_space<vmem>>[vector<16xi32>], vector<16xf32>,
    %jit3A_1233 = arith.constant 0.000000e+00 : f32
    %broadcast_in_dim3A_1234 = vector.broadcast %jit3A_1233 : f32 to vector<16xf32>
    %select_n3A_1235 = arith.select %lt3A_1198, %gather3A_1232, %broadcast_in_dim3A_1234 : vector<16xi1>, vector<16xf32>
    %swap3A_1236 = arith.constant 288 : index
    %swap3A_1237 = tpu.vector_load %arg9[%swap3A_1236] {strides = array<i32>} : memref<320xf32, #tpu.memory_space<vmem>>, vector<16xf32>,
    tpu.vector_store %arg9[%swap3A_1236], %select_n3A_1235 {strides = array<i32>} : memref<320xf32, #tpu.memory_space<vmem>>, vector<16xf32>,
    %get3A_1238 = arith.constant 288 : index
    %get3A_1239 = tpu.vector_load %arg10[%get3A_1238] {strides = array<i32>} : memref<320xf32, #tpu.memory_space<vmem>>, vector<16xf32>,
    %select_n3A_1240 = arith.select %lt3A_1198, %get3A_1239, %broadcast_in_dim3A_4 : vector<16xi1>, vector<16xf32>
    %swap3A_1241 = arith.constant 288 : index
    %swap3A_1242 = tpu.vector_load %arg10[%swap3A_1241] {strides = array<i32>} : memref<320xf32, #tpu.memory_space<vmem>>, vector<16xf32>,
    tpu.vector_store %arg10[%swap3A_1241], %select_n3A_1240 {strides = array<i32>} : memref<320xf32, #tpu.memory_space<vmem>>, vector<16xf32>,
    %get3A_1243 = arith.constant 288 : index
    %get3A_1244 = tpu.vector_load %arg8[%get3A_1243] {strides = array<i32>} : memref<320xf32, #tpu.memory_space<vmem>>, vector<16xf32>,
    %get3A_1245 = arith.constant 288 : index
    %get3A_1246 = tpu.vector_load %arg6[%get3A_1245] {strides = array<i32>} : memref<320xf32, #tpu.memory_space<vmem>>, vector<16xf32>,
    %sub3A_1247 = arith.subf %get3A_1244, %get3A_1246 : vector<16xf32>
    %get3A_1248 = arith.constant 288 : index
    %get3A_1249 = tpu.vector_load %arg9[%get3A_1248] {strides = array<i32>} : memref<320xf32, #tpu.memory_space<vmem>>, vector<16xf32>,
    %get3A_1250 = arith.constant 288 : index
    %get3A_1251 = tpu.vector_load %arg7[%get3A_1250] {strides = array<i32>} : memref<320xf32, #tpu.memory_space<vmem>>, vector<16xf32>,
    %sub3A_1252 = arith.subf %get3A_1249, %get3A_1251 : vector<16xf32>
    %mul3A_1253 = arith.mulf %sub3A_1247, %sub3A_1252 : vector<16xf32>
    %swap3A_1254 = arith.constant 288 : index
    %swap3A_1255 = tpu.vector_load %arg11[%swap3A_1254] {strides = array<i32>} : memref<320xf32, #tpu.memory_space<vmem>>, vector<16xf32>,
    tpu.vector_store %arg11[%swap3A_1254], %mul3A_1253 {strides = array<i32>} : memref<320xf32, #tpu.memory_space<vmem>>, vector<16xf32>,
    %swap3A_1256 = arith.constant 304 : index
    %swap3A_1257 = tpu.vector_load %arg12[%swap3A_1256] {strides = array<i32>} : memref<320xf32, #tpu.memory_space<vmem>>, vector<16xf32>,
    tpu.vector_store %arg12[%swap3A_1256], %broadcast_in_dim3A_2 {strides = array<i32>} : memref<320xf32, #tpu.memory_space<vmem>>, vector<16xf32>,
    %add3A_1258 = arith.constant 304 : i32
    %add3A_1259 = arith.addi %mul3A_0, %add3A_1258 : i32
    %add3A_1260 = vector.broadcast %add3A_1259 : i32 to vector<16xi32>
    %add3A_1261 = arith.addi %add3A_1260, %iota3A : vector<16xi32>
    %lt3A_1262 = arith.constant 5000 : i32
    %lt3A_1263 = vector.broadcast %lt3A_1262 : i32 to vector<16xi32>
    %lt3A_1264 = arith.cmpi slt, %add3A_1261, %lt3A_1263 : vector<16xi32>
    %mul3A_1265 = arith.constant 4 : i32
    %mul3A_1266 = vector.broadcast %mul3A_1265 : i32 to vector<16xi32>
    %mul3A_1267 = arith.muli %mul3A_1266, %iota3A : vector<16xi32>
    %add3A_1268 = arith.constant 1216 : i32
    %add3A_1269 = vector.broadcast %add3A_1268 : i32 to vector<16xi32>
    %add3A_1270 = arith.addi %add3A_1269, %mul3A_1267 : vector<16xi32>
    %gather3A_1271 = tpu.vector_load_idx %arg5[%add3A_1270] : memref<1280xf32, #tpu.memory_space<vmem>>[vector<16xi32>], vector<16xf32>,
    %jit3A_1272 = arith.constant 0.000000e+00 : f32
    %broadcast_in_dim3A_1273 = vector.broadcast %jit3A_1272 : f32 to vector<16xf32>
    %select_n3A_1274 = arith.select %lt3A_1264, %gather3A_1271, %broadcast_in_dim3A_1273 : vector<16xi1>, vector<16xf32>
    %swap3A_1275 = arith.constant 304 : index
    %swap3A_1276 = tpu.vector_load %arg6[%swap3A_1275] {strides = array<i32>} : memref<320xf32, #tpu.memory_space<vmem>>, vector<16xf32>,
    tpu.vector_store %arg6[%swap3A_1275], %select_n3A_1274 {strides = array<i32>} : memref<320xf32, #tpu.memory_space<vmem>>, vector<16xf32>,
    %add3A_1277 = arith.constant 1 : i32
    %add3A_1278 = vector.broadcast %add3A_1277 : i32 to vector<16xi32>
    %add3A_1279 = arith.addi %add3A_1270, %add3A_1278 : vector<16xi32>
    %gather3A_1280 = tpu.vector_load_idx %arg5[%add3A_1279] : memref<1280xf32, #tpu.memory_space<vmem>>[vector<16xi32>], vector<16xf32>,
    %jit3A_1281 = arith.constant 0.000000e+00 : f32
    %broadcast_in_dim3A_1282 = vector.broadcast %jit3A_1281 : f32 to vector<16xf32>
    %select_n3A_1283 = arith.select %lt3A_1264, %gather3A_1280, %broadcast_in_dim3A_1282 : vector<16xi1>, vector<16xf32>
    %swap3A_1284 = arith.constant 304 : index
    %swap3A_1285 = tpu.vector_load %arg7[%swap3A_1284] {strides = array<i32>} : memref<320xf32, #tpu.memory_space<vmem>>, vector<16xf32>,
    tpu.vector_store %arg7[%swap3A_1284], %select_n3A_1283 {strides = array<i32>} : memref<320xf32, #tpu.memory_space<vmem>>, vector<16xf32>,
    %add3A_1286 = arith.constant 2 : i32
    %add3A_1287 = vector.broadcast %add3A_1286 : i32 to vector<16xi32>
    %add3A_1288 = arith.addi %add3A_1270, %add3A_1287 : vector<16xi32>
    %gather3A_1289 = tpu.vector_load_idx %arg5[%add3A_1288] : memref<1280xf32, #tpu.memory_space<vmem>>[vector<16xi32>], vector<16xf32>,
    %jit3A_1290 = arith.constant 0.000000e+00 : f32
    %broadcast_in_dim3A_1291 = vector.broadcast %jit3A_1290 : f32 to vector<16xf32>
    %select_n3A_1292 = arith.select %lt3A_1264, %gather3A_1289, %broadcast_in_dim3A_1291 : vector<16xi1>, vector<16xf32>
    %swap3A_1293 = arith.constant 304 : index
    %swap3A_1294 = tpu.vector_load %arg8[%swap3A_1293] {strides = array<i32>} : memref<320xf32, #tpu.memory_space<vmem>>, vector<16xf32>,
    tpu.vector_store %arg8[%swap3A_1293], %select_n3A_1292 {strides = array<i32>} : memref<320xf32, #tpu.memory_space<vmem>>, vector<16xf32>,
    %add3A_1295 = arith.constant 3 : i32
    %add3A_1296 = vector.broadcast %add3A_1295 : i32 to vector<16xi32>
    %add3A_1297 = arith.addi %add3A_1270, %add3A_1296 : vector<16xi32>
    %gather3A_1298 = tpu.vector_load_idx %arg5[%add3A_1297] : memref<1280xf32, #tpu.memory_space<vmem>>[vector<16xi32>], vector<16xf32>,
    %jit3A_1299 = arith.constant 0.000000e+00 : f32
    %broadcast_in_dim3A_1300 = vector.broadcast %jit3A_1299 : f32 to vector<16xf32>
    %select_n3A_1301 = arith.select %lt3A_1264, %gather3A_1298, %broadcast_in_dim3A_1300 : vector<16xi1>, vector<16xf32>
    %swap3A_1302 = arith.constant 304 : index
    %swap3A_1303 = tpu.vector_load %arg9[%swap3A_1302] {strides = array<i32>} : memref<320xf32, #tpu.memory_space<vmem>>, vector<16xf32>,
    tpu.vector_store %arg9[%swap3A_1302], %select_n3A_1301 {strides = array<i32>} : memref<320xf32, #tpu.memory_space<vmem>>, vector<16xf32>,
    %get3A_1304 = arith.constant 304 : index
    %get3A_1305 = tpu.vector_load %arg10[%get3A_1304] {strides = array<i32>} : memref<320xf32, #tpu.memory_space<vmem>>, vector<16xf32>,
    %select_n3A_1306 = arith.select %lt3A_1264, %get3A_1305, %broadcast_in_dim3A_4 : vector<16xi1>, vector<16xf32>
    %swap3A_1307 = arith.constant 304 : index
    %swap3A_1308 = tpu.vector_load %arg10[%swap3A_1307] {strides = array<i32>} : memref<320xf32, #tpu.memory_space<vmem>>, vector<16xf32>,
    tpu.vector_store %arg10[%swap3A_1307], %select_n3A_1306 {strides = array<i32>} : memref<320xf32, #tpu.memory_space<vmem>>, vector<16xf32>,
    %get3A_1309 = arith.constant 304 : index
    %get3A_1310 = tpu.vector_load %arg8[%get3A_1309] {strides = array<i32>} : memref<320xf32, #tpu.memory_space<vmem>>, vector<16xf32>,
    %get3A_1311 = arith.constant 304 : index
    %get3A_1312 = tpu.vector_load %arg6[%get3A_1311] {strides = array<i32>} : memref<320xf32, #tpu.memory_space<vmem>>, vector<16xf32>,
    %sub3A_1313 = arith.subf %get3A_1310, %get3A_1312 : vector<16xf32>
    %get3A_1314 = arith.constant 304 : index
    %get3A_1315 = tpu.vector_load %arg9[%get3A_1314] {strides = array<i32>} : memref<320xf32, #tpu.memory_space<vmem>>, vector<16xf32>,
    %get3A_1316 = arith.constant 304 : index
    %get3A_1317 = tpu.vector_load %arg7[%get3A_1316] {strides = array<i32>} : memref<320xf32, #tpu.memory_space<vmem>>, vector<16xf32>,
    %sub3A_1318 = arith.subf %get3A_1315, %get3A_1317 : vector<16xf32>
    %mul3A_1319 = arith.mulf %sub3A_1313, %sub3A_1318 : vector<16xf32>
    %swap3A_1320 = arith.constant 304 : index
    %swap3A_1321 = tpu.vector_load %arg11[%swap3A_1320] {strides = array<i32>} : memref<320xf32, #tpu.memory_space<vmem>>, vector<16xf32>,
    tpu.vector_store %arg11[%swap3A_1320], %mul3A_1319 {strides = array<i32>} : memref<320xf32, #tpu.memory_space<vmem>>, vector<16xf32>,
    %add3A_1322 = vector.broadcast %convert_element_type3A : f32 to vector<16xf32>
    %add3A_1323 = arith.addf %add3A_1322, %convert_element_type3A_1 : vector<16xf32>
    %add3A_1324 = vector.broadcast %convert_element_type3A : f32 to vector<16xf32>
    %add3A_1325 = arith.addf %add3A_1324, %convert_element_type3A_1 : vector<16xf32>
    %get3A_1326 = arith.constant 0 : index
    %get3A_1327 = tpu.vector_load %arg10[%get3A_1326] {strides = array<i32>} : memref<320xf32, #tpu.memory_space<vmem>>, vector<16xf32>,
    %add3A_1328 = arith.constant 0.000000e+00 : f32
    %add3A_1329 = arith.addf %convert_element_type3A, %add3A_1328 : f32
    %add3A_1330 = vector.broadcast %add3A_1329 : f32 to vector<16xf32>
    %add3A_1331 = arith.addf %add3A_1330, %convert_element_type3A_1 : vector<16xf32>
    %gt3A = arith.cmpf ogt, %get3A_1327, %broadcast_in_dim3A_4 : vector<16xf32>
    %gt3A_1332 = arith.cmpf ogt, %get3A_1327, %broadcast_in_dim3A_4 : vector<16xf32>
    %not3A = arith.constant dense<true> : vector<16xi1>
    %not3A_1333 = arith.xori %gt3A, %not3A : vector<16xi1>
    %and3A = arith.andi %gt3A_1332, %not3A_1333 : vector<16xi1>
    %select_n3A_1334 = arith.select %and3A, %get3A_1327, %broadcast_in_dim3A_4 : vector<16xi1>, vector<16xf32>
    %select_n3A_1335 = arith.select %gt3A, %broadcast_in_dim3A_4, %select_n3A_1334 : vector<16xi1>, vector<16xf32>
    %select_n3A_1336 = arith.select %and3A, %add3A_1331, %add3A_1325 : vector<16xi1>, vector<16xf32>
    %select_n3A_1337 = arith.select %gt3A, %add3A_1323, %select_n3A_1336 : vector<16xi1>, vector<16xf32>
    %select_n3A_1338 = arith.select %gt3A, %get3A_1327, %broadcast_in_dim3A_4 : vector<16xi1>, vector<16xf32>
    %select_n3A_1339 = arith.select %gt3A, %add3A_1331, %add3A_1323 : vector<16xi1>, vector<16xf32>
    %get3A_1340 = arith.constant 16 : index
    %get3A_1341 = tpu.vector_load %arg10[%get3A_1340] {strides = array<i32>} : memref<320xf32, #tpu.memory_space<vmem>>, vector<16xf32>,
    %add3A_1342 = arith.constant 1.600000e+01 : f32
    %add3A_1343 = arith.addf %convert_element_type3A, %add3A_1342 : f32
    %add3A_1344 = vector.broadcast %add3A_1343 : f32 to vector<16xf32>
    %add3A_1345 = arith.addf %add3A_1344, %convert_element_type3A_1 : vector<16xf32>
    %gt3A_1346 = arith.cmpf ogt, %get3A_1341, %select_n3A_1338 : vector<16xf32>
    %gt3A_1347 = arith.cmpf ogt, %get3A_1341, %select_n3A_1335 : vector<16xf32>
    %not3A_1348 = arith.constant dense<true> : vector<16xi1>
    %not3A_1349 = arith.xori %gt3A_1346, %not3A_1348 : vector<16xi1>
    %and3A_1350 = arith.andi %gt3A_1347, %not3A_1349 : vector<16xi1>
    %select_n3A_1351 = arith.select %and3A_1350, %get3A_1341, %select_n3A_1335 : vector<16xi1>, vector<16xf32>
    %select_n3A_1352 = arith.select %gt3A_1346, %select_n3A_1338, %select_n3A_1351 : vector<16xi1>, vector<16xf32>
    %select_n3A_1353 = arith.select %and3A_1350, %add3A_1345, %select_n3A_1337 : vector<16xi1>, vector<16xf32>
    %select_n3A_1354 = arith.select %gt3A_1346, %select_n3A_1339, %select_n3A_1353 : vector<16xi1>, vector<16xf32>
    %select_n3A_1355 = arith.select %gt3A_1346, %get3A_1341, %select_n3A_1338 : vector<16xi1>, vector<16xf32>
    %select_n3A_1356 = arith.select %gt3A_1346, %add3A_1345, %select_n3A_1339 : vector<16xi1>, vector<16xf32>
    %get3A_1357 = arith.constant 32 : index
    %get3A_1358 = tpu.vector_load %arg10[%get3A_1357] {strides = array<i32>} : memref<320xf32, #tpu.memory_space<vmem>>, vector<16xf32>,
    %add3A_1359 = arith.constant 3.200000e+01 : f32
    %add3A_1360 = arith.addf %convert_element_type3A, %add3A_1359 : f32
    %add3A_1361 = vector.broadcast %add3A_1360 : f32 to vector<16xf32>
    %add3A_1362 = arith.addf %add3A_1361, %convert_element_type3A_1 : vector<16xf32>
    %gt3A_1363 = arith.cmpf ogt, %get3A_1358, %select_n3A_1355 : vector<16xf32>
    %gt3A_1364 = arith.cmpf ogt, %get3A_1358, %select_n3A_1352 : vector<16xf32>
    %not3A_1365 = arith.constant dense<true> : vector<16xi1>
    %not3A_1366 = arith.xori %gt3A_1363, %not3A_1365 : vector<16xi1>
    %and3A_1367 = arith.andi %gt3A_1364, %not3A_1366 : vector<16xi1>
    %select_n3A_1368 = arith.select %and3A_1367, %get3A_1358, %select_n3A_1352 : vector<16xi1>, vector<16xf32>
    %select_n3A_1369 = arith.select %gt3A_1363, %select_n3A_1355, %select_n3A_1368 : vector<16xi1>, vector<16xf32>
    %select_n3A_1370 = arith.select %and3A_1367, %add3A_1362, %select_n3A_1354 : vector<16xi1>, vector<16xf32>
    %select_n3A_1371 = arith.select %gt3A_1363, %select_n3A_1356, %select_n3A_1370 : vector<16xi1>, vector<16xf32>
    %select_n3A_1372 = arith.select %gt3A_1363, %get3A_1358, %select_n3A_1355 : vector<16xi1>, vector<16xf32>
    %select_n3A_1373 = arith.select %gt3A_1363, %add3A_1362, %select_n3A_1356 : vector<16xi1>, vector<16xf32>
    %get3A_1374 = arith.constant 48 : index
    %get3A_1375 = tpu.vector_load %arg10[%get3A_1374] {strides = array<i32>} : memref<320xf32, #tpu.memory_space<vmem>>, vector<16xf32>,
    %add3A_1376 = arith.constant 4.800000e+01 : f32
    %add3A_1377 = arith.addf %convert_element_type3A, %add3A_1376 : f32
    %add3A_1378 = vector.broadcast %add3A_1377 : f32 to vector<16xf32>
    %add3A_1379 = arith.addf %add3A_1378, %convert_element_type3A_1 : vector<16xf32>
    %gt3A_1380 = arith.cmpf ogt, %get3A_1375, %select_n3A_1372 : vector<16xf32>
    %gt3A_1381 = arith.cmpf ogt, %get3A_1375, %select_n3A_1369 : vector<16xf32>
    %not3A_1382 = arith.constant dense<true> : vector<16xi1>
    %not3A_1383 = arith.xori %gt3A_1380, %not3A_1382 : vector<16xi1>
    %and3A_1384 = arith.andi %gt3A_1381, %not3A_1383 : vector<16xi1>
    %select_n3A_1385 = arith.select %and3A_1384, %get3A_1375, %select_n3A_1369 : vector<16xi1>, vector<16xf32>
    %select_n3A_1386 = arith.select %gt3A_1380, %select_n3A_1372, %select_n3A_1385 : vector<16xi1>, vector<16xf32>
    %select_n3A_1387 = arith.select %and3A_1384, %add3A_1379, %select_n3A_1371 : vector<16xi1>, vector<16xf32>
    %select_n3A_1388 = arith.select %gt3A_1380, %select_n3A_1373, %select_n3A_1387 : vector<16xi1>, vector<16xf32>
    %select_n3A_1389 = arith.select %gt3A_1380, %get3A_1375, %select_n3A_1372 : vector<16xi1>, vector<16xf32>
    %select_n3A_1390 = arith.select %gt3A_1380, %add3A_1379, %select_n3A_1373 : vector<16xi1>, vector<16xf32>
    %get3A_1391 = arith.constant 64 : index
    %get3A_1392 = tpu.vector_load %arg10[%get3A_1391] {strides = array<i32>} : memref<320xf32, #tpu.memory_space<vmem>>, vector<16xf32>,
    %add3A_1393 = arith.constant 6.400000e+01 : f32
    %add3A_1394 = arith.addf %convert_element_type3A, %add3A_1393 : f32
    %add3A_1395 = vector.broadcast %add3A_1394 : f32 to vector<16xf32>
    %add3A_1396 = arith.addf %add3A_1395, %convert_element_type3A_1 : vector<16xf32>
    %gt3A_1397 = arith.cmpf ogt, %get3A_1392, %select_n3A_1389 : vector<16xf32>
    %gt3A_1398 = arith.cmpf ogt, %get3A_1392, %select_n3A_1386 : vector<16xf32>
    %not3A_1399 = arith.constant dense<true> : vector<16xi1>
    %not3A_1400 = arith.xori %gt3A_1397, %not3A_1399 : vector<16xi1>
    %and3A_1401 = arith.andi %gt3A_1398, %not3A_1400 : vector<16xi1>
    %select_n3A_1402 = arith.select %and3A_1401, %get3A_1392, %select_n3A_1386 : vector<16xi1>, vector<16xf32>
    %select_n3A_1403 = arith.select %gt3A_1397, %select_n3A_1389, %select_n3A_1402 : vector<16xi1>, vector<16xf32>
    %select_n3A_1404 = arith.select %and3A_1401, %add3A_1396, %select_n3A_1388 : vector<16xi1>, vector<16xf32>
    %select_n3A_1405 = arith.select %gt3A_1397, %select_n3A_1390, %select_n3A_1404 : vector<16xi1>, vector<16xf32>
    %select_n3A_1406 = arith.select %gt3A_1397, %get3A_1392, %select_n3A_1389 : vector<16xi1>, vector<16xf32>
    %select_n3A_1407 = arith.select %gt3A_1397, %add3A_1396, %select_n3A_1390 : vector<16xi1>, vector<16xf32>
    %get3A_1408 = arith.constant 80 : index
    %get3A_1409 = tpu.vector_load %arg10[%get3A_1408] {strides = array<i32>} : memref<320xf32, #tpu.memory_space<vmem>>, vector<16xf32>,
    %add3A_1410 = arith.constant 8.000000e+01 : f32
    %add3A_1411 = arith.addf %convert_element_type3A, %add3A_1410 : f32
    %add3A_1412 = vector.broadcast %add3A_1411 : f32 to vector<16xf32>
    %add3A_1413 = arith.addf %add3A_1412, %convert_element_type3A_1 : vector<16xf32>
    %gt3A_1414 = arith.cmpf ogt, %get3A_1409, %select_n3A_1406 : vector<16xf32>
    %gt3A_1415 = arith.cmpf ogt, %get3A_1409, %select_n3A_1403 : vector<16xf32>
    %not3A_1416 = arith.constant dense<true> : vector<16xi1>
    %not3A_1417 = arith.xori %gt3A_1414, %not3A_1416 : vector<16xi1>
    %and3A_1418 = arith.andi %gt3A_1415, %not3A_1417 : vector<16xi1>
    %select_n3A_1419 = arith.select %and3A_1418, %get3A_1409, %select_n3A_1403 : vector<16xi1>, vector<16xf32>
    %select_n3A_1420 = arith.select %gt3A_1414, %select_n3A_1406, %select_n3A_1419 : vector<16xi1>, vector<16xf32>
    %select_n3A_1421 = arith.select %and3A_1418, %add3A_1413, %select_n3A_1405 : vector<16xi1>, vector<16xf32>
    %select_n3A_1422 = arith.select %gt3A_1414, %select_n3A_1407, %select_n3A_1421 : vector<16xi1>, vector<16xf32>
    %select_n3A_1423 = arith.select %gt3A_1414, %get3A_1409, %select_n3A_1406 : vector<16xi1>, vector<16xf32>
    %select_n3A_1424 = arith.select %gt3A_1414, %add3A_1413, %select_n3A_1407 : vector<16xi1>, vector<16xf32>
    %get3A_1425 = arith.constant 96 : index
    %get3A_1426 = tpu.vector_load %arg10[%get3A_1425] {strides = array<i32>} : memref<320xf32, #tpu.memory_space<vmem>>, vector<16xf32>,
    %add3A_1427 = arith.constant 9.600000e+01 : f32
    %add3A_1428 = arith.addf %convert_element_type3A, %add3A_1427 : f32
    %add3A_1429 = vector.broadcast %add3A_1428 : f32 to vector<16xf32>
    %add3A_1430 = arith.addf %add3A_1429, %convert_element_type3A_1 : vector<16xf32>
    %gt3A_1431 = arith.cmpf ogt, %get3A_1426, %select_n3A_1423 : vector<16xf32>
    %gt3A_1432 = arith.cmpf ogt, %get3A_1426, %select_n3A_1420 : vector<16xf32>
    %not3A_1433 = arith.constant dense<true> : vector<16xi1>
    %not3A_1434 = arith.xori %gt3A_1431, %not3A_1433 : vector<16xi1>
    %and3A_1435 = arith.andi %gt3A_1432, %not3A_1434 : vector<16xi1>
    %select_n3A_1436 = arith.select %and3A_1435, %get3A_1426, %select_n3A_1420 : vector<16xi1>, vector<16xf32>
    %select_n3A_1437 = arith.select %gt3A_1431, %select_n3A_1423, %select_n3A_1436 : vector<16xi1>, vector<16xf32>
    %select_n3A_1438 = arith.select %and3A_1435, %add3A_1430, %select_n3A_1422 : vector<16xi1>, vector<16xf32>
    %select_n3A_1439 = arith.select %gt3A_1431, %select_n3A_1424, %select_n3A_1438 : vector<16xi1>, vector<16xf32>
    %select_n3A_1440 = arith.select %gt3A_1431, %get3A_1426, %select_n3A_1423 : vector<16xi1>, vector<16xf32>
    %select_n3A_1441 = arith.select %gt3A_1431, %add3A_1430, %select_n3A_1424 : vector<16xi1>, vector<16xf32>
    %get3A_1442 = arith.constant 112 : index
    %get3A_1443 = tpu.vector_load %arg10[%get3A_1442] {strides = array<i32>} : memref<320xf32, #tpu.memory_space<vmem>>, vector<16xf32>,
    %add3A_1444 = arith.constant 1.120000e+02 : f32
    %add3A_1445 = arith.addf %convert_element_type3A, %add3A_1444 : f32
    %add3A_1446 = vector.broadcast %add3A_1445 : f32 to vector<16xf32>
    %add3A_1447 = arith.addf %add3A_1446, %convert_element_type3A_1 : vector<16xf32>
    %gt3A_1448 = arith.cmpf ogt, %get3A_1443, %select_n3A_1440 : vector<16xf32>
    %gt3A_1449 = arith.cmpf ogt, %get3A_1443, %select_n3A_1437 : vector<16xf32>
    %not3A_1450 = arith.constant dense<true> : vector<16xi1>
    %not3A_1451 = arith.xori %gt3A_1448, %not3A_1450 : vector<16xi1>
    %and3A_1452 = arith.andi %gt3A_1449, %not3A_1451 : vector<16xi1>
    %select_n3A_1453 = arith.select %and3A_1452, %get3A_1443, %select_n3A_1437 : vector<16xi1>, vector<16xf32>
    %select_n3A_1454 = arith.select %gt3A_1448, %select_n3A_1440, %select_n3A_1453 : vector<16xi1>, vector<16xf32>
    %select_n3A_1455 = arith.select %and3A_1452, %add3A_1447, %select_n3A_1439 : vector<16xi1>, vector<16xf32>
    %select_n3A_1456 = arith.select %gt3A_1448, %select_n3A_1441, %select_n3A_1455 : vector<16xi1>, vector<16xf32>
    %select_n3A_1457 = arith.select %gt3A_1448, %get3A_1443, %select_n3A_1440 : vector<16xi1>, vector<16xf32>
    %select_n3A_1458 = arith.select %gt3A_1448, %add3A_1447, %select_n3A_1441 : vector<16xi1>, vector<16xf32>
    %get3A_1459 = arith.constant 128 : index
    %get3A_1460 = tpu.vector_load %arg10[%get3A_1459] {strides = array<i32>} : memref<320xf32, #tpu.memory_space<vmem>>, vector<16xf32>,
    %add3A_1461 = arith.constant 1.280000e+02 : f32
    %add3A_1462 = arith.addf %convert_element_type3A, %add3A_1461 : f32
    %add3A_1463 = vector.broadcast %add3A_1462 : f32 to vector<16xf32>
    %add3A_1464 = arith.addf %add3A_1463, %convert_element_type3A_1 : vector<16xf32>
    %gt3A_1465 = arith.cmpf ogt, %get3A_1460, %select_n3A_1457 : vector<16xf32>
    %gt3A_1466 = arith.cmpf ogt, %get3A_1460, %select_n3A_1454 : vector<16xf32>
    %not3A_1467 = arith.constant dense<true> : vector<16xi1>
    %not3A_1468 = arith.xori %gt3A_1465, %not3A_1467 : vector<16xi1>
    %and3A_1469 = arith.andi %gt3A_1466, %not3A_1468 : vector<16xi1>
    %select_n3A_1470 = arith.select %and3A_1469, %get3A_1460, %select_n3A_1454 : vector<16xi1>, vector<16xf32>
    %select_n3A_1471 = arith.select %gt3A_1465, %select_n3A_1457, %select_n3A_1470 : vector<16xi1>, vector<16xf32>
    %select_n3A_1472 = arith.select %and3A_1469, %add3A_1464, %select_n3A_1456 : vector<16xi1>, vector<16xf32>
    %select_n3A_1473 = arith.select %gt3A_1465, %select_n3A_1458, %select_n3A_1472 : vector<16xi1>, vector<16xf32>
    %select_n3A_1474 = arith.select %gt3A_1465, %get3A_1460, %select_n3A_1457 : vector<16xi1>, vector<16xf32>
    %select_n3A_1475 = arith.select %gt3A_1465, %add3A_1464, %select_n3A_1458 : vector<16xi1>, vector<16xf32>
    %get3A_1476 = arith.constant 144 : index
    %get3A_1477 = tpu.vector_load %arg10[%get3A_1476] {strides = array<i32>} : memref<320xf32, #tpu.memory_space<vmem>>, vector<16xf32>,
    %add3A_1478 = arith.constant 1.440000e+02 : f32
    %add3A_1479 = arith.addf %convert_element_type3A, %add3A_1478 : f32
    %add3A_1480 = vector.broadcast %add3A_1479 : f32 to vector<16xf32>
    %add3A_1481 = arith.addf %add3A_1480, %convert_element_type3A_1 : vector<16xf32>
    %gt3A_1482 = arith.cmpf ogt, %get3A_1477, %select_n3A_1474 : vector<16xf32>
    %gt3A_1483 = arith.cmpf ogt, %get3A_1477, %select_n3A_1471 : vector<16xf32>
    %not3A_1484 = arith.constant dense<true> : vector<16xi1>
    %not3A_1485 = arith.xori %gt3A_1482, %not3A_1484 : vector<16xi1>
    %and3A_1486 = arith.andi %gt3A_1483, %not3A_1485 : vector<16xi1>
    %select_n3A_1487 = arith.select %and3A_1486, %get3A_1477, %select_n3A_1471 : vector<16xi1>, vector<16xf32>
    %select_n3A_1488 = arith.select %gt3A_1482, %select_n3A_1474, %select_n3A_1487 : vector<16xi1>, vector<16xf32>
    %select_n3A_1489 = arith.select %and3A_1486, %add3A_1481, %select_n3A_1473 : vector<16xi1>, vector<16xf32>
    %select_n3A_1490 = arith.select %gt3A_1482, %select_n3A_1475, %select_n3A_1489 : vector<16xi1>, vector<16xf32>
    %select_n3A_1491 = arith.select %gt3A_1482, %get3A_1477, %select_n3A_1474 : vector<16xi1>, vector<16xf32>
    %select_n3A_1492 = arith.select %gt3A_1482, %add3A_1481, %select_n3A_1475 : vector<16xi1>, vector<16xf32>
    %get3A_1493 = arith.constant 160 : index
    %get3A_1494 = tpu.vector_load %arg10[%get3A_1493] {strides = array<i32>} : memref<320xf32, #tpu.memory_space<vmem>>, vector<16xf32>,
    %add3A_1495 = arith.constant 1.600000e+02 : f32
    %add3A_1496 = arith.addf %convert_element_type3A, %add3A_1495 : f32
    %add3A_1497 = vector.broadcast %add3A_1496 : f32 to vector<16xf32>
    %add3A_1498 = arith.addf %add3A_1497, %convert_element_type3A_1 : vector<16xf32>
    %gt3A_1499 = arith.cmpf ogt, %get3A_1494, %select_n3A_1491 : vector<16xf32>
    %gt3A_1500 = arith.cmpf ogt, %get3A_1494, %select_n3A_1488 : vector<16xf32>
    %not3A_1501 = arith.constant dense<true> : vector<16xi1>
    %not3A_1502 = arith.xori %gt3A_1499, %not3A_1501 : vector<16xi1>
    %and3A_1503 = arith.andi %gt3A_1500, %not3A_1502 : vector<16xi1>
    %select_n3A_1504 = arith.select %and3A_1503, %get3A_1494, %select_n3A_1488 : vector<16xi1>, vector<16xf32>
    %select_n3A_1505 = arith.select %gt3A_1499, %select_n3A_1491, %select_n3A_1504 : vector<16xi1>, vector<16xf32>
    %select_n3A_1506 = arith.select %and3A_1503, %add3A_1498, %select_n3A_1490 : vector<16xi1>, vector<16xf32>
    %select_n3A_1507 = arith.select %gt3A_1499, %select_n3A_1492, %select_n3A_1506 : vector<16xi1>, vector<16xf32>
    %select_n3A_1508 = arith.select %gt3A_1499, %get3A_1494, %select_n3A_1491 : vector<16xi1>, vector<16xf32>
    %select_n3A_1509 = arith.select %gt3A_1499, %add3A_1498, %select_n3A_1492 : vector<16xi1>, vector<16xf32>
    %get3A_1510 = arith.constant 176 : index
    %get3A_1511 = tpu.vector_load %arg10[%get3A_1510] {strides = array<i32>} : memref<320xf32, #tpu.memory_space<vmem>>, vector<16xf32>,
    %add3A_1512 = arith.constant 1.760000e+02 : f32
    %add3A_1513 = arith.addf %convert_element_type3A, %add3A_1512 : f32
    %add3A_1514 = vector.broadcast %add3A_1513 : f32 to vector<16xf32>
    %add3A_1515 = arith.addf %add3A_1514, %convert_element_type3A_1 : vector<16xf32>
    %gt3A_1516 = arith.cmpf ogt, %get3A_1511, %select_n3A_1508 : vector<16xf32>
    %gt3A_1517 = arith.cmpf ogt, %get3A_1511, %select_n3A_1505 : vector<16xf32>
    %not3A_1518 = arith.constant dense<true> : vector<16xi1>
    %not3A_1519 = arith.xori %gt3A_1516, %not3A_1518 : vector<16xi1>
    %and3A_1520 = arith.andi %gt3A_1517, %not3A_1519 : vector<16xi1>
    %select_n3A_1521 = arith.select %and3A_1520, %get3A_1511, %select_n3A_1505 : vector<16xi1>, vector<16xf32>
    %select_n3A_1522 = arith.select %gt3A_1516, %select_n3A_1508, %select_n3A_1521 : vector<16xi1>, vector<16xf32>
    %select_n3A_1523 = arith.select %and3A_1520, %add3A_1515, %select_n3A_1507 : vector<16xi1>, vector<16xf32>
    %select_n3A_1524 = arith.select %gt3A_1516, %select_n3A_1509, %select_n3A_1523 : vector<16xi1>, vector<16xf32>
    %select_n3A_1525 = arith.select %gt3A_1516, %get3A_1511, %select_n3A_1508 : vector<16xi1>, vector<16xf32>
    %select_n3A_1526 = arith.select %gt3A_1516, %add3A_1515, %select_n3A_1509 : vector<16xi1>, vector<16xf32>
    %get3A_1527 = arith.constant 192 : index
    %get3A_1528 = tpu.vector_load %arg10[%get3A_1527] {strides = array<i32>} : memref<320xf32, #tpu.memory_space<vmem>>, vector<16xf32>,
    %add3A_1529 = arith.constant 1.920000e+02 : f32
    %add3A_1530 = arith.addf %convert_element_type3A, %add3A_1529 : f32
    %add3A_1531 = vector.broadcast %add3A_1530 : f32 to vector<16xf32>
    %add3A_1532 = arith.addf %add3A_1531, %convert_element_type3A_1 : vector<16xf32>
    %gt3A_1533 = arith.cmpf ogt, %get3A_1528, %select_n3A_1525 : vector<16xf32>
    %gt3A_1534 = arith.cmpf ogt, %get3A_1528, %select_n3A_1522 : vector<16xf32>
    %not3A_1535 = arith.constant dense<true> : vector<16xi1>
    %not3A_1536 = arith.xori %gt3A_1533, %not3A_1535 : vector<16xi1>
    %and3A_1537 = arith.andi %gt3A_1534, %not3A_1536 : vector<16xi1>
    %select_n3A_1538 = arith.select %and3A_1537, %get3A_1528, %select_n3A_1522 : vector<16xi1>, vector<16xf32>
    %select_n3A_1539 = arith.select %gt3A_1533, %select_n3A_1525, %select_n3A_1538 : vector<16xi1>, vector<16xf32>
    %select_n3A_1540 = arith.select %and3A_1537, %add3A_1532, %select_n3A_1524 : vector<16xi1>, vector<16xf32>
    %select_n3A_1541 = arith.select %gt3A_1533, %select_n3A_1526, %select_n3A_1540 : vector<16xi1>, vector<16xf32>
    %select_n3A_1542 = arith.select %gt3A_1533, %get3A_1528, %select_n3A_1525 : vector<16xi1>, vector<16xf32>
    %select_n3A_1543 = arith.select %gt3A_1533, %add3A_1532, %select_n3A_1526 : vector<16xi1>, vector<16xf32>
    %get3A_1544 = arith.constant 208 : index
    %get3A_1545 = tpu.vector_load %arg10[%get3A_1544] {strides = array<i32>} : memref<320xf32, #tpu.memory_space<vmem>>, vector<16xf32>,
    %add3A_1546 = arith.constant 2.080000e+02 : f32
    %add3A_1547 = arith.addf %convert_element_type3A, %add3A_1546 : f32
    %add3A_1548 = vector.broadcast %add3A_1547 : f32 to vector<16xf32>
    %add3A_1549 = arith.addf %add3A_1548, %convert_element_type3A_1 : vector<16xf32>
    %gt3A_1550 = arith.cmpf ogt, %get3A_1545, %select_n3A_1542 : vector<16xf32>
    %gt3A_1551 = arith.cmpf ogt, %get3A_1545, %select_n3A_1539 : vector<16xf32>
    %not3A_1552 = arith.constant dense<true> : vector<16xi1>
    %not3A_1553 = arith.xori %gt3A_1550, %not3A_1552 : vector<16xi1>
    %and3A_1554 = arith.andi %gt3A_1551, %not3A_1553 : vector<16xi1>
    %select_n3A_1555 = arith.select %and3A_1554, %get3A_1545, %select_n3A_1539 : vector<16xi1>, vector<16xf32>
    %select_n3A_1556 = arith.select %gt3A_1550, %select_n3A_1542, %select_n3A_1555 : vector<16xi1>, vector<16xf32>
    %select_n3A_1557 = arith.select %and3A_1554, %add3A_1549, %select_n3A_1541 : vector<16xi1>, vector<16xf32>
    %select_n3A_1558 = arith.select %gt3A_1550, %select_n3A_1543, %select_n3A_1557 : vector<16xi1>, vector<16xf32>
    %select_n3A_1559 = arith.select %gt3A_1550, %get3A_1545, %select_n3A_1542 : vector<16xi1>, vector<16xf32>
    %select_n3A_1560 = arith.select %gt3A_1550, %add3A_1549, %select_n3A_1543 : vector<16xi1>, vector<16xf32>
    %get3A_1561 = arith.constant 224 : index
    %get3A_1562 = tpu.vector_load %arg10[%get3A_1561] {strides = array<i32>} : memref<320xf32, #tpu.memory_space<vmem>>, vector<16xf32>,
    %add3A_1563 = arith.constant 2.240000e+02 : f32
    %add3A_1564 = arith.addf %convert_element_type3A, %add3A_1563 : f32
    %add3A_1565 = vector.broadcast %add3A_1564 : f32 to vector<16xf32>
    %add3A_1566 = arith.addf %add3A_1565, %convert_element_type3A_1 : vector<16xf32>
    %gt3A_1567 = arith.cmpf ogt, %get3A_1562, %select_n3A_1559 : vector<16xf32>
    %gt3A_1568 = arith.cmpf ogt, %get3A_1562, %select_n3A_1556 : vector<16xf32>
    %not3A_1569 = arith.constant dense<true> : vector<16xi1>
    %not3A_1570 = arith.xori %gt3A_1567, %not3A_1569 : vector<16xi1>
    %and3A_1571 = arith.andi %gt3A_1568, %not3A_1570 : vector<16xi1>
    %select_n3A_1572 = arith.select %and3A_1571, %get3A_1562, %select_n3A_1556 : vector<16xi1>, vector<16xf32>
    %select_n3A_1573 = arith.select %gt3A_1567, %select_n3A_1559, %select_n3A_1572 : vector<16xi1>, vector<16xf32>
    %select_n3A_1574 = arith.select %and3A_1571, %add3A_1566, %select_n3A_1558 : vector<16xi1>, vector<16xf32>
    %select_n3A_1575 = arith.select %gt3A_1567, %select_n3A_1560, %select_n3A_1574 : vector<16xi1>, vector<16xf32>
    %select_n3A_1576 = arith.select %gt3A_1567, %get3A_1562, %select_n3A_1559 : vector<16xi1>, vector<16xf32>
    %select_n3A_1577 = arith.select %gt3A_1567, %add3A_1566, %select_n3A_1560 : vector<16xi1>, vector<16xf32>
    %get3A_1578 = arith.constant 240 : index
    %get3A_1579 = tpu.vector_load %arg10[%get3A_1578] {strides = array<i32>} : memref<320xf32, #tpu.memory_space<vmem>>, vector<16xf32>,
    %add3A_1580 = arith.constant 2.400000e+02 : f32
    %add3A_1581 = arith.addf %convert_element_type3A, %add3A_1580 : f32
    %add3A_1582 = vector.broadcast %add3A_1581 : f32 to vector<16xf32>
    %add3A_1583 = arith.addf %add3A_1582, %convert_element_type3A_1 : vector<16xf32>
    %gt3A_1584 = arith.cmpf ogt, %get3A_1579, %select_n3A_1576 : vector<16xf32>
    %gt3A_1585 = arith.cmpf ogt, %get3A_1579, %select_n3A_1573 : vector<16xf32>
    %not3A_1586 = arith.constant dense<true> : vector<16xi1>
    %not3A_1587 = arith.xori %gt3A_1584, %not3A_1586 : vector<16xi1>
    %and3A_1588 = arith.andi %gt3A_1585, %not3A_1587 : vector<16xi1>
    %select_n3A_1589 = arith.select %and3A_1588, %get3A_1579, %select_n3A_1573 : vector<16xi1>, vector<16xf32>
    %select_n3A_1590 = arith.select %gt3A_1584, %select_n3A_1576, %select_n3A_1589 : vector<16xi1>, vector<16xf32>
    %select_n3A_1591 = arith.select %and3A_1588, %add3A_1583, %select_n3A_1575 : vector<16xi1>, vector<16xf32>
    %select_n3A_1592 = arith.select %gt3A_1584, %select_n3A_1577, %select_n3A_1591 : vector<16xi1>, vector<16xf32>
    %select_n3A_1593 = arith.select %gt3A_1584, %get3A_1579, %select_n3A_1576 : vector<16xi1>, vector<16xf32>
    %select_n3A_1594 = arith.select %gt3A_1584, %add3A_1583, %select_n3A_1577 : vector<16xi1>, vector<16xf32>
    %get3A_1595 = arith.constant 256 : index
    %get3A_1596 = tpu.vector_load %arg10[%get3A_1595] {strides = array<i32>} : memref<320xf32, #tpu.memory_space<vmem>>, vector<16xf32>,
    %add3A_1597 = arith.constant 2.560000e+02 : f32
    %add3A_1598 = arith.addf %convert_element_type3A, %add3A_1597 : f32
    %add3A_1599 = vector.broadcast %add3A_1598 : f32 to vector<16xf32>
    %add3A_1600 = arith.addf %add3A_1599, %convert_element_type3A_1 : vector<16xf32>
    %gt3A_1601 = arith.cmpf ogt, %get3A_1596, %select_n3A_1593 : vector<16xf32>
    %gt3A_1602 = arith.cmpf ogt, %get3A_1596, %select_n3A_1590 : vector<16xf32>
    %not3A_1603 = arith.constant dense<true> : vector<16xi1>
    %not3A_1604 = arith.xori %gt3A_1601, %not3A_1603 : vector<16xi1>
    %and3A_1605 = arith.andi %gt3A_1602, %not3A_1604 : vector<16xi1>
    %select_n3A_1606 = arith.select %and3A_1605, %get3A_1596, %select_n3A_1590 : vector<16xi1>, vector<16xf32>
    %select_n3A_1607 = arith.select %gt3A_1601, %select_n3A_1593, %select_n3A_1606 : vector<16xi1>, vector<16xf32>
    %select_n3A_1608 = arith.select %and3A_1605, %add3A_1600, %select_n3A_1592 : vector<16xi1>, vector<16xf32>
    %select_n3A_1609 = arith.select %gt3A_1601, %select_n3A_1594, %select_n3A_1608 : vector<16xi1>, vector<16xf32>
    %select_n3A_1610 = arith.select %gt3A_1601, %get3A_1596, %select_n3A_1593 : vector<16xi1>, vector<16xf32>
    %select_n3A_1611 = arith.select %gt3A_1601, %add3A_1600, %select_n3A_1594 : vector<16xi1>, vector<16xf32>
    %get3A_1612 = arith.constant 272 : index
    %get3A_1613 = tpu.vector_load %arg10[%get3A_1612] {strides = array<i32>} : memref<320xf32, #tpu.memory_space<vmem>>, vector<16xf32>,
    %add3A_1614 = arith.constant 2.720000e+02 : f32
    %add3A_1615 = arith.addf %convert_element_type3A, %add3A_1614 : f32
    %add3A_1616 = vector.broadcast %add3A_1615 : f32 to vector<16xf32>
    %add3A_1617 = arith.addf %add3A_1616, %convert_element_type3A_1 : vector<16xf32>
    %gt3A_1618 = arith.cmpf ogt, %get3A_1613, %select_n3A_1610 : vector<16xf32>
    %gt3A_1619 = arith.cmpf ogt, %get3A_1613, %select_n3A_1607 : vector<16xf32>
    %not3A_1620 = arith.constant dense<true> : vector<16xi1>
    %not3A_1621 = arith.xori %gt3A_1618, %not3A_1620 : vector<16xi1>
    %and3A_1622 = arith.andi %gt3A_1619, %not3A_1621 : vector<16xi1>
    %select_n3A_1623 = arith.select %and3A_1622, %get3A_1613, %select_n3A_1607 : vector<16xi1>, vector<16xf32>
    %select_n3A_1624 = arith.select %gt3A_1618, %select_n3A_1610, %select_n3A_1623 : vector<16xi1>, vector<16xf32>
    %select_n3A_1625 = arith.select %and3A_1622, %add3A_1617, %select_n3A_1609 : vector<16xi1>, vector<16xf32>
    %select_n3A_1626 = arith.select %gt3A_1618, %select_n3A_1611, %select_n3A_1625 : vector<16xi1>, vector<16xf32>
    %select_n3A_1627 = arith.select %gt3A_1618, %get3A_1613, %select_n3A_1610 : vector<16xi1>, vector<16xf32>
    %select_n3A_1628 = arith.select %gt3A_1618, %add3A_1617, %select_n3A_1611 : vector<16xi1>, vector<16xf32>
    %get3A_1629 = arith.constant 288 : index
    %get3A_1630 = tpu.vector_load %arg10[%get3A_1629] {strides = array<i32>} : memref<320xf32, #tpu.memory_space<vmem>>, vector<16xf32>,
    %add3A_1631 = arith.constant 2.880000e+02 : f32
    %add3A_1632 = arith.addf %convert_element_type3A, %add3A_1631 : f32
    %add3A_1633 = vector.broadcast %add3A_1632 : f32 to vector<16xf32>
    %add3A_1634 = arith.addf %add3A_1633, %convert_element_type3A_1 : vector<16xf32>
    %gt3A_1635 = arith.cmpf ogt, %get3A_1630, %select_n3A_1627 : vector<16xf32>
    %gt3A_1636 = arith.cmpf ogt, %get3A_1630, %select_n3A_1624 : vector<16xf32>
    %not3A_1637 = arith.constant dense<true> : vector<16xi1>
    %not3A_1638 = arith.xori %gt3A_1635, %not3A_1637 : vector<16xi1>
    %and3A_1639 = arith.andi %gt3A_1636, %not3A_1638 : vector<16xi1>
    %select_n3A_1640 = arith.select %and3A_1639, %get3A_1630, %select_n3A_1624 : vector<16xi1>, vector<16xf32>
    %select_n3A_1641 = arith.select %gt3A_1635, %select_n3A_1627, %select_n3A_1640 : vector<16xi1>, vector<16xf32>
    %select_n3A_1642 = arith.select %and3A_1639, %add3A_1634, %select_n3A_1626 : vector<16xi1>, vector<16xf32>
    %select_n3A_1643 = arith.select %gt3A_1635, %select_n3A_1628, %select_n3A_1642 : vector<16xi1>, vector<16xf32>
    %select_n3A_1644 = arith.select %gt3A_1635, %get3A_1630, %select_n3A_1627 : vector<16xi1>, vector<16xf32>
    %select_n3A_1645 = arith.select %gt3A_1635, %add3A_1634, %select_n3A_1628 : vector<16xi1>, vector<16xf32>
    %get3A_1646 = arith.constant 304 : index
    %get3A_1647 = tpu.vector_load %arg10[%get3A_1646] {strides = array<i32>} : memref<320xf32, #tpu.memory_space<vmem>>, vector<16xf32>,
    %add3A_1648 = arith.constant 3.040000e+02 : f32
    %add3A_1649 = arith.addf %convert_element_type3A, %add3A_1648 : f32
    %add3A_1650 = vector.broadcast %add3A_1649 : f32 to vector<16xf32>
    %add3A_1651 = arith.addf %add3A_1650, %convert_element_type3A_1 : vector<16xf32>
    %gt3A_1652 = arith.cmpf ogt, %get3A_1647, %select_n3A_1644 : vector<16xf32>
    %gt3A_1653 = arith.cmpf ogt, %get3A_1647, %select_n3A_1641 : vector<16xf32>
    %not3A_1654 = arith.constant dense<true> : vector<16xi1>
    %not3A_1655 = arith.xori %gt3A_1652, %not3A_1654 : vector<16xi1>
    %and3A_1656 = arith.andi %gt3A_1653, %not3A_1655 : vector<16xi1>
    %select_n3A_1657 = arith.select %and3A_1656, %get3A_1647, %select_n3A_1641 : vector<16xi1>, vector<16xf32>
    %select_n3A_1658 = arith.select %gt3A_1652, %select_n3A_1644, %select_n3A_1657 : vector<16xi1>, vector<16xf32>
    %select_n3A_1659 = arith.select %and3A_1656, %add3A_1651, %select_n3A_1643 : vector<16xi1>, vector<16xf32>
    %select_n3A_1660 = arith.select %gt3A_1652, %select_n3A_1645, %select_n3A_1659 : vector<16xi1>, vector<16xf32>
    %select_n3A_1661 = arith.select %gt3A_1652, %get3A_1647, %select_n3A_1644 : vector<16xi1>, vector<16xf32>
    %select_n3A_1662 = arith.select %gt3A_1652, %add3A_1651, %select_n3A_1645 : vector<16xi1>, vector<16xf32>
    %while3A = arith.constant 0 : i32
    %while3A_1663 = arith.constant 0 : i32
    %while3A_1664:6 = scf.while (%while3A_1672 = %while3A, %while3A_1673 = %while3A_1663, %while3A_1674 = %select_n3A_1661, %while3A_1675 = %select_n3A_1662, %while3A_1676 = %select_n3A_1658, %while3A_1677 = %select_n3A_1660) : (i32, i32, vector<16xf32>, vector<16xf32>, vector<16xf32>, vector<16xf32>) -> (i32, i32, vector<16xf32>, vector<16xf32>, vector<16xf32>, vector<16xf32>) {
      %lt3A_1678 = arith.constant 100 : i32
      %lt3A_1679 = arith.cmpi slt, %while3A_1672, %lt3A_1678 : i32
      scf.condition(%lt3A_1679) %while3A_1672, %while3A_1673, %while3A_1674, %while3A_1675, %while3A_1676, %while3A_1677 : i32, i32, vector<16xf32>, vector<16xf32>, vector<16xf32>, vector<16xf32>
    } do {
    ^bb0(%while3A_1672: i32, %while3A_1673: i32, %while3A_1674: vector<16xf32>, %while3A_1675: vector<16xf32>, %while3A_1676: vector<16xf32>, %while3A_1677: vector<16xf32>):
      %reduce_max3A = arith.constant true
      %reduce_max3A_1678 = vector.broadcast %reduce_max3A : i1 to vector<16xi1>
      %reduce_max3A_1679 = tpu.scan <max>, %while3A_1674 masked %reduce_max3A_1678 : vector<16xf32>, vector<16xi1> -> vector<16xf32>
      %reduce_max3A_1680 = vector.extract %reduce_max3A_1679[15] : f32 from vector<16xf32>
      %eq3A_1681 = vector.broadcast %reduce_max3A_1680 : f32 to vector<16xf32>
      %eq3A_1682 = arith.cmpf oeq, %while3A_1674, %eq3A_1681 : vector<16xf32>
      %jit3A_1683 = arith.constant 1.000000e+09 : f32
      %broadcast_in_dim3A_1684 = vector.broadcast %jit3A_1683 : f32 to vector<16xf32>
      %select_n3A_1685 = arith.select %eq3A_1682, %while3A_1675, %broadcast_in_dim3A_1684 : vector<16xi1>, vector<16xf32>
      %reduce_min3A = arith.constant true
      %reduce_min3A_1686 = vector.broadcast %reduce_min3A : i1 to vector<16xi1>
      %reduce_min3A_1687 = tpu.scan <min>, %select_n3A_1685 masked %reduce_min3A_1686 : vector<16xf32>, vector<16xi1> -> vector<16xf32>
      %reduce_min3A_1688 = vector.extract %reduce_min3A_1687[15] : f32 from vector<16xf32>
      %eq3A_1689 = vector.broadcast %reduce_max3A_1680 : f32 to vector<16xf32>
      %eq3A_1690 = arith.cmpf oeq, %while3A_1674, %eq3A_1689 : vector<16xf32>
      %eq3A_1691 = vector.broadcast %reduce_min3A_1688 : f32 to vector<16xf32>
      %eq3A_1692 = arith.cmpf oeq, %while3A_1675, %eq3A_1691 : vector<16xf32>
      %and3A_1693 = arith.andi %eq3A_1690, %eq3A_1692 : vector<16xi1>
      %select_n3A_1694 = arith.select %and3A_1693, %while3A_1676, %while3A_1674 : vector<16xi1>, vector<16xf32>
      %select_n3A_1695 = arith.select %and3A_1693, %while3A_1677, %while3A_1675 : vector<16xi1>, vector<16xf32>
      %reduce_max3A_1696 = arith.constant true
      %reduce_max3A_1697 = vector.broadcast %reduce_max3A_1696 : i1 to vector<16xi1>
      %reduce_max3A_1698 = tpu.scan <max>, %select_n3A_1694 masked %reduce_max3A_1697 : vector<16xf32>, vector<16xi1> -> vector<16xf32>
      %reduce_max3A_1699 = vector.extract %reduce_max3A_1698[15] : f32 from vector<16xf32>
      %eq3A_1700 = vector.broadcast %reduce_max3A_1699 : f32 to vector<16xf32>
      %eq3A_1701 = arith.cmpf oeq, %select_n3A_1694, %eq3A_1700 : vector<16xf32>
      %jit3A_1702 = arith.constant 1.000000e+09 : f32
      %broadcast_in_dim3A_1703 = vector.broadcast %jit3A_1702 : f32 to vector<16xf32>
      %select_n3A_1704 = arith.select %eq3A_1701, %select_n3A_1695, %broadcast_in_dim3A_1703 : vector<16xi1>, vector<16xf32>
      %reduce_min3A_1705 = arith.constant true
      %reduce_min3A_1706 = vector.broadcast %reduce_min3A_1705 : i1 to vector<16xi1>
      %reduce_min3A_1707 = tpu.scan <min>, %select_n3A_1704 masked %reduce_min3A_1706 : vector<16xf32>, vector<16xi1> -> vector<16xf32>
      %reduce_min3A_1708 = vector.extract %reduce_min3A_1707[15] : f32 from vector<16xf32>
      %sub3A_1709 = arith.subf %reduce_min3A_1688, %convert_element_type3A : f32
      %convert_element_type3A_1710 = arith.fptosi %sub3A_1709 : f32 to i32
      %sub3A_1711 = arith.subf %reduce_min3A_1708, %convert_element_type3A : f32
      %convert_element_type3A_1712 = arith.fptosi %sub3A_1711 : f32 to i32
      %jit3A_1713 = arith.constant 0 : i32
      %jit3A_1714 = arith.constant 319 : i32
      %max3A = arith.maxsi %jit3A_1713, %convert_element_type3A_1712 : i32
      %min3A = arith.minsi %jit3A_1714, %max3A : i32
      %broadcast_in_dim3A_1715 = vector.broadcast %convert_element_type3A_1710 : i32 to vector<16xi32>
      %broadcast_in_dim3A_1716 = vector.broadcast %min3A : i32 to vector<16xi32>
      %gather3A_1717 = tpu.vector_load_idx %arg6[%broadcast_in_dim3A_1715] : memref<320xf32, #tpu.memory_space<vmem>>[vector<16xi32>], vector<16xf32>,
      %gather3A_1718 = tpu.vector_load_idx %arg7[%broadcast_in_dim3A_1715] : memref<320xf32, #tpu.memory_space<vmem>>[vector<16xi32>], vector<16xf32>,
      %gather3A_1719 = tpu.vector_load_idx %arg8[%broadcast_in_dim3A_1715] : memref<320xf32, #tpu.memory_space<vmem>>[vector<16xi32>], vector<16xf32>,
      %gather3A_1720 = tpu.vector_load_idx %arg9[%broadcast_in_dim3A_1715] : memref<320xf32, #tpu.memory_space<vmem>>[vector<16xi32>], vector<16xf32>,
      %gather3A_1721 = tpu.vector_load_idx %arg6[%broadcast_in_dim3A_1716] : memref<320xf32, #tpu.memory_space<vmem>>[vector<16xi32>], vector<16xf32>,
      %gather3A_1722 = tpu.vector_load_idx %arg7[%broadcast_in_dim3A_1716] : memref<320xf32, #tpu.memory_space<vmem>>[vector<16xi32>], vector<16xf32>,
      %gather3A_1723 = tpu.vector_load_idx %arg8[%broadcast_in_dim3A_1716] : memref<320xf32, #tpu.memory_space<vmem>>[vector<16xi32>], vector<16xf32>,
      %gather3A_1724 = tpu.vector_load_idx %arg9[%broadcast_in_dim3A_1716] : memref<320xf32, #tpu.memory_space<vmem>>[vector<16xi32>], vector<16xf32>,
      %eq3A_1725 = arith.constant 0 : i32
      %eq3A_1726 = vector.broadcast %eq3A_1725 : i32 to vector<16xi32>
      %eq3A_1727 = arith.cmpi eq, %iota3A, %eq3A_1726 : vector<16xi32>
      %broadcast_in_dim3A_1728 = vector.broadcast %reduce_max3A_1680 : f32 to vector<16xf32>
      %select_n3A_1729 = arith.select %eq3A_1727, %broadcast_in_dim3A_1728, %broadcast_in_dim3A_2 : vector<16xi1>, vector<16xf32>
      %eq3A_1730 = arith.constant 1 : i32
      %eq3A_1731 = vector.broadcast %eq3A_1730 : i32 to vector<16xi32>
      %eq3A_1732 = arith.cmpi eq, %iota3A, %eq3A_1731 : vector<16xi32>
      %broadcast_in_dim3A_1733 = vector.broadcast %reduce_min3A_1688 : f32 to vector<16xf32>
      %select_n3A_1734 = arith.select %eq3A_1732, %broadcast_in_dim3A_1733, %select_n3A_1729 : vector<16xi1>, vector<16xf32>
      %eq3A_1735 = arith.constant 2 : i32
      %eq3A_1736 = vector.broadcast %eq3A_1735 : i32 to vector<16xi32>
      %eq3A_1737 = arith.cmpi eq, %iota3A, %eq3A_1736 : vector<16xi32>
      %select_n3A_1738 = arith.select %eq3A_1737, %gather3A_1717, %select_n3A_1734 : vector<16xi1>, vector<16xf32>
      %eq3A_1739 = arith.constant 3 : i32
      %eq3A_1740 = vector.broadcast %eq3A_1739 : i32 to vector<16xi32>
      %eq3A_1741 = arith.cmpi eq, %iota3A, %eq3A_1740 : vector<16xi32>
      %select_n3A_1742 = arith.select %eq3A_1741, %gather3A_1718, %select_n3A_1738 : vector<16xi1>, vector<16xf32>
      %eq3A_1743 = arith.constant 4 : i32
      %eq3A_1744 = vector.broadcast %eq3A_1743 : i32 to vector<16xi32>
      %eq3A_1745 = arith.cmpi eq, %iota3A, %eq3A_1744 : vector<16xi32>
      %select_n3A_1746 = arith.select %eq3A_1745, %gather3A_1719, %select_n3A_1742 : vector<16xi1>, vector<16xf32>
      %eq3A_1747 = arith.constant 5 : i32
      %eq3A_1748 = vector.broadcast %eq3A_1747 : i32 to vector<16xi32>
      %eq3A_1749 = arith.cmpi eq, %iota3A, %eq3A_1748 : vector<16xi32>
      %select_n3A_1750 = arith.select %eq3A_1749, %gather3A_1720, %select_n3A_1746 : vector<16xi1>, vector<16xf32>
      %eq3A_1751 = arith.constant 8 : i32
      %eq3A_1752 = vector.broadcast %eq3A_1751 : i32 to vector<16xi32>
      %eq3A_1753 = arith.cmpi eq, %iota3A, %eq3A_1752 : vector<16xi32>
      %broadcast_in_dim3A_1754 = vector.broadcast %reduce_max3A_1699 : f32 to vector<16xf32>
      %select_n3A_1755 = arith.select %eq3A_1753, %broadcast_in_dim3A_1754, %select_n3A_1750 : vector<16xi1>, vector<16xf32>
      %eq3A_1756 = arith.constant 9 : i32
      %eq3A_1757 = vector.broadcast %eq3A_1756 : i32 to vector<16xi32>
      %eq3A_1758 = arith.cmpi eq, %iota3A, %eq3A_1757 : vector<16xi32>
      %broadcast_in_dim3A_1759 = vector.broadcast %reduce_min3A_1708 : f32 to vector<16xf32>
      %select_n3A_1760 = arith.select %eq3A_1758, %broadcast_in_dim3A_1759, %select_n3A_1755 : vector<16xi1>, vector<16xf32>
      %eq3A_1761 = arith.constant 10 : i32
      %eq3A_1762 = vector.broadcast %eq3A_1761 : i32 to vector<16xi32>
      %eq3A_1763 = arith.cmpi eq, %iota3A, %eq3A_1762 : vector<16xi32>
      %select_n3A_1764 = arith.select %eq3A_1763, %gather3A_1721, %select_n3A_1760 : vector<16xi1>, vector<16xf32>
      %eq3A_1765 = arith.constant 11 : i32
      %eq3A_1766 = vector.broadcast %eq3A_1765 : i32 to vector<16xi32>
      %eq3A_1767 = arith.cmpi eq, %iota3A, %eq3A_1766 : vector<16xi32>
      %select_n3A_1768 = arith.select %eq3A_1767, %gather3A_1722, %select_n3A_1764 : vector<16xi1>, vector<16xf32>
      %eq3A_1769 = arith.constant 12 : i32
      %eq3A_1770 = vector.broadcast %eq3A_1769 : i32 to vector<16xi32>
      %eq3A_1771 = arith.cmpi eq, %iota3A, %eq3A_1770 : vector<16xi32>
      %select_n3A_1772 = arith.select %eq3A_1771, %gather3A_1723, %select_n3A_1768 : vector<16xi1>, vector<16xf32>
      %eq3A_1773 = arith.constant 13 : i32
      %eq3A_1774 = vector.broadcast %eq3A_1773 : i32 to vector<16xi32>
      %eq3A_1775 = arith.cmpi eq, %iota3A, %eq3A_1774 : vector<16xi32>
      %select_n3A_1776 = arith.select %eq3A_1775, %gather3A_1724, %select_n3A_1772 : vector<16xi1>, vector<16xf32>
      %swap3A_1777 = arith.constant 0 : index
      %swap3A_1778 = tpu.vector_load %arg13[%swap3A_1777] {strides = array<i32>} : memref<16xf32, #tpu.memory_space<vmem>>, vector<16xf32>,
      tpu.vector_store %arg13[%swap3A_1777], %select_n3A_1776 {strides = array<i32>} : memref<16xf32, #tpu.memory_space<vmem>>, vector<16xf32>,
      %and3A_1779 = arith.constant 1 : i32
      %and3A_1780 = arith.andi %while3A_1673, %and3A_1779 : i32
      %mul3A_1781 = arith.constant 256 : i32
      %mul3A_1782 = arith.muli %and3A_1780, %mul3A_1781 : i32
      %mul3A_1783 = arith.constant 16 : i32
      %mul3A_1784 = arith.muli %arg1, %mul3A_1783 : i32
      %add3A_1785 = arith.addi %mul3A_1782, %mul3A_1784 : i32
      "tpu.region"() ({
        %run_scoped3A = tpu.sem_alloc : memref<!tpu.dma_semaphore, #tpu.memory_space<semaphore_mem>>
        %dma_start3A = tpu.memref_slice %arg15[%add3A_1785] : memref<512xf32, #tpu.memory_space<vmem_shared>> -> memref<16xf32, #tpu.memory_space<vmem_shared>>
        %dma_start3A_3685 = tpu.memref_slice %arg15[%add3A_1785] : memref<512xf32, #tpu.memory_space<vmem_shared>> -> memref<16xf32, #tpu.memory_space<vmem_shared>>
        tpu.enqueue_dma source(%arg13 : memref<16xf32, #tpu.memory_space<vmem>>) target(%dma_start3A_3685 : memref<16xf32, #tpu.memory_space<vmem_shared>>) target_semaphore(%run_scoped3A : memref<!tpu.dma_semaphore, #tpu.memory_space<semaphore_mem>>)
        %dma_wait3A = tpu.memref_slice %arg15[%add3A_1785] : memref<512xf32, #tpu.memory_space<vmem_shared>> -> memref<16xf32, #tpu.memory_space<vmem_shared>>
        %dma_wait3A_3686 = tpu.memref_slice %arg15[%add3A_1785] : memref<512xf32, #tpu.memory_space<vmem_shared>> -> memref<16xf32, #tpu.memory_space<vmem_shared>>
        tpu.wait_dma2 semaphore(%run_scoped3A : memref<!tpu.dma_semaphore, #tpu.memory_space<semaphore_mem>>) src(%arg13 : memref<16xf32, #tpu.memory_space<vmem>>) dst(%dma_wait3A_3686 : memref<16xf32, #tpu.memory_space<vmem_shared>>)
        tpu.yield
      }) : () -> ()
      %barrier3A = arith.constant 0 : index
      tpu.barrier barrier_id(%barrier3A)
      "tpu.region"() ({
        %run_scoped3A = tpu.sem_alloc : memref<!tpu.dma_semaphore, #tpu.memory_space<semaphore_mem>>
        %dma_start3A = tpu.memref_slice %arg15[%mul3A_1782] : memref<512xf32, #tpu.memory_space<vmem_shared>> -> memref<256xf32, #tpu.memory_space<vmem_shared>>
        %dma_start3A_3685 = tpu.memref_slice %arg15[%mul3A_1782] : memref<512xf32, #tpu.memory_space<vmem_shared>> -> memref<256xf32, #tpu.memory_space<vmem_shared>>
        tpu.enqueue_dma source(%dma_start3A_3685 : memref<256xf32, #tpu.memory_space<vmem_shared>>) target(%arg14 : memref<256xf32, #tpu.memory_space<vmem>>) target_semaphore(%run_scoped3A : memref<!tpu.dma_semaphore, #tpu.memory_space<semaphore_mem>>)
        %dma_wait3A = tpu.memref_slice %arg15[%mul3A_1782] : memref<512xf32, #tpu.memory_space<vmem_shared>> -> memref<256xf32, #tpu.memory_space<vmem_shared>>
        %dma_wait3A_3686 = tpu.memref_slice %arg15[%mul3A_1782] : memref<512xf32, #tpu.memory_space<vmem_shared>> -> memref<256xf32, #tpu.memory_space<vmem_shared>>
        tpu.wait_dma2 semaphore(%run_scoped3A : memref<!tpu.dma_semaphore, #tpu.memory_space<semaphore_mem>>) src(%dma_wait3A_3686 : memref<256xf32, #tpu.memory_space<vmem_shared>>) dst(%arg14 : memref<256xf32, #tpu.memory_space<vmem>>)
        tpu.yield
      }) : () -> ()
      %mul3A_1786 = arith.constant 16 : i32
      %mul3A_1787 = vector.broadcast %mul3A_1786 : i32 to vector<16xi32>
      %mul3A_1788 = arith.muli %iota3A, %mul3A_1787 : vector<16xi32>
      %gather3A_1789 = tpu.vector_load_idx %arg14[%mul3A_1788] : memref<256xf32, #tpu.memory_space<vmem>>[vector<16xi32>], vector<16xf32>,
      %add3A_1790 = arith.constant 1 : i32
      %add3A_1791 = vector.broadcast %add3A_1790 : i32 to vector<16xi32>
      %add3A_1792 = arith.addi %mul3A_1788, %add3A_1791 : vector<16xi32>
      %gather3A_1793 = tpu.vector_load_idx %arg14[%add3A_1792] : memref<256xf32, #tpu.memory_space<vmem>>[vector<16xi32>], vector<16xf32>,
      %add3A_1794 = arith.constant 2 : i32
      %add3A_1795 = vector.broadcast %add3A_1794 : i32 to vector<16xi32>
      %add3A_1796 = arith.addi %mul3A_1788, %add3A_1795 : vector<16xi32>
      %gather3A_1797 = tpu.vector_load_idx %arg14[%add3A_1796] : memref<256xf32, #tpu.memory_space<vmem>>[vector<16xi32>], vector<16xf32>,
      %add3A_1798 = arith.constant 3 : i32
      %add3A_1799 = vector.broadcast %add3A_1798 : i32 to vector<16xi32>
      %add3A_1800 = arith.addi %mul3A_1788, %add3A_1799 : vector<16xi32>
      %gather3A_1801 = tpu.vector_load_idx %arg14[%add3A_1800] : memref<256xf32, #tpu.memory_space<vmem>>[vector<16xi32>], vector<16xf32>,
      %add3A_1802 = arith.constant 4 : i32
      %add3A_1803 = vector.broadcast %add3A_1802 : i32 to vector<16xi32>
      %add3A_1804 = arith.addi %mul3A_1788, %add3A_1803 : vector<16xi32>
      %gather3A_1805 = tpu.vector_load_idx %arg14[%add3A_1804] : memref<256xf32, #tpu.memory_space<vmem>>[vector<16xi32>], vector<16xf32>,
      %add3A_1806 = arith.constant 5 : i32
      %add3A_1807 = vector.broadcast %add3A_1806 : i32 to vector<16xi32>
      %add3A_1808 = arith.addi %mul3A_1788, %add3A_1807 : vector<16xi32>
      %gather3A_1809 = tpu.vector_load_idx %arg14[%add3A_1808] : memref<256xf32, #tpu.memory_space<vmem>>[vector<16xi32>], vector<16xf32>,
      %add3A_1810 = arith.constant 8 : i32
      %add3A_1811 = vector.broadcast %add3A_1810 : i32 to vector<16xi32>
      %add3A_1812 = arith.addi %mul3A_1788, %add3A_1811 : vector<16xi32>
      %gather3A_1813 = tpu.vector_load_idx %arg14[%add3A_1812] : memref<256xf32, #tpu.memory_space<vmem>>[vector<16xi32>], vector<16xf32>,
      %add3A_1814 = arith.constant 9 : i32
      %add3A_1815 = vector.broadcast %add3A_1814 : i32 to vector<16xi32>
      %add3A_1816 = arith.addi %mul3A_1788, %add3A_1815 : vector<16xi32>
      %gather3A_1817 = tpu.vector_load_idx %arg14[%add3A_1816] : memref<256xf32, #tpu.memory_space<vmem>>[vector<16xi32>], vector<16xf32>,
      %add3A_1818 = arith.constant 10 : i32
      %add3A_1819 = vector.broadcast %add3A_1818 : i32 to vector<16xi32>
      %add3A_1820 = arith.addi %mul3A_1788, %add3A_1819 : vector<16xi32>
      %gather3A_1821 = tpu.vector_load_idx %arg14[%add3A_1820] : memref<256xf32, #tpu.memory_space<vmem>>[vector<16xi32>], vector<16xf32>,
      %add3A_1822 = arith.constant 11 : i32
      %add3A_1823 = vector.broadcast %add3A_1822 : i32 to vector<16xi32>
      %add3A_1824 = arith.addi %mul3A_1788, %add3A_1823 : vector<16xi32>
      %gather3A_1825 = tpu.vector_load_idx %arg14[%add3A_1824] : memref<256xf32, #tpu.memory_space<vmem>>[vector<16xi32>], vector<16xf32>,
      %add3A_1826 = arith.constant 12 : i32
      %add3A_1827 = vector.broadcast %add3A_1826 : i32 to vector<16xi32>
      %add3A_1828 = arith.addi %mul3A_1788, %add3A_1827 : vector<16xi32>
      %gather3A_1829 = tpu.vector_load_idx %arg14[%add3A_1828] : memref<256xf32, #tpu.memory_space<vmem>>[vector<16xi32>], vector<16xf32>,
      %add3A_1830 = arith.constant 13 : i32
      %add3A_1831 = vector.broadcast %add3A_1830 : i32 to vector<16xi32>
      %add3A_1832 = arith.addi %mul3A_1788, %add3A_1831 : vector<16xi32>
      %gather3A_1833 = tpu.vector_load_idx %arg14[%add3A_1832] : memref<256xf32, #tpu.memory_space<vmem>>[vector<16xi32>], vector<16xf32>,
      %reduce_max3A_1834 = arith.constant true
      %reduce_max3A_1835 = vector.broadcast %reduce_max3A_1834 : i1 to vector<16xi1>
      %reduce_max3A_1836 = tpu.scan <max>, %gather3A_1789 masked %reduce_max3A_1835 : vector<16xf32>, vector<16xi1> -> vector<16xf32>
      %reduce_max3A_1837 = vector.extract %reduce_max3A_1836[15] : f32 from vector<16xf32>
      %eq3A_1838 = vector.broadcast %reduce_max3A_1837 : f32 to vector<16xf32>
      %eq3A_1839 = arith.cmpf oeq, %gather3A_1789, %eq3A_1838 : vector<16xf32>
      %jit3A_1840 = arith.constant 1.000000e+09 : f32
      %broadcast_in_dim3A_1841 = vector.broadcast %jit3A_1840 : f32 to vector<16xf32>
      %select_n3A_1842 = arith.select %eq3A_1839, %gather3A_1793, %broadcast_in_dim3A_1841 : vector<16xi1>, vector<16xf32>
      %reduce_min3A_1843 = arith.constant true
      %reduce_min3A_1844 = vector.broadcast %reduce_min3A_1843 : i1 to vector<16xi1>
      %reduce_min3A_1845 = tpu.scan <min>, %select_n3A_1842 masked %reduce_min3A_1844 : vector<16xf32>, vector<16xi1> -> vector<16xf32>
      %reduce_min3A_1846 = vector.extract %reduce_min3A_1845[15] : f32 from vector<16xf32>
      %convert_element_type3A_1847 = arith.fptosi %reduce_min3A_1846 : f32 to i32
      %jit3A_1848 = arith.constant 320 : i32
      %div3A = arith.divsi %convert_element_type3A_1847, %jit3A_1848 : i32
      %sign3A = arith.constant 0 : i32
      %sign3A_1849 = arith.cmpi sgt, %convert_element_type3A_1847, %sign3A : i32
      %sign3A_1850 = arith.extui %sign3A_1849 : i1 to i32
      %sign3A_1851 = arith.constant 0 : i32
      %sign3A_1852 = arith.cmpi slt, %convert_element_type3A_1847, %sign3A_1851 : i32
      %sign3A_1853 = arith.extui %sign3A_1852 : i1 to i32
      %sign3A_1854 = arith.subi %sign3A_1850, %sign3A_1853 : i32
      %sign3A_1855 = arith.constant 0 : i32
      %sign3A_1856 = arith.cmpi sgt, %jit3A_1848, %sign3A_1855 : i32
      %sign3A_1857 = arith.extui %sign3A_1856 : i1 to i32
      %sign3A_1858 = arith.constant 0 : i32
      %sign3A_1859 = arith.cmpi slt, %jit3A_1848, %sign3A_1858 : i32
      %sign3A_1860 = arith.extui %sign3A_1859 : i1 to i32
      %sign3A_1861 = arith.subi %sign3A_1857, %sign3A_1860 : i32
      %ne3A = arith.cmpi ne, %sign3A_1854, %sign3A_1861 : i32
      %rem3A = arith.remsi %convert_element_type3A_1847, %jit3A_1848 : i32
      %ne3A_1862 = arith.constant 0 : i32
      %ne3A_1863 = arith.cmpi ne, %rem3A, %ne3A_1862 : i32
      %and3A_1864 = arith.andi %ne3A, %ne3A_1863 : i1
      %sub3A_1865 = arith.constant 1 : i32
      %sub3A_1866 = arith.subi %div3A, %sub3A_1865 : i32
      %select_n3A_1867 = arith.select %and3A_1864, %sub3A_1866, %div3A : i32
      %mul3A_1868 = arith.constant 16 : i32
      %mul3A_1869 = arith.muli %select_n3A_1867, %mul3A_1868 : i32
      %broadcast_in_dim3A_1870 = vector.broadcast %mul3A_1869 : i32 to vector<16xi32>
      %gt3A_1871 = arith.constant -1.000000e+30 : f32
      %gt3A_1872 = arith.cmpf ogt, %reduce_max3A_1837, %gt3A_1871 : f32
      %add3A_1873 = arith.constant 2 : i32
      %add3A_1874 = vector.broadcast %add3A_1873 : i32 to vector<16xi32>
      %add3A_1875 = arith.addi %broadcast_in_dim3A_1870, %add3A_1874 : vector<16xi32>
      %gather3A_1876 = tpu.vector_load_idx %arg14[%add3A_1875] : memref<256xf32, #tpu.memory_space<vmem>>[vector<16xi32>], vector<16xf32>,
      %jit3A_1877 = arith.constant 0.000000e+00 : f32
      %broadcast_in_dim3A_1878 = vector.broadcast %jit3A_1877 : f32 to vector<16xf32>
      %select_n3A_1879 = arith.select %gt3A_1872, %gather3A_1876, %broadcast_in_dim3A_1878 : vector<16xf32>
      %add3A_1880 = arith.constant 3 : i32
      %add3A_1881 = vector.broadcast %add3A_1880 : i32 to vector<16xi32>
      %add3A_1882 = arith.addi %broadcast_in_dim3A_1870, %add3A_1881 : vector<16xi32>
      %gather3A_1883 = tpu.vector_load_idx %arg14[%add3A_1882] : memref<256xf32, #tpu.memory_space<vmem>>[vector<16xi32>], vector<16xf32>,
      %jit3A_1884 = arith.constant 0.000000e+00 : f32
      %broadcast_in_dim3A_1885 = vector.broadcast %jit3A_1884 : f32 to vector<16xf32>
      %select_n3A_1886 = arith.select %gt3A_1872, %gather3A_1883, %broadcast_in_dim3A_1885 : vector<16xf32>
      %add3A_1887 = arith.constant 4 : i32
      %add3A_1888 = vector.broadcast %add3A_1887 : i32 to vector<16xi32>
      %add3A_1889 = arith.addi %broadcast_in_dim3A_1870, %add3A_1888 : vector<16xi32>
      %gather3A_1890 = tpu.vector_load_idx %arg14[%add3A_1889] : memref<256xf32, #tpu.memory_space<vmem>>[vector<16xi32>], vector<16xf32>,
      %jit3A_1891 = arith.constant 0.000000e+00 : f32
      %broadcast_in_dim3A_1892 = vector.broadcast %jit3A_1891 : f32 to vector<16xf32>
      %select_n3A_1893 = arith.select %gt3A_1872, %gather3A_1890, %broadcast_in_dim3A_1892 : vector<16xf32>
      %add3A_1894 = arith.constant 5 : i32
      %add3A_1895 = vector.broadcast %add3A_1894 : i32 to vector<16xi32>
      %add3A_1896 = arith.addi %broadcast_in_dim3A_1870, %add3A_1895 : vector<16xi32>
      %gather3A_1897 = tpu.vector_load_idx %arg14[%add3A_1896] : memref<256xf32, #tpu.memory_space<vmem>>[vector<16xi32>], vector<16xf32>,
      %jit3A_1898 = arith.constant 0.000000e+00 : f32
      %broadcast_in_dim3A_1899 = vector.broadcast %jit3A_1898 : f32 to vector<16xf32>
      %select_n3A_1900 = arith.select %gt3A_1872, %gather3A_1897, %broadcast_in_dim3A_1899 : vector<16xf32>
      %sub3A_1901 = arith.subf %select_n3A_1893, %select_n3A_1879 : vector<16xf32>
      %sub3A_1902 = arith.subf %select_n3A_1900, %select_n3A_1886 : vector<16xf32>
      %mul3A_1903 = arith.mulf %sub3A_1901, %sub3A_1902 : vector<16xf32>
      %sub3A_1904 = arith.subf %gather3A_1805, %gather3A_1797 : vector<16xf32>
      %sub3A_1905 = arith.subf %gather3A_1809, %gather3A_1801 : vector<16xf32>
      %mul3A_1906 = arith.mulf %sub3A_1904, %sub3A_1905 : vector<16xf32>
      %max3A_1907 = arith.maximumf %gather3A_1797, %select_n3A_1879 : vector<16xf32>
      %max3A_1908 = arith.maximumf %gather3A_1801, %select_n3A_1886 : vector<16xf32>
      %min3A_1909 = arith.minimumf %gather3A_1805, %select_n3A_1893 : vector<16xf32>
      %min3A_1910 = arith.minimumf %gather3A_1809, %select_n3A_1900 : vector<16xf32>
      %sub3A_1911 = arith.subf %min3A_1909, %max3A_1907 : vector<16xf32>
      %max3A_1912 = arith.constant 0.000000e+00 : f32
      %max3A_1913 = vector.broadcast %max3A_1912 : f32 to vector<16xf32>
      %max3A_1914 = arith.maximumf %sub3A_1911, %max3A_1913 : vector<16xf32>
      %sub3A_1915 = arith.subf %min3A_1910, %max3A_1908 : vector<16xf32>
      %max3A_1916 = arith.constant 0.000000e+00 : f32
      %max3A_1917 = vector.broadcast %max3A_1916 : f32 to vector<16xf32>
      %max3A_1918 = arith.maximumf %sub3A_1915, %max3A_1917 : vector<16xf32>
      %mul3A_1919 = arith.mulf %max3A_1914, %max3A_1918 : vector<16xf32>
      %add3A_1920 = arith.addf %mul3A_1903, %mul3A_1906 : vector<16xf32>
      %sub3A_1921 = arith.subf %add3A_1920, %mul3A_1919 : vector<16xf32>
      %add3A_1922 = arith.constant 9.99999997E-7 : f32
      %add3A_1923 = vector.broadcast %add3A_1922 : f32 to vector<16xf32>
      %add3A_1924 = arith.addf %sub3A_1921, %add3A_1923 : vector<16xf32>
      %div3A_1925 = arith.divf %mul3A_1919, %add3A_1924 : vector<16xf32>
      %sub3A_1926 = arith.subf %gather3A_1829, %gather3A_1821 : vector<16xf32>
      %sub3A_1927 = arith.subf %gather3A_1833, %gather3A_1825 : vector<16xf32>
      %mul3A_1928 = arith.mulf %sub3A_1926, %sub3A_1927 : vector<16xf32>
      %max3A_1929 = arith.maximumf %gather3A_1821, %select_n3A_1879 : vector<16xf32>
      %max3A_1930 = arith.maximumf %gather3A_1825, %select_n3A_1886 : vector<16xf32>
      %min3A_1931 = arith.minimumf %gather3A_1829, %select_n3A_1893 : vector<16xf32>
      %min3A_1932 = arith.minimumf %gather3A_1833, %select_n3A_1900 : vector<16xf32>
      %sub3A_1933 = arith.subf %min3A_1931, %max3A_1929 : vector<16xf32>
      %max3A_1934 = arith.constant 0.000000e+00 : f32
      %max3A_1935 = vector.broadcast %max3A_1934 : f32 to vector<16xf32>
      %max3A_1936 = arith.maximumf %sub3A_1933, %max3A_1935 : vector<16xf32>
      %sub3A_1937 = arith.subf %min3A_1932, %max3A_1930 : vector<16xf32>
      %max3A_1938 = arith.constant 0.000000e+00 : f32
      %max3A_1939 = vector.broadcast %max3A_1938 : f32 to vector<16xf32>
      %max3A_1940 = arith.maximumf %sub3A_1937, %max3A_1939 : vector<16xf32>
      %mul3A_1941 = arith.mulf %max3A_1936, %max3A_1940 : vector<16xf32>
      %add3A_1942 = arith.addf %mul3A_1903, %mul3A_1928 : vector<16xf32>
      %sub3A_1943 = arith.subf %add3A_1942, %mul3A_1941 : vector<16xf32>
      %add3A_1944 = arith.constant 9.99999997E-7 : f32
      %add3A_1945 = vector.broadcast %add3A_1944 : f32 to vector<16xf32>
      %add3A_1946 = arith.addf %sub3A_1943, %add3A_1945 : vector<16xf32>
      %div3A_1947 = arith.divf %mul3A_1941, %add3A_1946 : vector<16xf32>
      %gt3A_1948 = arith.constant 5.000000e-01 : f32
      %gt3A_1949 = vector.broadcast %gt3A_1948 : f32 to vector<16xf32>
      %gt3A_1950 = arith.cmpf ogt, %div3A_1925, %gt3A_1949 : vector<16xf32>
      %and3A_1951 = vector.broadcast %gt3A_1872 : i1 to vector<16xi1>
      %and3A_1952 = arith.andi %gt3A_1950, %and3A_1951 : vector<16xi1>
      %gt3A_1953 = arith.constant -1.000000e+30 : f32
      %gt3A_1954 = vector.broadcast %gt3A_1953 : f32 to vector<16xf32>
      %gt3A_1955 = arith.cmpf ogt, %gather3A_1789, %gt3A_1954 : vector<16xf32>
      %and3A_1956 = arith.andi %and3A_1952, %gt3A_1955 : vector<16xi1>
      %gt3A_1957 = arith.constant 5.000000e-01 : f32
      %gt3A_1958 = vector.broadcast %gt3A_1957 : f32 to vector<16xf32>
      %gt3A_1959 = arith.cmpf ogt, %div3A_1947, %gt3A_1958 : vector<16xf32>
      %and3A_1960 = vector.broadcast %gt3A_1872 : i1 to vector<16xi1>
      %and3A_1961 = arith.andi %gt3A_1959, %and3A_1960 : vector<16xi1>
      %gt3A_1962 = arith.constant -1.000000e+30 : f32
      %gt3A_1963 = vector.broadcast %gt3A_1962 : f32 to vector<16xf32>
      %gt3A_1964 = arith.cmpf ogt, %gather3A_1813, %gt3A_1963 : vector<16xf32>
      %and3A_1965 = arith.andi %and3A_1961, %gt3A_1964 : vector<16xi1>
      %and3A_1966 = arith.andi %and3A_1956, %and3A_1965 : vector<16xi1>
      %reduce_or3A = arith.constant 1.000000e+00 : f32
      %reduce_or3A_1967 = arith.constant 0.000000e+00 : f32
      %reduce_or3A_1968 = vector.broadcast %reduce_or3A : f32 to vector<16xf32>
      %reduce_or3A_1969 = vector.broadcast %reduce_or3A_1967 : f32 to vector<16xf32>
      %reduce_or3A_1970 = arith.select %and3A_1966, %reduce_or3A_1968, %reduce_or3A_1969 : vector<16xi1>, vector<16xf32>
      %reduce_or3A_1971 = arith.constant true
      %reduce_or3A_1972 = vector.broadcast %reduce_or3A_1971 : i1 to vector<16xi1>
      %reduce_or3A_1973 = tpu.scan <max>, %reduce_or3A_1970 masked %reduce_or3A_1972 : vector<16xf32>, vector<16xi1> -> vector<16xf32>
      %reduce_or3A_1974 = vector.extract %reduce_or3A_1973[15] : f32 from vector<16xf32>
      %reduce_or3A_1975 = arith.constant 0.000000e+00 : f32
      %reduce_or3A_1976 = arith.cmpf ogt, %reduce_or3A_1974, %reduce_or3A_1975 : f32
      %not3A_1977 = arith.constant true
      %not3A_1978 = arith.xori %reduce_or3A_1976, %not3A_1977 : i1
      %add3A_1979 = arith.constant 1 : i32
      %add3A_1980 = arith.addi %while3A_1672, %add3A_1979 : i32
      %lt3A_1981 = arith.constant 100 : i32
      %lt3A_1982 = arith.cmpi slt, %add3A_1980, %lt3A_1981 : i32
      %and3A_1983 = arith.andi %not3A_1978, %lt3A_1982 : i1
      %jit3A_1984 = arith.constant 0xFF800000 : f32
      %broadcast_in_dim3A_1985 = vector.broadcast %jit3A_1984 : f32 to vector<16xf32>
      %select_n3A_1986 = arith.select %and3A_1965, %broadcast_in_dim3A_1985, %gather3A_1813 : vector<16xi1>, vector<16xf32>
      %select_n3A_1987 = arith.select %and3A_1956, %select_n3A_1986, %gather3A_1789 : vector<16xi1>, vector<16xf32>
      %jit3A_1988 = arith.constant 1.000000e+09 : f32
      %broadcast_in_dim3A_1989 = vector.broadcast %jit3A_1988 : f32 to vector<16xf32>
      %select_n3A_1990 = arith.select %and3A_1965, %broadcast_in_dim3A_1989, %gather3A_1817 : vector<16xi1>, vector<16xf32>
      %select_n3A_1991 = arith.select %and3A_1956, %select_n3A_1990, %gather3A_1793 : vector<16xi1>, vector<16xf32>
      %reduce_max3A_1992 = arith.constant true
      %reduce_max3A_1993 = vector.broadcast %reduce_max3A_1992 : i1 to vector<16xi1>
      %reduce_max3A_1994 = tpu.scan <max>, %select_n3A_1987 masked %reduce_max3A_1993 : vector<16xf32>, vector<16xi1> -> vector<16xf32>
      %reduce_max3A_1995 = vector.extract %reduce_max3A_1994[15] : f32 from vector<16xf32>
      %eq3A_1996 = vector.broadcast %reduce_max3A_1995 : f32 to vector<16xf32>
      %eq3A_1997 = arith.cmpf oeq, %select_n3A_1987, %eq3A_1996 : vector<16xf32>
      %jit3A_1998 = arith.constant 1.000000e+09 : f32
      %broadcast_in_dim3A_1999 = vector.broadcast %jit3A_1998 : f32 to vector<16xf32>
      %select_n3A_2000 = arith.select %eq3A_1997, %select_n3A_1991, %broadcast_in_dim3A_1999 : vector<16xi1>, vector<16xf32>
      %reduce_min3A_2001 = arith.constant true
      %reduce_min3A_2002 = vector.broadcast %reduce_min3A_2001 : i1 to vector<16xi1>
      %reduce_min3A_2003 = tpu.scan <min>, %select_n3A_2000 masked %reduce_min3A_2002 : vector<16xf32>, vector<16xi1> -> vector<16xf32>
      %reduce_min3A_2004 = vector.extract %reduce_min3A_2003[15] : f32 from vector<16xf32>
      %convert_element_type3A_2005 = arith.fptosi %reduce_min3A_2004 : f32 to i32
      %jit3A_2006 = arith.constant 0 : i32
      %jit3A_2007 = arith.constant 5119 : i32
      %max3A_2008 = arith.maxsi %jit3A_2006, %convert_element_type3A_2005 : i32
      %min3A_2009 = arith.minsi %jit3A_2007, %max3A_2008 : i32
      %gt3A_2010 = arith.constant -1.000000e+30 : f32
      %gt3A_2011 = arith.cmpf ogt, %reduce_max3A_1995, %gt3A_2010 : f32
      %jit3A_2012 = arith.constant 320 : i32
      %div3A_2013 = arith.divsi %min3A_2009, %jit3A_2012 : i32
      %sign3A_2014 = arith.constant 0 : i32
      %sign3A_2015 = arith.cmpi sgt, %min3A_2009, %sign3A_2014 : i32
      %sign3A_2016 = arith.extui %sign3A_2015 : i1 to i32
      %sign3A_2017 = arith.constant 0 : i32
      %sign3A_2018 = arith.cmpi slt, %min3A_2009, %sign3A_2017 : i32
      %sign3A_2019 = arith.extui %sign3A_2018 : i1 to i32
      %sign3A_2020 = arith.subi %sign3A_2016, %sign3A_2019 : i32
      %sign3A_2021 = arith.constant 0 : i32
      %sign3A_2022 = arith.cmpi sgt, %jit3A_2012, %sign3A_2021 : i32
      %sign3A_2023 = arith.extui %sign3A_2022 : i1 to i32
      %sign3A_2024 = arith.constant 0 : i32
      %sign3A_2025 = arith.cmpi slt, %jit3A_2012, %sign3A_2024 : i32
      %sign3A_2026 = arith.extui %sign3A_2025 : i1 to i32
      %sign3A_2027 = arith.subi %sign3A_2023, %sign3A_2026 : i32
      %ne3A_2028 = arith.cmpi ne, %sign3A_2020, %sign3A_2027 : i32
      %rem3A_2029 = arith.remsi %min3A_2009, %jit3A_2012 : i32
      %ne3A_2030 = arith.constant 0 : i32
      %ne3A_2031 = arith.cmpi ne, %rem3A_2029, %ne3A_2030 : i32
      %and3A_2032 = arith.andi %ne3A_2028, %ne3A_2031 : i1
      %sub3A_2033 = arith.constant 1 : i32
      %sub3A_2034 = arith.subi %div3A_2013, %sub3A_2033 : i32
      %select_n3A_2035 = arith.select %and3A_2032, %sub3A_2034, %div3A_2013 : i32
      %mul3A_2036 = arith.constant 16 : i32
      %mul3A_2037 = arith.muli %select_n3A_2035, %mul3A_2036 : i32
      %broadcast_in_dim3A_2038 = vector.broadcast %mul3A_2037 : i32 to vector<16xi32>
      %add3A_2039 = arith.constant 1 : i32
      %add3A_2040 = vector.broadcast %add3A_2039 : i32 to vector<16xi32>
      %add3A_2041 = arith.addi %broadcast_in_dim3A_2038, %add3A_2040 : vector<16xi32>
      %gather3A_2042 = tpu.vector_load_idx %arg14[%add3A_2041] : memref<256xf32, #tpu.memory_space<vmem>>[vector<16xi32>], vector<16xf32>,
      %eq3A_2043 = vector.broadcast %reduce_min3A_2004 : f32 to vector<16xf32>
      %eq3A_2044 = arith.cmpf oeq, %gather3A_2042, %eq3A_2043 : vector<16xf32>
      %add3A_2045 = arith.constant 2 : i32
      %add3A_2046 = vector.broadcast %add3A_2045 : i32 to vector<16xi32>
      %add3A_2047 = arith.addi %broadcast_in_dim3A_2038, %add3A_2046 : vector<16xi32>
      %gather3A_2048 = tpu.vector_load_idx %arg14[%add3A_2047] : memref<256xf32, #tpu.memory_space<vmem>>[vector<16xi32>], vector<16xf32>,
      %add3A_2049 = arith.constant 10 : i32
      %add3A_2050 = vector.broadcast %add3A_2049 : i32 to vector<16xi32>
      %add3A_2051 = arith.addi %broadcast_in_dim3A_2038, %add3A_2050 : vector<16xi32>
      %gather3A_2052 = tpu.vector_load_idx %arg14[%add3A_2051] : memref<256xf32, #tpu.memory_space<vmem>>[vector<16xi32>], vector<16xf32>,
      %select_n3A_2053 = arith.select %eq3A_2044, %gather3A_2048, %gather3A_2052 : vector<16xi1>, vector<16xf32>
      %add3A_2054 = arith.constant 3 : i32
      %add3A_2055 = vector.broadcast %add3A_2054 : i32 to vector<16xi32>
      %add3A_2056 = arith.addi %broadcast_in_dim3A_2038, %add3A_2055 : vector<16xi32>
      %gather3A_2057 = tpu.vector_load_idx %arg14[%add3A_2056] : memref<256xf32, #tpu.memory_space<vmem>>[vector<16xi32>], vector<16xf32>,
      %add3A_2058 = arith.constant 11 : i32
      %add3A_2059 = vector.broadcast %add3A_2058 : i32 to vector<16xi32>
      %add3A_2060 = arith.addi %broadcast_in_dim3A_2038, %add3A_2059 : vector<16xi32>
      %gather3A_2061 = tpu.vector_load_idx %arg14[%add3A_2060] : memref<256xf32, #tpu.memory_space<vmem>>[vector<16xi32>], vector<16xf32>,
      %select_n3A_2062 = arith.select %eq3A_2044, %gather3A_2057, %gather3A_2061 : vector<16xi1>, vector<16xf32>
      %add3A_2063 = arith.constant 4 : i32
      %add3A_2064 = vector.broadcast %add3A_2063 : i32 to vector<16xi32>
      %add3A_2065 = arith.addi %broadcast_in_dim3A_2038, %add3A_2064 : vector<16xi32>
      %gather3A_2066 = tpu.vector_load_idx %arg14[%add3A_2065] : memref<256xf32, #tpu.memory_space<vmem>>[vector<16xi32>], vector<16xf32>,
      %add3A_2067 = arith.constant 12 : i32
      %add3A_2068 = vector.broadcast %add3A_2067 : i32 to vector<16xi32>
      %add3A_2069 = arith.addi %broadcast_in_dim3A_2038, %add3A_2068 : vector<16xi32>
      %gather3A_2070 = tpu.vector_load_idx %arg14[%add3A_2069] : memref<256xf32, #tpu.memory_space<vmem>>[vector<16xi32>], vector<16xf32>,
      %select_n3A_2071 = arith.select %eq3A_2044, %gather3A_2066, %gather3A_2070 : vector<16xi1>, vector<16xf32>
      %add3A_2072 = arith.constant 5 : i32
      %add3A_2073 = vector.broadcast %add3A_2072 : i32 to vector<16xi32>
      %add3A_2074 = arith.addi %broadcast_in_dim3A_2038, %add3A_2073 : vector<16xi32>
      %gather3A_2075 = tpu.vector_load_idx %arg14[%add3A_2074] : memref<256xf32, #tpu.memory_space<vmem>>[vector<16xi32>], vector<16xf32>,
      %add3A_2076 = arith.constant 13 : i32
      %add3A_2077 = vector.broadcast %add3A_2076 : i32 to vector<16xi32>
      %add3A_2078 = arith.addi %broadcast_in_dim3A_2038, %add3A_2077 : vector<16xi32>
      %gather3A_2079 = tpu.vector_load_idx %arg14[%add3A_2078] : memref<256xf32, #tpu.memory_space<vmem>>[vector<16xi32>], vector<16xf32>,
      %select_n3A_2080 = arith.select %eq3A_2044, %gather3A_2075, %gather3A_2079 : vector<16xi1>, vector<16xf32>
      %and3A_2081 = arith.andi %gt3A_2011, %and3A_1983 : i1
      %jit3A_2082 = arith.constant 0.000000e+00 : f32
      %broadcast_in_dim3A_2083 = vector.broadcast %jit3A_2082 : f32 to vector<16xf32>
      %select_n3A_2084 = arith.select %and3A_2081, %select_n3A_2053, %broadcast_in_dim3A_2083 : vector<16xf32>
      %jit3A_2085 = arith.constant 0.000000e+00 : f32
      %broadcast_in_dim3A_2086 = vector.broadcast %jit3A_2085 : f32 to vector<16xf32>
      %select_n3A_2087 = arith.select %and3A_2081, %select_n3A_2062, %broadcast_in_dim3A_2086 : vector<16xf32>
      %jit3A_2088 = arith.constant 0.000000e+00 : f32
      %broadcast_in_dim3A_2089 = vector.broadcast %jit3A_2088 : f32 to vector<16xf32>
      %select_n3A_2090 = arith.select %and3A_2081, %select_n3A_2071, %broadcast_in_dim3A_2089 : vector<16xf32>
      %jit3A_2091 = arith.constant 0.000000e+00 : f32
      %broadcast_in_dim3A_2092 = vector.broadcast %jit3A_2091 : f32 to vector<16xf32>
      %select_n3A_2093 = arith.select %and3A_2081, %select_n3A_2080, %broadcast_in_dim3A_2092 : vector<16xf32>
      %sub3A_2094 = arith.subf %select_n3A_2090, %select_n3A_2084 : vector<16xf32>
      %sub3A_2095 = arith.subf %select_n3A_2093, %select_n3A_2087 : vector<16xf32>
      %mul3A_2096 = arith.mulf %sub3A_2094, %sub3A_2095 : vector<16xf32>
      %sub3A_2097 = arith.subi %convert_element_type3A_1847, %mul3A_0 : i32
      %ge3A = arith.constant 0 : i32
      %ge3A_2098 = arith.cmpi sge, %sub3A_2097, %ge3A : i32
      %lt3A_2099 = arith.constant 320 : i32
      %lt3A_2100 = arith.cmpi slt, %sub3A_2097, %lt3A_2099 : i32
      %and3A_2101 = arith.andi %ge3A_2098, %lt3A_2100 : i1
      %jit3A_2102 = arith.constant 0 : i32
      %jit3A_2103 = arith.constant 319 : i32
      %max3A_2104 = arith.maxsi %jit3A_2102, %sub3A_2097 : i32
      %min3A_2105 = arith.minsi %jit3A_2103, %max3A_2104 : i32
      %broadcast_in_dim3A_2106 = vector.broadcast %min3A_2105 : i32 to vector<16xi32>
      %jit3A_2107 = arith.constant 0.000000e+00 : f32
      %select_n3A_2108 = arith.select %gt3A_1872, %reduce_max3A_1837, %jit3A_2107 : f32
      %broadcast_in_dim3A_2109 = vector.broadcast %select_n3A_2108 : f32 to vector<16xf32>
      %eq3A_2110 = arith.constant 0 : i32
      %eq3A_2111 = vector.broadcast %eq3A_2110 : i32 to vector<16xi32>
      %eq3A_2112 = arith.cmpi eq, %iota3A, %eq3A_2111 : vector<16xi32>
      %and3A_2113 = vector.broadcast %and3A_2101 : i1 to vector<16xi1>
      %and3A_2114 = arith.andi %eq3A_2112, %and3A_2113 : vector<16xi1>
      tpu.vector_store_idx %arg12[%broadcast_in_dim3A_2106], %broadcast_in_dim3A_2109 masked %and3A_2114 : memref<320xf32, #tpu.memory_space<vmem>>[vector<16xi32>], vector<16xf32>, vector<16xi1>
      %sub3A_2115 = arith.subi %min3A_2009, %mul3A_0 : i32
      %ge3A_2116 = arith.constant 0 : i32
      %ge3A_2117 = arith.cmpi sge, %sub3A_2115, %ge3A_2116 : i32
      %lt3A_2118 = arith.constant 320 : i32
      %lt3A_2119 = arith.cmpi slt, %sub3A_2115, %lt3A_2118 : i32
      %and3A_2120 = arith.andi %ge3A_2117, %lt3A_2119 : i1
      %jit3A_2121 = arith.constant 0 : i32
      %jit3A_2122 = arith.constant 319 : i32
      %max3A_2123 = arith.maxsi %jit3A_2121, %sub3A_2115 : i32
      %min3A_2124 = arith.minsi %jit3A_2122, %max3A_2123 : i32
      %broadcast_in_dim3A_2125 = vector.broadcast %min3A_2124 : i32 to vector<16xi32>
      %jit3A_2126 = arith.constant 0.000000e+00 : f32
      %select_n3A_2127 = arith.select %gt3A_2011, %reduce_max3A_1995, %jit3A_2126 : f32
      %broadcast_in_dim3A_2128 = vector.broadcast %select_n3A_2127 : f32 to vector<16xf32>
      %eq3A_2129 = arith.constant 0 : i32
      %eq3A_2130 = vector.broadcast %eq3A_2129 : i32 to vector<16xi32>
      %eq3A_2131 = arith.cmpi eq, %iota3A, %eq3A_2130 : vector<16xi32>
      %and3A_2132 = vector.broadcast %and3A_2120 : i1 to vector<16xi1>
      %and3A_2133 = arith.andi %eq3A_2131, %and3A_2132 : vector<16xi1>
      %and3A_2134 = vector.broadcast %and3A_1983 : i1 to vector<16xi1>
      %and3A_2135 = arith.andi %and3A_2133, %and3A_2134 : vector<16xi1>
      tpu.vector_store_idx %arg12[%broadcast_in_dim3A_2125], %broadcast_in_dim3A_2128 masked %and3A_2135 : memref<320xf32, #tpu.memory_space<vmem>>[vector<16xi32>], vector<16xf32>, vector<16xi1>
      %add3A_2136 = vector.broadcast %convert_element_type3A : f32 to vector<16xf32>
      %add3A_2137 = arith.addf %add3A_2136, %convert_element_type3A_1 : vector<16xf32>
      %add3A_2138 = vector.broadcast %convert_element_type3A : f32 to vector<16xf32>
      %add3A_2139 = arith.addf %add3A_2138, %convert_element_type3A_1 : vector<16xf32>
      %get3A_2140 = arith.constant 0 : index
      %get3A_2141 = tpu.vector_load %arg6[%get3A_2140] {strides = array<i32>} : memref<320xf32, #tpu.memory_space<vmem>>, vector<16xf32>,
      %get3A_2142 = arith.constant 0 : index
      %get3A_2143 = tpu.vector_load %arg7[%get3A_2142] {strides = array<i32>} : memref<320xf32, #tpu.memory_space<vmem>>, vector<16xf32>,
      %get3A_2144 = arith.constant 0 : index
      %get3A_2145 = tpu.vector_load %arg8[%get3A_2144] {strides = array<i32>} : memref<320xf32, #tpu.memory_space<vmem>>, vector<16xf32>,
      %get3A_2146 = arith.constant 0 : index
      %get3A_2147 = tpu.vector_load %arg9[%get3A_2146] {strides = array<i32>} : memref<320xf32, #tpu.memory_space<vmem>>, vector<16xf32>,
      %get3A_2148 = arith.constant 0 : index
      %get3A_2149 = tpu.vector_load %arg11[%get3A_2148] {strides = array<i32>} : memref<320xf32, #tpu.memory_space<vmem>>, vector<16xf32>,
      %max3A_2150 = arith.maximumf %get3A_2141, %select_n3A_1879 : vector<16xf32>
      %max3A_2151 = arith.maximumf %get3A_2143, %select_n3A_1886 : vector<16xf32>
      %min3A_2152 = arith.minimumf %get3A_2145, %select_n3A_1893 : vector<16xf32>
      %min3A_2153 = arith.minimumf %get3A_2147, %select_n3A_1900 : vector<16xf32>
      %sub3A_2154 = arith.subf %min3A_2152, %max3A_2150 : vector<16xf32>
      %max3A_2155 = arith.constant 0.000000e+00 : f32
      %max3A_2156 = vector.broadcast %max3A_2155 : f32 to vector<16xf32>
      %max3A_2157 = arith.maximumf %sub3A_2154, %max3A_2156 : vector<16xf32>
      %sub3A_2158 = arith.subf %min3A_2153, %max3A_2151 : vector<16xf32>
      %max3A_2159 = arith.constant 0.000000e+00 : f32
      %max3A_2160 = vector.broadcast %max3A_2159 : f32 to vector<16xf32>
      %max3A_2161 = arith.maximumf %sub3A_2158, %max3A_2160 : vector<16xf32>
      %mul3A_2162 = arith.mulf %max3A_2157, %max3A_2161 : vector<16xf32>
      %add3A_2163 = arith.addf %mul3A_1903, %get3A_2149 : vector<16xf32>
      %sub3A_2164 = arith.subf %add3A_2163, %mul3A_2162 : vector<16xf32>
      %add3A_2165 = arith.constant 9.99999997E-7 : f32
      %add3A_2166 = vector.broadcast %add3A_2165 : f32 to vector<16xf32>
      %add3A_2167 = arith.addf %sub3A_2164, %add3A_2166 : vector<16xf32>
      %div3A_2168 = arith.divf %mul3A_2162, %add3A_2167 : vector<16xf32>
      %max3A_2169 = arith.maximumf %get3A_2141, %select_n3A_2084 : vector<16xf32>
      %max3A_2170 = arith.maximumf %get3A_2143, %select_n3A_2087 : vector<16xf32>
      %min3A_2171 = arith.minimumf %get3A_2145, %select_n3A_2090 : vector<16xf32>
      %min3A_2172 = arith.minimumf %get3A_2147, %select_n3A_2093 : vector<16xf32>
      %sub3A_2173 = arith.subf %min3A_2171, %max3A_2169 : vector<16xf32>
      %max3A_2174 = arith.constant 0.000000e+00 : f32
      %max3A_2175 = vector.broadcast %max3A_2174 : f32 to vector<16xf32>
      %max3A_2176 = arith.maximumf %sub3A_2173, %max3A_2175 : vector<16xf32>
      %sub3A_2177 = arith.subf %min3A_2172, %max3A_2170 : vector<16xf32>
      %max3A_2178 = arith.constant 0.000000e+00 : f32
      %max3A_2179 = vector.broadcast %max3A_2178 : f32 to vector<16xf32>
      %max3A_2180 = arith.maximumf %sub3A_2177, %max3A_2179 : vector<16xf32>
      %mul3A_2181 = arith.mulf %max3A_2176, %max3A_2180 : vector<16xf32>
      %add3A_2182 = arith.addf %mul3A_2096, %get3A_2149 : vector<16xf32>
      %sub3A_2183 = arith.subf %add3A_2182, %mul3A_2181 : vector<16xf32>
      %add3A_2184 = arith.constant 9.99999997E-7 : f32
      %add3A_2185 = vector.broadcast %add3A_2184 : f32 to vector<16xf32>
      %add3A_2186 = arith.addf %sub3A_2183, %add3A_2185 : vector<16xf32>
      %div3A_2187 = arith.divf %mul3A_2181, %add3A_2186 : vector<16xf32>
      %gt3A_2188 = arith.constant 5.000000e-01 : f32
      %gt3A_2189 = vector.broadcast %gt3A_2188 : f32 to vector<16xf32>
      %gt3A_2190 = arith.cmpf ogt, %div3A_2168, %gt3A_2189 : vector<16xf32>
      %gt3A_2191 = arith.constant 5.000000e-01 : f32
      %gt3A_2192 = vector.broadcast %gt3A_2191 : f32 to vector<16xf32>
      %gt3A_2193 = arith.cmpf ogt, %div3A_2187, %gt3A_2192 : vector<16xf32>
      %or3A = arith.ori %gt3A_2190, %gt3A_2193 : vector<16xi1>
      %get3A_2194 = arith.constant 0 : index
      %get3A_2195 = tpu.vector_load %arg10[%get3A_2194] {strides = array<i32>} : memref<320xf32, #tpu.memory_space<vmem>>, vector<16xf32>,
      %jit3A_2196 = arith.constant 0xFF800000 : f32
      %broadcast_in_dim3A_2197 = vector.broadcast %jit3A_2196 : f32 to vector<16xf32>
      %select_n3A_2198 = arith.select %or3A, %broadcast_in_dim3A_2197, %get3A_2195 : vector<16xi1>, vector<16xf32>
      %swap3A_2199 = arith.constant 0 : index
      %swap3A_2200 = tpu.vector_load %arg10[%swap3A_2199] {strides = array<i32>} : memref<320xf32, #tpu.memory_space<vmem>>, vector<16xf32>,
      tpu.vector_store %arg10[%swap3A_2199], %select_n3A_2198 {strides = array<i32>} : memref<320xf32, #tpu.memory_space<vmem>>, vector<16xf32>,
      %add3A_2201 = arith.constant 0.000000e+00 : f32
      %add3A_2202 = arith.addf %convert_element_type3A, %add3A_2201 : f32
      %add3A_2203 = vector.broadcast %add3A_2202 : f32 to vector<16xf32>
      %add3A_2204 = arith.addf %add3A_2203, %convert_element_type3A_1 : vector<16xf32>
      %gt3A_2205 = arith.cmpf ogt, %select_n3A_2198, %broadcast_in_dim3A_4 : vector<16xf32>
      %gt3A_2206 = arith.cmpf ogt, %select_n3A_2198, %broadcast_in_dim3A_4 : vector<16xf32>
      %not3A_2207 = arith.constant dense<true> : vector<16xi1>
      %not3A_2208 = arith.xori %gt3A_2205, %not3A_2207 : vector<16xi1>
      %and3A_2209 = arith.andi %gt3A_2206, %not3A_2208 : vector<16xi1>
      %select_n3A_2210 = arith.select %and3A_2209, %select_n3A_2198, %broadcast_in_dim3A_4 : vector<16xi1>, vector<16xf32>
      %select_n3A_2211 = arith.select %gt3A_2205, %broadcast_in_dim3A_4, %select_n3A_2210 : vector<16xi1>, vector<16xf32>
      %select_n3A_2212 = arith.select %and3A_2209, %add3A_2204, %add3A_2139 : vector<16xi1>, vector<16xf32>
      %select_n3A_2213 = arith.select %gt3A_2205, %add3A_2137, %select_n3A_2212 : vector<16xi1>, vector<16xf32>
      %select_n3A_2214 = arith.select %gt3A_2205, %select_n3A_2198, %broadcast_in_dim3A_4 : vector<16xi1>, vector<16xf32>
      %select_n3A_2215 = arith.select %gt3A_2205, %add3A_2204, %add3A_2137 : vector<16xi1>, vector<16xf32>
      %get3A_2216 = arith.constant 16 : index
      %get3A_2217 = tpu.vector_load %arg6[%get3A_2216] {strides = array<i32>} : memref<320xf32, #tpu.memory_space<vmem>>, vector<16xf32>,
      %get3A_2218 = arith.constant 16 : index
      %get3A_2219 = tpu.vector_load %arg7[%get3A_2218] {strides = array<i32>} : memref<320xf32, #tpu.memory_space<vmem>>, vector<16xf32>,
      %get3A_2220 = arith.constant 16 : index
      %get3A_2221 = tpu.vector_load %arg8[%get3A_2220] {strides = array<i32>} : memref<320xf32, #tpu.memory_space<vmem>>, vector<16xf32>,
      %get3A_2222 = arith.constant 16 : index
      %get3A_2223 = tpu.vector_load %arg9[%get3A_2222] {strides = array<i32>} : memref<320xf32, #tpu.memory_space<vmem>>, vector<16xf32>,
      %get3A_2224 = arith.constant 16 : index
      %get3A_2225 = tpu.vector_load %arg11[%get3A_2224] {strides = array<i32>} : memref<320xf32, #tpu.memory_space<vmem>>, vector<16xf32>,
      %max3A_2226 = arith.maximumf %get3A_2217, %select_n3A_1879 : vector<16xf32>
      %max3A_2227 = arith.maximumf %get3A_2219, %select_n3A_1886 : vector<16xf32>
      %min3A_2228 = arith.minimumf %get3A_2221, %select_n3A_1893 : vector<16xf32>
      %min3A_2229 = arith.minimumf %get3A_2223, %select_n3A_1900 : vector<16xf32>
      %sub3A_2230 = arith.subf %min3A_2228, %max3A_2226 : vector<16xf32>
      %max3A_2231 = arith.constant 0.000000e+00 : f32
      %max3A_2232 = vector.broadcast %max3A_2231 : f32 to vector<16xf32>
      %max3A_2233 = arith.maximumf %sub3A_2230, %max3A_2232 : vector<16xf32>
      %sub3A_2234 = arith.subf %min3A_2229, %max3A_2227 : vector<16xf32>
      %max3A_2235 = arith.constant 0.000000e+00 : f32
      %max3A_2236 = vector.broadcast %max3A_2235 : f32 to vector<16xf32>
      %max3A_2237 = arith.maximumf %sub3A_2234, %max3A_2236 : vector<16xf32>
      %mul3A_2238 = arith.mulf %max3A_2233, %max3A_2237 : vector<16xf32>
      %add3A_2239 = arith.addf %mul3A_1903, %get3A_2225 : vector<16xf32>
      %sub3A_2240 = arith.subf %add3A_2239, %mul3A_2238 : vector<16xf32>
      %add3A_2241 = arith.constant 9.99999997E-7 : f32
      %add3A_2242 = vector.broadcast %add3A_2241 : f32 to vector<16xf32>
      %add3A_2243 = arith.addf %sub3A_2240, %add3A_2242 : vector<16xf32>
      %div3A_2244 = arith.divf %mul3A_2238, %add3A_2243 : vector<16xf32>
      %max3A_2245 = arith.maximumf %get3A_2217, %select_n3A_2084 : vector<16xf32>
      %max3A_2246 = arith.maximumf %get3A_2219, %select_n3A_2087 : vector<16xf32>
      %min3A_2247 = arith.minimumf %get3A_2221, %select_n3A_2090 : vector<16xf32>
      %min3A_2248 = arith.minimumf %get3A_2223, %select_n3A_2093 : vector<16xf32>
      %sub3A_2249 = arith.subf %min3A_2247, %max3A_2245 : vector<16xf32>
      %max3A_2250 = arith.constant 0.000000e+00 : f32
      %max3A_2251 = vector.broadcast %max3A_2250 : f32 to vector<16xf32>
      %max3A_2252 = arith.maximumf %sub3A_2249, %max3A_2251 : vector<16xf32>
      %sub3A_2253 = arith.subf %min3A_2248, %max3A_2246 : vector<16xf32>
      %max3A_2254 = arith.constant 0.000000e+00 : f32
      %max3A_2255 = vector.broadcast %max3A_2254 : f32 to vector<16xf32>
      %max3A_2256 = arith.maximumf %sub3A_2253, %max3A_2255 : vector<16xf32>
      %mul3A_2257 = arith.mulf %max3A_2252, %max3A_2256 : vector<16xf32>
      %add3A_2258 = arith.addf %mul3A_2096, %get3A_2225 : vector<16xf32>
      %sub3A_2259 = arith.subf %add3A_2258, %mul3A_2257 : vector<16xf32>
      %add3A_2260 = arith.constant 9.99999997E-7 : f32
      %add3A_2261 = vector.broadcast %add3A_2260 : f32 to vector<16xf32>
      %add3A_2262 = arith.addf %sub3A_2259, %add3A_2261 : vector<16xf32>
      %div3A_2263 = arith.divf %mul3A_2257, %add3A_2262 : vector<16xf32>
      %gt3A_2264 = arith.constant 5.000000e-01 : f32
      %gt3A_2265 = vector.broadcast %gt3A_2264 : f32 to vector<16xf32>
      %gt3A_2266 = arith.cmpf ogt, %div3A_2244, %gt3A_2265 : vector<16xf32>
      %gt3A_2267 = arith.constant 5.000000e-01 : f32
      %gt3A_2268 = vector.broadcast %gt3A_2267 : f32 to vector<16xf32>
      %gt3A_2269 = arith.cmpf ogt, %div3A_2263, %gt3A_2268 : vector<16xf32>
      %or3A_2270 = arith.ori %gt3A_2266, %gt3A_2269 : vector<16xi1>
      %get3A_2271 = arith.constant 16 : index
      %get3A_2272 = tpu.vector_load %arg10[%get3A_2271] {strides = array<i32>} : memref<320xf32, #tpu.memory_space<vmem>>, vector<16xf32>,
      %jit3A_2273 = arith.constant 0xFF800000 : f32
      %broadcast_in_dim3A_2274 = vector.broadcast %jit3A_2273 : f32 to vector<16xf32>
      %select_n3A_2275 = arith.select %or3A_2270, %broadcast_in_dim3A_2274, %get3A_2272 : vector<16xi1>, vector<16xf32>
      %swap3A_2276 = arith.constant 16 : index
      %swap3A_2277 = tpu.vector_load %arg10[%swap3A_2276] {strides = array<i32>} : memref<320xf32, #tpu.memory_space<vmem>>, vector<16xf32>,
      tpu.vector_store %arg10[%swap3A_2276], %select_n3A_2275 {strides = array<i32>} : memref<320xf32, #tpu.memory_space<vmem>>, vector<16xf32>,
      %add3A_2278 = arith.constant 1.600000e+01 : f32
      %add3A_2279 = arith.addf %convert_element_type3A, %add3A_2278 : f32
      %add3A_2280 = vector.broadcast %add3A_2279 : f32 to vector<16xf32>
      %add3A_2281 = arith.addf %add3A_2280, %convert_element_type3A_1 : vector<16xf32>
      %gt3A_2282 = arith.cmpf ogt, %select_n3A_2275, %select_n3A_2214 : vector<16xf32>
      %gt3A_2283 = arith.cmpf ogt, %select_n3A_2275, %select_n3A_2211 : vector<16xf32>
      %not3A_2284 = arith.constant dense<true> : vector<16xi1>
      %not3A_2285 = arith.xori %gt3A_2282, %not3A_2284 : vector<16xi1>
      %and3A_2286 = arith.andi %gt3A_2283, %not3A_2285 : vector<16xi1>
      %select_n3A_2287 = arith.select %and3A_2286, %select_n3A_2275, %select_n3A_2211 : vector<16xi1>, vector<16xf32>
      %select_n3A_2288 = arith.select %gt3A_2282, %select_n3A_2214, %select_n3A_2287 : vector<16xi1>, vector<16xf32>
      %select_n3A_2289 = arith.select %and3A_2286, %add3A_2281, %select_n3A_2213 : vector<16xi1>, vector<16xf32>
      %select_n3A_2290 = arith.select %gt3A_2282, %select_n3A_2215, %select_n3A_2289 : vector<16xi1>, vector<16xf32>
      %select_n3A_2291 = arith.select %gt3A_2282, %select_n3A_2275, %select_n3A_2214 : vector<16xi1>, vector<16xf32>
      %select_n3A_2292 = arith.select %gt3A_2282, %add3A_2281, %select_n3A_2215 : vector<16xi1>, vector<16xf32>
      %get3A_2293 = arith.constant 32 : index
      %get3A_2294 = tpu.vector_load %arg6[%get3A_2293] {strides = array<i32>} : memref<320xf32, #tpu.memory_space<vmem>>, vector<16xf32>,
      %get3A_2295 = arith.constant 32 : index
      %get3A_2296 = tpu.vector_load %arg7[%get3A_2295] {strides = array<i32>} : memref<320xf32, #tpu.memory_space<vmem>>, vector<16xf32>,
      %get3A_2297 = arith.constant 32 : index
      %get3A_2298 = tpu.vector_load %arg8[%get3A_2297] {strides = array<i32>} : memref<320xf32, #tpu.memory_space<vmem>>, vector<16xf32>,
      %get3A_2299 = arith.constant 32 : index
      %get3A_2300 = tpu.vector_load %arg9[%get3A_2299] {strides = array<i32>} : memref<320xf32, #tpu.memory_space<vmem>>, vector<16xf32>,
      %get3A_2301 = arith.constant 32 : index
      %get3A_2302 = tpu.vector_load %arg11[%get3A_2301] {strides = array<i32>} : memref<320xf32, #tpu.memory_space<vmem>>, vector<16xf32>,
      %max3A_2303 = arith.maximumf %get3A_2294, %select_n3A_1879 : vector<16xf32>
      %max3A_2304 = arith.maximumf %get3A_2296, %select_n3A_1886 : vector<16xf32>
      %min3A_2305 = arith.minimumf %get3A_2298, %select_n3A_1893 : vector<16xf32>
      %min3A_2306 = arith.minimumf %get3A_2300, %select_n3A_1900 : vector<16xf32>
      %sub3A_2307 = arith.subf %min3A_2305, %max3A_2303 : vector<16xf32>
      %max3A_2308 = arith.constant 0.000000e+00 : f32
      %max3A_2309 = vector.broadcast %max3A_2308 : f32 to vector<16xf32>
      %max3A_2310 = arith.maximumf %sub3A_2307, %max3A_2309 : vector<16xf32>
      %sub3A_2311 = arith.subf %min3A_2306, %max3A_2304 : vector<16xf32>
      %max3A_2312 = arith.constant 0.000000e+00 : f32
      %max3A_2313 = vector.broadcast %max3A_2312 : f32 to vector<16xf32>
      %max3A_2314 = arith.maximumf %sub3A_2311, %max3A_2313 : vector<16xf32>
      %mul3A_2315 = arith.mulf %max3A_2310, %max3A_2314 : vector<16xf32>
      %add3A_2316 = arith.addf %mul3A_1903, %get3A_2302 : vector<16xf32>
      %sub3A_2317 = arith.subf %add3A_2316, %mul3A_2315 : vector<16xf32>
      %add3A_2318 = arith.constant 9.99999997E-7 : f32
      %add3A_2319 = vector.broadcast %add3A_2318 : f32 to vector<16xf32>
      %add3A_2320 = arith.addf %sub3A_2317, %add3A_2319 : vector<16xf32>
      %div3A_2321 = arith.divf %mul3A_2315, %add3A_2320 : vector<16xf32>
      %max3A_2322 = arith.maximumf %get3A_2294, %select_n3A_2084 : vector<16xf32>
      %max3A_2323 = arith.maximumf %get3A_2296, %select_n3A_2087 : vector<16xf32>
      %min3A_2324 = arith.minimumf %get3A_2298, %select_n3A_2090 : vector<16xf32>
      %min3A_2325 = arith.minimumf %get3A_2300, %select_n3A_2093 : vector<16xf32>
      %sub3A_2326 = arith.subf %min3A_2324, %max3A_2322 : vector<16xf32>
      %max3A_2327 = arith.constant 0.000000e+00 : f32
      %max3A_2328 = vector.broadcast %max3A_2327 : f32 to vector<16xf32>
      %max3A_2329 = arith.maximumf %sub3A_2326, %max3A_2328 : vector<16xf32>
      %sub3A_2330 = arith.subf %min3A_2325, %max3A_2323 : vector<16xf32>
      %max3A_2331 = arith.constant 0.000000e+00 : f32
      %max3A_2332 = vector.broadcast %max3A_2331 : f32 to vector<16xf32>
      %max3A_2333 = arith.maximumf %sub3A_2330, %max3A_2332 : vector<16xf32>
      %mul3A_2334 = arith.mulf %max3A_2329, %max3A_2333 : vector<16xf32>
      %add3A_2335 = arith.addf %mul3A_2096, %get3A_2302 : vector<16xf32>
      %sub3A_2336 = arith.subf %add3A_2335, %mul3A_2334 : vector<16xf32>
      %add3A_2337 = arith.constant 9.99999997E-7 : f32
      %add3A_2338 = vector.broadcast %add3A_2337 : f32 to vector<16xf32>
      %add3A_2339 = arith.addf %sub3A_2336, %add3A_2338 : vector<16xf32>
      %div3A_2340 = arith.divf %mul3A_2334, %add3A_2339 : vector<16xf32>
      %gt3A_2341 = arith.constant 5.000000e-01 : f32
      %gt3A_2342 = vector.broadcast %gt3A_2341 : f32 to vector<16xf32>
      %gt3A_2343 = arith.cmpf ogt, %div3A_2321, %gt3A_2342 : vector<16xf32>
      %gt3A_2344 = arith.constant 5.000000e-01 : f32
      %gt3A_2345 = vector.broadcast %gt3A_2344 : f32 to vector<16xf32>
      %gt3A_2346 = arith.cmpf ogt, %div3A_2340, %gt3A_2345 : vector<16xf32>
      %or3A_2347 = arith.ori %gt3A_2343, %gt3A_2346 : vector<16xi1>
      %get3A_2348 = arith.constant 32 : index
      %get3A_2349 = tpu.vector_load %arg10[%get3A_2348] {strides = array<i32>} : memref<320xf32, #tpu.memory_space<vmem>>, vector<16xf32>,
      %jit3A_2350 = arith.constant 0xFF800000 : f32
      %broadcast_in_dim3A_2351 = vector.broadcast %jit3A_2350 : f32 to vector<16xf32>
      %select_n3A_2352 = arith.select %or3A_2347, %broadcast_in_dim3A_2351, %get3A_2349 : vector<16xi1>, vector<16xf32>
      %swap3A_2353 = arith.constant 32 : index
      %swap3A_2354 = tpu.vector_load %arg10[%swap3A_2353] {strides = array<i32>} : memref<320xf32, #tpu.memory_space<vmem>>, vector<16xf32>,
      tpu.vector_store %arg10[%swap3A_2353], %select_n3A_2352 {strides = array<i32>} : memref<320xf32, #tpu.memory_space<vmem>>, vector<16xf32>,
      %add3A_2355 = arith.constant 3.200000e+01 : f32
      %add3A_2356 = arith.addf %convert_element_type3A, %add3A_2355 : f32
      %add3A_2357 = vector.broadcast %add3A_2356 : f32 to vector<16xf32>
      %add3A_2358 = arith.addf %add3A_2357, %convert_element_type3A_1 : vector<16xf32>
      %gt3A_2359 = arith.cmpf ogt, %select_n3A_2352, %select_n3A_2291 : vector<16xf32>
      %gt3A_2360 = arith.cmpf ogt, %select_n3A_2352, %select_n3A_2288 : vector<16xf32>
      %not3A_2361 = arith.constant dense<true> : vector<16xi1>
      %not3A_2362 = arith.xori %gt3A_2359, %not3A_2361 : vector<16xi1>
      %and3A_2363 = arith.andi %gt3A_2360, %not3A_2362 : vector<16xi1>
      %select_n3A_2364 = arith.select %and3A_2363, %select_n3A_2352, %select_n3A_2288 : vector<16xi1>, vector<16xf32>
      %select_n3A_2365 = arith.select %gt3A_2359, %select_n3A_2291, %select_n3A_2364 : vector<16xi1>, vector<16xf32>
      %select_n3A_2366 = arith.select %and3A_2363, %add3A_2358, %select_n3A_2290 : vector<16xi1>, vector<16xf32>
      %select_n3A_2367 = arith.select %gt3A_2359, %select_n3A_2292, %select_n3A_2366 : vector<16xi1>, vector<16xf32>
      %select_n3A_2368 = arith.select %gt3A_2359, %select_n3A_2352, %select_n3A_2291 : vector<16xi1>, vector<16xf32>
      %select_n3A_2369 = arith.select %gt3A_2359, %add3A_2358, %select_n3A_2292 : vector<16xi1>, vector<16xf32>
      %get3A_2370 = arith.constant 48 : index
      %get3A_2371 = tpu.vector_load %arg6[%get3A_2370] {strides = array<i32>} : memref<320xf32, #tpu.memory_space<vmem>>, vector<16xf32>,
      %get3A_2372 = arith.constant 48 : index
      %get3A_2373 = tpu.vector_load %arg7[%get3A_2372] {strides = array<i32>} : memref<320xf32, #tpu.memory_space<vmem>>, vector<16xf32>,
      %get3A_2374 = arith.constant 48 : index
      %get3A_2375 = tpu.vector_load %arg8[%get3A_2374] {strides = array<i32>} : memref<320xf32, #tpu.memory_space<vmem>>, vector<16xf32>,
      %get3A_2376 = arith.constant 48 : index
      %get3A_2377 = tpu.vector_load %arg9[%get3A_2376] {strides = array<i32>} : memref<320xf32, #tpu.memory_space<vmem>>, vector<16xf32>,
      %get3A_2378 = arith.constant 48 : index
      %get3A_2379 = tpu.vector_load %arg11[%get3A_2378] {strides = array<i32>} : memref<320xf32, #tpu.memory_space<vmem>>, vector<16xf32>,
      %max3A_2380 = arith.maximumf %get3A_2371, %select_n3A_1879 : vector<16xf32>
      %max3A_2381 = arith.maximumf %get3A_2373, %select_n3A_1886 : vector<16xf32>
      %min3A_2382 = arith.minimumf %get3A_2375, %select_n3A_1893 : vector<16xf32>
      %min3A_2383 = arith.minimumf %get3A_2377, %select_n3A_1900 : vector<16xf32>
      %sub3A_2384 = arith.subf %min3A_2382, %max3A_2380 : vector<16xf32>
      %max3A_2385 = arith.constant 0.000000e+00 : f32
      %max3A_2386 = vector.broadcast %max3A_2385 : f32 to vector<16xf32>
      %max3A_2387 = arith.maximumf %sub3A_2384, %max3A_2386 : vector<16xf32>
      %sub3A_2388 = arith.subf %min3A_2383, %max3A_2381 : vector<16xf32>
      %max3A_2389 = arith.constant 0.000000e+00 : f32
      %max3A_2390 = vector.broadcast %max3A_2389 : f32 to vector<16xf32>
      %max3A_2391 = arith.maximumf %sub3A_2388, %max3A_2390 : vector<16xf32>
      %mul3A_2392 = arith.mulf %max3A_2387, %max3A_2391 : vector<16xf32>
      %add3A_2393 = arith.addf %mul3A_1903, %get3A_2379 : vector<16xf32>
      %sub3A_2394 = arith.subf %add3A_2393, %mul3A_2392 : vector<16xf32>
      %add3A_2395 = arith.constant 9.99999997E-7 : f32
      %add3A_2396 = vector.broadcast %add3A_2395 : f32 to vector<16xf32>
      %add3A_2397 = arith.addf %sub3A_2394, %add3A_2396 : vector<16xf32>
      %div3A_2398 = arith.divf %mul3A_2392, %add3A_2397 : vector<16xf32>
      %max3A_2399 = arith.maximumf %get3A_2371, %select_n3A_2084 : vector<16xf32>
      %max3A_2400 = arith.maximumf %get3A_2373, %select_n3A_2087 : vector<16xf32>
      %min3A_2401 = arith.minimumf %get3A_2375, %select_n3A_2090 : vector<16xf32>
      %min3A_2402 = arith.minimumf %get3A_2377, %select_n3A_2093 : vector<16xf32>
      %sub3A_2403 = arith.subf %min3A_2401, %max3A_2399 : vector<16xf32>
      %max3A_2404 = arith.constant 0.000000e+00 : f32
      %max3A_2405 = vector.broadcast %max3A_2404 : f32 to vector<16xf32>
      %max3A_2406 = arith.maximumf %sub3A_2403, %max3A_2405 : vector<16xf32>
      %sub3A_2407 = arith.subf %min3A_2402, %max3A_2400 : vector<16xf32>
      %max3A_2408 = arith.constant 0.000000e+00 : f32
      %max3A_2409 = vector.broadcast %max3A_2408 : f32 to vector<16xf32>
      %max3A_2410 = arith.maximumf %sub3A_2407, %max3A_2409 : vector<16xf32>
      %mul3A_2411 = arith.mulf %max3A_2406, %max3A_2410 : vector<16xf32>
      %add3A_2412 = arith.addf %mul3A_2096, %get3A_2379 : vector<16xf32>
      %sub3A_2413 = arith.subf %add3A_2412, %mul3A_2411 : vector<16xf32>
      %add3A_2414 = arith.constant 9.99999997E-7 : f32
      %add3A_2415 = vector.broadcast %add3A_2414 : f32 to vector<16xf32>
      %add3A_2416 = arith.addf %sub3A_2413, %add3A_2415 : vector<16xf32>
      %div3A_2417 = arith.divf %mul3A_2411, %add3A_2416 : vector<16xf32>
      %gt3A_2418 = arith.constant 5.000000e-01 : f32
      %gt3A_2419 = vector.broadcast %gt3A_2418 : f32 to vector<16xf32>
      %gt3A_2420 = arith.cmpf ogt, %div3A_2398, %gt3A_2419 : vector<16xf32>
      %gt3A_2421 = arith.constant 5.000000e-01 : f32
      %gt3A_2422 = vector.broadcast %gt3A_2421 : f32 to vector<16xf32>
      %gt3A_2423 = arith.cmpf ogt, %div3A_2417, %gt3A_2422 : vector<16xf32>
      %or3A_2424 = arith.ori %gt3A_2420, %gt3A_2423 : vector<16xi1>
      %get3A_2425 = arith.constant 48 : index
      %get3A_2426 = tpu.vector_load %arg10[%get3A_2425] {strides = array<i32>} : memref<320xf32, #tpu.memory_space<vmem>>, vector<16xf32>,
      %jit3A_2427 = arith.constant 0xFF800000 : f32
      %broadcast_in_dim3A_2428 = vector.broadcast %jit3A_2427 : f32 to vector<16xf32>
      %select_n3A_2429 = arith.select %or3A_2424, %broadcast_in_dim3A_2428, %get3A_2426 : vector<16xi1>, vector<16xf32>
      %swap3A_2430 = arith.constant 48 : index
      %swap3A_2431 = tpu.vector_load %arg10[%swap3A_2430] {strides = array<i32>} : memref<320xf32, #tpu.memory_space<vmem>>, vector<16xf32>,
      tpu.vector_store %arg10[%swap3A_2430], %select_n3A_2429 {strides = array<i32>} : memref<320xf32, #tpu.memory_space<vmem>>, vector<16xf32>,
      %add3A_2432 = arith.constant 4.800000e+01 : f32
      %add3A_2433 = arith.addf %convert_element_type3A, %add3A_2432 : f32
      %add3A_2434 = vector.broadcast %add3A_2433 : f32 to vector<16xf32>
      %add3A_2435 = arith.addf %add3A_2434, %convert_element_type3A_1 : vector<16xf32>
      %gt3A_2436 = arith.cmpf ogt, %select_n3A_2429, %select_n3A_2368 : vector<16xf32>
      %gt3A_2437 = arith.cmpf ogt, %select_n3A_2429, %select_n3A_2365 : vector<16xf32>
      %not3A_2438 = arith.constant dense<true> : vector<16xi1>
      %not3A_2439 = arith.xori %gt3A_2436, %not3A_2438 : vector<16xi1>
      %and3A_2440 = arith.andi %gt3A_2437, %not3A_2439 : vector<16xi1>
      %select_n3A_2441 = arith.select %and3A_2440, %select_n3A_2429, %select_n3A_2365 : vector<16xi1>, vector<16xf32>
      %select_n3A_2442 = arith.select %gt3A_2436, %select_n3A_2368, %select_n3A_2441 : vector<16xi1>, vector<16xf32>
      %select_n3A_2443 = arith.select %and3A_2440, %add3A_2435, %select_n3A_2367 : vector<16xi1>, vector<16xf32>
      %select_n3A_2444 = arith.select %gt3A_2436, %select_n3A_2369, %select_n3A_2443 : vector<16xi1>, vector<16xf32>
      %select_n3A_2445 = arith.select %gt3A_2436, %select_n3A_2429, %select_n3A_2368 : vector<16xi1>, vector<16xf32>
      %select_n3A_2446 = arith.select %gt3A_2436, %add3A_2435, %select_n3A_2369 : vector<16xi1>, vector<16xf32>
      %get3A_2447 = arith.constant 64 : index
      %get3A_2448 = tpu.vector_load %arg6[%get3A_2447] {strides = array<i32>} : memref<320xf32, #tpu.memory_space<vmem>>, vector<16xf32>,
      %get3A_2449 = arith.constant 64 : index
      %get3A_2450 = tpu.vector_load %arg7[%get3A_2449] {strides = array<i32>} : memref<320xf32, #tpu.memory_space<vmem>>, vector<16xf32>,
      %get3A_2451 = arith.constant 64 : index
      %get3A_2452 = tpu.vector_load %arg8[%get3A_2451] {strides = array<i32>} : memref<320xf32, #tpu.memory_space<vmem>>, vector<16xf32>,
      %get3A_2453 = arith.constant 64 : index
      %get3A_2454 = tpu.vector_load %arg9[%get3A_2453] {strides = array<i32>} : memref<320xf32, #tpu.memory_space<vmem>>, vector<16xf32>,
      %get3A_2455 = arith.constant 64 : index
      %get3A_2456 = tpu.vector_load %arg11[%get3A_2455] {strides = array<i32>} : memref<320xf32, #tpu.memory_space<vmem>>, vector<16xf32>,
      %max3A_2457 = arith.maximumf %get3A_2448, %select_n3A_1879 : vector<16xf32>
      %max3A_2458 = arith.maximumf %get3A_2450, %select_n3A_1886 : vector<16xf32>
      %min3A_2459 = arith.minimumf %get3A_2452, %select_n3A_1893 : vector<16xf32>
      %min3A_2460 = arith.minimumf %get3A_2454, %select_n3A_1900 : vector<16xf32>
      %sub3A_2461 = arith.subf %min3A_2459, %max3A_2457 : vector<16xf32>
      %max3A_2462 = arith.constant 0.000000e+00 : f32
      %max3A_2463 = vector.broadcast %max3A_2462 : f32 to vector<16xf32>
      %max3A_2464 = arith.maximumf %sub3A_2461, %max3A_2463 : vector<16xf32>
      %sub3A_2465 = arith.subf %min3A_2460, %max3A_2458 : vector<16xf32>
      %max3A_2466 = arith.constant 0.000000e+00 : f32
      %max3A_2467 = vector.broadcast %max3A_2466 : f32 to vector<16xf32>
      %max3A_2468 = arith.maximumf %sub3A_2465, %max3A_2467 : vector<16xf32>
      %mul3A_2469 = arith.mulf %max3A_2464, %max3A_2468 : vector<16xf32>
      %add3A_2470 = arith.addf %mul3A_1903, %get3A_2456 : vector<16xf32>
      %sub3A_2471 = arith.subf %add3A_2470, %mul3A_2469 : vector<16xf32>
      %add3A_2472 = arith.constant 9.99999997E-7 : f32
      %add3A_2473 = vector.broadcast %add3A_2472 : f32 to vector<16xf32>
      %add3A_2474 = arith.addf %sub3A_2471, %add3A_2473 : vector<16xf32>
      %div3A_2475 = arith.divf %mul3A_2469, %add3A_2474 : vector<16xf32>
      %max3A_2476 = arith.maximumf %get3A_2448, %select_n3A_2084 : vector<16xf32>
      %max3A_2477 = arith.maximumf %get3A_2450, %select_n3A_2087 : vector<16xf32>
      %min3A_2478 = arith.minimumf %get3A_2452, %select_n3A_2090 : vector<16xf32>
      %min3A_2479 = arith.minimumf %get3A_2454, %select_n3A_2093 : vector<16xf32>
      %sub3A_2480 = arith.subf %min3A_2478, %max3A_2476 : vector<16xf32>
      %max3A_2481 = arith.constant 0.000000e+00 : f32
      %max3A_2482 = vector.broadcast %max3A_2481 : f32 to vector<16xf32>
      %max3A_2483 = arith.maximumf %sub3A_2480, %max3A_2482 : vector<16xf32>
      %sub3A_2484 = arith.subf %min3A_2479, %max3A_2477 : vector<16xf32>
      %max3A_2485 = arith.constant 0.000000e+00 : f32
      %max3A_2486 = vector.broadcast %max3A_2485 : f32 to vector<16xf32>
      %max3A_2487 = arith.maximumf %sub3A_2484, %max3A_2486 : vector<16xf32>
      %mul3A_2488 = arith.mulf %max3A_2483, %max3A_2487 : vector<16xf32>
      %add3A_2489 = arith.addf %mul3A_2096, %get3A_2456 : vector<16xf32>
      %sub3A_2490 = arith.subf %add3A_2489, %mul3A_2488 : vector<16xf32>
      %add3A_2491 = arith.constant 9.99999997E-7 : f32
      %add3A_2492 = vector.broadcast %add3A_2491 : f32 to vector<16xf32>
      %add3A_2493 = arith.addf %sub3A_2490, %add3A_2492 : vector<16xf32>
      %div3A_2494 = arith.divf %mul3A_2488, %add3A_2493 : vector<16xf32>
      %gt3A_2495 = arith.constant 5.000000e-01 : f32
      %gt3A_2496 = vector.broadcast %gt3A_2495 : f32 to vector<16xf32>
      %gt3A_2497 = arith.cmpf ogt, %div3A_2475, %gt3A_2496 : vector<16xf32>
      %gt3A_2498 = arith.constant 5.000000e-01 : f32
      %gt3A_2499 = vector.broadcast %gt3A_2498 : f32 to vector<16xf32>
      %gt3A_2500 = arith.cmpf ogt, %div3A_2494, %gt3A_2499 : vector<16xf32>
      %or3A_2501 = arith.ori %gt3A_2497, %gt3A_2500 : vector<16xi1>
      %get3A_2502 = arith.constant 64 : index
      %get3A_2503 = tpu.vector_load %arg10[%get3A_2502] {strides = array<i32>} : memref<320xf32, #tpu.memory_space<vmem>>, vector<16xf32>,
      %jit3A_2504 = arith.constant 0xFF800000 : f32
      %broadcast_in_dim3A_2505 = vector.broadcast %jit3A_2504 : f32 to vector<16xf32>
      %select_n3A_2506 = arith.select %or3A_2501, %broadcast_in_dim3A_2505, %get3A_2503 : vector<16xi1>, vector<16xf32>
      %swap3A_2507 = arith.constant 64 : index
      %swap3A_2508 = tpu.vector_load %arg10[%swap3A_2507] {strides = array<i32>} : memref<320xf32, #tpu.memory_space<vmem>>, vector<16xf32>,
      tpu.vector_store %arg10[%swap3A_2507], %select_n3A_2506 {strides = array<i32>} : memref<320xf32, #tpu.memory_space<vmem>>, vector<16xf32>,
      %add3A_2509 = arith.constant 6.400000e+01 : f32
      %add3A_2510 = arith.addf %convert_element_type3A, %add3A_2509 : f32
      %add3A_2511 = vector.broadcast %add3A_2510 : f32 to vector<16xf32>
      %add3A_2512 = arith.addf %add3A_2511, %convert_element_type3A_1 : vector<16xf32>
      %gt3A_2513 = arith.cmpf ogt, %select_n3A_2506, %select_n3A_2445 : vector<16xf32>
      %gt3A_2514 = arith.cmpf ogt, %select_n3A_2506, %select_n3A_2442 : vector<16xf32>
      %not3A_2515 = arith.constant dense<true> : vector<16xi1>
      %not3A_2516 = arith.xori %gt3A_2513, %not3A_2515 : vector<16xi1>
      %and3A_2517 = arith.andi %gt3A_2514, %not3A_2516 : vector<16xi1>
      %select_n3A_2518 = arith.select %and3A_2517, %select_n3A_2506, %select_n3A_2442 : vector<16xi1>, vector<16xf32>
      %select_n3A_2519 = arith.select %gt3A_2513, %select_n3A_2445, %select_n3A_2518 : vector<16xi1>, vector<16xf32>
      %select_n3A_2520 = arith.select %and3A_2517, %add3A_2512, %select_n3A_2444 : vector<16xi1>, vector<16xf32>
      %select_n3A_2521 = arith.select %gt3A_2513, %select_n3A_2446, %select_n3A_2520 : vector<16xi1>, vector<16xf32>
      %select_n3A_2522 = arith.select %gt3A_2513, %select_n3A_2506, %select_n3A_2445 : vector<16xi1>, vector<16xf32>
      %select_n3A_2523 = arith.select %gt3A_2513, %add3A_2512, %select_n3A_2446 : vector<16xi1>, vector<16xf32>
      %get3A_2524 = arith.constant 80 : index
      %get3A_2525 = tpu.vector_load %arg6[%get3A_2524] {strides = array<i32>} : memref<320xf32, #tpu.memory_space<vmem>>, vector<16xf32>,
      %get3A_2526 = arith.constant 80 : index
      %get3A_2527 = tpu.vector_load %arg7[%get3A_2526] {strides = array<i32>} : memref<320xf32, #tpu.memory_space<vmem>>, vector<16xf32>,
      %get3A_2528 = arith.constant 80 : index
      %get3A_2529 = tpu.vector_load %arg8[%get3A_2528] {strides = array<i32>} : memref<320xf32, #tpu.memory_space<vmem>>, vector<16xf32>,
      %get3A_2530 = arith.constant 80 : index
      %get3A_2531 = tpu.vector_load %arg9[%get3A_2530] {strides = array<i32>} : memref<320xf32, #tpu.memory_space<vmem>>, vector<16xf32>,
      %get3A_2532 = arith.constant 80 : index
      %get3A_2533 = tpu.vector_load %arg11[%get3A_2532] {strides = array<i32>} : memref<320xf32, #tpu.memory_space<vmem>>, vector<16xf32>,
      %max3A_2534 = arith.maximumf %get3A_2525, %select_n3A_1879 : vector<16xf32>
      %max3A_2535 = arith.maximumf %get3A_2527, %select_n3A_1886 : vector<16xf32>
      %min3A_2536 = arith.minimumf %get3A_2529, %select_n3A_1893 : vector<16xf32>
      %min3A_2537 = arith.minimumf %get3A_2531, %select_n3A_1900 : vector<16xf32>
      %sub3A_2538 = arith.subf %min3A_2536, %max3A_2534 : vector<16xf32>
      %max3A_2539 = arith.constant 0.000000e+00 : f32
      %max3A_2540 = vector.broadcast %max3A_2539 : f32 to vector<16xf32>
      %max3A_2541 = arith.maximumf %sub3A_2538, %max3A_2540 : vector<16xf32>
      %sub3A_2542 = arith.subf %min3A_2537, %max3A_2535 : vector<16xf32>
      %max3A_2543 = arith.constant 0.000000e+00 : f32
      %max3A_2544 = vector.broadcast %max3A_2543 : f32 to vector<16xf32>
      %max3A_2545 = arith.maximumf %sub3A_2542, %max3A_2544 : vector<16xf32>
      %mul3A_2546 = arith.mulf %max3A_2541, %max3A_2545 : vector<16xf32>
      %add3A_2547 = arith.addf %mul3A_1903, %get3A_2533 : vector<16xf32>
      %sub3A_2548 = arith.subf %add3A_2547, %mul3A_2546 : vector<16xf32>
      %add3A_2549 = arith.constant 9.99999997E-7 : f32
      %add3A_2550 = vector.broadcast %add3A_2549 : f32 to vector<16xf32>
      %add3A_2551 = arith.addf %sub3A_2548, %add3A_2550 : vector<16xf32>
      %div3A_2552 = arith.divf %mul3A_2546, %add3A_2551 : vector<16xf32>
      %max3A_2553 = arith.maximumf %get3A_2525, %select_n3A_2084 : vector<16xf32>
      %max3A_2554 = arith.maximumf %get3A_2527, %select_n3A_2087 : vector<16xf32>
      %min3A_2555 = arith.minimumf %get3A_2529, %select_n3A_2090 : vector<16xf32>
      %min3A_2556 = arith.minimumf %get3A_2531, %select_n3A_2093 : vector<16xf32>
      %sub3A_2557 = arith.subf %min3A_2555, %max3A_2553 : vector<16xf32>
      %max3A_2558 = arith.constant 0.000000e+00 : f32
      %max3A_2559 = vector.broadcast %max3A_2558 : f32 to vector<16xf32>
      %max3A_2560 = arith.maximumf %sub3A_2557, %max3A_2559 : vector<16xf32>
      %sub3A_2561 = arith.subf %min3A_2556, %max3A_2554 : vector<16xf32>
      %max3A_2562 = arith.constant 0.000000e+00 : f32
      %max3A_2563 = vector.broadcast %max3A_2562 : f32 to vector<16xf32>
      %max3A_2564 = arith.maximumf %sub3A_2561, %max3A_2563 : vector<16xf32>
      %mul3A_2565 = arith.mulf %max3A_2560, %max3A_2564 : vector<16xf32>
      %add3A_2566 = arith.addf %mul3A_2096, %get3A_2533 : vector<16xf32>
      %sub3A_2567 = arith.subf %add3A_2566, %mul3A_2565 : vector<16xf32>
      %add3A_2568 = arith.constant 9.99999997E-7 : f32
      %add3A_2569 = vector.broadcast %add3A_2568 : f32 to vector<16xf32>
      %add3A_2570 = arith.addf %sub3A_2567, %add3A_2569 : vector<16xf32>
      %div3A_2571 = arith.divf %mul3A_2565, %add3A_2570 : vector<16xf32>
      %gt3A_2572 = arith.constant 5.000000e-01 : f32
      %gt3A_2573 = vector.broadcast %gt3A_2572 : f32 to vector<16xf32>
      %gt3A_2574 = arith.cmpf ogt, %div3A_2552, %gt3A_2573 : vector<16xf32>
      %gt3A_2575 = arith.constant 5.000000e-01 : f32
      %gt3A_2576 = vector.broadcast %gt3A_2575 : f32 to vector<16xf32>
      %gt3A_2577 = arith.cmpf ogt, %div3A_2571, %gt3A_2576 : vector<16xf32>
      %or3A_2578 = arith.ori %gt3A_2574, %gt3A_2577 : vector<16xi1>
      %get3A_2579 = arith.constant 80 : index
      %get3A_2580 = tpu.vector_load %arg10[%get3A_2579] {strides = array<i32>} : memref<320xf32, #tpu.memory_space<vmem>>, vector<16xf32>,
      %jit3A_2581 = arith.constant 0xFF800000 : f32
      %broadcast_in_dim3A_2582 = vector.broadcast %jit3A_2581 : f32 to vector<16xf32>
      %select_n3A_2583 = arith.select %or3A_2578, %broadcast_in_dim3A_2582, %get3A_2580 : vector<16xi1>, vector<16xf32>
      %swap3A_2584 = arith.constant 80 : index
      %swap3A_2585 = tpu.vector_load %arg10[%swap3A_2584] {strides = array<i32>} : memref<320xf32, #tpu.memory_space<vmem>>, vector<16xf32>,
      tpu.vector_store %arg10[%swap3A_2584], %select_n3A_2583 {strides = array<i32>} : memref<320xf32, #tpu.memory_space<vmem>>, vector<16xf32>,
      %add3A_2586 = arith.constant 8.000000e+01 : f32
      %add3A_2587 = arith.addf %convert_element_type3A, %add3A_2586 : f32
      %add3A_2588 = vector.broadcast %add3A_2587 : f32 to vector<16xf32>
      %add3A_2589 = arith.addf %add3A_2588, %convert_element_type3A_1 : vector<16xf32>
      %gt3A_2590 = arith.cmpf ogt, %select_n3A_2583, %select_n3A_2522 : vector<16xf32>
      %gt3A_2591 = arith.cmpf ogt, %select_n3A_2583, %select_n3A_2519 : vector<16xf32>
      %not3A_2592 = arith.constant dense<true> : vector<16xi1>
      %not3A_2593 = arith.xori %gt3A_2590, %not3A_2592 : vector<16xi1>
      %and3A_2594 = arith.andi %gt3A_2591, %not3A_2593 : vector<16xi1>
      %select_n3A_2595 = arith.select %and3A_2594, %select_n3A_2583, %select_n3A_2519 : vector<16xi1>, vector<16xf32>
      %select_n3A_2596 = arith.select %gt3A_2590, %select_n3A_2522, %select_n3A_2595 : vector<16xi1>, vector<16xf32>
      %select_n3A_2597 = arith.select %and3A_2594, %add3A_2589, %select_n3A_2521 : vector<16xi1>, vector<16xf32>
      %select_n3A_2598 = arith.select %gt3A_2590, %select_n3A_2523, %select_n3A_2597 : vector<16xi1>, vector<16xf32>
      %select_n3A_2599 = arith.select %gt3A_2590, %select_n3A_2583, %select_n3A_2522 : vector<16xi1>, vector<16xf32>
      %select_n3A_2600 = arith.select %gt3A_2590, %add3A_2589, %select_n3A_2523 : vector<16xi1>, vector<16xf32>
      %get3A_2601 = arith.constant 96 : index
      %get3A_2602 = tpu.vector_load %arg6[%get3A_2601] {strides = array<i32>} : memref<320xf32, #tpu.memory_space<vmem>>, vector<16xf32>,
      %get3A_2603 = arith.constant 96 : index
      %get3A_2604 = tpu.vector_load %arg7[%get3A_2603] {strides = array<i32>} : memref<320xf32, #tpu.memory_space<vmem>>, vector<16xf32>,
      %get3A_2605 = arith.constant 96 : index
      %get3A_2606 = tpu.vector_load %arg8[%get3A_2605] {strides = array<i32>} : memref<320xf32, #tpu.memory_space<vmem>>, vector<16xf32>,
      %get3A_2607 = arith.constant 96 : index
      %get3A_2608 = tpu.vector_load %arg9[%get3A_2607] {strides = array<i32>} : memref<320xf32, #tpu.memory_space<vmem>>, vector<16xf32>,
      %get3A_2609 = arith.constant 96 : index
      %get3A_2610 = tpu.vector_load %arg11[%get3A_2609] {strides = array<i32>} : memref<320xf32, #tpu.memory_space<vmem>>, vector<16xf32>,
      %max3A_2611 = arith.maximumf %get3A_2602, %select_n3A_1879 : vector<16xf32>
      %max3A_2612 = arith.maximumf %get3A_2604, %select_n3A_1886 : vector<16xf32>
      %min3A_2613 = arith.minimumf %get3A_2606, %select_n3A_1893 : vector<16xf32>
      %min3A_2614 = arith.minimumf %get3A_2608, %select_n3A_1900 : vector<16xf32>
      %sub3A_2615 = arith.subf %min3A_2613, %max3A_2611 : vector<16xf32>
      %max3A_2616 = arith.constant 0.000000e+00 : f32
      %max3A_2617 = vector.broadcast %max3A_2616 : f32 to vector<16xf32>
      %max3A_2618 = arith.maximumf %sub3A_2615, %max3A_2617 : vector<16xf32>
      %sub3A_2619 = arith.subf %min3A_2614, %max3A_2612 : vector<16xf32>
      %max3A_2620 = arith.constant 0.000000e+00 : f32
      %max3A_2621 = vector.broadcast %max3A_2620 : f32 to vector<16xf32>
      %max3A_2622 = arith.maximumf %sub3A_2619, %max3A_2621 : vector<16xf32>
      %mul3A_2623 = arith.mulf %max3A_2618, %max3A_2622 : vector<16xf32>
      %add3A_2624 = arith.addf %mul3A_1903, %get3A_2610 : vector<16xf32>
      %sub3A_2625 = arith.subf %add3A_2624, %mul3A_2623 : vector<16xf32>
      %add3A_2626 = arith.constant 9.99999997E-7 : f32
      %add3A_2627 = vector.broadcast %add3A_2626 : f32 to vector<16xf32>
      %add3A_2628 = arith.addf %sub3A_2625, %add3A_2627 : vector<16xf32>
      %div3A_2629 = arith.divf %mul3A_2623, %add3A_2628 : vector<16xf32>
      %max3A_2630 = arith.maximumf %get3A_2602, %select_n3A_2084 : vector<16xf32>
      %max3A_2631 = arith.maximumf %get3A_2604, %select_n3A_2087 : vector<16xf32>
      %min3A_2632 = arith.minimumf %get3A_2606, %select_n3A_2090 : vector<16xf32>
      %min3A_2633 = arith.minimumf %get3A_2608, %select_n3A_2093 : vector<16xf32>
      %sub3A_2634 = arith.subf %min3A_2632, %max3A_2630 : vector<16xf32>
      %max3A_2635 = arith.constant 0.000000e+00 : f32
      %max3A_2636 = vector.broadcast %max3A_2635 : f32 to vector<16xf32>
      %max3A_2637 = arith.maximumf %sub3A_2634, %max3A_2636 : vector<16xf32>
      %sub3A_2638 = arith.subf %min3A_2633, %max3A_2631 : vector<16xf32>
      %max3A_2639 = arith.constant 0.000000e+00 : f32
      %max3A_2640 = vector.broadcast %max3A_2639 : f32 to vector<16xf32>
      %max3A_2641 = arith.maximumf %sub3A_2638, %max3A_2640 : vector<16xf32>
      %mul3A_2642 = arith.mulf %max3A_2637, %max3A_2641 : vector<16xf32>
      %add3A_2643 = arith.addf %mul3A_2096, %get3A_2610 : vector<16xf32>
      %sub3A_2644 = arith.subf %add3A_2643, %mul3A_2642 : vector<16xf32>
      %add3A_2645 = arith.constant 9.99999997E-7 : f32
      %add3A_2646 = vector.broadcast %add3A_2645 : f32 to vector<16xf32>
      %add3A_2647 = arith.addf %sub3A_2644, %add3A_2646 : vector<16xf32>
      %div3A_2648 = arith.divf %mul3A_2642, %add3A_2647 : vector<16xf32>
      %gt3A_2649 = arith.constant 5.000000e-01 : f32
      %gt3A_2650 = vector.broadcast %gt3A_2649 : f32 to vector<16xf32>
      %gt3A_2651 = arith.cmpf ogt, %div3A_2629, %gt3A_2650 : vector<16xf32>
      %gt3A_2652 = arith.constant 5.000000e-01 : f32
      %gt3A_2653 = vector.broadcast %gt3A_2652 : f32 to vector<16xf32>
      %gt3A_2654 = arith.cmpf ogt, %div3A_2648, %gt3A_2653 : vector<16xf32>
      %or3A_2655 = arith.ori %gt3A_2651, %gt3A_2654 : vector<16xi1>
      %get3A_2656 = arith.constant 96 : index
      %get3A_2657 = tpu.vector_load %arg10[%get3A_2656] {strides = array<i32>} : memref<320xf32, #tpu.memory_space<vmem>>, vector<16xf32>,
      %jit3A_2658 = arith.constant 0xFF800000 : f32
      %broadcast_in_dim3A_2659 = vector.broadcast %jit3A_2658 : f32 to vector<16xf32>
      %select_n3A_2660 = arith.select %or3A_2655, %broadcast_in_dim3A_2659, %get3A_2657 : vector<16xi1>, vector<16xf32>
      %swap3A_2661 = arith.constant 96 : index
      %swap3A_2662 = tpu.vector_load %arg10[%swap3A_2661] {strides = array<i32>} : memref<320xf32, #tpu.memory_space<vmem>>, vector<16xf32>,
      tpu.vector_store %arg10[%swap3A_2661], %select_n3A_2660 {strides = array<i32>} : memref<320xf32, #tpu.memory_space<vmem>>, vector<16xf32>,
      %add3A_2663 = arith.constant 9.600000e+01 : f32
      %add3A_2664 = arith.addf %convert_element_type3A, %add3A_2663 : f32
      %add3A_2665 = vector.broadcast %add3A_2664 : f32 to vector<16xf32>
      %add3A_2666 = arith.addf %add3A_2665, %convert_element_type3A_1 : vector<16xf32>
      %gt3A_2667 = arith.cmpf ogt, %select_n3A_2660, %select_n3A_2599 : vector<16xf32>
      %gt3A_2668 = arith.cmpf ogt, %select_n3A_2660, %select_n3A_2596 : vector<16xf32>
      %not3A_2669 = arith.constant dense<true> : vector<16xi1>
      %not3A_2670 = arith.xori %gt3A_2667, %not3A_2669 : vector<16xi1>
      %and3A_2671 = arith.andi %gt3A_2668, %not3A_2670 : vector<16xi1>
      %select_n3A_2672 = arith.select %and3A_2671, %select_n3A_2660, %select_n3A_2596 : vector<16xi1>, vector<16xf32>
      %select_n3A_2673 = arith.select %gt3A_2667, %select_n3A_2599, %select_n3A_2672 : vector<16xi1>, vector<16xf32>
      %select_n3A_2674 = arith.select %and3A_2671, %add3A_2666, %select_n3A_2598 : vector<16xi1>, vector<16xf32>
      %select_n3A_2675 = arith.select %gt3A_2667, %select_n3A_2600, %select_n3A_2674 : vector<16xi1>, vector<16xf32>
      %select_n3A_2676 = arith.select %gt3A_2667, %select_n3A_2660, %select_n3A_2599 : vector<16xi1>, vector<16xf32>
      %select_n3A_2677 = arith.select %gt3A_2667, %add3A_2666, %select_n3A_2600 : vector<16xi1>, vector<16xf32>
      %get3A_2678 = arith.constant 112 : index
      %get3A_2679 = tpu.vector_load %arg6[%get3A_2678] {strides = array<i32>} : memref<320xf32, #tpu.memory_space<vmem>>, vector<16xf32>,
      %get3A_2680 = arith.constant 112 : index
      %get3A_2681 = tpu.vector_load %arg7[%get3A_2680] {strides = array<i32>} : memref<320xf32, #tpu.memory_space<vmem>>, vector<16xf32>,
      %get3A_2682 = arith.constant 112 : index
      %get3A_2683 = tpu.vector_load %arg8[%get3A_2682] {strides = array<i32>} : memref<320xf32, #tpu.memory_space<vmem>>, vector<16xf32>,
      %get3A_2684 = arith.constant 112 : index
      %get3A_2685 = tpu.vector_load %arg9[%get3A_2684] {strides = array<i32>} : memref<320xf32, #tpu.memory_space<vmem>>, vector<16xf32>,
      %get3A_2686 = arith.constant 112 : index
      %get3A_2687 = tpu.vector_load %arg11[%get3A_2686] {strides = array<i32>} : memref<320xf32, #tpu.memory_space<vmem>>, vector<16xf32>,
      %max3A_2688 = arith.maximumf %get3A_2679, %select_n3A_1879 : vector<16xf32>
      %max3A_2689 = arith.maximumf %get3A_2681, %select_n3A_1886 : vector<16xf32>
      %min3A_2690 = arith.minimumf %get3A_2683, %select_n3A_1893 : vector<16xf32>
      %min3A_2691 = arith.minimumf %get3A_2685, %select_n3A_1900 : vector<16xf32>
      %sub3A_2692 = arith.subf %min3A_2690, %max3A_2688 : vector<16xf32>
      %max3A_2693 = arith.constant 0.000000e+00 : f32
      %max3A_2694 = vector.broadcast %max3A_2693 : f32 to vector<16xf32>
      %max3A_2695 = arith.maximumf %sub3A_2692, %max3A_2694 : vector<16xf32>
      %sub3A_2696 = arith.subf %min3A_2691, %max3A_2689 : vector<16xf32>
      %max3A_2697 = arith.constant 0.000000e+00 : f32
      %max3A_2698 = vector.broadcast %max3A_2697 : f32 to vector<16xf32>
      %max3A_2699 = arith.maximumf %sub3A_2696, %max3A_2698 : vector<16xf32>
      %mul3A_2700 = arith.mulf %max3A_2695, %max3A_2699 : vector<16xf32>
      %add3A_2701 = arith.addf %mul3A_1903, %get3A_2687 : vector<16xf32>
      %sub3A_2702 = arith.subf %add3A_2701, %mul3A_2700 : vector<16xf32>
      %add3A_2703 = arith.constant 9.99999997E-7 : f32
      %add3A_2704 = vector.broadcast %add3A_2703 : f32 to vector<16xf32>
      %add3A_2705 = arith.addf %sub3A_2702, %add3A_2704 : vector<16xf32>
      %div3A_2706 = arith.divf %mul3A_2700, %add3A_2705 : vector<16xf32>
      %max3A_2707 = arith.maximumf %get3A_2679, %select_n3A_2084 : vector<16xf32>
      %max3A_2708 = arith.maximumf %get3A_2681, %select_n3A_2087 : vector<16xf32>
      %min3A_2709 = arith.minimumf %get3A_2683, %select_n3A_2090 : vector<16xf32>
      %min3A_2710 = arith.minimumf %get3A_2685, %select_n3A_2093 : vector<16xf32>
      %sub3A_2711 = arith.subf %min3A_2709, %max3A_2707 : vector<16xf32>
      %max3A_2712 = arith.constant 0.000000e+00 : f32
      %max3A_2713 = vector.broadcast %max3A_2712 : f32 to vector<16xf32>
      %max3A_2714 = arith.maximumf %sub3A_2711, %max3A_2713 : vector<16xf32>
      %sub3A_2715 = arith.subf %min3A_2710, %max3A_2708 : vector<16xf32>
      %max3A_2716 = arith.constant 0.000000e+00 : f32
      %max3A_2717 = vector.broadcast %max3A_2716 : f32 to vector<16xf32>
      %max3A_2718 = arith.maximumf %sub3A_2715, %max3A_2717 : vector<16xf32>
      %mul3A_2719 = arith.mulf %max3A_2714, %max3A_2718 : vector<16xf32>
      %add3A_2720 = arith.addf %mul3A_2096, %get3A_2687 : vector<16xf32>
      %sub3A_2721 = arith.subf %add3A_2720, %mul3A_2719 : vector<16xf32>
      %add3A_2722 = arith.constant 9.99999997E-7 : f32
      %add3A_2723 = vector.broadcast %add3A_2722 : f32 to vector<16xf32>
      %add3A_2724 = arith.addf %sub3A_2721, %add3A_2723 : vector<16xf32>
      %div3A_2725 = arith.divf %mul3A_2719, %add3A_2724 : vector<16xf32>
      %gt3A_2726 = arith.constant 5.000000e-01 : f32
      %gt3A_2727 = vector.broadcast %gt3A_2726 : f32 to vector<16xf32>
      %gt3A_2728 = arith.cmpf ogt, %div3A_2706, %gt3A_2727 : vector<16xf32>
      %gt3A_2729 = arith.constant 5.000000e-01 : f32
      %gt3A_2730 = vector.broadcast %gt3A_2729 : f32 to vector<16xf32>
      %gt3A_2731 = arith.cmpf ogt, %div3A_2725, %gt3A_2730 : vector<16xf32>
      %or3A_2732 = arith.ori %gt3A_2728, %gt3A_2731 : vector<16xi1>
      %get3A_2733 = arith.constant 112 : index
      %get3A_2734 = tpu.vector_load %arg10[%get3A_2733] {strides = array<i32>} : memref<320xf32, #tpu.memory_space<vmem>>, vector<16xf32>,
      %jit3A_2735 = arith.constant 0xFF800000 : f32
      %broadcast_in_dim3A_2736 = vector.broadcast %jit3A_2735 : f32 to vector<16xf32>
      %select_n3A_2737 = arith.select %or3A_2732, %broadcast_in_dim3A_2736, %get3A_2734 : vector<16xi1>, vector<16xf32>
      %swap3A_2738 = arith.constant 112 : index
      %swap3A_2739 = tpu.vector_load %arg10[%swap3A_2738] {strides = array<i32>} : memref<320xf32, #tpu.memory_space<vmem>>, vector<16xf32>,
      tpu.vector_store %arg10[%swap3A_2738], %select_n3A_2737 {strides = array<i32>} : memref<320xf32, #tpu.memory_space<vmem>>, vector<16xf32>,
      %add3A_2740 = arith.constant 1.120000e+02 : f32
      %add3A_2741 = arith.addf %convert_element_type3A, %add3A_2740 : f32
      %add3A_2742 = vector.broadcast %add3A_2741 : f32 to vector<16xf32>
      %add3A_2743 = arith.addf %add3A_2742, %convert_element_type3A_1 : vector<16xf32>
      %gt3A_2744 = arith.cmpf ogt, %select_n3A_2737, %select_n3A_2676 : vector<16xf32>
      %gt3A_2745 = arith.cmpf ogt, %select_n3A_2737, %select_n3A_2673 : vector<16xf32>
      %not3A_2746 = arith.constant dense<true> : vector<16xi1>
      %not3A_2747 = arith.xori %gt3A_2744, %not3A_2746 : vector<16xi1>
      %and3A_2748 = arith.andi %gt3A_2745, %not3A_2747 : vector<16xi1>
      %select_n3A_2749 = arith.select %and3A_2748, %select_n3A_2737, %select_n3A_2673 : vector<16xi1>, vector<16xf32>
      %select_n3A_2750 = arith.select %gt3A_2744, %select_n3A_2676, %select_n3A_2749 : vector<16xi1>, vector<16xf32>
      %select_n3A_2751 = arith.select %and3A_2748, %add3A_2743, %select_n3A_2675 : vector<16xi1>, vector<16xf32>
      %select_n3A_2752 = arith.select %gt3A_2744, %select_n3A_2677, %select_n3A_2751 : vector<16xi1>, vector<16xf32>
      %select_n3A_2753 = arith.select %gt3A_2744, %select_n3A_2737, %select_n3A_2676 : vector<16xi1>, vector<16xf32>
      %select_n3A_2754 = arith.select %gt3A_2744, %add3A_2743, %select_n3A_2677 : vector<16xi1>, vector<16xf32>
      %get3A_2755 = arith.constant 128 : index
      %get3A_2756 = tpu.vector_load %arg6[%get3A_2755] {strides = array<i32>} : memref<320xf32, #tpu.memory_space<vmem>>, vector<16xf32>,
      %get3A_2757 = arith.constant 128 : index
      %get3A_2758 = tpu.vector_load %arg7[%get3A_2757] {strides = array<i32>} : memref<320xf32, #tpu.memory_space<vmem>>, vector<16xf32>,
      %get3A_2759 = arith.constant 128 : index
      %get3A_2760 = tpu.vector_load %arg8[%get3A_2759] {strides = array<i32>} : memref<320xf32, #tpu.memory_space<vmem>>, vector<16xf32>,
      %get3A_2761 = arith.constant 128 : index
      %get3A_2762 = tpu.vector_load %arg9[%get3A_2761] {strides = array<i32>} : memref<320xf32, #tpu.memory_space<vmem>>, vector<16xf32>,
      %get3A_2763 = arith.constant 128 : index
      %get3A_2764 = tpu.vector_load %arg11[%get3A_2763] {strides = array<i32>} : memref<320xf32, #tpu.memory_space<vmem>>, vector<16xf32>,
      %max3A_2765 = arith.maximumf %get3A_2756, %select_n3A_1879 : vector<16xf32>
      %max3A_2766 = arith.maximumf %get3A_2758, %select_n3A_1886 : vector<16xf32>
      %min3A_2767 = arith.minimumf %get3A_2760, %select_n3A_1893 : vector<16xf32>
      %min3A_2768 = arith.minimumf %get3A_2762, %select_n3A_1900 : vector<16xf32>
      %sub3A_2769 = arith.subf %min3A_2767, %max3A_2765 : vector<16xf32>
      %max3A_2770 = arith.constant 0.000000e+00 : f32
      %max3A_2771 = vector.broadcast %max3A_2770 : f32 to vector<16xf32>
      %max3A_2772 = arith.maximumf %sub3A_2769, %max3A_2771 : vector<16xf32>
      %sub3A_2773 = arith.subf %min3A_2768, %max3A_2766 : vector<16xf32>
      %max3A_2774 = arith.constant 0.000000e+00 : f32
      %max3A_2775 = vector.broadcast %max3A_2774 : f32 to vector<16xf32>
      %max3A_2776 = arith.maximumf %sub3A_2773, %max3A_2775 : vector<16xf32>
      %mul3A_2777 = arith.mulf %max3A_2772, %max3A_2776 : vector<16xf32>
      %add3A_2778 = arith.addf %mul3A_1903, %get3A_2764 : vector<16xf32>
      %sub3A_2779 = arith.subf %add3A_2778, %mul3A_2777 : vector<16xf32>
      %add3A_2780 = arith.constant 9.99999997E-7 : f32
      %add3A_2781 = vector.broadcast %add3A_2780 : f32 to vector<16xf32>
      %add3A_2782 = arith.addf %sub3A_2779, %add3A_2781 : vector<16xf32>
      %div3A_2783 = arith.divf %mul3A_2777, %add3A_2782 : vector<16xf32>
      %max3A_2784 = arith.maximumf %get3A_2756, %select_n3A_2084 : vector<16xf32>
      %max3A_2785 = arith.maximumf %get3A_2758, %select_n3A_2087 : vector<16xf32>
      %min3A_2786 = arith.minimumf %get3A_2760, %select_n3A_2090 : vector<16xf32>
      %min3A_2787 = arith.minimumf %get3A_2762, %select_n3A_2093 : vector<16xf32>
      %sub3A_2788 = arith.subf %min3A_2786, %max3A_2784 : vector<16xf32>
      %max3A_2789 = arith.constant 0.000000e+00 : f32
      %max3A_2790 = vector.broadcast %max3A_2789 : f32 to vector<16xf32>
      %max3A_2791 = arith.maximumf %sub3A_2788, %max3A_2790 : vector<16xf32>
      %sub3A_2792 = arith.subf %min3A_2787, %max3A_2785 : vector<16xf32>
      %max3A_2793 = arith.constant 0.000000e+00 : f32
      %max3A_2794 = vector.broadcast %max3A_2793 : f32 to vector<16xf32>
      %max3A_2795 = arith.maximumf %sub3A_2792, %max3A_2794 : vector<16xf32>
      %mul3A_2796 = arith.mulf %max3A_2791, %max3A_2795 : vector<16xf32>
      %add3A_2797 = arith.addf %mul3A_2096, %get3A_2764 : vector<16xf32>
      %sub3A_2798 = arith.subf %add3A_2797, %mul3A_2796 : vector<16xf32>
      %add3A_2799 = arith.constant 9.99999997E-7 : f32
      %add3A_2800 = vector.broadcast %add3A_2799 : f32 to vector<16xf32>
      %add3A_2801 = arith.addf %sub3A_2798, %add3A_2800 : vector<16xf32>
      %div3A_2802 = arith.divf %mul3A_2796, %add3A_2801 : vector<16xf32>
      %gt3A_2803 = arith.constant 5.000000e-01 : f32
      %gt3A_2804 = vector.broadcast %gt3A_2803 : f32 to vector<16xf32>
      %gt3A_2805 = arith.cmpf ogt, %div3A_2783, %gt3A_2804 : vector<16xf32>
      %gt3A_2806 = arith.constant 5.000000e-01 : f32
      %gt3A_2807 = vector.broadcast %gt3A_2806 : f32 to vector<16xf32>
      %gt3A_2808 = arith.cmpf ogt, %div3A_2802, %gt3A_2807 : vector<16xf32>
      %or3A_2809 = arith.ori %gt3A_2805, %gt3A_2808 : vector<16xi1>
      %get3A_2810 = arith.constant 128 : index
      %get3A_2811 = tpu.vector_load %arg10[%get3A_2810] {strides = array<i32>} : memref<320xf32, #tpu.memory_space<vmem>>, vector<16xf32>,
      %jit3A_2812 = arith.constant 0xFF800000 : f32
      %broadcast_in_dim3A_2813 = vector.broadcast %jit3A_2812 : f32 to vector<16xf32>
      %select_n3A_2814 = arith.select %or3A_2809, %broadcast_in_dim3A_2813, %get3A_2811 : vector<16xi1>, vector<16xf32>
      %swap3A_2815 = arith.constant 128 : index
      %swap3A_2816 = tpu.vector_load %arg10[%swap3A_2815] {strides = array<i32>} : memref<320xf32, #tpu.memory_space<vmem>>, vector<16xf32>,
      tpu.vector_store %arg10[%swap3A_2815], %select_n3A_2814 {strides = array<i32>} : memref<320xf32, #tpu.memory_space<vmem>>, vector<16xf32>,
      %add3A_2817 = arith.constant 1.280000e+02 : f32
      %add3A_2818 = arith.addf %convert_element_type3A, %add3A_2817 : f32
      %add3A_2819 = vector.broadcast %add3A_2818 : f32 to vector<16xf32>
      %add3A_2820 = arith.addf %add3A_2819, %convert_element_type3A_1 : vector<16xf32>
      %gt3A_2821 = arith.cmpf ogt, %select_n3A_2814, %select_n3A_2753 : vector<16xf32>
      %gt3A_2822 = arith.cmpf ogt, %select_n3A_2814, %select_n3A_2750 : vector<16xf32>
      %not3A_2823 = arith.constant dense<true> : vector<16xi1>
      %not3A_2824 = arith.xori %gt3A_2821, %not3A_2823 : vector<16xi1>
      %and3A_2825 = arith.andi %gt3A_2822, %not3A_2824 : vector<16xi1>
      %select_n3A_2826 = arith.select %and3A_2825, %select_n3A_2814, %select_n3A_2750 : vector<16xi1>, vector<16xf32>
      %select_n3A_2827 = arith.select %gt3A_2821, %select_n3A_2753, %select_n3A_2826 : vector<16xi1>, vector<16xf32>
      %select_n3A_2828 = arith.select %and3A_2825, %add3A_2820, %select_n3A_2752 : vector<16xi1>, vector<16xf32>
      %select_n3A_2829 = arith.select %gt3A_2821, %select_n3A_2754, %select_n3A_2828 : vector<16xi1>, vector<16xf32>
      %select_n3A_2830 = arith.select %gt3A_2821, %select_n3A_2814, %select_n3A_2753 : vector<16xi1>, vector<16xf32>
      %select_n3A_2831 = arith.select %gt3A_2821, %add3A_2820, %select_n3A_2754 : vector<16xi1>, vector<16xf32>
      %get3A_2832 = arith.constant 144 : index
      %get3A_2833 = tpu.vector_load %arg6[%get3A_2832] {strides = array<i32>} : memref<320xf32, #tpu.memory_space<vmem>>, vector<16xf32>,
      %get3A_2834 = arith.constant 144 : index
      %get3A_2835 = tpu.vector_load %arg7[%get3A_2834] {strides = array<i32>} : memref<320xf32, #tpu.memory_space<vmem>>, vector<16xf32>,
      %get3A_2836 = arith.constant 144 : index
      %get3A_2837 = tpu.vector_load %arg8[%get3A_2836] {strides = array<i32>} : memref<320xf32, #tpu.memory_space<vmem>>, vector<16xf32>,
      %get3A_2838 = arith.constant 144 : index
      %get3A_2839 = tpu.vector_load %arg9[%get3A_2838] {strides = array<i32>} : memref<320xf32, #tpu.memory_space<vmem>>, vector<16xf32>,
      %get3A_2840 = arith.constant 144 : index
      %get3A_2841 = tpu.vector_load %arg11[%get3A_2840] {strides = array<i32>} : memref<320xf32, #tpu.memory_space<vmem>>, vector<16xf32>,
      %max3A_2842 = arith.maximumf %get3A_2833, %select_n3A_1879 : vector<16xf32>
      %max3A_2843 = arith.maximumf %get3A_2835, %select_n3A_1886 : vector<16xf32>
      %min3A_2844 = arith.minimumf %get3A_2837, %select_n3A_1893 : vector<16xf32>
      %min3A_2845 = arith.minimumf %get3A_2839, %select_n3A_1900 : vector<16xf32>
      %sub3A_2846 = arith.subf %min3A_2844, %max3A_2842 : vector<16xf32>
      %max3A_2847 = arith.constant 0.000000e+00 : f32
      %max3A_2848 = vector.broadcast %max3A_2847 : f32 to vector<16xf32>
      %max3A_2849 = arith.maximumf %sub3A_2846, %max3A_2848 : vector<16xf32>
      %sub3A_2850 = arith.subf %min3A_2845, %max3A_2843 : vector<16xf32>
      %max3A_2851 = arith.constant 0.000000e+00 : f32
      %max3A_2852 = vector.broadcast %max3A_2851 : f32 to vector<16xf32>
      %max3A_2853 = arith.maximumf %sub3A_2850, %max3A_2852 : vector<16xf32>
      %mul3A_2854 = arith.mulf %max3A_2849, %max3A_2853 : vector<16xf32>
      %add3A_2855 = arith.addf %mul3A_1903, %get3A_2841 : vector<16xf32>
      %sub3A_2856 = arith.subf %add3A_2855, %mul3A_2854 : vector<16xf32>
      %add3A_2857 = arith.constant 9.99999997E-7 : f32
      %add3A_2858 = vector.broadcast %add3A_2857 : f32 to vector<16xf32>
      %add3A_2859 = arith.addf %sub3A_2856, %add3A_2858 : vector<16xf32>
      %div3A_2860 = arith.divf %mul3A_2854, %add3A_2859 : vector<16xf32>
      %max3A_2861 = arith.maximumf %get3A_2833, %select_n3A_2084 : vector<16xf32>
      %max3A_2862 = arith.maximumf %get3A_2835, %select_n3A_2087 : vector<16xf32>
      %min3A_2863 = arith.minimumf %get3A_2837, %select_n3A_2090 : vector<16xf32>
      %min3A_2864 = arith.minimumf %get3A_2839, %select_n3A_2093 : vector<16xf32>
      %sub3A_2865 = arith.subf %min3A_2863, %max3A_2861 : vector<16xf32>
      %max3A_2866 = arith.constant 0.000000e+00 : f32
      %max3A_2867 = vector.broadcast %max3A_2866 : f32 to vector<16xf32>
      %max3A_2868 = arith.maximumf %sub3A_2865, %max3A_2867 : vector<16xf32>
      %sub3A_2869 = arith.subf %min3A_2864, %max3A_2862 : vector<16xf32>
      %max3A_2870 = arith.constant 0.000000e+00 : f32
      %max3A_2871 = vector.broadcast %max3A_2870 : f32 to vector<16xf32>
      %max3A_2872 = arith.maximumf %sub3A_2869, %max3A_2871 : vector<16xf32>
      %mul3A_2873 = arith.mulf %max3A_2868, %max3A_2872 : vector<16xf32>
      %add3A_2874 = arith.addf %mul3A_2096, %get3A_2841 : vector<16xf32>
      %sub3A_2875 = arith.subf %add3A_2874, %mul3A_2873 : vector<16xf32>
      %add3A_2876 = arith.constant 9.99999997E-7 : f32
      %add3A_2877 = vector.broadcast %add3A_2876 : f32 to vector<16xf32>
      %add3A_2878 = arith.addf %sub3A_2875, %add3A_2877 : vector<16xf32>
      %div3A_2879 = arith.divf %mul3A_2873, %add3A_2878 : vector<16xf32>
      %gt3A_2880 = arith.constant 5.000000e-01 : f32
      %gt3A_2881 = vector.broadcast %gt3A_2880 : f32 to vector<16xf32>
      %gt3A_2882 = arith.cmpf ogt, %div3A_2860, %gt3A_2881 : vector<16xf32>
      %gt3A_2883 = arith.constant 5.000000e-01 : f32
      %gt3A_2884 = vector.broadcast %gt3A_2883 : f32 to vector<16xf32>
      %gt3A_2885 = arith.cmpf ogt, %div3A_2879, %gt3A_2884 : vector<16xf32>
      %or3A_2886 = arith.ori %gt3A_2882, %gt3A_2885 : vector<16xi1>
      %get3A_2887 = arith.constant 144 : index
      %get3A_2888 = tpu.vector_load %arg10[%get3A_2887] {strides = array<i32>} : memref<320xf32, #tpu.memory_space<vmem>>, vector<16xf32>,
      %jit3A_2889 = arith.constant 0xFF800000 : f32
      %broadcast_in_dim3A_2890 = vector.broadcast %jit3A_2889 : f32 to vector<16xf32>
      %select_n3A_2891 = arith.select %or3A_2886, %broadcast_in_dim3A_2890, %get3A_2888 : vector<16xi1>, vector<16xf32>
      %swap3A_2892 = arith.constant 144 : index
      %swap3A_2893 = tpu.vector_load %arg10[%swap3A_2892] {strides = array<i32>} : memref<320xf32, #tpu.memory_space<vmem>>, vector<16xf32>,
      tpu.vector_store %arg10[%swap3A_2892], %select_n3A_2891 {strides = array<i32>} : memref<320xf32, #tpu.memory_space<vmem>>, vector<16xf32>,
      %add3A_2894 = arith.constant 1.440000e+02 : f32
      %add3A_2895 = arith.addf %convert_element_type3A, %add3A_2894 : f32
      %add3A_2896 = vector.broadcast %add3A_2895 : f32 to vector<16xf32>
      %add3A_2897 = arith.addf %add3A_2896, %convert_element_type3A_1 : vector<16xf32>
      %gt3A_2898 = arith.cmpf ogt, %select_n3A_2891, %select_n3A_2830 : vector<16xf32>
      %gt3A_2899 = arith.cmpf ogt, %select_n3A_2891, %select_n3A_2827 : vector<16xf32>
      %not3A_2900 = arith.constant dense<true> : vector<16xi1>
      %not3A_2901 = arith.xori %gt3A_2898, %not3A_2900 : vector<16xi1>
      %and3A_2902 = arith.andi %gt3A_2899, %not3A_2901 : vector<16xi1>
      %select_n3A_2903 = arith.select %and3A_2902, %select_n3A_2891, %select_n3A_2827 : vector<16xi1>, vector<16xf32>
      %select_n3A_2904 = arith.select %gt3A_2898, %select_n3A_2830, %select_n3A_2903 : vector<16xi1>, vector<16xf32>
      %select_n3A_2905 = arith.select %and3A_2902, %add3A_2897, %select_n3A_2829 : vector<16xi1>, vector<16xf32>
      %select_n3A_2906 = arith.select %gt3A_2898, %select_n3A_2831, %select_n3A_2905 : vector<16xi1>, vector<16xf32>
      %select_n3A_2907 = arith.select %gt3A_2898, %select_n3A_2891, %select_n3A_2830 : vector<16xi1>, vector<16xf32>
      %select_n3A_2908 = arith.select %gt3A_2898, %add3A_2897, %select_n3A_2831 : vector<16xi1>, vector<16xf32>
      %get3A_2909 = arith.constant 160 : index
      %get3A_2910 = tpu.vector_load %arg6[%get3A_2909] {strides = array<i32>} : memref<320xf32, #tpu.memory_space<vmem>>, vector<16xf32>,
      %get3A_2911 = arith.constant 160 : index
      %get3A_2912 = tpu.vector_load %arg7[%get3A_2911] {strides = array<i32>} : memref<320xf32, #tpu.memory_space<vmem>>, vector<16xf32>,
      %get3A_2913 = arith.constant 160 : index
      %get3A_2914 = tpu.vector_load %arg8[%get3A_2913] {strides = array<i32>} : memref<320xf32, #tpu.memory_space<vmem>>, vector<16xf32>,
      %get3A_2915 = arith.constant 160 : index
      %get3A_2916 = tpu.vector_load %arg9[%get3A_2915] {strides = array<i32>} : memref<320xf32, #tpu.memory_space<vmem>>, vector<16xf32>,
      %get3A_2917 = arith.constant 160 : index
      %get3A_2918 = tpu.vector_load %arg11[%get3A_2917] {strides = array<i32>} : memref<320xf32, #tpu.memory_space<vmem>>, vector<16xf32>,
      %max3A_2919 = arith.maximumf %get3A_2910, %select_n3A_1879 : vector<16xf32>
      %max3A_2920 = arith.maximumf %get3A_2912, %select_n3A_1886 : vector<16xf32>
      %min3A_2921 = arith.minimumf %get3A_2914, %select_n3A_1893 : vector<16xf32>
      %min3A_2922 = arith.minimumf %get3A_2916, %select_n3A_1900 : vector<16xf32>
      %sub3A_2923 = arith.subf %min3A_2921, %max3A_2919 : vector<16xf32>
      %max3A_2924 = arith.constant 0.000000e+00 : f32
      %max3A_2925 = vector.broadcast %max3A_2924 : f32 to vector<16xf32>
      %max3A_2926 = arith.maximumf %sub3A_2923, %max3A_2925 : vector<16xf32>
      %sub3A_2927 = arith.subf %min3A_2922, %max3A_2920 : vector<16xf32>
      %max3A_2928 = arith.constant 0.000000e+00 : f32
      %max3A_2929 = vector.broadcast %max3A_2928 : f32 to vector<16xf32>
      %max3A_2930 = arith.maximumf %sub3A_2927, %max3A_2929 : vector<16xf32>
      %mul3A_2931 = arith.mulf %max3A_2926, %max3A_2930 : vector<16xf32>
      %add3A_2932 = arith.addf %mul3A_1903, %get3A_2918 : vector<16xf32>
      %sub3A_2933 = arith.subf %add3A_2932, %mul3A_2931 : vector<16xf32>
      %add3A_2934 = arith.constant 9.99999997E-7 : f32
      %add3A_2935 = vector.broadcast %add3A_2934 : f32 to vector<16xf32>
      %add3A_2936 = arith.addf %sub3A_2933, %add3A_2935 : vector<16xf32>
      %div3A_2937 = arith.divf %mul3A_2931, %add3A_2936 : vector<16xf32>
      %max3A_2938 = arith.maximumf %get3A_2910, %select_n3A_2084 : vector<16xf32>
      %max3A_2939 = arith.maximumf %get3A_2912, %select_n3A_2087 : vector<16xf32>
      %min3A_2940 = arith.minimumf %get3A_2914, %select_n3A_2090 : vector<16xf32>
      %min3A_2941 = arith.minimumf %get3A_2916, %select_n3A_2093 : vector<16xf32>
      %sub3A_2942 = arith.subf %min3A_2940, %max3A_2938 : vector<16xf32>
      %max3A_2943 = arith.constant 0.000000e+00 : f32
      %max3A_2944 = vector.broadcast %max3A_2943 : f32 to vector<16xf32>
      %max3A_2945 = arith.maximumf %sub3A_2942, %max3A_2944 : vector<16xf32>
      %sub3A_2946 = arith.subf %min3A_2941, %max3A_2939 : vector<16xf32>
      %max3A_2947 = arith.constant 0.000000e+00 : f32
      %max3A_2948 = vector.broadcast %max3A_2947 : f32 to vector<16xf32>
      %max3A_2949 = arith.maximumf %sub3A_2946, %max3A_2948 : vector<16xf32>
      %mul3A_2950 = arith.mulf %max3A_2945, %max3A_2949 : vector<16xf32>
      %add3A_2951 = arith.addf %mul3A_2096, %get3A_2918 : vector<16xf32>
      %sub3A_2952 = arith.subf %add3A_2951, %mul3A_2950 : vector<16xf32>
      %add3A_2953 = arith.constant 9.99999997E-7 : f32
      %add3A_2954 = vector.broadcast %add3A_2953 : f32 to vector<16xf32>
      %add3A_2955 = arith.addf %sub3A_2952, %add3A_2954 : vector<16xf32>
      %div3A_2956 = arith.divf %mul3A_2950, %add3A_2955 : vector<16xf32>
      %gt3A_2957 = arith.constant 5.000000e-01 : f32
      %gt3A_2958 = vector.broadcast %gt3A_2957 : f32 to vector<16xf32>
      %gt3A_2959 = arith.cmpf ogt, %div3A_2937, %gt3A_2958 : vector<16xf32>
      %gt3A_2960 = arith.constant 5.000000e-01 : f32
      %gt3A_2961 = vector.broadcast %gt3A_2960 : f32 to vector<16xf32>
      %gt3A_2962 = arith.cmpf ogt, %div3A_2956, %gt3A_2961 : vector<16xf32>
      %or3A_2963 = arith.ori %gt3A_2959, %gt3A_2962 : vector<16xi1>
      %get3A_2964 = arith.constant 160 : index
      %get3A_2965 = tpu.vector_load %arg10[%get3A_2964] {strides = array<i32>} : memref<320xf32, #tpu.memory_space<vmem>>, vector<16xf32>,
      %jit3A_2966 = arith.constant 0xFF800000 : f32
      %broadcast_in_dim3A_2967 = vector.broadcast %jit3A_2966 : f32 to vector<16xf32>
      %select_n3A_2968 = arith.select %or3A_2963, %broadcast_in_dim3A_2967, %get3A_2965 : vector<16xi1>, vector<16xf32>
      %swap3A_2969 = arith.constant 160 : index
      %swap3A_2970 = tpu.vector_load %arg10[%swap3A_2969] {strides = array<i32>} : memref<320xf32, #tpu.memory_space<vmem>>, vector<16xf32>,
      tpu.vector_store %arg10[%swap3A_2969], %select_n3A_2968 {strides = array<i32>} : memref<320xf32, #tpu.memory_space<vmem>>, vector<16xf32>,
      %add3A_2971 = arith.constant 1.600000e+02 : f32
      %add3A_2972 = arith.addf %convert_element_type3A, %add3A_2971 : f32
      %add3A_2973 = vector.broadcast %add3A_2972 : f32 to vector<16xf32>
      %add3A_2974 = arith.addf %add3A_2973, %convert_element_type3A_1 : vector<16xf32>
      %gt3A_2975 = arith.cmpf ogt, %select_n3A_2968, %select_n3A_2907 : vector<16xf32>
      %gt3A_2976 = arith.cmpf ogt, %select_n3A_2968, %select_n3A_2904 : vector<16xf32>
      %not3A_2977 = arith.constant dense<true> : vector<16xi1>
      %not3A_2978 = arith.xori %gt3A_2975, %not3A_2977 : vector<16xi1>
      %and3A_2979 = arith.andi %gt3A_2976, %not3A_2978 : vector<16xi1>
      %select_n3A_2980 = arith.select %and3A_2979, %select_n3A_2968, %select_n3A_2904 : vector<16xi1>, vector<16xf32>
      %select_n3A_2981 = arith.select %gt3A_2975, %select_n3A_2907, %select_n3A_2980 : vector<16xi1>, vector<16xf32>
      %select_n3A_2982 = arith.select %and3A_2979, %add3A_2974, %select_n3A_2906 : vector<16xi1>, vector<16xf32>
      %select_n3A_2983 = arith.select %gt3A_2975, %select_n3A_2908, %select_n3A_2982 : vector<16xi1>, vector<16xf32>
      %select_n3A_2984 = arith.select %gt3A_2975, %select_n3A_2968, %select_n3A_2907 : vector<16xi1>, vector<16xf32>
      %select_n3A_2985 = arith.select %gt3A_2975, %add3A_2974, %select_n3A_2908 : vector<16xi1>, vector<16xf32>
      %get3A_2986 = arith.constant 176 : index
      %get3A_2987 = tpu.vector_load %arg6[%get3A_2986] {strides = array<i32>} : memref<320xf32, #tpu.memory_space<vmem>>, vector<16xf32>,
      %get3A_2988 = arith.constant 176 : index
      %get3A_2989 = tpu.vector_load %arg7[%get3A_2988] {strides = array<i32>} : memref<320xf32, #tpu.memory_space<vmem>>, vector<16xf32>,
      %get3A_2990 = arith.constant 176 : index
      %get3A_2991 = tpu.vector_load %arg8[%get3A_2990] {strides = array<i32>} : memref<320xf32, #tpu.memory_space<vmem>>, vector<16xf32>,
      %get3A_2992 = arith.constant 176 : index
      %get3A_2993 = tpu.vector_load %arg9[%get3A_2992] {strides = array<i32>} : memref<320xf32, #tpu.memory_space<vmem>>, vector<16xf32>,
      %get3A_2994 = arith.constant 176 : index
      %get3A_2995 = tpu.vector_load %arg11[%get3A_2994] {strides = array<i32>} : memref<320xf32, #tpu.memory_space<vmem>>, vector<16xf32>,
      %max3A_2996 = arith.maximumf %get3A_2987, %select_n3A_1879 : vector<16xf32>
      %max3A_2997 = arith.maximumf %get3A_2989, %select_n3A_1886 : vector<16xf32>
      %min3A_2998 = arith.minimumf %get3A_2991, %select_n3A_1893 : vector<16xf32>
      %min3A_2999 = arith.minimumf %get3A_2993, %select_n3A_1900 : vector<16xf32>
      %sub3A_3000 = arith.subf %min3A_2998, %max3A_2996 : vector<16xf32>
      %max3A_3001 = arith.constant 0.000000e+00 : f32
      %max3A_3002 = vector.broadcast %max3A_3001 : f32 to vector<16xf32>
      %max3A_3003 = arith.maximumf %sub3A_3000, %max3A_3002 : vector<16xf32>
      %sub3A_3004 = arith.subf %min3A_2999, %max3A_2997 : vector<16xf32>
      %max3A_3005 = arith.constant 0.000000e+00 : f32
      %max3A_3006 = vector.broadcast %max3A_3005 : f32 to vector<16xf32>
      %max3A_3007 = arith.maximumf %sub3A_3004, %max3A_3006 : vector<16xf32>
      %mul3A_3008 = arith.mulf %max3A_3003, %max3A_3007 : vector<16xf32>
      %add3A_3009 = arith.addf %mul3A_1903, %get3A_2995 : vector<16xf32>
      %sub3A_3010 = arith.subf %add3A_3009, %mul3A_3008 : vector<16xf32>
      %add3A_3011 = arith.constant 9.99999997E-7 : f32
      %add3A_3012 = vector.broadcast %add3A_3011 : f32 to vector<16xf32>
      %add3A_3013 = arith.addf %sub3A_3010, %add3A_3012 : vector<16xf32>
      %div3A_3014 = arith.divf %mul3A_3008, %add3A_3013 : vector<16xf32>
      %max3A_3015 = arith.maximumf %get3A_2987, %select_n3A_2084 : vector<16xf32>
      %max3A_3016 = arith.maximumf %get3A_2989, %select_n3A_2087 : vector<16xf32>
      %min3A_3017 = arith.minimumf %get3A_2991, %select_n3A_2090 : vector<16xf32>
      %min3A_3018 = arith.minimumf %get3A_2993, %select_n3A_2093 : vector<16xf32>
      %sub3A_3019 = arith.subf %min3A_3017, %max3A_3015 : vector<16xf32>
      %max3A_3020 = arith.constant 0.000000e+00 : f32
      %max3A_3021 = vector.broadcast %max3A_3020 : f32 to vector<16xf32>
      %max3A_3022 = arith.maximumf %sub3A_3019, %max3A_3021 : vector<16xf32>
      %sub3A_3023 = arith.subf %min3A_3018, %max3A_3016 : vector<16xf32>
      %max3A_3024 = arith.constant 0.000000e+00 : f32
      %max3A_3025 = vector.broadcast %max3A_3024 : f32 to vector<16xf32>
      %max3A_3026 = arith.maximumf %sub3A_3023, %max3A_3025 : vector<16xf32>
      %mul3A_3027 = arith.mulf %max3A_3022, %max3A_3026 : vector<16xf32>
      %add3A_3028 = arith.addf %mul3A_2096, %get3A_2995 : vector<16xf32>
      %sub3A_3029 = arith.subf %add3A_3028, %mul3A_3027 : vector<16xf32>
      %add3A_3030 = arith.constant 9.99999997E-7 : f32
      %add3A_3031 = vector.broadcast %add3A_3030 : f32 to vector<16xf32>
      %add3A_3032 = arith.addf %sub3A_3029, %add3A_3031 : vector<16xf32>
      %div3A_3033 = arith.divf %mul3A_3027, %add3A_3032 : vector<16xf32>
      %gt3A_3034 = arith.constant 5.000000e-01 : f32
      %gt3A_3035 = vector.broadcast %gt3A_3034 : f32 to vector<16xf32>
      %gt3A_3036 = arith.cmpf ogt, %div3A_3014, %gt3A_3035 : vector<16xf32>
      %gt3A_3037 = arith.constant 5.000000e-01 : f32
      %gt3A_3038 = vector.broadcast %gt3A_3037 : f32 to vector<16xf32>
      %gt3A_3039 = arith.cmpf ogt, %div3A_3033, %gt3A_3038 : vector<16xf32>
      %or3A_3040 = arith.ori %gt3A_3036, %gt3A_3039 : vector<16xi1>
      %get3A_3041 = arith.constant 176 : index
      %get3A_3042 = tpu.vector_load %arg10[%get3A_3041] {strides = array<i32>} : memref<320xf32, #tpu.memory_space<vmem>>, vector<16xf32>,
      %jit3A_3043 = arith.constant 0xFF800000 : f32
      %broadcast_in_dim3A_3044 = vector.broadcast %jit3A_3043 : f32 to vector<16xf32>
      %select_n3A_3045 = arith.select %or3A_3040, %broadcast_in_dim3A_3044, %get3A_3042 : vector<16xi1>, vector<16xf32>
      %swap3A_3046 = arith.constant 176 : index
      %swap3A_3047 = tpu.vector_load %arg10[%swap3A_3046] {strides = array<i32>} : memref<320xf32, #tpu.memory_space<vmem>>, vector<16xf32>,
      tpu.vector_store %arg10[%swap3A_3046], %select_n3A_3045 {strides = array<i32>} : memref<320xf32, #tpu.memory_space<vmem>>, vector<16xf32>,
      %add3A_3048 = arith.constant 1.760000e+02 : f32
      %add3A_3049 = arith.addf %convert_element_type3A, %add3A_3048 : f32
      %add3A_3050 = vector.broadcast %add3A_3049 : f32 to vector<16xf32>
      %add3A_3051 = arith.addf %add3A_3050, %convert_element_type3A_1 : vector<16xf32>
      %gt3A_3052 = arith.cmpf ogt, %select_n3A_3045, %select_n3A_2984 : vector<16xf32>
      %gt3A_3053 = arith.cmpf ogt, %select_n3A_3045, %select_n3A_2981 : vector<16xf32>
      %not3A_3054 = arith.constant dense<true> : vector<16xi1>
      %not3A_3055 = arith.xori %gt3A_3052, %not3A_3054 : vector<16xi1>
      %and3A_3056 = arith.andi %gt3A_3053, %not3A_3055 : vector<16xi1>
      %select_n3A_3057 = arith.select %and3A_3056, %select_n3A_3045, %select_n3A_2981 : vector<16xi1>, vector<16xf32>
      %select_n3A_3058 = arith.select %gt3A_3052, %select_n3A_2984, %select_n3A_3057 : vector<16xi1>, vector<16xf32>
      %select_n3A_3059 = arith.select %and3A_3056, %add3A_3051, %select_n3A_2983 : vector<16xi1>, vector<16xf32>
      %select_n3A_3060 = arith.select %gt3A_3052, %select_n3A_2985, %select_n3A_3059 : vector<16xi1>, vector<16xf32>
      %select_n3A_3061 = arith.select %gt3A_3052, %select_n3A_3045, %select_n3A_2984 : vector<16xi1>, vector<16xf32>
      %select_n3A_3062 = arith.select %gt3A_3052, %add3A_3051, %select_n3A_2985 : vector<16xi1>, vector<16xf32>
      %get3A_3063 = arith.constant 192 : index
      %get3A_3064 = tpu.vector_load %arg6[%get3A_3063] {strides = array<i32>} : memref<320xf32, #tpu.memory_space<vmem>>, vector<16xf32>,
      %get3A_3065 = arith.constant 192 : index
      %get3A_3066 = tpu.vector_load %arg7[%get3A_3065] {strides = array<i32>} : memref<320xf32, #tpu.memory_space<vmem>>, vector<16xf32>,
      %get3A_3067 = arith.constant 192 : index
      %get3A_3068 = tpu.vector_load %arg8[%get3A_3067] {strides = array<i32>} : memref<320xf32, #tpu.memory_space<vmem>>, vector<16xf32>,
      %get3A_3069 = arith.constant 192 : index
      %get3A_3070 = tpu.vector_load %arg9[%get3A_3069] {strides = array<i32>} : memref<320xf32, #tpu.memory_space<vmem>>, vector<16xf32>,
      %get3A_3071 = arith.constant 192 : index
      %get3A_3072 = tpu.vector_load %arg11[%get3A_3071] {strides = array<i32>} : memref<320xf32, #tpu.memory_space<vmem>>, vector<16xf32>,
      %max3A_3073 = arith.maximumf %get3A_3064, %select_n3A_1879 : vector<16xf32>
      %max3A_3074 = arith.maximumf %get3A_3066, %select_n3A_1886 : vector<16xf32>
      %min3A_3075 = arith.minimumf %get3A_3068, %select_n3A_1893 : vector<16xf32>
      %min3A_3076 = arith.minimumf %get3A_3070, %select_n3A_1900 : vector<16xf32>
      %sub3A_3077 = arith.subf %min3A_3075, %max3A_3073 : vector<16xf32>
      %max3A_3078 = arith.constant 0.000000e+00 : f32
      %max3A_3079 = vector.broadcast %max3A_3078 : f32 to vector<16xf32>
      %max3A_3080 = arith.maximumf %sub3A_3077, %max3A_3079 : vector<16xf32>
      %sub3A_3081 = arith.subf %min3A_3076, %max3A_3074 : vector<16xf32>
      %max3A_3082 = arith.constant 0.000000e+00 : f32
      %max3A_3083 = vector.broadcast %max3A_3082 : f32 to vector<16xf32>
      %max3A_3084 = arith.maximumf %sub3A_3081, %max3A_3083 : vector<16xf32>
      %mul3A_3085 = arith.mulf %max3A_3080, %max3A_3084 : vector<16xf32>
      %add3A_3086 = arith.addf %mul3A_1903, %get3A_3072 : vector<16xf32>
      %sub3A_3087 = arith.subf %add3A_3086, %mul3A_3085 : vector<16xf32>
      %add3A_3088 = arith.constant 9.99999997E-7 : f32
      %add3A_3089 = vector.broadcast %add3A_3088 : f32 to vector<16xf32>
      %add3A_3090 = arith.addf %sub3A_3087, %add3A_3089 : vector<16xf32>
      %div3A_3091 = arith.divf %mul3A_3085, %add3A_3090 : vector<16xf32>
      %max3A_3092 = arith.maximumf %get3A_3064, %select_n3A_2084 : vector<16xf32>
      %max3A_3093 = arith.maximumf %get3A_3066, %select_n3A_2087 : vector<16xf32>
      %min3A_3094 = arith.minimumf %get3A_3068, %select_n3A_2090 : vector<16xf32>
      %min3A_3095 = arith.minimumf %get3A_3070, %select_n3A_2093 : vector<16xf32>
      %sub3A_3096 = arith.subf %min3A_3094, %max3A_3092 : vector<16xf32>
      %max3A_3097 = arith.constant 0.000000e+00 : f32
      %max3A_3098 = vector.broadcast %max3A_3097 : f32 to vector<16xf32>
      %max3A_3099 = arith.maximumf %sub3A_3096, %max3A_3098 : vector<16xf32>
      %sub3A_3100 = arith.subf %min3A_3095, %max3A_3093 : vector<16xf32>
      %max3A_3101 = arith.constant 0.000000e+00 : f32
      %max3A_3102 = vector.broadcast %max3A_3101 : f32 to vector<16xf32>
      %max3A_3103 = arith.maximumf %sub3A_3100, %max3A_3102 : vector<16xf32>
      %mul3A_3104 = arith.mulf %max3A_3099, %max3A_3103 : vector<16xf32>
      %add3A_3105 = arith.addf %mul3A_2096, %get3A_3072 : vector<16xf32>
      %sub3A_3106 = arith.subf %add3A_3105, %mul3A_3104 : vector<16xf32>
      %add3A_3107 = arith.constant 9.99999997E-7 : f32
      %add3A_3108 = vector.broadcast %add3A_3107 : f32 to vector<16xf32>
      %add3A_3109 = arith.addf %sub3A_3106, %add3A_3108 : vector<16xf32>
      %div3A_3110 = arith.divf %mul3A_3104, %add3A_3109 : vector<16xf32>
      %gt3A_3111 = arith.constant 5.000000e-01 : f32
      %gt3A_3112 = vector.broadcast %gt3A_3111 : f32 to vector<16xf32>
      %gt3A_3113 = arith.cmpf ogt, %div3A_3091, %gt3A_3112 : vector<16xf32>
      %gt3A_3114 = arith.constant 5.000000e-01 : f32
      %gt3A_3115 = vector.broadcast %gt3A_3114 : f32 to vector<16xf32>
      %gt3A_3116 = arith.cmpf ogt, %div3A_3110, %gt3A_3115 : vector<16xf32>
      %or3A_3117 = arith.ori %gt3A_3113, %gt3A_3116 : vector<16xi1>
      %get3A_3118 = arith.constant 192 : index
      %get3A_3119 = tpu.vector_load %arg10[%get3A_3118] {strides = array<i32>} : memref<320xf32, #tpu.memory_space<vmem>>, vector<16xf32>,
      %jit3A_3120 = arith.constant 0xFF800000 : f32
      %broadcast_in_dim3A_3121 = vector.broadcast %jit3A_3120 : f32 to vector<16xf32>
      %select_n3A_3122 = arith.select %or3A_3117, %broadcast_in_dim3A_3121, %get3A_3119 : vector<16xi1>, vector<16xf32>
      %swap3A_3123 = arith.constant 192 : index
      %swap3A_3124 = tpu.vector_load %arg10[%swap3A_3123] {strides = array<i32>} : memref<320xf32, #tpu.memory_space<vmem>>, vector<16xf32>,
      tpu.vector_store %arg10[%swap3A_3123], %select_n3A_3122 {strides = array<i32>} : memref<320xf32, #tpu.memory_space<vmem>>, vector<16xf32>,
      %add3A_3125 = arith.constant 1.920000e+02 : f32
      %add3A_3126 = arith.addf %convert_element_type3A, %add3A_3125 : f32
      %add3A_3127 = vector.broadcast %add3A_3126 : f32 to vector<16xf32>
      %add3A_3128 = arith.addf %add3A_3127, %convert_element_type3A_1 : vector<16xf32>
      %gt3A_3129 = arith.cmpf ogt, %select_n3A_3122, %select_n3A_3061 : vector<16xf32>
      %gt3A_3130 = arith.cmpf ogt, %select_n3A_3122, %select_n3A_3058 : vector<16xf32>
      %not3A_3131 = arith.constant dense<true> : vector<16xi1>
      %not3A_3132 = arith.xori %gt3A_3129, %not3A_3131 : vector<16xi1>
      %and3A_3133 = arith.andi %gt3A_3130, %not3A_3132 : vector<16xi1>
      %select_n3A_3134 = arith.select %and3A_3133, %select_n3A_3122, %select_n3A_3058 : vector<16xi1>, vector<16xf32>
      %select_n3A_3135 = arith.select %gt3A_3129, %select_n3A_3061, %select_n3A_3134 : vector<16xi1>, vector<16xf32>
      %select_n3A_3136 = arith.select %and3A_3133, %add3A_3128, %select_n3A_3060 : vector<16xi1>, vector<16xf32>
      %select_n3A_3137 = arith.select %gt3A_3129, %select_n3A_3062, %select_n3A_3136 : vector<16xi1>, vector<16xf32>
      %select_n3A_3138 = arith.select %gt3A_3129, %select_n3A_3122, %select_n3A_3061 : vector<16xi1>, vector<16xf32>
      %select_n3A_3139 = arith.select %gt3A_3129, %add3A_3128, %select_n3A_3062 : vector<16xi1>, vector<16xf32>
      %get3A_3140 = arith.constant 208 : index
      %get3A_3141 = tpu.vector_load %arg6[%get3A_3140] {strides = array<i32>} : memref<320xf32, #tpu.memory_space<vmem>>, vector<16xf32>,
      %get3A_3142 = arith.constant 208 : index
      %get3A_3143 = tpu.vector_load %arg7[%get3A_3142] {strides = array<i32>} : memref<320xf32, #tpu.memory_space<vmem>>, vector<16xf32>,
      %get3A_3144 = arith.constant 208 : index
      %get3A_3145 = tpu.vector_load %arg8[%get3A_3144] {strides = array<i32>} : memref<320xf32, #tpu.memory_space<vmem>>, vector<16xf32>,
      %get3A_3146 = arith.constant 208 : index
      %get3A_3147 = tpu.vector_load %arg9[%get3A_3146] {strides = array<i32>} : memref<320xf32, #tpu.memory_space<vmem>>, vector<16xf32>,
      %get3A_3148 = arith.constant 208 : index
      %get3A_3149 = tpu.vector_load %arg11[%get3A_3148] {strides = array<i32>} : memref<320xf32, #tpu.memory_space<vmem>>, vector<16xf32>,
      %max3A_3150 = arith.maximumf %get3A_3141, %select_n3A_1879 : vector<16xf32>
      %max3A_3151 = arith.maximumf %get3A_3143, %select_n3A_1886 : vector<16xf32>
      %min3A_3152 = arith.minimumf %get3A_3145, %select_n3A_1893 : vector<16xf32>
      %min3A_3153 = arith.minimumf %get3A_3147, %select_n3A_1900 : vector<16xf32>
      %sub3A_3154 = arith.subf %min3A_3152, %max3A_3150 : vector<16xf32>
      %max3A_3155 = arith.constant 0.000000e+00 : f32
      %max3A_3156 = vector.broadcast %max3A_3155 : f32 to vector<16xf32>
      %max3A_3157 = arith.maximumf %sub3A_3154, %max3A_3156 : vector<16xf32>
      %sub3A_3158 = arith.subf %min3A_3153, %max3A_3151 : vector<16xf32>
      %max3A_3159 = arith.constant 0.000000e+00 : f32
      %max3A_3160 = vector.broadcast %max3A_3159 : f32 to vector<16xf32>
      %max3A_3161 = arith.maximumf %sub3A_3158, %max3A_3160 : vector<16xf32>
      %mul3A_3162 = arith.mulf %max3A_3157, %max3A_3161 : vector<16xf32>
      %add3A_3163 = arith.addf %mul3A_1903, %get3A_3149 : vector<16xf32>
      %sub3A_3164 = arith.subf %add3A_3163, %mul3A_3162 : vector<16xf32>
      %add3A_3165 = arith.constant 9.99999997E-7 : f32
      %add3A_3166 = vector.broadcast %add3A_3165 : f32 to vector<16xf32>
      %add3A_3167 = arith.addf %sub3A_3164, %add3A_3166 : vector<16xf32>
      %div3A_3168 = arith.divf %mul3A_3162, %add3A_3167 : vector<16xf32>
      %max3A_3169 = arith.maximumf %get3A_3141, %select_n3A_2084 : vector<16xf32>
      %max3A_3170 = arith.maximumf %get3A_3143, %select_n3A_2087 : vector<16xf32>
      %min3A_3171 = arith.minimumf %get3A_3145, %select_n3A_2090 : vector<16xf32>
      %min3A_3172 = arith.minimumf %get3A_3147, %select_n3A_2093 : vector<16xf32>
      %sub3A_3173 = arith.subf %min3A_3171, %max3A_3169 : vector<16xf32>
      %max3A_3174 = arith.constant 0.000000e+00 : f32
      %max3A_3175 = vector.broadcast %max3A_3174 : f32 to vector<16xf32>
      %max3A_3176 = arith.maximumf %sub3A_3173, %max3A_3175 : vector<16xf32>
      %sub3A_3177 = arith.subf %min3A_3172, %max3A_3170 : vector<16xf32>
      %max3A_3178 = arith.constant 0.000000e+00 : f32
      %max3A_3179 = vector.broadcast %max3A_3178 : f32 to vector<16xf32>
      %max3A_3180 = arith.maximumf %sub3A_3177, %max3A_3179 : vector<16xf32>
      %mul3A_3181 = arith.mulf %max3A_3176, %max3A_3180 : vector<16xf32>
      %add3A_3182 = arith.addf %mul3A_2096, %get3A_3149 : vector<16xf32>
      %sub3A_3183 = arith.subf %add3A_3182, %mul3A_3181 : vector<16xf32>
      %add3A_3184 = arith.constant 9.99999997E-7 : f32
      %add3A_3185 = vector.broadcast %add3A_3184 : f32 to vector<16xf32>
      %add3A_3186 = arith.addf %sub3A_3183, %add3A_3185 : vector<16xf32>
      %div3A_3187 = arith.divf %mul3A_3181, %add3A_3186 : vector<16xf32>
      %gt3A_3188 = arith.constant 5.000000e-01 : f32
      %gt3A_3189 = vector.broadcast %gt3A_3188 : f32 to vector<16xf32>
      %gt3A_3190 = arith.cmpf ogt, %div3A_3168, %gt3A_3189 : vector<16xf32>
      %gt3A_3191 = arith.constant 5.000000e-01 : f32
      %gt3A_3192 = vector.broadcast %gt3A_3191 : f32 to vector<16xf32>
      %gt3A_3193 = arith.cmpf ogt, %div3A_3187, %gt3A_3192 : vector<16xf32>
      %or3A_3194 = arith.ori %gt3A_3190, %gt3A_3193 : vector<16xi1>
      %get3A_3195 = arith.constant 208 : index
      %get3A_3196 = tpu.vector_load %arg10[%get3A_3195] {strides = array<i32>} : memref<320xf32, #tpu.memory_space<vmem>>, vector<16xf32>,
      %jit3A_3197 = arith.constant 0xFF800000 : f32
      %broadcast_in_dim3A_3198 = vector.broadcast %jit3A_3197 : f32 to vector<16xf32>
      %select_n3A_3199 = arith.select %or3A_3194, %broadcast_in_dim3A_3198, %get3A_3196 : vector<16xi1>, vector<16xf32>
      %swap3A_3200 = arith.constant 208 : index
      %swap3A_3201 = tpu.vector_load %arg10[%swap3A_3200] {strides = array<i32>} : memref<320xf32, #tpu.memory_space<vmem>>, vector<16xf32>,
      tpu.vector_store %arg10[%swap3A_3200], %select_n3A_3199 {strides = array<i32>} : memref<320xf32, #tpu.memory_space<vmem>>, vector<16xf32>,
      %add3A_3202 = arith.constant 2.080000e+02 : f32
      %add3A_3203 = arith.addf %convert_element_type3A, %add3A_3202 : f32
      %add3A_3204 = vector.broadcast %add3A_3203 : f32 to vector<16xf32>
      %add3A_3205 = arith.addf %add3A_3204, %convert_element_type3A_1 : vector<16xf32>
      %gt3A_3206 = arith.cmpf ogt, %select_n3A_3199, %select_n3A_3138 : vector<16xf32>
      %gt3A_3207 = arith.cmpf ogt, %select_n3A_3199, %select_n3A_3135 : vector<16xf32>
      %not3A_3208 = arith.constant dense<true> : vector<16xi1>
      %not3A_3209 = arith.xori %gt3A_3206, %not3A_3208 : vector<16xi1>
      %and3A_3210 = arith.andi %gt3A_3207, %not3A_3209 : vector<16xi1>
      %select_n3A_3211 = arith.select %and3A_3210, %select_n3A_3199, %select_n3A_3135 : vector<16xi1>, vector<16xf32>
      %select_n3A_3212 = arith.select %gt3A_3206, %select_n3A_3138, %select_n3A_3211 : vector<16xi1>, vector<16xf32>
      %select_n3A_3213 = arith.select %and3A_3210, %add3A_3205, %select_n3A_3137 : vector<16xi1>, vector<16xf32>
      %select_n3A_3214 = arith.select %gt3A_3206, %select_n3A_3139, %select_n3A_3213 : vector<16xi1>, vector<16xf32>
      %select_n3A_3215 = arith.select %gt3A_3206, %select_n3A_3199, %select_n3A_3138 : vector<16xi1>, vector<16xf32>
      %select_n3A_3216 = arith.select %gt3A_3206, %add3A_3205, %select_n3A_3139 : vector<16xi1>, vector<16xf32>
      %get3A_3217 = arith.constant 224 : index
      %get3A_3218 = tpu.vector_load %arg6[%get3A_3217] {strides = array<i32>} : memref<320xf32, #tpu.memory_space<vmem>>, vector<16xf32>,
      %get3A_3219 = arith.constant 224 : index
      %get3A_3220 = tpu.vector_load %arg7[%get3A_3219] {strides = array<i32>} : memref<320xf32, #tpu.memory_space<vmem>>, vector<16xf32>,
      %get3A_3221 = arith.constant 224 : index
      %get3A_3222 = tpu.vector_load %arg8[%get3A_3221] {strides = array<i32>} : memref<320xf32, #tpu.memory_space<vmem>>, vector<16xf32>,
      %get3A_3223 = arith.constant 224 : index
      %get3A_3224 = tpu.vector_load %arg9[%get3A_3223] {strides = array<i32>} : memref<320xf32, #tpu.memory_space<vmem>>, vector<16xf32>,
      %get3A_3225 = arith.constant 224 : index
      %get3A_3226 = tpu.vector_load %arg11[%get3A_3225] {strides = array<i32>} : memref<320xf32, #tpu.memory_space<vmem>>, vector<16xf32>,
      %max3A_3227 = arith.maximumf %get3A_3218, %select_n3A_1879 : vector<16xf32>
      %max3A_3228 = arith.maximumf %get3A_3220, %select_n3A_1886 : vector<16xf32>
      %min3A_3229 = arith.minimumf %get3A_3222, %select_n3A_1893 : vector<16xf32>
      %min3A_3230 = arith.minimumf %get3A_3224, %select_n3A_1900 : vector<16xf32>
      %sub3A_3231 = arith.subf %min3A_3229, %max3A_3227 : vector<16xf32>
      %max3A_3232 = arith.constant 0.000000e+00 : f32
      %max3A_3233 = vector.broadcast %max3A_3232 : f32 to vector<16xf32>
      %max3A_3234 = arith.maximumf %sub3A_3231, %max3A_3233 : vector<16xf32>
      %sub3A_3235 = arith.subf %min3A_3230, %max3A_3228 : vector<16xf32>
      %max3A_3236 = arith.constant 0.000000e+00 : f32
      %max3A_3237 = vector.broadcast %max3A_3236 : f32 to vector<16xf32>
      %max3A_3238 = arith.maximumf %sub3A_3235, %max3A_3237 : vector<16xf32>
      %mul3A_3239 = arith.mulf %max3A_3234, %max3A_3238 : vector<16xf32>
      %add3A_3240 = arith.addf %mul3A_1903, %get3A_3226 : vector<16xf32>
      %sub3A_3241 = arith.subf %add3A_3240, %mul3A_3239 : vector<16xf32>
      %add3A_3242 = arith.constant 9.99999997E-7 : f32
      %add3A_3243 = vector.broadcast %add3A_3242 : f32 to vector<16xf32>
      %add3A_3244 = arith.addf %sub3A_3241, %add3A_3243 : vector<16xf32>
      %div3A_3245 = arith.divf %mul3A_3239, %add3A_3244 : vector<16xf32>
      %max3A_3246 = arith.maximumf %get3A_3218, %select_n3A_2084 : vector<16xf32>
      %max3A_3247 = arith.maximumf %get3A_3220, %select_n3A_2087 : vector<16xf32>
      %min3A_3248 = arith.minimumf %get3A_3222, %select_n3A_2090 : vector<16xf32>
      %min3A_3249 = arith.minimumf %get3A_3224, %select_n3A_2093 : vector<16xf32>
      %sub3A_3250 = arith.subf %min3A_3248, %max3A_3246 : vector<16xf32>
      %max3A_3251 = arith.constant 0.000000e+00 : f32
      %max3A_3252 = vector.broadcast %max3A_3251 : f32 to vector<16xf32>
      %max3A_3253 = arith.maximumf %sub3A_3250, %max3A_3252 : vector<16xf32>
      %sub3A_3254 = arith.subf %min3A_3249, %max3A_3247 : vector<16xf32>
      %max3A_3255 = arith.constant 0.000000e+00 : f32
      %max3A_3256 = vector.broadcast %max3A_3255 : f32 to vector<16xf32>
      %max3A_3257 = arith.maximumf %sub3A_3254, %max3A_3256 : vector<16xf32>
      %mul3A_3258 = arith.mulf %max3A_3253, %max3A_3257 : vector<16xf32>
      %add3A_3259 = arith.addf %mul3A_2096, %get3A_3226 : vector<16xf32>
      %sub3A_3260 = arith.subf %add3A_3259, %mul3A_3258 : vector<16xf32>
      %add3A_3261 = arith.constant 9.99999997E-7 : f32
      %add3A_3262 = vector.broadcast %add3A_3261 : f32 to vector<16xf32>
      %add3A_3263 = arith.addf %sub3A_3260, %add3A_3262 : vector<16xf32>
      %div3A_3264 = arith.divf %mul3A_3258, %add3A_3263 : vector<16xf32>
      %gt3A_3265 = arith.constant 5.000000e-01 : f32
      %gt3A_3266 = vector.broadcast %gt3A_3265 : f32 to vector<16xf32>
      %gt3A_3267 = arith.cmpf ogt, %div3A_3245, %gt3A_3266 : vector<16xf32>
      %gt3A_3268 = arith.constant 5.000000e-01 : f32
      %gt3A_3269 = vector.broadcast %gt3A_3268 : f32 to vector<16xf32>
      %gt3A_3270 = arith.cmpf ogt, %div3A_3264, %gt3A_3269 : vector<16xf32>
      %or3A_3271 = arith.ori %gt3A_3267, %gt3A_3270 : vector<16xi1>
      %get3A_3272 = arith.constant 224 : index
      %get3A_3273 = tpu.vector_load %arg10[%get3A_3272] {strides = array<i32>} : memref<320xf32, #tpu.memory_space<vmem>>, vector<16xf32>,
      %jit3A_3274 = arith.constant 0xFF800000 : f32
      %broadcast_in_dim3A_3275 = vector.broadcast %jit3A_3274 : f32 to vector<16xf32>
      %select_n3A_3276 = arith.select %or3A_3271, %broadcast_in_dim3A_3275, %get3A_3273 : vector<16xi1>, vector<16xf32>
      %swap3A_3277 = arith.constant 224 : index
      %swap3A_3278 = tpu.vector_load %arg10[%swap3A_3277] {strides = array<i32>} : memref<320xf32, #tpu.memory_space<vmem>>, vector<16xf32>,
      tpu.vector_store %arg10[%swap3A_3277], %select_n3A_3276 {strides = array<i32>} : memref<320xf32, #tpu.memory_space<vmem>>, vector<16xf32>,
      %add3A_3279 = arith.constant 2.240000e+02 : f32
      %add3A_3280 = arith.addf %convert_element_type3A, %add3A_3279 : f32
      %add3A_3281 = vector.broadcast %add3A_3280 : f32 to vector<16xf32>
      %add3A_3282 = arith.addf %add3A_3281, %convert_element_type3A_1 : vector<16xf32>
      %gt3A_3283 = arith.cmpf ogt, %select_n3A_3276, %select_n3A_3215 : vector<16xf32>
      %gt3A_3284 = arith.cmpf ogt, %select_n3A_3276, %select_n3A_3212 : vector<16xf32>
      %not3A_3285 = arith.constant dense<true> : vector<16xi1>
      %not3A_3286 = arith.xori %gt3A_3283, %not3A_3285 : vector<16xi1>
      %and3A_3287 = arith.andi %gt3A_3284, %not3A_3286 : vector<16xi1>
      %select_n3A_3288 = arith.select %and3A_3287, %select_n3A_3276, %select_n3A_3212 : vector<16xi1>, vector<16xf32>
      %select_n3A_3289 = arith.select %gt3A_3283, %select_n3A_3215, %select_n3A_3288 : vector<16xi1>, vector<16xf32>
      %select_n3A_3290 = arith.select %and3A_3287, %add3A_3282, %select_n3A_3214 : vector<16xi1>, vector<16xf32>
      %select_n3A_3291 = arith.select %gt3A_3283, %select_n3A_3216, %select_n3A_3290 : vector<16xi1>, vector<16xf32>
      %select_n3A_3292 = arith.select %gt3A_3283, %select_n3A_3276, %select_n3A_3215 : vector<16xi1>, vector<16xf32>
      %select_n3A_3293 = arith.select %gt3A_3283, %add3A_3282, %select_n3A_3216 : vector<16xi1>, vector<16xf32>
      %get3A_3294 = arith.constant 240 : index
      %get3A_3295 = tpu.vector_load %arg6[%get3A_3294] {strides = array<i32>} : memref<320xf32, #tpu.memory_space<vmem>>, vector<16xf32>,
      %get3A_3296 = arith.constant 240 : index
      %get3A_3297 = tpu.vector_load %arg7[%get3A_3296] {strides = array<i32>} : memref<320xf32, #tpu.memory_space<vmem>>, vector<16xf32>,
      %get3A_3298 = arith.constant 240 : index
      %get3A_3299 = tpu.vector_load %arg8[%get3A_3298] {strides = array<i32>} : memref<320xf32, #tpu.memory_space<vmem>>, vector<16xf32>,
      %get3A_3300 = arith.constant 240 : index
      %get3A_3301 = tpu.vector_load %arg9[%get3A_3300] {strides = array<i32>} : memref<320xf32, #tpu.memory_space<vmem>>, vector<16xf32>,
      %get3A_3302 = arith.constant 240 : index
      %get3A_3303 = tpu.vector_load %arg11[%get3A_3302] {strides = array<i32>} : memref<320xf32, #tpu.memory_space<vmem>>, vector<16xf32>,
      %max3A_3304 = arith.maximumf %get3A_3295, %select_n3A_1879 : vector<16xf32>
      %max3A_3305 = arith.maximumf %get3A_3297, %select_n3A_1886 : vector<16xf32>
      %min3A_3306 = arith.minimumf %get3A_3299, %select_n3A_1893 : vector<16xf32>
      %min3A_3307 = arith.minimumf %get3A_3301, %select_n3A_1900 : vector<16xf32>
      %sub3A_3308 = arith.subf %min3A_3306, %max3A_3304 : vector<16xf32>
      %max3A_3309 = arith.constant 0.000000e+00 : f32
      %max3A_3310 = vector.broadcast %max3A_3309 : f32 to vector<16xf32>
      %max3A_3311 = arith.maximumf %sub3A_3308, %max3A_3310 : vector<16xf32>
      %sub3A_3312 = arith.subf %min3A_3307, %max3A_3305 : vector<16xf32>
      %max3A_3313 = arith.constant 0.000000e+00 : f32
      %max3A_3314 = vector.broadcast %max3A_3313 : f32 to vector<16xf32>
      %max3A_3315 = arith.maximumf %sub3A_3312, %max3A_3314 : vector<16xf32>
      %mul3A_3316 = arith.mulf %max3A_3311, %max3A_3315 : vector<16xf32>
      %add3A_3317 = arith.addf %mul3A_1903, %get3A_3303 : vector<16xf32>
      %sub3A_3318 = arith.subf %add3A_3317, %mul3A_3316 : vector<16xf32>
      %add3A_3319 = arith.constant 9.99999997E-7 : f32
      %add3A_3320 = vector.broadcast %add3A_3319 : f32 to vector<16xf32>
      %add3A_3321 = arith.addf %sub3A_3318, %add3A_3320 : vector<16xf32>
      %div3A_3322 = arith.divf %mul3A_3316, %add3A_3321 : vector<16xf32>
      %max3A_3323 = arith.maximumf %get3A_3295, %select_n3A_2084 : vector<16xf32>
      %max3A_3324 = arith.maximumf %get3A_3297, %select_n3A_2087 : vector<16xf32>
      %min3A_3325 = arith.minimumf %get3A_3299, %select_n3A_2090 : vector<16xf32>
      %min3A_3326 = arith.minimumf %get3A_3301, %select_n3A_2093 : vector<16xf32>
      %sub3A_3327 = arith.subf %min3A_3325, %max3A_3323 : vector<16xf32>
      %max3A_3328 = arith.constant 0.000000e+00 : f32
      %max3A_3329 = vector.broadcast %max3A_3328 : f32 to vector<16xf32>
      %max3A_3330 = arith.maximumf %sub3A_3327, %max3A_3329 : vector<16xf32>
      %sub3A_3331 = arith.subf %min3A_3326, %max3A_3324 : vector<16xf32>
      %max3A_3332 = arith.constant 0.000000e+00 : f32
      %max3A_3333 = vector.broadcast %max3A_3332 : f32 to vector<16xf32>
      %max3A_3334 = arith.maximumf %sub3A_3331, %max3A_3333 : vector<16xf32>
      %mul3A_3335 = arith.mulf %max3A_3330, %max3A_3334 : vector<16xf32>
      %add3A_3336 = arith.addf %mul3A_2096, %get3A_3303 : vector<16xf32>
      %sub3A_3337 = arith.subf %add3A_3336, %mul3A_3335 : vector<16xf32>
      %add3A_3338 = arith.constant 9.99999997E-7 : f32
      %add3A_3339 = vector.broadcast %add3A_3338 : f32 to vector<16xf32>
      %add3A_3340 = arith.addf %sub3A_3337, %add3A_3339 : vector<16xf32>
      %div3A_3341 = arith.divf %mul3A_3335, %add3A_3340 : vector<16xf32>
      %gt3A_3342 = arith.constant 5.000000e-01 : f32
      %gt3A_3343 = vector.broadcast %gt3A_3342 : f32 to vector<16xf32>
      %gt3A_3344 = arith.cmpf ogt, %div3A_3322, %gt3A_3343 : vector<16xf32>
      %gt3A_3345 = arith.constant 5.000000e-01 : f32
      %gt3A_3346 = vector.broadcast %gt3A_3345 : f32 to vector<16xf32>
      %gt3A_3347 = arith.cmpf ogt, %div3A_3341, %gt3A_3346 : vector<16xf32>
      %or3A_3348 = arith.ori %gt3A_3344, %gt3A_3347 : vector<16xi1>
      %get3A_3349 = arith.constant 240 : index
      %get3A_3350 = tpu.vector_load %arg10[%get3A_3349] {strides = array<i32>} : memref<320xf32, #tpu.memory_space<vmem>>, vector<16xf32>,
      %jit3A_3351 = arith.constant 0xFF800000 : f32
      %broadcast_in_dim3A_3352 = vector.broadcast %jit3A_3351 : f32 to vector<16xf32>
      %select_n3A_3353 = arith.select %or3A_3348, %broadcast_in_dim3A_3352, %get3A_3350 : vector<16xi1>, vector<16xf32>
      %swap3A_3354 = arith.constant 240 : index
      %swap3A_3355 = tpu.vector_load %arg10[%swap3A_3354] {strides = array<i32>} : memref<320xf32, #tpu.memory_space<vmem>>, vector<16xf32>,
      tpu.vector_store %arg10[%swap3A_3354], %select_n3A_3353 {strides = array<i32>} : memref<320xf32, #tpu.memory_space<vmem>>, vector<16xf32>,
      %add3A_3356 = arith.constant 2.400000e+02 : f32
      %add3A_3357 = arith.addf %convert_element_type3A, %add3A_3356 : f32
      %add3A_3358 = vector.broadcast %add3A_3357 : f32 to vector<16xf32>
      %add3A_3359 = arith.addf %add3A_3358, %convert_element_type3A_1 : vector<16xf32>
      %gt3A_3360 = arith.cmpf ogt, %select_n3A_3353, %select_n3A_3292 : vector<16xf32>
      %gt3A_3361 = arith.cmpf ogt, %select_n3A_3353, %select_n3A_3289 : vector<16xf32>
      %not3A_3362 = arith.constant dense<true> : vector<16xi1>
      %not3A_3363 = arith.xori %gt3A_3360, %not3A_3362 : vector<16xi1>
      %and3A_3364 = arith.andi %gt3A_3361, %not3A_3363 : vector<16xi1>
      %select_n3A_3365 = arith.select %and3A_3364, %select_n3A_3353, %select_n3A_3289 : vector<16xi1>, vector<16xf32>
      %select_n3A_3366 = arith.select %gt3A_3360, %select_n3A_3292, %select_n3A_3365 : vector<16xi1>, vector<16xf32>
      %select_n3A_3367 = arith.select %and3A_3364, %add3A_3359, %select_n3A_3291 : vector<16xi1>, vector<16xf32>
      %select_n3A_3368 = arith.select %gt3A_3360, %select_n3A_3293, %select_n3A_3367 : vector<16xi1>, vector<16xf32>
      %select_n3A_3369 = arith.select %gt3A_3360, %select_n3A_3353, %select_n3A_3292 : vector<16xi1>, vector<16xf32>
      %select_n3A_3370 = arith.select %gt3A_3360, %add3A_3359, %select_n3A_3293 : vector<16xi1>, vector<16xf32>
      %get3A_3371 = arith.constant 256 : index
      %get3A_3372 = tpu.vector_load %arg6[%get3A_3371] {strides = array<i32>} : memref<320xf32, #tpu.memory_space<vmem>>, vector<16xf32>,
      %get3A_3373 = arith.constant 256 : index
      %get3A_3374 = tpu.vector_load %arg7[%get3A_3373] {strides = array<i32>} : memref<320xf32, #tpu.memory_space<vmem>>, vector<16xf32>,
      %get3A_3375 = arith.constant 256 : index
      %get3A_3376 = tpu.vector_load %arg8[%get3A_3375] {strides = array<i32>} : memref<320xf32, #tpu.memory_space<vmem>>, vector<16xf32>,
      %get3A_3377 = arith.constant 256 : index
      %get3A_3378 = tpu.vector_load %arg9[%get3A_3377] {strides = array<i32>} : memref<320xf32, #tpu.memory_space<vmem>>, vector<16xf32>,
      %get3A_3379 = arith.constant 256 : index
      %get3A_3380 = tpu.vector_load %arg11[%get3A_3379] {strides = array<i32>} : memref<320xf32, #tpu.memory_space<vmem>>, vector<16xf32>,
      %max3A_3381 = arith.maximumf %get3A_3372, %select_n3A_1879 : vector<16xf32>
      %max3A_3382 = arith.maximumf %get3A_3374, %select_n3A_1886 : vector<16xf32>
      %min3A_3383 = arith.minimumf %get3A_3376, %select_n3A_1893 : vector<16xf32>
      %min3A_3384 = arith.minimumf %get3A_3378, %select_n3A_1900 : vector<16xf32>
      %sub3A_3385 = arith.subf %min3A_3383, %max3A_3381 : vector<16xf32>
      %max3A_3386 = arith.constant 0.000000e+00 : f32
      %max3A_3387 = vector.broadcast %max3A_3386 : f32 to vector<16xf32>
      %max3A_3388 = arith.maximumf %sub3A_3385, %max3A_3387 : vector<16xf32>
      %sub3A_3389 = arith.subf %min3A_3384, %max3A_3382 : vector<16xf32>
      %max3A_3390 = arith.constant 0.000000e+00 : f32
      %max3A_3391 = vector.broadcast %max3A_3390 : f32 to vector<16xf32>
      %max3A_3392 = arith.maximumf %sub3A_3389, %max3A_3391 : vector<16xf32>
      %mul3A_3393 = arith.mulf %max3A_3388, %max3A_3392 : vector<16xf32>
      %add3A_3394 = arith.addf %mul3A_1903, %get3A_3380 : vector<16xf32>
      %sub3A_3395 = arith.subf %add3A_3394, %mul3A_3393 : vector<16xf32>
      %add3A_3396 = arith.constant 9.99999997E-7 : f32
      %add3A_3397 = vector.broadcast %add3A_3396 : f32 to vector<16xf32>
      %add3A_3398 = arith.addf %sub3A_3395, %add3A_3397 : vector<16xf32>
      %div3A_3399 = arith.divf %mul3A_3393, %add3A_3398 : vector<16xf32>
      %max3A_3400 = arith.maximumf %get3A_3372, %select_n3A_2084 : vector<16xf32>
      %max3A_3401 = arith.maximumf %get3A_3374, %select_n3A_2087 : vector<16xf32>
      %min3A_3402 = arith.minimumf %get3A_3376, %select_n3A_2090 : vector<16xf32>
      %min3A_3403 = arith.minimumf %get3A_3378, %select_n3A_2093 : vector<16xf32>
      %sub3A_3404 = arith.subf %min3A_3402, %max3A_3400 : vector<16xf32>
      %max3A_3405 = arith.constant 0.000000e+00 : f32
      %max3A_3406 = vector.broadcast %max3A_3405 : f32 to vector<16xf32>
      %max3A_3407 = arith.maximumf %sub3A_3404, %max3A_3406 : vector<16xf32>
      %sub3A_3408 = arith.subf %min3A_3403, %max3A_3401 : vector<16xf32>
      %max3A_3409 = arith.constant 0.000000e+00 : f32
      %max3A_3410 = vector.broadcast %max3A_3409 : f32 to vector<16xf32>
      %max3A_3411 = arith.maximumf %sub3A_3408, %max3A_3410 : vector<16xf32>
      %mul3A_3412 = arith.mulf %max3A_3407, %max3A_3411 : vector<16xf32>
      %add3A_3413 = arith.addf %mul3A_2096, %get3A_3380 : vector<16xf32>
      %sub3A_3414 = arith.subf %add3A_3413, %mul3A_3412 : vector<16xf32>
      %add3A_3415 = arith.constant 9.99999997E-7 : f32
      %add3A_3416 = vector.broadcast %add3A_3415 : f32 to vector<16xf32>
      %add3A_3417 = arith.addf %sub3A_3414, %add3A_3416 : vector<16xf32>
      %div3A_3418 = arith.divf %mul3A_3412, %add3A_3417 : vector<16xf32>
      %gt3A_3419 = arith.constant 5.000000e-01 : f32
      %gt3A_3420 = vector.broadcast %gt3A_3419 : f32 to vector<16xf32>
      %gt3A_3421 = arith.cmpf ogt, %div3A_3399, %gt3A_3420 : vector<16xf32>
      %gt3A_3422 = arith.constant 5.000000e-01 : f32
      %gt3A_3423 = vector.broadcast %gt3A_3422 : f32 to vector<16xf32>
      %gt3A_3424 = arith.cmpf ogt, %div3A_3418, %gt3A_3423 : vector<16xf32>
      %or3A_3425 = arith.ori %gt3A_3421, %gt3A_3424 : vector<16xi1>
      %get3A_3426 = arith.constant 256 : index
      %get3A_3427 = tpu.vector_load %arg10[%get3A_3426] {strides = array<i32>} : memref<320xf32, #tpu.memory_space<vmem>>, vector<16xf32>,
      %jit3A_3428 = arith.constant 0xFF800000 : f32
      %broadcast_in_dim3A_3429 = vector.broadcast %jit3A_3428 : f32 to vector<16xf32>
      %select_n3A_3430 = arith.select %or3A_3425, %broadcast_in_dim3A_3429, %get3A_3427 : vector<16xi1>, vector<16xf32>
      %swap3A_3431 = arith.constant 256 : index
      %swap3A_3432 = tpu.vector_load %arg10[%swap3A_3431] {strides = array<i32>} : memref<320xf32, #tpu.memory_space<vmem>>, vector<16xf32>,
      tpu.vector_store %arg10[%swap3A_3431], %select_n3A_3430 {strides = array<i32>} : memref<320xf32, #tpu.memory_space<vmem>>, vector<16xf32>,
      %add3A_3433 = arith.constant 2.560000e+02 : f32
      %add3A_3434 = arith.addf %convert_element_type3A, %add3A_3433 : f32
      %add3A_3435 = vector.broadcast %add3A_3434 : f32 to vector<16xf32>
      %add3A_3436 = arith.addf %add3A_3435, %convert_element_type3A_1 : vector<16xf32>
      %gt3A_3437 = arith.cmpf ogt, %select_n3A_3430, %select_n3A_3369 : vector<16xf32>
      %gt3A_3438 = arith.cmpf ogt, %select_n3A_3430, %select_n3A_3366 : vector<16xf32>
      %not3A_3439 = arith.constant dense<true> : vector<16xi1>
      %not3A_3440 = arith.xori %gt3A_3437, %not3A_3439 : vector<16xi1>
      %and3A_3441 = arith.andi %gt3A_3438, %not3A_3440 : vector<16xi1>
      %select_n3A_3442 = arith.select %and3A_3441, %select_n3A_3430, %select_n3A_3366 : vector<16xi1>, vector<16xf32>
      %select_n3A_3443 = arith.select %gt3A_3437, %select_n3A_3369, %select_n3A_3442 : vector<16xi1>, vector<16xf32>
      %select_n3A_3444 = arith.select %and3A_3441, %add3A_3436, %select_n3A_3368 : vector<16xi1>, vector<16xf32>
      %select_n3A_3445 = arith.select %gt3A_3437, %select_n3A_3370, %select_n3A_3444 : vector<16xi1>, vector<16xf32>
      %select_n3A_3446 = arith.select %gt3A_3437, %select_n3A_3430, %select_n3A_3369 : vector<16xi1>, vector<16xf32>
      %select_n3A_3447 = arith.select %gt3A_3437, %add3A_3436, %select_n3A_3370 : vector<16xi1>, vector<16xf32>
      %get3A_3448 = arith.constant 272 : index
      %get3A_3449 = tpu.vector_load %arg6[%get3A_3448] {strides = array<i32>} : memref<320xf32, #tpu.memory_space<vmem>>, vector<16xf32>,
      %get3A_3450 = arith.constant 272 : index
      %get3A_3451 = tpu.vector_load %arg7[%get3A_3450] {strides = array<i32>} : memref<320xf32, #tpu.memory_space<vmem>>, vector<16xf32>,
      %get3A_3452 = arith.constant 272 : index
      %get3A_3453 = tpu.vector_load %arg8[%get3A_3452] {strides = array<i32>} : memref<320xf32, #tpu.memory_space<vmem>>, vector<16xf32>,
      %get3A_3454 = arith.constant 272 : index
      %get3A_3455 = tpu.vector_load %arg9[%get3A_3454] {strides = array<i32>} : memref<320xf32, #tpu.memory_space<vmem>>, vector<16xf32>,
      %get3A_3456 = arith.constant 272 : index
      %get3A_3457 = tpu.vector_load %arg11[%get3A_3456] {strides = array<i32>} : memref<320xf32, #tpu.memory_space<vmem>>, vector<16xf32>,
      %max3A_3458 = arith.maximumf %get3A_3449, %select_n3A_1879 : vector<16xf32>
      %max3A_3459 = arith.maximumf %get3A_3451, %select_n3A_1886 : vector<16xf32>
      %min3A_3460 = arith.minimumf %get3A_3453, %select_n3A_1893 : vector<16xf32>
      %min3A_3461 = arith.minimumf %get3A_3455, %select_n3A_1900 : vector<16xf32>
      %sub3A_3462 = arith.subf %min3A_3460, %max3A_3458 : vector<16xf32>
      %max3A_3463 = arith.constant 0.000000e+00 : f32
      %max3A_3464 = vector.broadcast %max3A_3463 : f32 to vector<16xf32>
      %max3A_3465 = arith.maximumf %sub3A_3462, %max3A_3464 : vector<16xf32>
      %sub3A_3466 = arith.subf %min3A_3461, %max3A_3459 : vector<16xf32>
      %max3A_3467 = arith.constant 0.000000e+00 : f32
      %max3A_3468 = vector.broadcast %max3A_3467 : f32 to vector<16xf32>
      %max3A_3469 = arith.maximumf %sub3A_3466, %max3A_3468 : vector<16xf32>
      %mul3A_3470 = arith.mulf %max3A_3465, %max3A_3469 : vector<16xf32>
      %add3A_3471 = arith.addf %mul3A_1903, %get3A_3457 : vector<16xf32>
      %sub3A_3472 = arith.subf %add3A_3471, %mul3A_3470 : vector<16xf32>
      %add3A_3473 = arith.constant 9.99999997E-7 : f32
      %add3A_3474 = vector.broadcast %add3A_3473 : f32 to vector<16xf32>
      %add3A_3475 = arith.addf %sub3A_3472, %add3A_3474 : vector<16xf32>
      %div3A_3476 = arith.divf %mul3A_3470, %add3A_3475 : vector<16xf32>
      %max3A_3477 = arith.maximumf %get3A_3449, %select_n3A_2084 : vector<16xf32>
      %max3A_3478 = arith.maximumf %get3A_3451, %select_n3A_2087 : vector<16xf32>
      %min3A_3479 = arith.minimumf %get3A_3453, %select_n3A_2090 : vector<16xf32>
      %min3A_3480 = arith.minimumf %get3A_3455, %select_n3A_2093 : vector<16xf32>
      %sub3A_3481 = arith.subf %min3A_3479, %max3A_3477 : vector<16xf32>
      %max3A_3482 = arith.constant 0.000000e+00 : f32
      %max3A_3483 = vector.broadcast %max3A_3482 : f32 to vector<16xf32>
      %max3A_3484 = arith.maximumf %sub3A_3481, %max3A_3483 : vector<16xf32>
      %sub3A_3485 = arith.subf %min3A_3480, %max3A_3478 : vector<16xf32>
      %max3A_3486 = arith.constant 0.000000e+00 : f32
      %max3A_3487 = vector.broadcast %max3A_3486 : f32 to vector<16xf32>
      %max3A_3488 = arith.maximumf %sub3A_3485, %max3A_3487 : vector<16xf32>
      %mul3A_3489 = arith.mulf %max3A_3484, %max3A_3488 : vector<16xf32>
      %add3A_3490 = arith.addf %mul3A_2096, %get3A_3457 : vector<16xf32>
      %sub3A_3491 = arith.subf %add3A_3490, %mul3A_3489 : vector<16xf32>
      %add3A_3492 = arith.constant 9.99999997E-7 : f32
      %add3A_3493 = vector.broadcast %add3A_3492 : f32 to vector<16xf32>
      %add3A_3494 = arith.addf %sub3A_3491, %add3A_3493 : vector<16xf32>
      %div3A_3495 = arith.divf %mul3A_3489, %add3A_3494 : vector<16xf32>
      %gt3A_3496 = arith.constant 5.000000e-01 : f32
      %gt3A_3497 = vector.broadcast %gt3A_3496 : f32 to vector<16xf32>
      %gt3A_3498 = arith.cmpf ogt, %div3A_3476, %gt3A_3497 : vector<16xf32>
      %gt3A_3499 = arith.constant 5.000000e-01 : f32
      %gt3A_3500 = vector.broadcast %gt3A_3499 : f32 to vector<16xf32>
      %gt3A_3501 = arith.cmpf ogt, %div3A_3495, %gt3A_3500 : vector<16xf32>
      %or3A_3502 = arith.ori %gt3A_3498, %gt3A_3501 : vector<16xi1>
      %get3A_3503 = arith.constant 272 : index
      %get3A_3504 = tpu.vector_load %arg10[%get3A_3503] {strides = array<i32>} : memref<320xf32, #tpu.memory_space<vmem>>, vector<16xf32>,
      %jit3A_3505 = arith.constant 0xFF800000 : f32
      %broadcast_in_dim3A_3506 = vector.broadcast %jit3A_3505 : f32 to vector<16xf32>
      %select_n3A_3507 = arith.select %or3A_3502, %broadcast_in_dim3A_3506, %get3A_3504 : vector<16xi1>, vector<16xf32>
      %swap3A_3508 = arith.constant 272 : index
      %swap3A_3509 = tpu.vector_load %arg10[%swap3A_3508] {strides = array<i32>} : memref<320xf32, #tpu.memory_space<vmem>>, vector<16xf32>,
      tpu.vector_store %arg10[%swap3A_3508], %select_n3A_3507 {strides = array<i32>} : memref<320xf32, #tpu.memory_space<vmem>>, vector<16xf32>,
      %add3A_3510 = arith.constant 2.720000e+02 : f32
      %add3A_3511 = arith.addf %convert_element_type3A, %add3A_3510 : f32
      %add3A_3512 = vector.broadcast %add3A_3511 : f32 to vector<16xf32>
      %add3A_3513 = arith.addf %add3A_3512, %convert_element_type3A_1 : vector<16xf32>
      %gt3A_3514 = arith.cmpf ogt, %select_n3A_3507, %select_n3A_3446 : vector<16xf32>
      %gt3A_3515 = arith.cmpf ogt, %select_n3A_3507, %select_n3A_3443 : vector<16xf32>
      %not3A_3516 = arith.constant dense<true> : vector<16xi1>
      %not3A_3517 = arith.xori %gt3A_3514, %not3A_3516 : vector<16xi1>
      %and3A_3518 = arith.andi %gt3A_3515, %not3A_3517 : vector<16xi1>
      %select_n3A_3519 = arith.select %and3A_3518, %select_n3A_3507, %select_n3A_3443 : vector<16xi1>, vector<16xf32>
      %select_n3A_3520 = arith.select %gt3A_3514, %select_n3A_3446, %select_n3A_3519 : vector<16xi1>, vector<16xf32>
      %select_n3A_3521 = arith.select %and3A_3518, %add3A_3513, %select_n3A_3445 : vector<16xi1>, vector<16xf32>
      %select_n3A_3522 = arith.select %gt3A_3514, %select_n3A_3447, %select_n3A_3521 : vector<16xi1>, vector<16xf32>
      %select_n3A_3523 = arith.select %gt3A_3514, %select_n3A_3507, %select_n3A_3446 : vector<16xi1>, vector<16xf32>
      %select_n3A_3524 = arith.select %gt3A_3514, %add3A_3513, %select_n3A_3447 : vector<16xi1>, vector<16xf32>
      %get3A_3525 = arith.constant 288 : index
      %get3A_3526 = tpu.vector_load %arg6[%get3A_3525] {strides = array<i32>} : memref<320xf32, #tpu.memory_space<vmem>>, vector<16xf32>,
      %get3A_3527 = arith.constant 288 : index
      %get3A_3528 = tpu.vector_load %arg7[%get3A_3527] {strides = array<i32>} : memref<320xf32, #tpu.memory_space<vmem>>, vector<16xf32>,
      %get3A_3529 = arith.constant 288 : index
      %get3A_3530 = tpu.vector_load %arg8[%get3A_3529] {strides = array<i32>} : memref<320xf32, #tpu.memory_space<vmem>>, vector<16xf32>,
      %get3A_3531 = arith.constant 288 : index
      %get3A_3532 = tpu.vector_load %arg9[%get3A_3531] {strides = array<i32>} : memref<320xf32, #tpu.memory_space<vmem>>, vector<16xf32>,
      %get3A_3533 = arith.constant 288 : index
      %get3A_3534 = tpu.vector_load %arg11[%get3A_3533] {strides = array<i32>} : memref<320xf32, #tpu.memory_space<vmem>>, vector<16xf32>,
      %max3A_3535 = arith.maximumf %get3A_3526, %select_n3A_1879 : vector<16xf32>
      %max3A_3536 = arith.maximumf %get3A_3528, %select_n3A_1886 : vector<16xf32>
      %min3A_3537 = arith.minimumf %get3A_3530, %select_n3A_1893 : vector<16xf32>
      %min3A_3538 = arith.minimumf %get3A_3532, %select_n3A_1900 : vector<16xf32>
      %sub3A_3539 = arith.subf %min3A_3537, %max3A_3535 : vector<16xf32>
      %max3A_3540 = arith.constant 0.000000e+00 : f32
      %max3A_3541 = vector.broadcast %max3A_3540 : f32 to vector<16xf32>
      %max3A_3542 = arith.maximumf %sub3A_3539, %max3A_3541 : vector<16xf32>
      %sub3A_3543 = arith.subf %min3A_3538, %max3A_3536 : vector<16xf32>
      %max3A_3544 = arith.constant 0.000000e+00 : f32
      %max3A_3545 = vector.broadcast %max3A_3544 : f32 to vector<16xf32>
      %max3A_3546 = arith.maximumf %sub3A_3543, %max3A_3545 : vector<16xf32>
      %mul3A_3547 = arith.mulf %max3A_3542, %max3A_3546 : vector<16xf32>
      %add3A_3548 = arith.addf %mul3A_1903, %get3A_3534 : vector<16xf32>
      %sub3A_3549 = arith.subf %add3A_3548, %mul3A_3547 : vector<16xf32>
      %add3A_3550 = arith.constant 9.99999997E-7 : f32
      %add3A_3551 = vector.broadcast %add3A_3550 : f32 to vector<16xf32>
      %add3A_3552 = arith.addf %sub3A_3549, %add3A_3551 : vector<16xf32>
      %div3A_3553 = arith.divf %mul3A_3547, %add3A_3552 : vector<16xf32>
      %max3A_3554 = arith.maximumf %get3A_3526, %select_n3A_2084 : vector<16xf32>
      %max3A_3555 = arith.maximumf %get3A_3528, %select_n3A_2087 : vector<16xf32>
      %min3A_3556 = arith.minimumf %get3A_3530, %select_n3A_2090 : vector<16xf32>
      %min3A_3557 = arith.minimumf %get3A_3532, %select_n3A_2093 : vector<16xf32>
      %sub3A_3558 = arith.subf %min3A_3556, %max3A_3554 : vector<16xf32>
      %max3A_3559 = arith.constant 0.000000e+00 : f32
      %max3A_3560 = vector.broadcast %max3A_3559 : f32 to vector<16xf32>
      %max3A_3561 = arith.maximumf %sub3A_3558, %max3A_3560 : vector<16xf32>
      %sub3A_3562 = arith.subf %min3A_3557, %max3A_3555 : vector<16xf32>
      %max3A_3563 = arith.constant 0.000000e+00 : f32
      %max3A_3564 = vector.broadcast %max3A_3563 : f32 to vector<16xf32>
      %max3A_3565 = arith.maximumf %sub3A_3562, %max3A_3564 : vector<16xf32>
      %mul3A_3566 = arith.mulf %max3A_3561, %max3A_3565 : vector<16xf32>
      %add3A_3567 = arith.addf %mul3A_2096, %get3A_3534 : vector<16xf32>
      %sub3A_3568 = arith.subf %add3A_3567, %mul3A_3566 : vector<16xf32>
      %add3A_3569 = arith.constant 9.99999997E-7 : f32
      %add3A_3570 = vector.broadcast %add3A_3569 : f32 to vector<16xf32>
      %add3A_3571 = arith.addf %sub3A_3568, %add3A_3570 : vector<16xf32>
      %div3A_3572 = arith.divf %mul3A_3566, %add3A_3571 : vector<16xf32>
      %gt3A_3573 = arith.constant 5.000000e-01 : f32
      %gt3A_3574 = vector.broadcast %gt3A_3573 : f32 to vector<16xf32>
      %gt3A_3575 = arith.cmpf ogt, %div3A_3553, %gt3A_3574 : vector<16xf32>
      %gt3A_3576 = arith.constant 5.000000e-01 : f32
      %gt3A_3577 = vector.broadcast %gt3A_3576 : f32 to vector<16xf32>
      %gt3A_3578 = arith.cmpf ogt, %div3A_3572, %gt3A_3577 : vector<16xf32>
      %or3A_3579 = arith.ori %gt3A_3575, %gt3A_3578 : vector<16xi1>
      %get3A_3580 = arith.constant 288 : index
      %get3A_3581 = tpu.vector_load %arg10[%get3A_3580] {strides = array<i32>} : memref<320xf32, #tpu.memory_space<vmem>>, vector<16xf32>,
      %jit3A_3582 = arith.constant 0xFF800000 : f32
      %broadcast_in_dim3A_3583 = vector.broadcast %jit3A_3582 : f32 to vector<16xf32>
      %select_n3A_3584 = arith.select %or3A_3579, %broadcast_in_dim3A_3583, %get3A_3581 : vector<16xi1>, vector<16xf32>
      %swap3A_3585 = arith.constant 288 : index
      %swap3A_3586 = tpu.vector_load %arg10[%swap3A_3585] {strides = array<i32>} : memref<320xf32, #tpu.memory_space<vmem>>, vector<16xf32>,
      tpu.vector_store %arg10[%swap3A_3585], %select_n3A_3584 {strides = array<i32>} : memref<320xf32, #tpu.memory_space<vmem>>, vector<16xf32>,
      %add3A_3587 = arith.constant 2.880000e+02 : f32
      %add3A_3588 = arith.addf %convert_element_type3A, %add3A_3587 : f32
      %add3A_3589 = vector.broadcast %add3A_3588 : f32 to vector<16xf32>
      %add3A_3590 = arith.addf %add3A_3589, %convert_element_type3A_1 : vector<16xf32>
      %gt3A_3591 = arith.cmpf ogt, %select_n3A_3584, %select_n3A_3523 : vector<16xf32>
      %gt3A_3592 = arith.cmpf ogt, %select_n3A_3584, %select_n3A_3520 : vector<16xf32>
      %not3A_3593 = arith.constant dense<true> : vector<16xi1>
      %not3A_3594 = arith.xori %gt3A_3591, %not3A_3593 : vector<16xi1>
      %and3A_3595 = arith.andi %gt3A_3592, %not3A_3594 : vector<16xi1>
      %select_n3A_3596 = arith.select %and3A_3595, %select_n3A_3584, %select_n3A_3520 : vector<16xi1>, vector<16xf32>
      %select_n3A_3597 = arith.select %gt3A_3591, %select_n3A_3523, %select_n3A_3596 : vector<16xi1>, vector<16xf32>
      %select_n3A_3598 = arith.select %and3A_3595, %add3A_3590, %select_n3A_3522 : vector<16xi1>, vector<16xf32>
      %select_n3A_3599 = arith.select %gt3A_3591, %select_n3A_3524, %select_n3A_3598 : vector<16xi1>, vector<16xf32>
      %select_n3A_3600 = arith.select %gt3A_3591, %select_n3A_3584, %select_n3A_3523 : vector<16xi1>, vector<16xf32>
      %select_n3A_3601 = arith.select %gt3A_3591, %add3A_3590, %select_n3A_3524 : vector<16xi1>, vector<16xf32>
      %get3A_3602 = arith.constant 304 : index
      %get3A_3603 = tpu.vector_load %arg6[%get3A_3602] {strides = array<i32>} : memref<320xf32, #tpu.memory_space<vmem>>, vector<16xf32>,
      %get3A_3604 = arith.constant 304 : index
      %get3A_3605 = tpu.vector_load %arg7[%get3A_3604] {strides = array<i32>} : memref<320xf32, #tpu.memory_space<vmem>>, vector<16xf32>,
      %get3A_3606 = arith.constant 304 : index
      %get3A_3607 = tpu.vector_load %arg8[%get3A_3606] {strides = array<i32>} : memref<320xf32, #tpu.memory_space<vmem>>, vector<16xf32>,
      %get3A_3608 = arith.constant 304 : index
      %get3A_3609 = tpu.vector_load %arg9[%get3A_3608] {strides = array<i32>} : memref<320xf32, #tpu.memory_space<vmem>>, vector<16xf32>,
      %get3A_3610 = arith.constant 304 : index
      %get3A_3611 = tpu.vector_load %arg11[%get3A_3610] {strides = array<i32>} : memref<320xf32, #tpu.memory_space<vmem>>, vector<16xf32>,
      %max3A_3612 = arith.maximumf %get3A_3603, %select_n3A_1879 : vector<16xf32>
      %max3A_3613 = arith.maximumf %get3A_3605, %select_n3A_1886 : vector<16xf32>
      %min3A_3614 = arith.minimumf %get3A_3607, %select_n3A_1893 : vector<16xf32>
      %min3A_3615 = arith.minimumf %get3A_3609, %select_n3A_1900 : vector<16xf32>
      %sub3A_3616 = arith.subf %min3A_3614, %max3A_3612 : vector<16xf32>
      %max3A_3617 = arith.constant 0.000000e+00 : f32
      %max3A_3618 = vector.broadcast %max3A_3617 : f32 to vector<16xf32>
      %max3A_3619 = arith.maximumf %sub3A_3616, %max3A_3618 : vector<16xf32>
      %sub3A_3620 = arith.subf %min3A_3615, %max3A_3613 : vector<16xf32>
      %max3A_3621 = arith.constant 0.000000e+00 : f32
      %max3A_3622 = vector.broadcast %max3A_3621 : f32 to vector<16xf32>
      %max3A_3623 = arith.maximumf %sub3A_3620, %max3A_3622 : vector<16xf32>
      %mul3A_3624 = arith.mulf %max3A_3619, %max3A_3623 : vector<16xf32>
      %add3A_3625 = arith.addf %mul3A_1903, %get3A_3611 : vector<16xf32>
      %sub3A_3626 = arith.subf %add3A_3625, %mul3A_3624 : vector<16xf32>
      %add3A_3627 = arith.constant 9.99999997E-7 : f32
      %add3A_3628 = vector.broadcast %add3A_3627 : f32 to vector<16xf32>
      %add3A_3629 = arith.addf %sub3A_3626, %add3A_3628 : vector<16xf32>
      %div3A_3630 = arith.divf %mul3A_3624, %add3A_3629 : vector<16xf32>
      %max3A_3631 = arith.maximumf %get3A_3603, %select_n3A_2084 : vector<16xf32>
      %max3A_3632 = arith.maximumf %get3A_3605, %select_n3A_2087 : vector<16xf32>
      %min3A_3633 = arith.minimumf %get3A_3607, %select_n3A_2090 : vector<16xf32>
      %min3A_3634 = arith.minimumf %get3A_3609, %select_n3A_2093 : vector<16xf32>
      %sub3A_3635 = arith.subf %min3A_3633, %max3A_3631 : vector<16xf32>
      %max3A_3636 = arith.constant 0.000000e+00 : f32
      %max3A_3637 = vector.broadcast %max3A_3636 : f32 to vector<16xf32>
      %max3A_3638 = arith.maximumf %sub3A_3635, %max3A_3637 : vector<16xf32>
      %sub3A_3639 = arith.subf %min3A_3634, %max3A_3632 : vector<16xf32>
      %max3A_3640 = arith.constant 0.000000e+00 : f32
      %max3A_3641 = vector.broadcast %max3A_3640 : f32 to vector<16xf32>
      %max3A_3642 = arith.maximumf %sub3A_3639, %max3A_3641 : vector<16xf32>
      %mul3A_3643 = arith.mulf %max3A_3638, %max3A_3642 : vector<16xf32>
      %add3A_3644 = arith.addf %mul3A_2096, %get3A_3611 : vector<16xf32>
      %sub3A_3645 = arith.subf %add3A_3644, %mul3A_3643 : vector<16xf32>
      %add3A_3646 = arith.constant 9.99999997E-7 : f32
      %add3A_3647 = vector.broadcast %add3A_3646 : f32 to vector<16xf32>
      %add3A_3648 = arith.addf %sub3A_3645, %add3A_3647 : vector<16xf32>
      %div3A_3649 = arith.divf %mul3A_3643, %add3A_3648 : vector<16xf32>
      %gt3A_3650 = arith.constant 5.000000e-01 : f32
      %gt3A_3651 = vector.broadcast %gt3A_3650 : f32 to vector<16xf32>
      %gt3A_3652 = arith.cmpf ogt, %div3A_3630, %gt3A_3651 : vector<16xf32>
      %gt3A_3653 = arith.constant 5.000000e-01 : f32
      %gt3A_3654 = vector.broadcast %gt3A_3653 : f32 to vector<16xf32>
      %gt3A_3655 = arith.cmpf ogt, %div3A_3649, %gt3A_3654 : vector<16xf32>
      %or3A_3656 = arith.ori %gt3A_3652, %gt3A_3655 : vector<16xi1>
      %get3A_3657 = arith.constant 304 : index
      %get3A_3658 = tpu.vector_load %arg10[%get3A_3657] {strides = array<i32>} : memref<320xf32, #tpu.memory_space<vmem>>, vector<16xf32>,
      %jit3A_3659 = arith.constant 0xFF800000 : f32
      %broadcast_in_dim3A_3660 = vector.broadcast %jit3A_3659 : f32 to vector<16xf32>
      %select_n3A_3661 = arith.select %or3A_3656, %broadcast_in_dim3A_3660, %get3A_3658 : vector<16xi1>, vector<16xf32>
      %swap3A_3662 = arith.constant 304 : index
      %swap3A_3663 = tpu.vector_load %arg10[%swap3A_3662] {strides = array<i32>} : memref<320xf32, #tpu.memory_space<vmem>>, vector<16xf32>,
      tpu.vector_store %arg10[%swap3A_3662], %select_n3A_3661 {strides = array<i32>} : memref<320xf32, #tpu.memory_space<vmem>>, vector<16xf32>,
      %add3A_3664 = arith.constant 3.040000e+02 : f32
      %add3A_3665 = arith.addf %convert_element_type3A, %add3A_3664 : f32
      %add3A_3666 = vector.broadcast %add3A_3665 : f32 to vector<16xf32>
      %add3A_3667 = arith.addf %add3A_3666, %convert_element_type3A_1 : vector<16xf32>
      %gt3A_3668 = arith.cmpf ogt, %select_n3A_3661, %select_n3A_3600 : vector<16xf32>
      %gt3A_3669 = arith.cmpf ogt, %select_n3A_3661, %select_n3A_3597 : vector<16xf32>
      %not3A_3670 = arith.constant dense<true> : vector<16xi1>
      %not3A_3671 = arith.xori %gt3A_3668, %not3A_3670 : vector<16xi1>
      %and3A_3672 = arith.andi %gt3A_3669, %not3A_3671 : vector<16xi1>
      %select_n3A_3673 = arith.select %and3A_3672, %select_n3A_3661, %select_n3A_3597 : vector<16xi1>, vector<16xf32>
      %select_n3A_3674 = arith.select %gt3A_3668, %select_n3A_3600, %select_n3A_3673 : vector<16xi1>, vector<16xf32>
      %select_n3A_3675 = arith.select %and3A_3672, %add3A_3667, %select_n3A_3599 : vector<16xi1>, vector<16xf32>
      %select_n3A_3676 = arith.select %gt3A_3668, %select_n3A_3601, %select_n3A_3675 : vector<16xi1>, vector<16xf32>
      %select_n3A_3677 = arith.select %gt3A_3668, %select_n3A_3661, %select_n3A_3600 : vector<16xi1>, vector<16xf32>
      %select_n3A_3678 = arith.select %gt3A_3668, %add3A_3667, %select_n3A_3601 : vector<16xi1>, vector<16xf32>
      %jit3A_3679 = arith.constant 2 : i32
      %jit3A_3680 = arith.constant 1 : i32
      %select_n3A_3681 = arith.select %and3A_1983, %jit3A_3679, %jit3A_3680 : i32
      %add3A_3682 = arith.addi %while3A_1672, %select_n3A_3681 : i32
      %add3A_3683 = arith.constant 1 : i32
      %add3A_3684 = arith.addi %while3A_1673, %add3A_3683 : i32
      scf.yield %add3A_3682, %add3A_3684, %select_n3A_3677, %select_n3A_3678, %select_n3A_3674, %select_n3A_3676 : i32, i32, vector<16xf32>, vector<16xf32>, vector<16xf32>, vector<16xf32>
    }
    %eq3A_1665 = arith.constant 15 : i32
    %eq3A_1666 = arith.cmpi eq, %arg1, %eq3A_1665 : i32
    %convert_element_type3A_1667 = arith.extui %eq3A_1666 : i1 to i32
    %cond3A_1668 = arith.constant 0 : i32
    %cond3A_1669 = arith.constant 0 : i32
    %cond3A_1670 = arith.cmpi ne, %convert_element_type3A_1667, %cond3A_1669 : i32
    %cond3A_1671 = scf.if %cond3A_1670 -> (i32) {
      "tpu.region"() ({
        %run_scoped3A = tpu.sem_alloc : memref<!tpu.dma_semaphore, #tpu.memory_space<semaphore_mem>>
        %dma_start3A = arith.constant 0 : i32
        %dma_start3A_1673 = tpu.memref_slice %arg12[%dma_start3A] : memref<320xf32, #tpu.memory_space<vmem>> -> memref<200xf32, #tpu.memory_space<vmem>>
        %dma_start3A_1674 = tpu.memref_slice %arg4[%mul3A_0] : memref<5000xf32, #tpu.memory_space<hbm>> -> memref<200xf32, #tpu.memory_space<hbm>>
        %dma_start3A_1675 = tpu.memref_slice %arg4[%mul3A_0] : memref<5000xf32, #tpu.memory_space<hbm>> -> memref<200xf32, #tpu.memory_space<hbm>>
        %dma_start3A_1676 = arith.constant 0 : i32
        %dma_start3A_1677 = tpu.memref_slice %arg12[%dma_start3A_1676] : memref<320xf32, #tpu.memory_space<vmem>> -> memref<200xf32, #tpu.memory_space<vmem>>
        tpu.enqueue_dma source(%dma_start3A_1677 : memref<200xf32, #tpu.memory_space<vmem>>) target(%dma_start3A_1675 : memref<200xf32, #tpu.memory_space<hbm>>) target_semaphore(%run_scoped3A : memref<!tpu.dma_semaphore, #tpu.memory_space<semaphore_mem>>)
        %dma_wait3A = arith.constant 0 : i32
        %dma_wait3A_1678 = tpu.memref_slice %arg12[%dma_wait3A] : memref<320xf32, #tpu.memory_space<vmem>> -> memref<200xf32, #tpu.memory_space<vmem>>
        %dma_wait3A_1679 = tpu.memref_slice %arg4[%mul3A_0] : memref<5000xf32, #tpu.memory_space<hbm>> -> memref<200xf32, #tpu.memory_space<hbm>>
        %dma_wait3A_1680 = tpu.memref_slice %arg4[%mul3A_0] : memref<5000xf32, #tpu.memory_space<hbm>> -> memref<200xf32, #tpu.memory_space<hbm>>
        %dma_wait3A_1681 = arith.constant 0 : i32
        %dma_wait3A_1682 = tpu.memref_slice %arg12[%dma_wait3A_1681] : memref<320xf32, #tpu.memory_space<vmem>> -> memref<200xf32, #tpu.memory_space<vmem>>
        tpu.wait_dma2 semaphore(%run_scoped3A : memref<!tpu.dma_semaphore, #tpu.memory_space<semaphore_mem>>) src(%dma_wait3A_1682 : memref<200xf32, #tpu.memory_space<vmem>>) dst(%dma_wait3A_1680 : memref<200xf32, #tpu.memory_space<hbm>>)
        tpu.yield
      }) : () -> ()
      %cond3A_1672 = arith.constant 0 : i32
      scf.yield %cond3A_1672 : i32
    } else {
      "tpu.region"() ({
        %run_scoped3A = tpu.sem_alloc : memref<!tpu.dma_semaphore, #tpu.memory_space<semaphore_mem>>
        %dma_start3A = tpu.memref_slice %arg4[%mul3A_0] : memref<5000xf32, #tpu.memory_space<hbm>> -> memref<320xf32, #tpu.memory_space<hbm>>
        %dma_start3A_1673 = tpu.memref_slice %arg4[%mul3A_0] : memref<5000xf32, #tpu.memory_space<hbm>> -> memref<320xf32, #tpu.memory_space<hbm>>
        tpu.enqueue_dma source(%arg12 : memref<320xf32, #tpu.memory_space<vmem>>) target(%dma_start3A_1673 : memref<320xf32, #tpu.memory_space<hbm>>) target_semaphore(%run_scoped3A : memref<!tpu.dma_semaphore, #tpu.memory_space<semaphore_mem>>)
        %dma_wait3A = tpu.memref_slice %arg4[%mul3A_0] : memref<5000xf32, #tpu.memory_space<hbm>> -> memref<320xf32, #tpu.memory_space<hbm>>
        %dma_wait3A_1674 = tpu.memref_slice %arg4[%mul3A_0] : memref<5000xf32, #tpu.memory_space<hbm>> -> memref<320xf32, #tpu.memory_space<hbm>>
        tpu.wait_dma2 semaphore(%run_scoped3A : memref<!tpu.dma_semaphore, #tpu.memory_space<semaphore_mem>>) src(%arg12 : memref<320xf32, #tpu.memory_space<vmem>>) dst(%dma_wait3A_1674 : memref<320xf32, #tpu.memory_space<hbm>>)
        tpu.yield
      }) : () -> ()
      %cond3A_1672 = arith.constant 0 : i32
      scf.yield %cond3A_1672 : i32
    }
    return
  }
}

</mosaic_0001>

<sc_bundles>
// kernel: kernel.3.cloned.1.call-start
scs
__scs_entry_jumppad:
0x0: {  	(pc) =	sbr.rel $0x88, $3  }
0x1: {  	(tag) =	ssettag $0x0;
	lr =	simm.s32 $0x1  }
0x2: {  	[smem:$0x3F9F] =	sst lr;
	_ =	strace $0xD0000000  }
0x3: {  	_ = 	snop  }
0x4: {  	_ = 	snop  }
0x5: {  	_ = 	snop  }
0x6: {  	_ = 	snop  }
0x7: {  	_ = 	snop  }
__scs_overlays_trampoline_lowered:
0x8: {  	[smem:$0x3FAE] =	sst s0  }
0x9: {  	[smem:$0x3FAF] =	sst s1  }
0xa: {  	[smem:$0x3FB0] =	sst s2  }
0xb: {  	[smem:$0x3FB1] =	sst s3  }
0xc: {  	[smem:$0x3FB2] =	sst s4  }
0xd: {  	[smem:$0x3FB3] =	sst s5  }
0xe: {  	[smem:$0x3FB4] =	sst s6  }
0xf: {  	[smem:$0x3FB5] =	sst s7  }
0x10: {  	[smem:$0x3FB6] =	sst s8  }
0x11: {  	[smem:$0x3FB7] =	sst s9;
	s0 =	simm.s32 @!p0 $0x0  }
0x12: {  	s1 =	sld [smem:$0x3F9D];
	s0 =	simm.s32 @p0 $0x1  }
0x13: {  	[smem:$0x3FB8] =	sst s0;
	s0 =	simm.s32 @!p1 $0x0  }
0x14: {  	s2 =	sld [smem:$0x3F9C];
	s0 =	simm.s32 @p1 $0x1  }
0x15: {  	[smem:$0x3FB9] =	sst s0;
	s0 =	simm.s32 @!p2 $0x0  }
0x16: {  	s3 =	sld [smem:$0x3FDB];
	s0 =	simm.s32 @p2 $0x1  }
0x17: {  	s4 =	simm.s32 $0x1BF5;
	[smem:$0x3FBB] =	sst s0  }
0x18: {  	s0 =	sld [smem:$0x3F9E];
	_ =	swait.ge [sflag:s4], $0x0  }
0x19: {  	s7 =	sld [smem:$0x3F9F]  }
0x1a: {  	s8 =	sadd.s32 $0xFFFFE003, lr  }
0x1b: {  	s9 =	sadd.s32 $0xFFFFFEF7, lr;
	s5 =	simm.s32 $0xFFFFFFFF;
	p2 =	slt.u32 s8, $0xFFFFF086  }
0x1c: {  	p1 =	slt.u32 s9, $0xF7A;
	s5 =	simm.s32 @!p2 $0x0  }
0x1d: {  	s5 =	simm.s32 @p1 $0x1;
	p0 =	seq.s32 s7, s2  }
0x1e: {  	s7 =	smul.u32 @!p0 $0xF7A, s2;
	p2 =	seq.s32 @!p0 s5, $0x0  }
0x1f: {  	s9 =	smul.u32 $0xF7A, s1;
	s8 =	simm.s32 @!p0 $0x1BF5;
	p2 =	por !p2, p0  }
0x20: {  	[sflag:s8] =	ssyncset.s32 @!p0 $0xFFFFF086;
	s6 =	sadd.s32 @!p0 s3, s7;
	s7 =	simm.s32 @!p0 $0x108  }
0x21: {  	s3 =	sadd.s32 s3, s9;
	s6 =	sadd.s32 @!p0 $0x88, s6;
	s7 =	simm.s32 @p2 $0x1082  }
0x22: {  	[simem:s7], [sflag:s8] =	dma.local @!p0 [hbm:s6], $0xF7A  }
0x23: {  	s9 =	sor.u32 $0xD0000000, s2;
	s6 =	simm.s32 $0x108;
	_ =	swait.ge @!p0 [sflag:s8], $0x0  }
0x24: {  	s3 =	sadd.s32 $0x88, s3;
	s6 =	simm.s32 @!p1 $0x1082;
	[sflag:s4] =	ssyncset.s32 $0xFFFFF086  }
0x25: {  	[simem:s6], [sflag:s4] =	dma.local [hbm:s3], $0xF7A  }
0x26: {  	[smem:$0x3F9F] =	sst s1;
	(tag) =	ssettag s2;
	_ =	strace s9  }
0x27: {  	s1 =	sld [smem:$0x3FAF]  }
0x28: {  	s2 =	sld [smem:$0x3FB0]  }
0x29: {  	s4 =	sld [smem:$0x3FB2]  }
0x2a: {  	p0 =	seq.s32 s5, $0x0;
	s5 =	sld [smem:$0x3FB3]  }
0x2b: {  	s6 =	sld [smem:$0x3FB4]  }
0x2c: {  	s7 =	sld [smem:$0x3FB5]  }
0x2d: {  	s3 =	simm.s32 $0x108;
	s8 =	sld [smem:$0x3FB6]  }
0x2e: {  	s3 =	simm.s32 @!p0 $0x1082;
	s9 =	sld [smem:$0x3FB7]  }
0x2f: {  	lr =	sadd.s32 s0, s3;
	s0 =	sld [smem:$0x3FAE]  }
0x30: {  	s3 =	sld [smem:$0x3FB1]  }
0x31: {  	[smem:$0x3FBA] =	sst s10  }
0x32: {  	s10 =	sld [smem:$0x3FB8];
	_ =	sdelay $0x3  }
0x33: {  	p0 =	seq.s32 s10, $0x1;
	s10 =	sld [smem:$0x3FBA];
	_ =	sdelay $0x3  }
0x34: {  	[smem:$0x3FBA] =	sst s10  }
0x35: {  	s10 =	sld [smem:$0x3FB9];
	_ =	sdelay $0x3  }
0x36: {  	p1 =	seq.s32 s10, $0x1;
	s10 =	sld [smem:$0x3FBA];
	_ =	sdelay $0x3  }
0x37: {  	[smem:$0x3FBA] =	sst s10  }
0x38: {  	s10 =	sld [smem:$0x3FBB]  }
0x39: {  	_ = 	snop;
	(pc) =	sbr.ind lr, $3  }
0x3a: {  	_ = 	snop  }
0x3b: {  	_ = 	snop  }
0x3c: {  	p2 =	seq.s32 s10, $0x1;
	s10 =	sld [smem:$0x3FBA]  }
0x3d: {  	_ =	shalt  }
0x3e: {  	_ =	shalt  }
0x3f: {  	_ =	shalt  }
0x40: {  	_ =	shalt  }
0x41: {  	_ =	shalt  }
0x42: {  	_ =	shalt  }
0x43: {  	_ =	shalt  }
0x44: {  	_ =	shalt  }
0x45: {  	_ =	shalt  }
0x46: {  	_ =	shalt  }
0x47: {  	_ =	shalt  }
0x48: {  	_ =	shalt  }
0x49: {  	_ =	shalt  }
0x4a: {  	_ =	shalt  }
0x4b: {  	_ =	shalt  }
0x4c: {  	_ =	shalt  }
0x4d: {  	_ =	shalt  }
0x4e: {  	_ =	shalt  }
0x4f: {  	_ =	shalt  }
0x50: {  	_ =	shalt  }
0x51: {  	_ =	shalt  }
0x52: {  	_ =	shalt  }
0x53: {  	_ =	shalt  }
0x54: {  	_ =	shalt  }
0x55: {  	_ =	shalt  }
0x56: {  	_ =	shalt  }
0x57: {  	_ =	shalt  }
0x58: {  	_ =	shalt  }
0x59: {  	_ =	shalt  }
0x5a: {  	_ =	shalt  }
0x5b: {  	_ =	shalt  }
0x5c: {  	_ =	shalt  }
0x5d: {  	_ =	shalt  }
0x5e: {  	_ =	shalt  }
0x5f: {  	_ =	shalt  }
0x60: {  	_ =	shalt  }
0x61: {  	_ =	shalt  }
0x62: {  	_ =	shalt  }
0x63: {  	_ =	shalt  }
0x64: {  	_ =	shalt  }
0x65: {  	_ =	shalt  }
0x66: {  	_ =	shalt  }
0x67: {  	_ =	shalt  }
0x68: {  	_ =	shalt  }
0x69: {  	_ =	shalt  }
0x6a: {  	_ =	shalt  }
0x6b: {  	_ =	shalt  }
0x6c: {  	_ =	shalt  }
0x6d: {  	_ =	shalt  }
0x6e: {  	_ =	shalt  }
0x6f: {  	_ =	shalt  }
0x70: {  	_ =	shalt  }
0x71: {  	_ =	shalt  }
0x72: {  	_ =	shalt  }
0x73: {  	_ =	shalt  }
0x74: {  	_ =	shalt  }
0x75: {  	_ =	shalt  }
0x76: {  	_ =	shalt  }
0x77: {  	_ =	shalt  }
0x78: {  	_ =	shalt  }
0x79: {  	_ =	shalt  }
0x7a: {  	_ =	shalt  }
0x7b: {  	_ =	shalt  }
0x7c: {  	_ =	shalt  }
0x7d: {  	_ =	shalt  }
0x7e: {  	_ =	shalt  }
0x7f: {  	_ =	shalt  }
0x80: {  	_ =	shalt  }
0x81: {  	_ =	shalt  }
0x82: {  	_ =	shalt  }
0x83: {  	_ =	shalt  }
0x84: {  	_ =	shalt  }
0x85: {  	_ =	shalt  }
0x86: {  	_ =	shalt  }
0x87: {  	_ =	shalt  }
.Lfunc_end0:
.L_simem_size_0:
called_computation_lowered:
.L_overlay_start_0:
0x88: {  	s0 =	sld [smem:$0x3FD9]  }
0x89: {  	s1 =	sld [smem:$0x3FFE];
	_ =	sdelay $0x3  }
0x8a: {  	s0 =	sadd.s32 s1, s0  }
0x8b: {  	[smem:$0x3FC6] =	sst s0  }
0x8c: {  	_ = 	snop  }
0x8d: {  	s0 =	sld [smem:$0x3FC8]  }
0x8e: {  	s16 =	sld [smem:$0x3FD0];
	(tm) =	ssettm $0x1  }
0x8f: {  	s2 =	sld [smem:$0x3FFB];
	_ =	sdelay $0x3  }
0x90: {  	_ =	strace s2  }
0x91: {  	s2 =	sld [smem:$0x3FFC];
	_ =	sdelay $0x3  }
0x92: {  	_ =	strace s2  }
0x93: {  	s2 =	sld [smem:$0x3FFD];
	_ =	sdelay $0x3  }
0x94: {  	_ =	strace s2  }
0x95: {  	_ =	strace $0x8FFFFFFF  }
0x96: {  	s17 =	sld [smem:$0x3FDB];
	_ =	sdelay $0x1  }
0x97: {  	s3 =	simm.s32 $_scs_section_size  }
0x98: {  	s4 =	simm.s32 $_size__tile_overlayer_lowered;
	s5 =	simm.s32 $_tile_overlayer_lowered  }
0x99: {  	s20 =	simm.s32 $0x1BFF;
	s19 =	sshll.u32 s5, $0x1;
	s2 =	sadd.s32 s3, s17  }
0x9a: {  	s6 =	simm.s32 $0x0;
	s18 =	sshll.u32 s4, $0x1;
	s4 =	sadd.s32 s19, s2  }
0x9b: {  	[timem:s6], [sflag:s20] =	dma.local [hbm:s4], s18  }
0x9c: {  	_ =	swait.ge [sflag:s20], s18  }
0x9d: {  	s3 =	ssub.s32 $0x0, s18;
	[sflag:s20] =	ssyncset.done $0x0  }
0x9e: {  	[sflag:s20] =	ssyncadd.s32 s3;
	_ =	sdelay $0x1  }
0x9f: {  	s21 =	simm.s32 $0x1B8B  }
0xa0: {  	_ =	swait.ge [sflag:s21], $0x1  }
0xa1: {  	[sflag:s21] =	ssyncset.done $0x0  }
0xa2: {  	s23 =	simm.s32 $0x1B8E;
	s22 =	sld [smem:$0x3FFE];
	[sflag:s21] =	ssyncadd.s32 $0xFFFFFFFF  }
0xa3: {  	s24 =	simm.s32 $execute0_lowered;
	[smem:$0x3FD2] =	sst s23  }
0xa4: {  	s4 =	sshll.u32 s24, $0x1;
	_ =	strace $0x80000046;
	[dreg:$0x1] =	wrdreg $0xFFFFFFFF  }
0xa5: {  	s25 =	simm.s32 $_size_execute0_lowered;
	s2 =	sadd.s32 s2, s4;
	[dreg:$0x0] =	wrdreg $0x0  }
0xa6: {  	s4 =	sshll.u32 s25, $0x1;
	[dreg:$0x2] =	wrdreg s2  }
0xa7: {  	[dreg:$0x3] =	wrdreg s4  }
0xa8: {  	[dreg:$0x4] =	wrdreg $0xC0  }
0xa9: {  	_ =	task [dreg:s6], $0x5FFFF  }
0xaa: {  	[dreg:$0x1] =	wrdreg $0xFFFFFFFF  }
0xab: {  	[dreg:$0x0] =	wrdreg $0x60  }
0xac: {  	[dreg:$0x2] =	wrdreg s22  }
0xad: {  	[dreg:$0x3] =	wrdreg s0  }
0xae: {  	[dreg:$0x4] =	wrdreg s16  }
0xaf: {  	[dreg:$0x5] =	wrdreg $0x11000  }
0xb0: {  	[dreg:$0x6] =	wrdreg $0x9  }
0xb1: {  	_ =	task.clear_ibuf [dreg:s6], $0x7FFFF;
	_ =	strace $0x90000046  }
0xb2: {  	s26 =	simm.s32 $0x9;
	_ =	strace $0x80000048  }
0xb3: {  	_ =	swait.ge [sflag:s26], $0x1  }
0xb4: {  	[sflag:s26] =	ssyncadd.s32 $0xFFFFFFFF  }
0xb5: {  	_ =	strace $0x90000048  }
0xb6: {  	_ =	sfence  }
0xb7: {  	s28 =	sld [smem:$0x0];
	_ =	sdelay $0x1  }
0xb8: {  	s29 =	srdreg.scid  }
0xb9: {  	s30 =	sshll.u32 s29, $0xD;
	s31 =	sshrl.u32 s29, $0x2  }
0xba: {  	s1 =	sand.u32 $0x1, s29;
	s2 =	sand.u32 $0x4000, s30;
	s0 =	sadd.s32 s31, s28  }
0xbb: {  	s1 =	sor.u32 s2, s1;
	s0 =	sshll.u32 s0, $0x11  }
0xbc: {  	s0 =	sor.u32 s0, s1  }
0xbd: {  	s0 =	sadd.s32 $0x8F2B, s0  }
0xbe: {  	[sflag:s0] =	ssyncadd.remote.s32 $0x1  }
0xbf: {  	_ =	sfence.sel $0xFFFF  }
0xc0: {  	[dreg:$0x0] =	wrdreg $0xFFFFFFFF;
	(pc) =	sbr.abs _section_cstart, $3  }
0xc1: {  	[dreg:$0x1] =	wrdreg $0xFFFFFFFF  }
0xc2: {  	_ =	task.clear_ibuf [dreg:s6], $0x2FFFF;
	_ =	strace $0x9FFFFFFF  }
0xc3: {  	(tm) =	ssettm $0x7FFFFFFF  }
tec
execute0_lowered:
.L_overlay_start_1:
0x0: {  	(tag) =	ssettag $0x1  }
0x1: {  	s3 =	rddreg [dreg:$0x0]  }
0x2: {  	s4 =	rddreg [dreg:$0x1]  }
0x3: {  	s5 =	rddreg [dreg:$0x2]  }
0x4: {  	s1 =	rddreg [dreg:$0x3];
	s0 =	stileid.u32  }
0x5: {  	[dreg:$0x5] =	wrdreg s1;
	p0 =	sne.s32 s0, $0xF  }
0x6: {  	s2 =	simm.s32 $0x0;
	s1 =	rddreg [dreg:$0x4];
	s6 =	smul.u32 @p0 $0xA0, s0  }
0x7: {  	[smem:$0x7FF] =	sst s2;
	s7 =	sadd.s32 $0x400, s3  }
0x8: {  	_ =	strace $0x80000047;
	s8 =	simm.s32 @p0 $0x0;
	s3 =	sadd.s32 @p0 s7, s6  }
0x9: {  	[tilespmem:s8], [sflag:$0x1] =	stream.linear.gather @p0 [hbm4b:s3+s8], $0x500, $0x38;
	[tilespmem:$0x1120] =	vst v63  }
0xa: {  	s9 =	simm.s32 @p0 $0x1;
	s3 =	smul.u32 $0x140, s0  }
0xb: {  	_ =	swait.ge @p0 [sflag:s9], $0x500  }
0xc: {  	s6 =	sshrl.u32 s3, $0x3;
	[sflag:s9] =	ssyncset.done @p0 $0x0  }
0xd: {  	s11 =	simm.s32 @p0 $0xB00;
	s10 =	sadd.s32 @p0 s4, s6;
	[sflag:s9] =	ssyncadd.s32 @p0 $0xFFFFFB00  }
0xe: {  	[tilespmem:s11], [sflag:$0x1] =	stream.linear.gather @p0 [hbm4b:s10+s8], $0x140, $0x38;
	[tilespmem:$0x1120] =	vst v63  }
0xf: {  	_ =	swait.ge @p0 [sflag:s9], $0x140  }
0x10: {  	[sflag:s9] =	ssyncset.done @p0 $0x0  }
0x11: {  	s7 =	sadd.s32 @!p0 $0x960, s7;
	s8 =	simm.s32 @!p0 $0x0;
	[sflag:s9] =	ssyncadd.s32 @p0 $0xFFFFFEC0  }
0x12: {  	[tilespmem:s8], [sflag:$0x1] =	stream.linear.gather @!p0 [hbm4b:s7+s8], $0x320, $0x38;
	[tilespmem:$0x1120] =	vst v63  }
0x13: {  	s7 =	simm.s32 @!p0 $0x1  }
0x14: {  	_ =	swait.ge @!p0 [sflag:s7], $0x320  }
0x15: {  	v0 =	vlaneseq.u32;
	[sflag:s7] =	ssyncset.done @!p0 $0x0  }
0x16: {  	v19 =	vmul.u32 $0x4, v0;
	s4 =	sadd.s32 @!p0 $0x258, s4;
	s9 =	simm.s32 @!p0 $0xB00;
	[sflag:s7] =	ssyncadd.s32 @!p0 $0xFFFFFCE0  }
0x17: {  	[tilespmem:s9], [sflag:$0x1] =	stream.linear.gather @!p0 [hbm4b:s4+s8], $0xC8, $0x38;
	[tilespmem:$0x1120] =	vst v63  }
0x18: {  	_ =	swait.ge @!p0 [sflag:s7], $0xC8  }
0x19: {  	[sflag:s7] =	ssyncset.done @!p0 $0x0  }
0x1a: {  	v1 =	vimm.f32 $0.0e+00;
	[sflag:s7] =	ssyncadd.s32 @!p0 $0xFFFFFF38  }
0x1b: {  	[tilespmem:$0xE00] =	vst v1  }
0x1c: {  	v2 =	vld.idx.msk [tilespmem:v19+s2+$0x0], $0xffff  }
0x1d: {  	v3 =	vmul.u32 $0xFFFFFFFF, v0  }
0x1e: {  	v4 =	vor.u32 $0x1, v19  }
0x1f: {  	v16 =	vadd.s32 $0x1388, v3;
	v5 =	vmov s3  }
0x20: {  	vm0 =	vlt.u32 v5, v16  }
0x21: {  	v2 =	vnsel vm0, $0x0, v2  }
0x22: {  	[tilespmem:$0x500] =	vst v2  }
0x23: {  	v2 =	vld.idx.msk [tilespmem:v4+s2+$0x0], $0xffff;
	_ =	sdelay $0x1  }
0x24: {  	v3 =	vor.u32 $0x2, v19;
	_ =	sdelay $0x2  }
0x25: {  	v2 =	vnsel vm0, $0x0, v2  }
0x26: {  	[tilespmem:$0x680] =	vst v2  }
0x27: {  	v2 =	vld.idx.msk [tilespmem:v3+s2+$0x0], $0xffff;
	_ =	sdelay $0x1  }
0x28: {  	v3 =	vor.u32 $0x3, v19;
	_ =	sdelay $0x2  }
0x29: {  	v2 =	vnsel vm0, $0x0, v2  }
0x2a: {  	[tilespmem:$0x800] =	vst v2  }
0x2b: {  	v2 =	vld.idx.msk [tilespmem:v3+s2+$0x0], $0xffff;
	_ =	sdelay $0x3  }
0x2c: {  	v5 =	vld [tilespmem:$0x680]  }
0x2d: {  	v3 =	vld [tilespmem:$0x800];
	v2 =	vnsel vm0, $0x0, v2  }
0x2e: {  	[tilespmem:$0x980] =	vst v2;
	v2 =	vld [tilespmem:$0x500]  }
0x2f: {  	v4 =	vld [tilespmem:$0x980];
	_ =	sdelay $0x1  }
0x30: {  	v6 =	vld [tilespmem:$0xB00];
	_ =	sdelay $0x2  }
0x31: {  	v2 =	vsub.f32 v3, v2;
	v3 =	vsub.f32 v4, v5;
	v4 =	vor.u32 $0x40, v19;
	_ =	sdelay $0x1  }
0x32: {  	[tilespmem:$0xE10] =	vst v1;
	v5 =	vnsel vm0, $0xFF800000, v6;
	v2 =	vmul.f32 v3, v2  }
0x33: {  	[tilespmem:$0xB00] =	vst v5  }
0x34: {  	[tilespmem:$0xC80] =	vst v2  }
0x35: {  	v2 =	vld.idx.msk [tilespmem:v4+s2+$0x0], $0xffff;
	_ =	sdelay $0x1  }
0x36: {  	s24 =	sor.u32 $0x10, s3;
	v3 =	vor.u32 $0x41, v19  }
0x37: {  	v4 =	vmov s24  }
0x38: {  	vm0 =	vlt.u32 v4, v16  }
0x39: {  	v2 =	vnsel vm0, $0x0, v2  }
0x3a: {  	[tilespmem:$0x510] =	vst v2  }
0x3b: {  	v2 =	vld.idx.msk [tilespmem:v3+s2+$0x0], $0xffff;
	_ =	sdelay $0x1  }
0x3c: {  	v3 =	vor.u32 $0x42, v19;
	_ =	sdelay $0x2  }
0x3d: {  	v2 =	vnsel vm0, $0x0, v2  }
0x3e: {  	[tilespmem:$0x690] =	vst v2  }
0x3f: {  	v2 =	vld.idx.msk [tilespmem:v3+s2+$0x0], $0xffff;
	_ =	sdelay $0x1  }
0x40: {  	v3 =	vor.u32 $0x43, v19;
	_ =	sdelay $0x2  }
0x41: {  	v2 =	vnsel vm0, $0x0, v2  }
0x42: {  	[tilespmem:$0x810] =	vst v2  }
0x43: {  	v2 =	vld.idx.msk [tilespmem:v3+s2+$0x0], $0xffff;
	_ =	sdelay $0x3  }
0x44: {  	v5 =	vld [tilespmem:$0x690]  }
0x45: {  	v3 =	vld [tilespmem:$0x810];
	v2 =	vnsel vm0, $0x0, v2  }
0x46: {  	[tilespmem:$0x990] =	vst v2;
	v2 =	vld [tilespmem:$0x510]  }
0x47: {  	v4 =	vld [tilespmem:$0x990];
	_ =	sdelay $0x1  }
0x48: {  	v6 =	vld [tilespmem:$0xB10];
	_ =	sdelay $0x2  }
0x49: {  	v2 =	vsub.f32 v3, v2;
	v3 =	vsub.f32 v4, v5;
	v4 =	vor.u32 $0x80, v19;
	_ =	sdelay $0x1  }
0x4a: {  	[tilespmem:$0xE20] =	vst v1;
	v5 =	vnsel vm0, $0xFF800000, v6;
	v2 =	vmul.f32 v3, v2  }
0x4b: {  	[tilespmem:$0xB10] =	vst v5  }
0x4c: {  	[tilespmem:$0xC90] =	vst v2  }
0x4d: {  	v2 =	vld.idx.msk [tilespmem:v4+s2+$0x0], $0xffff;
	_ =	sdelay $0x1  }
0x4e: {  	s25 =	sor.u32 $0x20, s3;
	v3 =	vor.u32 $0x81, v19  }
0x4f: {  	v4 =	vmov s25  }
0x50: {  	vm0 =	vlt.u32 v4, v16  }
0x51: {  	v2 =	vnsel vm0, $0x0, v2  }
0x52: {  	[tilespmem:$0x520] =	vst v2  }
0x53: {  	v2 =	vld.idx.msk [tilespmem:v3+s2+$0x0], $0xffff;
	_ =	sdelay $0x1  }
0x54: {  	v3 =	vor.u32 $0x82, v19;
	_ =	sdelay $0x2  }
0x55: {  	v2 =	vnsel vm0, $0x0, v2  }
0x56: {  	[tilespmem:$0x6A0] =	vst v2  }
0x57: {  	v2 =	vld.idx.msk [tilespmem:v3+s2+$0x0], $0xffff;
	_ =	sdelay $0x1  }
0x58: {  	v3 =	vor.u32 $0x83, v19;
	_ =	sdelay $0x2  }
0x59: {  	v2 =	vnsel vm0, $0x0, v2  }
0x5a: {  	[tilespmem:$0x820] =	vst v2  }
0x5b: {  	v2 =	vld.idx.msk [tilespmem:v3+s2+$0x0], $0xffff;
	_ =	sdelay $0x3  }
0x5c: {  	v5 =	vld [tilespmem:$0x6A0]  }
0x5d: {  	v3 =	vld [tilespmem:$0x820];
	v2 =	vnsel vm0, $0x0, v2  }
0x5e: {  	[tilespmem:$0x9A0] =	vst v2;
	v2 =	vld [tilespmem:$0x520]  }
0x5f: {  	v4 =	vld [tilespmem:$0x9A0];
	_ =	sdelay $0x1  }
0x60: {  	v6 =	vld [tilespmem:$0xB20];
	_ =	sdelay $0x2  }
0x61: {  	v2 =	vsub.f32 v3, v2;
	v3 =	vsub.f32 v4, v5;
	v4 =	vor.u32 $0xC0, v19;
	_ =	sdelay $0x1  }
0x62: {  	[tilespmem:$0xE30] =	vst v1;
	v5 =	vnsel vm0, $0xFF800000, v6;
	v2 =	vmul.f32 v3, v2  }
0x63: {  	[tilespmem:$0xB20] =	vst v5  }
0x64: {  	[tilespmem:$0xCA0] =	vst v2  }
0x65: {  	v2 =	vld.idx.msk [tilespmem:v4+s2+$0x0], $0xffff;
	_ =	sdelay $0x1  }
0x66: {  	s26 =	sor.u32 $0x30, s3;
	v3 =	vor.u32 $0xC1, v19  }
0x67: {  	v4 =	vmov s26  }
0x68: {  	vm0 =	vlt.u32 v4, v16  }
0x69: {  	v2 =	vnsel vm0, $0x0, v2  }
0x6a: {  	[tilespmem:$0x530] =	vst v2  }
0x6b: {  	v2 =	vld.idx.msk [tilespmem:v3+s2+$0x0], $0xffff;
	_ =	sdelay $0x1  }
0x6c: {  	v3 =	vor.u32 $0xC2, v19;
	_ =	sdelay $0x2  }
0x6d: {  	v2 =	vnsel vm0, $0x0, v2  }
0x6e: {  	[tilespmem:$0x6B0] =	vst v2  }
0x6f: {  	v2 =	vld.idx.msk [tilespmem:v3+s2+$0x0], $0xffff;
	_ =	sdelay $0x1  }
0x70: {  	v3 =	vor.u32 $0xC3, v19;
	_ =	sdelay $0x2  }
0x71: {  	v2 =	vnsel vm0, $0x0, v2  }
0x72: {  	[tilespmem:$0x830] =	vst v2  }
0x73: {  	v2 =	vld.idx.msk [tilespmem:v3+s2+$0x0], $0xffff;
	_ =	sdelay $0x3  }
0x74: {  	v5 =	vld [tilespmem:$0x6B0]  }
0x75: {  	v3 =	vld [tilespmem:$0x830];
	v2 =	vnsel vm0, $0x0, v2  }
0x76: {  	[tilespmem:$0x9B0] =	vst v2;
	v2 =	vld [tilespmem:$0x530]  }
0x77: {  	v4 =	vld [tilespmem:$0x9B0];
	_ =	sdelay $0x1  }
0x78: {  	v6 =	vld [tilespmem:$0xB30];
	_ =	sdelay $0x2  }
0x79: {  	v2 =	vsub.f32 v3, v2;
	v3 =	vsub.f32 v4, v5;
	v4 =	vor.u32 $0x100, v19;
	_ =	sdelay $0x1  }
0x7a: {  	[tilespmem:$0xE40] =	vst v1;
	v5 =	vnsel vm0, $0xFF800000, v6;
	v2 =	vmul.f32 v3, v2  }
0x7b: {  	[tilespmem:$0xB30] =	vst v5  }
0x7c: {  	[tilespmem:$0xCB0] =	vst v2  }
0x7d: {  	v2 =	vld.idx.msk [tilespmem:v4+s2+$0x0], $0xffff;
	_ =	sdelay $0x1  }
0x7e: {  	s28 =	sadd.s32 $0x40, s3;
	v3 =	vor.u32 $0x101, v19  }
0x7f: {  	v4 =	vmov s28  }
0x80: {  	vm0 =	vlt.u32 v4, v16  }
0x81: {  	v2 =	vnsel vm0, $0x0, v2  }
0x82: {  	[tilespmem:$0x540] =	vst v2  }
0x83: {  	v2 =	vld.idx.msk [tilespmem:v3+s2+$0x0], $0xffff;
	_ =	sdelay $0x1  }
0x84: {  	v3 =	vor.u32 $0x102, v19;
	_ =	sdelay $0x2  }
0x85: {  	v2 =	vnsel vm0, $0x0, v2  }
0x86: {  	[tilespmem:$0x6C0] =	vst v2  }
0x87: {  	v2 =	vld.idx.msk [tilespmem:v3+s2+$0x0], $0xffff;
	_ =	sdelay $0x1  }
0x88: {  	v3 =	vor.u32 $0x103, v19;
	_ =	sdelay $0x2  }
0x89: {  	v2 =	vnsel vm0, $0x0, v2  }
0x8a: {  	[tilespmem:$0x840] =	vst v2  }
0x8b: {  	v2 =	vld.idx.msk [tilespmem:v3+s2+$0x0], $0xffff;
	_ =	sdelay $0x3  }
0x8c: {  	v5 =	vld [tilespmem:$0x6C0]  }
0x8d: {  	v3 =	vld [tilespmem:$0x840];
	v2 =	vnsel vm0, $0x0, v2  }
0x8e: {  	[tilespmem:$0x9C0] =	vst v2;
	v2 =	vld [tilespmem:$0x540]  }
0x8f: {  	v4 =	vld [tilespmem:$0x9C0];
	_ =	sdelay $0x1  }
0x90: {  	v6 =	vld [tilespmem:$0xB40];
	_ =	sdelay $0x2  }
0x91: {  	v2 =	vsub.f32 v3, v2;
	v3 =	vsub.f32 v4, v5;
	v4 =	vor.u32 $0x140, v19;
	_ =	sdelay $0x1  }
0x92: {  	[tilespmem:$0xE50] =	vst v1;
	v5 =	vnsel vm0, $0xFF800000, v6;
	v2 =	vmul.f32 v3, v2  }
0x93: {  	[tilespmem:$0xB40] =	vst v5  }
0x94: {  	[tilespmem:$0xCC0] =	vst v2  }
0x95: {  	v2 =	vld.idx.msk [tilespmem:v4+s2+$0x0], $0xffff;
	_ =	sdelay $0x1  }
0x96: {  	s29 =	sadd.s32 $0x50, s3;
	v3 =	vor.u32 $0x141, v19  }
0x97: {  	v4 =	vmov s29  }
0x98: {  	vm0 =	vlt.u32 v4, v16  }
0x99: {  	v2 =	vnsel vm0, $0x0, v2  }
0x9a: {  	[tilespmem:$0x550] =	vst v2  }
0x9b: {  	v2 =	vld.idx.msk [tilespmem:v3+s2+$0x0], $0xffff;
	_ =	sdelay $0x1  }
0x9c: {  	v3 =	vor.u32 $0x142, v19;
	_ =	sdelay $0x2  }
0x9d: {  	v2 =	vnsel vm0, $0x0, v2  }
0x9e: {  	[tilespmem:$0x6D0] =	vst v2  }
0x9f: {  	v2 =	vld.idx.msk [tilespmem:v3+s2+$0x0], $0xffff;
	_ =	sdelay $0x1  }
0xa0: {  	v3 =	vor.u32 $0x143, v19;
	_ =	sdelay $0x2  }
0xa1: {  	v2 =	vnsel vm0, $0x0, v2  }
0xa2: {  	[tilespmem:$0x850] =	vst v2  }
0xa3: {  	v2 =	vld.idx.msk [tilespmem:v3+s2+$0x0], $0xffff;
	_ =	sdelay $0x3  }
0xa4: {  	v5 =	vld [tilespmem:$0x6D0]  }
0xa5: {  	v3 =	vld [tilespmem:$0x850];
	v2 =	vnsel vm0, $0x0, v2  }
0xa6: {  	[tilespmem:$0x9D0] =	vst v2;
	v2 =	vld [tilespmem:$0x550]  }
0xa7: {  	v4 =	vld [tilespmem:$0x9D0];
	_ =	sdelay $0x1  }
0xa8: {  	v6 =	vld [tilespmem:$0xB50];
	_ =	sdelay $0x2  }
0xa9: {  	v2 =	vsub.f32 v3, v2;
	v3 =	vsub.f32 v4, v5;
	v4 =	vor.u32 $0x180, v19;
	_ =	sdelay $0x1  }
0xaa: {  	[tilespmem:$0xE60] =	vst v1;
	v5 =	vnsel vm0, $0xFF800000, v6;
	v2 =	vmul.f32 v3, v2  }
0xab: {  	[tilespmem:$0xB50] =	vst v5  }
0xac: {  	[tilespmem:$0xCD0] =	vst v2  }
0xad: {  	v2 =	vld.idx.msk [tilespmem:v4+s2+$0x0], $0xffff;
	_ =	sdelay $0x1  }
0xae: {  	s30 =	sadd.s32 $0x60, s3;
	v3 =	vor.u32 $0x181, v19  }
0xaf: {  	v4 =	vmov s30  }
0xb0: {  	vm0 =	vlt.u32 v4, v16  }
0xb1: {  	v2 =	vnsel vm0, $0x0, v2  }
0xb2: {  	[tilespmem:$0x560] =	vst v2  }
0xb3: {  	v2 =	vld.idx.msk [tilespmem:v3+s2+$0x0], $0xffff;
	_ =	sdelay $0x1  }
0xb4: {  	v3 =	vor.u32 $0x182, v19;
	_ =	sdelay $0x2  }
0xb5: {  	v2 =	vnsel vm0, $0x0, v2  }
0xb6: {  	[tilespmem:$0x6E0] =	vst v2  }
0xb7: {  	v2 =	vld.idx.msk [tilespmem:v3+s2+$0x0], $0xffff;
	_ =	sdelay $0x1  }
0xb8: {  	v3 =	vor.u32 $0x183, v19;
	_ =	sdelay $0x2  }
0xb9: {  	v2 =	vnsel vm0, $0x0, v2  }
0xba: {  	[tilespmem:$0x860] =	vst v2  }
0xbb: {  	v2 =	vld.idx.msk [tilespmem:v3+s2+$0x0], $0xffff;
	_ =	sdelay $0x3  }
0xbc: {  	v5 =	vld [tilespmem:$0x6E0]  }
0xbd: {  	v3 =	vld [tilespmem:$0x860];
	v2 =	vnsel vm0, $0x0, v2  }
0xbe: {  	[tilespmem:$0x9E0] =	vst v2;
	v2 =	vld [tilespmem:$0x560]  }
0xbf: {  	v4 =	vld [tilespmem:$0x9E0];
	_ =	sdelay $0x1  }
0xc0: {  	v6 =	vld [tilespmem:$0xB60];
	_ =	sdelay $0x2  }
0xc1: {  	v2 =	vsub.f32 v3, v2;
	v3 =	vsub.f32 v4, v5;
	v4 =	vor.u32 $0x1C0, v19;
	_ =	sdelay $0x1  }
0xc2: {  	[tilespmem:$0xE70] =	vst v1;
	v5 =	vnsel vm0, $0xFF800000, v6;
	v2 =	vmul.f32 v3, v2  }
0xc3: {  	[tilespmem:$0xB60] =	vst v5  }
0xc4: {  	[tilespmem:$0xCE0] =	vst v2  }
0xc5: {  	v2 =	vld.idx.msk [tilespmem:v4+s2+$0x0], $0xffff;
	_ =	sdelay $0x1  }
0xc6: {  	s12 =	sadd.s32 $0x70, s3;
	v3 =	vor.u32 $0x1C1, v19  }
0xc7: {  	v4 =	vmov s12  }
0xc8: {  	vm0 =	vlt.u32 v4, v16  }
0xc9: {  	v2 =	vnsel vm0, $0x0, v2  }
0xca: {  	[tilespmem:$0x570] =	vst v2  }
0xcb: {  	v2 =	vld.idx.msk [tilespmem:v3+s2+$0x0], $0xffff;
	_ =	sdelay $0x1  }
0xcc: {  	v3 =	vor.u32 $0x1C2, v19;
	_ =	sdelay $0x2  }
0xcd: {  	v2 =	vnsel vm0, $0x0, v2  }
0xce: {  	[tilespmem:$0x6F0] =	vst v2  }
0xcf: {  	v2 =	vld.idx.msk [tilespmem:v3+s2+$0x0], $0xffff;
	_ =	sdelay $0x1  }
0xd0: {  	v3 =	vor.u32 $0x1C3, v19;
	_ =	sdelay $0x2  }
0xd1: {  	v2 =	vnsel vm0, $0x0, v2  }
0xd2: {  	[tilespmem:$0x870] =	vst v2  }
0xd3: {  	v2 =	vld.idx.msk [tilespmem:v3+s2+$0x0], $0xffff;
	_ =	sdelay $0x3  }
0xd4: {  	v5 =	vld [tilespmem:$0x6F0]  }
0xd5: {  	v3 =	vld [tilespmem:$0x870];
	v2 =	vnsel vm0, $0x0, v2  }
0xd6: {  	[tilespmem:$0x9F0] =	vst v2;
	v2 =	vld [tilespmem:$0x570]  }
0xd7: {  	v4 =	vld [tilespmem:$0x9F0];
	_ =	sdelay $0x1  }
0xd8: {  	v6 =	vld [tilespmem:$0xB70];
	_ =	sdelay $0x2  }
0xd9: {  	v2 =	vsub.f32 v3, v2;
	v3 =	vsub.f32 v4, v5;
	v4 =	vor.u32 $0x200, v19;
	_ =	sdelay $0x1  }
0xda: {  	[tilespmem:$0xE80] =	vst v1;
	v5 =	vnsel vm0, $0xFF800000, v6;
	v2 =	vmul.f32 v3, v2  }
0xdb: {  	[tilespmem:$0xB70] =	vst v5  }
0xdc: {  	[tilespmem:$0xCF0] =	vst v2  }
0xdd: {  	v2 =	vld.idx.msk [tilespmem:v4+s2+$0x0], $0xffff;
	_ =	sdelay $0x1  }
0xde: {  	s13 =	sadd.s32 $0x80, s3;
	v3 =	vor.u32 $0x201, v19  }
0xdf: {  	v4 =	vmov s13  }
0xe0: {  	vm0 =	vlt.u32 v4, v16  }
0xe1: {  	v2 =	vnsel vm0, $0x0, v2  }
0xe2: {  	[tilespmem:$0x580] =	vst v2  }
0xe3: {  	v2 =	vld.idx.msk [tilespmem:v3+s2+$0x0], $0xffff;
	_ =	sdelay $0x1  }
0xe4: {  	v3 =	vor.u32 $0x202, v19;
	_ =	sdelay $0x2  }
0xe5: {  	v2 =	vnsel vm0, $0x0, v2  }
0xe6: {  	[tilespmem:$0x700] =	vst v2  }
0xe7: {  	v2 =	vld.idx.msk [tilespmem:v3+s2+$0x0], $0xffff;
	_ =	sdelay $0x1  }
0xe8: {  	v3 =	vor.u32 $0x203, v19;
	_ =	sdelay $0x2  }
0xe9: {  	v2 =	vnsel vm0, $0x0, v2  }
0xea: {  	[tilespmem:$0x880] =	vst v2  }
0xeb: {  	v2 =	vld.idx.msk [tilespmem:v3+s2+$0x0], $0xffff;
	_ =	sdelay $0x3  }
0xec: {  	v5 =	vld [tilespmem:$0x700]  }
0xed: {  	v3 =	vld [tilespmem:$0x880];
	v2 =	vnsel vm0, $0x0, v2  }
0xee: {  	[tilespmem:$0xA00] =	vst v2;
	v2 =	vld [tilespmem:$0x580]  }
0xef: {  	v4 =	vld [tilespmem:$0xA00];
	_ =	sdelay $0x1  }
0xf0: {  	v6 =	vld [tilespmem:$0xB80];
	_ =	sdelay $0x2  }
0xf1: {  	v2 =	vsub.f32 v3, v2;
	v3 =	vsub.f32 v4, v5;
	v4 =	vor.u32 $0x240, v19;
	_ =	sdelay $0x1  }
0xf2: {  	[tilespmem:$0xE90] =	vst v1;
	v5 =	vnsel vm0, $0xFF800000, v6;
	v2 =	vmul.f32 v3, v2  }
0xf3: {  	[tilespmem:$0xB80] =	vst v5  }
0xf4: {  	[tilespmem:$0xD00] =	vst v2  }
0xf5: {  	v2 =	vld.idx.msk [tilespmem:v4+s2+$0x0], $0xffff;
	_ =	sdelay $0x1  }
0xf6: {  	s14 =	sadd.s32 $0x90, s3;
	v3 =	vor.u32 $0x241, v19  }
0xf7: {  	v4 =	vmov s14  }
0xf8: {  	vm0 =	vlt.u32 v4, v16  }
0xf9: {  	v2 =	vnsel vm0, $0x0, v2  }
0xfa: {  	[tilespmem:$0x590] =	vst v2  }
0xfb: {  	v2 =	vld.idx.msk [tilespmem:v3+s2+$0x0], $0xffff;
	_ =	sdelay $0x1  }
0xfc: {  	v3 =	vor.u32 $0x242, v19;
	_ =	sdelay $0x2  }
0xfd: {  	v2 =	vnsel vm0, $0x0, v2  }
0xfe: {  	[tilespmem:$0x710] =	vst v2  }
0xff: {  	v2 =	vld.idx.msk [tilespmem:v3+s2+$0x0], $0xffff;
	_ =	sdelay $0x1  }
0x100: {  	v3 =	vor.u32 $0x243, v19;
	_ =	sdelay $0x2  }
0x101: {  	v2 =	vnsel vm0, $0x0, v2  }
0x102: {  	[tilespmem:$0x890] =	vst v2  }
0x103: {  	v2 =	vld.idx.msk [tilespmem:v3+s2+$0x0], $0xffff;
	_ =	sdelay $0x3  }
0x104: {  	v5 =	vld [tilespmem:$0x710]  }
0x105: {  	v3 =	vld [tilespmem:$0x890];
	v2 =	vnsel vm0, $0x0, v2  }
0x106: {  	[tilespmem:$0xA10] =	vst v2;
	v2 =	vld [tilespmem:$0x590]  }
0x107: {  	v4 =	vld [tilespmem:$0xA10];
	_ =	sdelay $0x1  }
0x108: {  	v6 =	vld [tilespmem:$0xB90];
	_ =	sdelay $0x2  }
0x109: {  	v2 =	vsub.f32 v3, v2;
	v3 =	vsub.f32 v4, v5;
	v4 =	vor.u32 $0x280, v19;
	_ =	sdelay $0x1  }
0x10a: {  	[tilespmem:$0xEA0] =	vst v1;
	v5 =	vnsel vm0, $0xFF800000, v6;
	v2 =	vmul.f32 v3, v2  }
0x10b: {  	[tilespmem:$0xB90] =	vst v5  }
0x10c: {  	[tilespmem:$0xD10] =	vst v2  }
0x10d: {  	v2 =	vld.idx.msk [tilespmem:v4+s2+$0x0], $0xffff;
	_ =	sdelay $0x1  }
0x10e: {  	s15 =	sadd.s32 $0xA0, s3;
	v3 =	vor.u32 $0x281, v19  }
0x10f: {  	v4 =	vmov s15  }
0x110: {  	vm0 =	vlt.u32 v4, v16  }
0x111: {  	v2 =	vnsel vm0, $0x0, v2  }
0x112: {  	[tilespmem:$0x5A0] =	vst v2  }
0x113: {  	v2 =	vld.idx.msk [tilespmem:v3+s2+$0x0], $0xffff;
	_ =	sdelay $0x1  }
0x114: {  	v3 =	vor.u32 $0x282, v19;
	_ =	sdelay $0x2  }
0x115: {  	v2 =	vnsel vm0, $0x0, v2  }
0x116: {  	[tilespmem:$0x720] =	vst v2  }
0x117: {  	v2 =	vld.idx.msk [tilespmem:v3+s2+$0x0], $0xffff;
	_ =	sdelay $0x1  }
0x118: {  	v3 =	vor.u32 $0x283, v19;
	_ =	sdelay $0x2  }
0x119: {  	v2 =	vnsel vm0, $0x0, v2  }
0x11a: {  	[tilespmem:$0x8A0] =	vst v2  }
0x11b: {  	v2 =	vld.idx.msk [tilespmem:v3+s2+$0x0], $0xffff;
	_ =	sdelay $0x3  }
0x11c: {  	v5 =	vld [tilespmem:$0x720]  }
0x11d: {  	v3 =	vld [tilespmem:$0x8A0];
	v2 =	vnsel vm0, $0x0, v2  }
0x11e: {  	[tilespmem:$0xA20] =	vst v2;
	v2 =	vld [tilespmem:$0x5A0]  }
0x11f: {  	v4 =	vld [tilespmem:$0xA20];
	_ =	sdelay $0x1  }
0x120: {  	v6 =	vld [tilespmem:$0xBA0];
	_ =	sdelay $0x2  }
0x121: {  	v2 =	vsub.f32 v3, v2;
	v3 =	vsub.f32 v4, v5;
	v4 =	vor.u32 $0x2C0, v19;
	_ =	sdelay $0x1  }
0x122: {  	[tilespmem:$0xEB0] =	vst v1;
	v5 =	vnsel vm0, $0xFF800000, v6;
	v2 =	vmul.f32 v3, v2  }
0x123: {  	[tilespmem:$0xBA0] =	vst v5  }
0x124: {  	[tilespmem:$0xD20] =	vst v2  }
0x125: {  	v2 =	vld.idx.msk [tilespmem:v4+s2+$0x0], $0xffff;
	_ =	sdelay $0x1  }
0x126: {  	s16 =	sadd.s32 $0xB0, s3;
	v3 =	vor.u32 $0x2C1, v19  }
0x127: {  	v4 =	vmov s16  }
0x128: {  	vm0 =	vlt.u32 v4, v16  }
0x129: {  	v2 =	vnsel vm0, $0x0, v2  }
0x12a: {  	[tilespmem:$0x5B0] =	vst v2  }
0x12b: {  	v2 =	vld.idx.msk [tilespmem:v3+s2+$0x0], $0xffff;
	_ =	sdelay $0x1  }
0x12c: {  	v3 =	vor.u32 $0x2C2, v19;
	_ =	sdelay $0x2  }
0x12d: {  	v2 =	vnsel vm0, $0x0, v2  }
0x12e: {  	[tilespmem:$0x730] =	vst v2  }
0x12f: {  	v2 =	vld.idx.msk [tilespmem:v3+s2+$0x0], $0xffff;
	_ =	sdelay $0x1  }
0x130: {  	v3 =	vor.u32 $0x2C3, v19;
	_ =	sdelay $0x2  }
0x131: {  	v2 =	vnsel vm0, $0x0, v2  }
0x132: {  	[tilespmem:$0x8B0] =	vst v2  }
0x133: {  	v2 =	vld.idx.msk [tilespmem:v3+s2+$0x0], $0xffff;
	_ =	sdelay $0x3  }
0x134: {  	v5 =	vld [tilespmem:$0x730]  }
0x135: {  	v3 =	vld [tilespmem:$0x8B0];
	v2 =	vnsel vm0, $0x0, v2  }
0x136: {  	[tilespmem:$0xA30] =	vst v2;
	v2 =	vld [tilespmem:$0x5B0]  }
0x137: {  	v4 =	vld [tilespmem:$0xA30];
	_ =	sdelay $0x1  }
0x138: {  	v6 =	vld [tilespmem:$0xBB0];
	_ =	sdelay $0x2  }
0x139: {  	v2 =	vsub.f32 v3, v2;
	v3 =	vsub.f32 v4, v5;
	v4 =	vor.u32 $0x300, v19;
	_ =	sdelay $0x1  }
0x13a: {  	[tilespmem:$0xEC0] =	vst v1;
	v5 =	vnsel vm0, $0xFF800000, v6;
	v2 =	vmul.f32 v3, v2  }
0x13b: {  	[tilespmem:$0xBB0] =	vst v5  }
0x13c: {  	[tilespmem:$0xD30] =	vst v2  }
0x13d: {  	v2 =	vld.idx.msk [tilespmem:v4+s2+$0x0], $0xffff;
	_ =	sdelay $0x1  }
0x13e: {  	s17 =	sadd.s32 $0xC0, s3;
	v3 =	vor.u32 $0x301, v19  }
0x13f: {  	v4 =	vmov s17  }
0x140: {  	vm0 =	vlt.u32 v4, v16  }
0x141: {  	v2 =	vnsel vm0, $0x0, v2  }
0x142: {  	[tilespmem:$0x5C0] =	vst v2  }
0x143: {  	v2 =	vld.idx.msk [tilespmem:v3+s2+$0x0], $0xffff;
	_ =	sdelay $0x1  }
0x144: {  	v3 =	vor.u32 $0x302, v19;
	_ =	sdelay $0x2  }
0x145: {  	v2 =	vnsel vm0, $0x0, v2  }
0x146: {  	[tilespmem:$0x740] =	vst v2  }
0x147: {  	v2 =	vld.idx.msk [tilespmem:v3+s2+$0x0], $0xffff;
	_ =	sdelay $0x1  }
0x148: {  	v3 =	vor.u32 $0x303, v19;
	_ =	sdelay $0x2  }
0x149: {  	v2 =	vnsel vm0, $0x0, v2  }
0x14a: {  	[tilespmem:$0x8C0] =	vst v2  }
0x14b: {  	v2 =	vld.idx.msk [tilespmem:v3+s2+$0x0], $0xffff;
	_ =	sdelay $0x3  }
0x14c: {  	v5 =	vld [tilespmem:$0x740]  }
0x14d: {  	v3 =	vld [tilespmem:$0x8C0];
	v2 =	vnsel vm0, $0x0, v2  }
0x14e: {  	[tilespmem:$0xA40] =	vst v2;
	v2 =	vld [tilespmem:$0x5C0]  }
0x14f: {  	v4 =	vld [tilespmem:$0xA40];
	_ =	sdelay $0x1  }
0x150: {  	v6 =	vld [tilespmem:$0xBC0];
	_ =	sdelay $0x2  }
0x151: {  	v2 =	vsub.f32 v3, v2;
	v3 =	vsub.f32 v4, v5;
	v4 =	vor.u32 $0x340, v19;
	_ =	sdelay $0x1  }
0x152: {  	[tilespmem:$0xED0] =	vst v1;
	v5 =	vnsel vm0, $0xFF800000, v6;
	v2 =	vmul.f32 v3, v2  }
0x153: {  	[tilespmem:$0xBC0] =	vst v5  }
0x154: {  	[tilespmem:$0xD40] =	vst v2  }
0x155: {  	v2 =	vld.idx.msk [tilespmem:v4+s2+$0x0], $0xffff;
	_ =	sdelay $0x1  }
0x156: {  	s18 =	sadd.s32 $0xD0, s3;
	v3 =	vor.u32 $0x341, v19  }
0x157: {  	v4 =	vmov s18  }
0x158: {  	vm0 =	vlt.u32 v4, v16  }
0x159: {  	v2 =	vnsel vm0, $0x0, v2  }
0x15a: {  	[tilespmem:$0x5D0] =	vst v2  }
0x15b: {  	v2 =	vld.idx.msk [tilespmem:v3+s2+$0x0], $0xffff;
	_ =	sdelay $0x1  }
0x15c: {  	v3 =	vor.u32 $0x342, v19;
	_ =	sdelay $0x2  }
0x15d: {  	v2 =	vnsel vm0, $0x0, v2  }
0x15e: {  	[tilespmem:$0x750] =	vst v2  }
0x15f: {  	v2 =	vld.idx.msk [tilespmem:v3+s2+$0x0], $0xffff;
	_ =	sdelay $0x1  }
0x160: {  	v3 =	vor.u32 $0x343, v19;
	_ =	sdelay $0x2  }
0x161: {  	v2 =	vnsel vm0, $0x0, v2  }
0x162: {  	[tilespmem:$0x8D0] =	vst v2  }
0x163: {  	v2 =	vld.idx.msk [tilespmem:v3+s2+$0x0], $0xffff;
	_ =	sdelay $0x3  }
0x164: {  	v5 =	vld [tilespmem:$0x750]  }
0x165: {  	v3 =	vld [tilespmem:$0x8D0];
	v2 =	vnsel vm0, $0x0, v2  }
0x166: {  	[tilespmem:$0xA50] =	vst v2;
	v2 =	vld [tilespmem:$0x5D0]  }
0x167: {  	v4 =	vld [tilespmem:$0xA50];
	_ =	sdelay $0x1  }
0x168: {  	v6 =	vld [tilespmem:$0xBD0];
	_ =	sdelay $0x2  }
0x169: {  	v2 =	vsub.f32 v3, v2;
	v3 =	vsub.f32 v4, v5;
	v4 =	vor.u32 $0x380, v19;
	_ =	sdelay $0x1  }
0x16a: {  	[tilespmem:$0xEE0] =	vst v1;
	v5 =	vnsel vm0, $0xFF800000, v6;
	v2 =	vmul.f32 v3, v2  }
0x16b: {  	[tilespmem:$0xBD0] =	vst v5  }
0x16c: {  	[tilespmem:$0xD50] =	vst v2  }
0x16d: {  	v2 =	vld.idx.msk [tilespmem:v4+s2+$0x0], $0xffff;
	_ =	sdelay $0x1  }
0x16e: {  	s19 =	sadd.s32 $0xE0, s3;
	v3 =	vor.u32 $0x381, v19  }
0x16f: {  	v4 =	vmov s19  }
0x170: {  	vm0 =	vlt.u32 v4, v16  }
0x171: {  	v2 =	vnsel vm0, $0x0, v2  }
0x172: {  	[tilespmem:$0x5E0] =	vst v2  }
0x173: {  	v2 =	vld.idx.msk [tilespmem:v3+s2+$0x0], $0xffff;
	_ =	sdelay $0x1  }
0x174: {  	v3 =	vor.u32 $0x382, v19;
	_ =	sdelay $0x2  }
0x175: {  	v2 =	vnsel vm0, $0x0, v2  }
0x176: {  	[tilespmem:$0x760] =	vst v2  }
0x177: {  	v2 =	vld.idx.msk [tilespmem:v3+s2+$0x0], $0xffff;
	_ =	sdelay $0x1  }
0x178: {  	v3 =	vor.u32 $0x383, v19;
	_ =	sdelay $0x2  }
0x179: {  	v2 =	vnsel vm0, $0x0, v2  }
0x17a: {  	[tilespmem:$0x8E0] =	vst v2  }
0x17b: {  	v2 =	vld.idx.msk [tilespmem:v3+s2+$0x0], $0xffff;
	_ =	sdelay $0x3  }
0x17c: {  	v5 =	vld [tilespmem:$0x760]  }
0x17d: {  	v3 =	vld [tilespmem:$0x8E0];
	v2 =	vnsel vm0, $0x0, v2  }
0x17e: {  	[tilespmem:$0xA60] =	vst v2;
	v2 =	vld [tilespmem:$0x5E0]  }
0x17f: {  	v4 =	vld [tilespmem:$0xA60];
	_ =	sdelay $0x1  }
0x180: {  	v6 =	vld [tilespmem:$0xBE0];
	_ =	sdelay $0x2  }
0x181: {  	v2 =	vsub.f32 v3, v2;
	v3 =	vsub.f32 v4, v5;
	v4 =	vor.u32 $0x3C0, v19;
	_ =	sdelay $0x1  }
0x182: {  	[tilespmem:$0xEF0] =	vst v1;
	v5 =	vnsel vm0, $0xFF800000, v6;
	v2 =	vmul.f32 v3, v2  }
0x183: {  	[tilespmem:$0xBE0] =	vst v5  }
0x184: {  	[tilespmem:$0xD60] =	vst v2  }
0x185: {  	v2 =	vld.idx.msk [tilespmem:v4+s2+$0x0], $0xffff;
	_ =	sdelay $0x1  }
0x186: {  	s20 =	sadd.s32 $0xF0, s3;
	v3 =	vor.u32 $0x3C1, v19  }
0x187: {  	v4 =	vmov s20  }
0x188: {  	vm0 =	vlt.u32 v4, v16  }
0x189: {  	v2 =	vnsel vm0, $0x0, v2  }
0x18a: {  	[tilespmem:$0x5F0] =	vst v2  }
0x18b: {  	v2 =	vld.idx.msk [tilespmem:v3+s2+$0x0], $0xffff;
	_ =	sdelay $0x1  }
0x18c: {  	v3 =	vor.u32 $0x3C2, v19;
	_ =	sdelay $0x2  }
0x18d: {  	v2 =	vnsel vm0, $0x0, v2  }
0x18e: {  	[tilespmem:$0x770] =	vst v2  }
0x18f: {  	v2 =	vld.idx.msk [tilespmem:v3+s2+$0x0], $0xffff;
	_ =	sdelay $0x1  }
0x190: {  	v3 =	vor.u32 $0x3C3, v19;
	_ =	sdelay $0x2  }
0x191: {  	v2 =	vnsel vm0, $0x0, v2  }
0x192: {  	[tilespmem:$0x8F0] =	vst v2  }
0x193: {  	v2 =	vld.idx.msk [tilespmem:v3+s2+$0x0], $0xffff;
	_ =	sdelay $0x3  }
0x194: {  	v5 =	vld [tilespmem:$0x770]  }
0x195: {  	v3 =	vld [tilespmem:$0x8F0];
	v2 =	vnsel vm0, $0x0, v2  }
0x196: {  	[tilespmem:$0xA70] =	vst v2;
	v2 =	vld [tilespmem:$0x5F0]  }
0x197: {  	v4 =	vld [tilespmem:$0xA70];
	_ =	sdelay $0x1  }
0x198: {  	v6 =	vld [tilespmem:$0xBF0];
	_ =	sdelay $0x2  }
0x199: {  	v2 =	vsub.f32 v3, v2;
	v3 =	vsub.f32 v4, v5;
	v4 =	vor.u32 $0x400, v19;
	_ =	sdelay $0x1  }
0x19a: {  	[tilespmem:$0xF00] =	vst v1;
	v5 =	vnsel vm0, $0xFF800000, v6;
	v2 =	vmul.f32 v3, v2  }
0x19b: {  	[tilespmem:$0xBF0] =	vst v5  }
0x19c: {  	[tilespmem:$0xD70] =	vst v2  }
0x19d: {  	v2 =	vld.idx.msk [tilespmem:v4+s2+$0x0], $0xffff;
	_ =	sdelay $0x1  }
0x19e: {  	s21 =	sadd.s32 $0x100, s3;
	v3 =	vor.u32 $0x401, v19  }
0x19f: {  	v4 =	vmov s21  }
0x1a0: {  	vm0 =	vlt.u32 v4, v16  }
0x1a1: {  	v2 =	vnsel vm0, $0x0, v2  }
0x1a2: {  	[tilespmem:$0x600] =	vst v2  }
0x1a3: {  	v2 =	vld.idx.msk [tilespmem:v3+s2+$0x0], $0xffff;
	_ =	sdelay $0x1  }
0x1a4: {  	v3 =	vor.u32 $0x402, v19;
	_ =	sdelay $0x2  }
0x1a5: {  	v2 =	vnsel vm0, $0x0, v2  }
0x1a6: {  	[tilespmem:$0x780] =	vst v2  }
0x1a7: {  	v2 =	vld.idx.msk [tilespmem:v3+s2+$0x0], $0xffff;
	_ =	sdelay $0x1  }
0x1a8: {  	v3 =	vor.u32 $0x403, v19;
	_ =	sdelay $0x2  }
0x1a9: {  	v2 =	vnsel vm0, $0x0, v2  }
0x1aa: {  	[tilespmem:$0x900] =	vst v2  }
0x1ab: {  	v2 =	vld.idx.msk [tilespmem:v3+s2+$0x0], $0xffff;
	_ =	sdelay $0x3  }
0x1ac: {  	v5 =	vld [tilespmem:$0x780]  }
0x1ad: {  	v3 =	vld [tilespmem:$0x900];
	v2 =	vnsel vm0, $0x0, v2  }
0x1ae: {  	[tilespmem:$0xA80] =	vst v2;
	v2 =	vld [tilespmem:$0x600]  }
0x1af: {  	v4 =	vld [tilespmem:$0xA80];
	_ =	sdelay $0x1  }
0x1b0: {  	v6 =	vld [tilespmem:$0xC00];
	_ =	sdelay $0x2  }
0x1b1: {  	v2 =	vsub.f32 v3, v2;
	v3 =	vsub.f32 v4, v5;
	v4 =	vor.u32 $0x440, v19;
	_ =	sdelay $0x1  }
0x1b2: {  	[tilespmem:$0xF10] =	vst v1;
	v5 =	vnsel vm0, $0xFF800000, v6;
	v2 =	vmul.f32 v3, v2  }
0x1b3: {  	[tilespmem:$0xC00] =	vst v5  }
0x1b4: {  	[tilespmem:$0xD80] =	vst v2  }
0x1b5: {  	v2 =	vld.idx.msk [tilespmem:v4+s2+$0x0], $0xffff;
	_ =	sdelay $0x1  }
0x1b6: {  	s22 =	sadd.s32 $0x110, s3;
	v3 =	vor.u32 $0x441, v19  }
0x1b7: {  	v4 =	vmov s22  }
0x1b8: {  	vm0 =	vlt.u32 v4, v16  }
0x1b9: {  	v2 =	vnsel vm0, $0x0, v2  }
0x1ba: {  	[tilespmem:$0x610] =	vst v2  }
0x1bb: {  	v2 =	vld.idx.msk [tilespmem:v3+s2+$0x0], $0xffff;
	_ =	sdelay $0x1  }
0x1bc: {  	v3 =	vor.u32 $0x442, v19;
	_ =	sdelay $0x2  }
0x1bd: {  	v2 =	vnsel vm0, $0x0, v2  }
0x1be: {  	[tilespmem:$0x790] =	vst v2  }
0x1bf: {  	v2 =	vld.idx.msk [tilespmem:v3+s2+$0x0], $0xffff;
	_ =	sdelay $0x1  }
0x1c0: {  	v3 =	vor.u32 $0x443, v19;
	_ =	sdelay $0x2  }
0x1c1: {  	v2 =	vnsel vm0, $0x0, v2  }
0x1c2: {  	[tilespmem:$0x910] =	vst v2  }
0x1c3: {  	v2 =	vld.idx.msk [tilespmem:v3+s2+$0x0], $0xffff;
	_ =	sdelay $0x3  }
0x1c4: {  	v5 =	vld [tilespmem:$0x790]  }
0x1c5: {  	v3 =	vld [tilespmem:$0x910];
	v2 =	vnsel vm0, $0x0, v2  }
0x1c6: {  	[tilespmem:$0xA90] =	vst v2;
	v2 =	vld [tilespmem:$0x610]  }
0x1c7: {  	v4 =	vld [tilespmem:$0xA90];
	_ =	sdelay $0x1  }
0x1c8: {  	v6 =	vld [tilespmem:$0xC10];
	_ =	sdelay $0x2  }
0x1c9: {  	v2 =	vsub.f32 v3, v2;
	v3 =	vsub.f32 v4, v5;
	v4 =	vor.u32 $0x480, v19;
	_ =	sdelay $0x1  }
0x1ca: {  	[tilespmem:$0xF20] =	vst v1;
	v5 =	vnsel vm0, $0xFF800000, v6;
	v2 =	vmul.f32 v3, v2  }
0x1cb: {  	[tilespmem:$0xC10] =	vst v5  }
0x1cc: {  	[tilespmem:$0xD90] =	vst v2  }
0x1cd: {  	v2 =	vld.idx.msk [tilespmem:v4+s2+$0x0], $0xffff;
	_ =	sdelay $0x1  }
0x1ce: {  	s23 =	sadd.s32 $0x120, s3;
	v3 =	vor.u32 $0x481, v19  }
0x1cf: {  	v4 =	vmov s23  }
0x1d0: {  	vm0 =	vlt.u32 v4, v16  }
0x1d1: {  	v2 =	vnsel vm0, $0x0, v2  }
0x1d2: {  	[tilespmem:$0x620] =	vst v2  }
0x1d3: {  	v2 =	vld.idx.msk [tilespmem:v3+s2+$0x0], $0xffff  }
0x1d4: {  	vm1 =	vcmask $0x300;
	v3 =	vimm.f32 $1.500000000e+01  }
0x1d5: {  	v4 =	vor.u32 $0x482, v19;
	v3 =	vsel vm1, $0x0, v3;
	vm1 =	vcmask $0x704  }
0x1d6: {  	v3 =	vsel vm1, $0x3F800000, v3;
	vm1 =	vcmask $0xB08  }
0x1d7: {  	v3 =	vsel vm1, $0x40000000, v3;
	vm1 =	vcmask $0xF0C  }
0x1d8: {  	v3 =	vsel vm1, $0x40400000, v3;
	vm1 =	vcmask $0x1310;
	v2 =	vnsel vm0, $0x0, v2  }
0x1d9: {  	v6 =	vld [tilespmem:$0xB10];
	[tilespmem:$0x7A0] =	vst v2;
	v2 =	vsel vm1, $0x40800000, v3;
	vm1 =	vcmask $0x1714  }
0x1da: {  	v3 =	vld.idx.msk [tilespmem:v4+s2+$0x0], $0xffff;
	v2 =	vsel vm1, $0x40A00000, v2;
	vm1 =	vcmask $0x1B18  }
0x1db: {  	v5 =	vld [tilespmem:$0xB00];
	v2 =	vsel vm1, $0x40C00000, v2;
	vm1 =	vcmask $0x1F1C  }
0x1dc: {  	v4 =	vor.u32 $0x483, v19;
	v2 =	vsel vm1, $0x40E00000, v2;
	vm1 =	vcmask $0x2320  }
0x1dd: {  	v2 =	vsel vm1, $0x41000000, v2;
	vm1 =	vcmask $0x2724  }
0x1de: {  	vm4 =	vcmask $0x3734;
	v2 =	vsel vm1, $0x41100000, v2;
	vm1 =	vcmask $0x2B28  }
0x1df: {  	v3 =	vnsel vm0, $0x0, v3;
	v2 =	vsel vm1, $0x41200000, v2;
	vm1 =	vcmask $0x2F2C  }
0x1e0: {  	v7 =	vld [tilespmem:$0xB20];
	vm3 =	vgt.f32 v6, $-Inf;
	vm2 =	vgt.f32 v5, $-Inf;
	[tilespmem:$0x920] =	vst v3;
	v2 =	vsel vm1, $0x41300000, v2  }
0x1e1: {  	vm1 =	vcmask $0x3330;
	v3 =	vld.idx.msk [tilespmem:v4+s2+$0x0], $0xffff;
	v4 =	vnsel vm2, $0xFF800000, v5;
	vm2 =	vlt.f32 v6, $-Inf  }
0x1e2: {  	v12 =	vld [tilespmem:$0x620];
	v2 =	vsel vm1, $0x41400000, v2;
	vm1 =	vgt.f32 v6, v4;
	vm2 =	vmor vm3, vm2  }
0x1e3: {  	s4 =	scvt.s32.f32 s24;
	v10 =	vld [tilespmem:$0x920];
	v2 =	vsel vm4, $0x41500000, v2;
	vm3 =	vcmask $0x3B38;
	vm1 =	vmneg vm1  }
0x1e4: {  	v25 =	vor.u32 $0x4C1, v19;
	v21 =	vsel vm3, $0x41600000, v2;
	vm5 =	vmand vm2, vm1  }
0x1e5: {  	s8 =	scvt.s32.f32 s26;
	v11 =	vld [tilespmem:$0xB30];
	v8 =	vsel vm1, v4, v6;
	v2 =	vadd.f32 s4, v21;
	v5 =	vnsel vm5, $0xFF800000, v6  }
0x1e6: {  	s31 =	scvt.s32.f32 s28;
	vm2 =	vgt.f32 v7, v8;
	v3 =	vnsel vm0, $0x0, v3;
	v6 =	vsel vm1, v5, v4  }
0x1e7: {  	s7 =	scvt.s32.f32 s25;
	v14 =	vld [tilespmem:$0x7A0];
	vm2 =	vmneg vm2;
	v4 =	vadd.f32 s8, v21;
	[tilespmem:$0xAA0] =	vst v3;
	vm3 =	vgt.f32 v7, v6  }
0x1e8: {  	s9 =	scvt.s32.f32 s29;
	v5 =	vadd.f32 s31, v21;
	v10 =	vsub.f32 v10, v12;
	v13 =	vld [tilespmem:$0xAA0];
	vm8 =	vmand vm2, vm3  }
0x1e9: {  	s10 =	scvt.s32.f32 s30;
	v17 =	vld [tilespmem:$0xB40];
	v3 =	vadd.f32 s7, v21;
	v15 =	vsel vm2, v8, v7;
	v9 =	vsel vm8, v7, v6  }
0x1ea: {  	s11 =	scvt.s32.f32 s12;
	v20 =	vld [tilespmem:$0xC20];
	s12 =	scvt.s32.f32 s13;
	vm3 =	vgt.f32 v11, v15;
	v6 =	vadd.f32 s9, v21;
	v18 =	vsel vm2, v9, v8  }
0x1eb: {  	v7 =	vadd.f32 s10, v21;
	vm4 =	vmneg vm3;
	vm3 =	vgt.f32 v11, v18  }
0x1ec: {  	v8 =	vadd.f32 s11, v21;
	v9 =	vadd.f32 s12, v21;
	vm10 =	vmand vm4, vm3  }
0x1ed: {  	v22 =	vld [tilespmem:$0xB50];
	v12 =	vsel vm10, v11, v18;
	v18 =	vsel vm4, v15, v11;
	v11 =	vsub.f32 v13, v14  }
0x1ee: {  	s4 =	scvt.s32.f32 s3;
	v14 =	vor.u32 $0x4C0, v19;
	v12 =	vsel vm4, v12, v15;
	vm3 =	vgt.f32 v17, v18  }
0x1ef: {  	s13 =	scvt.s32.f32 s14;
	v13 =	vnsel vm0, $0xFF800000, v20;
	vm3 =	vmneg vm3;
	vm6 =	vgt.f32 v17, v12  }
0x1f0: {  	s14 =	scvt.s32.f32 s15;
	[tilespmem:$0xC20] =	vst v13;
	v13 =	vadd.f32 s4, v21;
	v15 =	vmul.f32 v11, v10;
	vm9 =	vmand vm3, vm6  }
0x1f1: {  	[tilespmem:$0xF30] =	vst v1;
	v20 =	vld [tilespmem:$0xB60];
	v10 =	vadd.f32 s13, v21;
	v12 =	vsel vm9, v17, v12;
	v17 =	vsel vm3, v18, v17  }
0x1f2: {  	s15 =	scvt.s32.f32 s16;
	v11 =	vadd.f32 s14, v21;
	[tilespmem:$0xDA0] =	vst v15;
	v15 =	vsel vm3, v12, v18;
	vm0 =	vgt.f32 v22, v17  }
0x1f3: {  	s16 =	sadd.s32 $0x130, s3;
	s17 =	scvt.s32.f32 s17;
	v26 =	vsel vm5, v2, v13;
	v23 =	vld.idx.msk [tilespmem:v14+s2+$0x0], $0xffff;
	vm6 =	vmneg vm0;
	vm0 =	vgt.f32 v22, v15  }
0x1f4: {  	v24 =	vld [tilespmem:$0xB70];
	s18 =	scvt.s32.f32 s18;
	v12 =	vadd.f32 s15, v21;
	v18 =	vmov s16;
	vm11 =	vmand vm6, vm0  }
0x1f5: {  	v14 =	vadd.f32 s17, v21;
	v15 =	vsel vm11, v22, v15;
	v22 =	vsel vm6, v17, v22  }
0x1f6: {  	v17 =	vsel vm6, v15, v17;
	vm0 =	vgt.f32 v20, v22;
	v15 =	vadd.f32 s18, v21  }
0x1f7: {  	vm7 =	vmneg vm0;
	vm12 =	vgt.f32 v20, v17;
	vm0 =	vlt.u32 v18, v16  }
0x1f8: {  	s19 =	scvt.s32.f32 s19;
	vm5 =	vmand vm7, vm12;
	v16 =	vnsel vm0, $0x0, v23;
	v18 =	vsel vm7, v22, v20  }
0x1f9: {  	v23 =	vsel vm1, v13, v2;
	v17 =	vsel vm5, v20, v17;
	v20 =	vld [tilespmem:$0xB80];
	[tilespmem:$0x630] =	vst v16;
	vm1 =	vgt.f32 v24, v18  }
0x1fa: {  	v16 =	vadd.f32 s19, v21;
	v17 =	vsel vm7, v17, v22;
	v22 =	vld.idx.msk [tilespmem:v25+s2+$0x0], $0xffff;
	v25 =	vsel vm8, v3, v26  }
0x1fb: {  	vm1 =	vmneg vm1;
	v26 =	vor.u32 $0x4C2, v19;
	vm8 =	vgt.f32 v24, v17  }
0x1fc: {  	v25 =	vsel vm2, v25, v23;
	v23 =	vsel vm2, v23, v3;
	vm8 =	vmand vm1, vm8  }
0x1fd: {  	v27 =	vld [tilespmem:$0xB90];
	s20 =	scvt.s32.f32 s20;
	v25 =	vsel vm10, v4, v25;
	v17 =	vsel vm8, v24, v17;
	v24 =	vsel vm1, v18, v24  }
0x1fe: {  	v25 =	vsel vm4, v25, v23;
	v18 =	vsel vm1, v17, v18;
	vm2 =	vgt.f32 v20, v24  }
0x1ff: {  	v17 =	vadd.f32 s20, v21;
	vm2 =	vmneg vm2;
	vm10 =	vgt.f32 v20, v18  }
0x200: {  	s24 =	scvt.s32.f32 s21;
	v28 =	vld [tilespmem:$0xBA0];
	v25 =	vsel vm9, v5, v25;
	v22 =	vnsel vm0, $0x0, v22;
	vm10 =	vmand vm2, vm10  }
0x201: {  	[tilespmem:$0x7B0] =	vst v22;
	v22 =	vsel vm4, v23, v4;
	v18 =	vsel vm10, v20, v18;
	v20 =	vsel vm2, v24, v20  }
0x202: {  	v23 =	vsel vm2, v18, v24;
	vm4 =	vgt.f32 v27, v20;
	v24 =	vld.idx.msk [tilespmem:v26+s2+$0x0], $0xffff;
	v18 =	vadd.f32 s24, v21  }
0x203: {  	v26 =	vor.u32 $0x4C3, v19;
	vm4 =	vmneg vm4;
	vm9 =	vgt.f32 v27, v23  }
0x204: {  	v19 =	vsel vm3, v25, v22;
	vm9 =	vmand vm4, vm9;
	v25 =	vsel vm4, v20, v27  }
0x205: {  	s25 =	scvt.s32.f32 s22;
	v22 =	vsel vm3, v22, v5;
	v23 =	vsel vm9, v27, v23;
	vm3 =	vgt.f32 v28, v25  }
0x206: {  	v27 =	vld [tilespmem:$0xBB0];
	v20 =	vsel vm4, v23, v20;
	v23 =	vsel vm11, v6, v19;
	vm3 =	vmneg vm3  }
0x207: {  	v19 =	vadd.f32 s25, v21;
	vm11 =	vgt.f32 v28, v20;
	v24 =	vnsel vm0, $0x0, v24  }
0x208: {  	v23 =	vsel vm6, v23, v22;
	v22 =	vsel vm6, v22, v6;
	vm11 =	vmand vm3, vm11  }
0x209: {  	s26 =	scvt.s32.f32 s23;
	s7 =	scvt.s32.f32 s16;
	v23 =	vsel vm5, v7, v23;
	v20 =	vsel vm11, v28, v20;
	v28 =	vsel vm3, v25, v28  }
0x20a: {  	v29 =	vld [tilespmem:$0xBC0];
	[tilespmem:$0x930] =	vst v24;
	v23 =	vsel vm7, v23, v22;
	v22 =	vsel vm7, v22, v7;
	v24 =	vsel vm3, v20, v25  }
0x20b: {  	vm6 =	vgt.f32 v27, v28;
	v20 =	vadd.f32 s26, v21;
	v21 =	vadd.f32 s7, v21  }
0x20c: {  	v23 =	vsel vm8, v8, v23;
	vm5 =	vmneg vm6;
	vm6 =	vgt.f32 v27, v24  }
0x20d: {  	v25 =	vld.idx.msk [tilespmem:v26+s2+$0x0], $0xffff;
	v23 =	vsel vm1, v23, v22;
	v22 =	vsel vm1, v22, v8;
	vm12 =	vmand vm5, vm6  }
0x20e: {  	v26 =	vsel vm5, v28, v27;
	v23 =	vsel vm10, v9, v23;
	vm10 =	vcmask $0x3338  }
0x20f: {  	v24 =	vsel vm12, v27, v24;
	v27 =	vld [tilespmem:$0xBD0];
	vm6 =	vgt.f32 v29, v26;
	v23 =	vsel vm2, v23, v22  }
0x210: {  	v22 =	vsel vm2, v22, v9;
	v24 =	vsel vm5, v24, v28;
	vm6 =	vmneg vm6  }
0x211: {  	v23 =	vsel vm9, v10, v23;
	vm9 =	vcmask $0x2F38;
	vm7 =	vgt.f32 v29, v24  }
0x212: {  	v25 =	vnsel vm0, $0x0, v25;
	v56 =	vsel vm6, v26, v29;
	vm7 =	vmand vm6, vm7  }
0x213: {  	v57 =	vld [tilespmem:$0xBE0];
	v23 =	vsel vm4, v23, v22;
	v22 =	vsel vm4, v22, v10;
	v24 =	vsel vm7, v29, v24  }
0x214: {  	v23 =	vsel vm11, v11, v23;
	v24 =	vsel vm6, v24, v26;
	vm1 =	vgt.f32 v27, v56  }
0x215: {  	v23 =	vsel vm3, v23, v22;
	vm1 =	vmneg vm1;
	vm8 =	vgt.f32 v27, v24  }
0x216: {  	v30 =	vld [tilespmem:$0xBF0];
	v22 =	vsel vm3, v22, v11;
	v23 =	vsel vm12, v12, v23;
	vm8 =	vmand vm1, vm8  }
0x217: {  	v26 =	vld [tilespmem:$0xC30];
	v23 =	vsel vm5, v23, v22;
	v24 =	vsel vm8, v27, v24;
	v27 =	vsel vm1, v56, v27  }
0x218: {  	v22 =	vsel vm5, v22, v12;
	v24 =	vsel vm1, v24, v56;
	vm2 =	vgt.f32 v57, v27  }
0x219: {  	v23 =	vsel vm7, v14, v23;
	vm2 =	vmneg vm2;
	vm4 =	vgt.f32 v57, v24  }
0x21a: {  	vm11 =	vmxor vm11, vm11;
	v23 =	vsel vm6, v23, v22;
	vm4 =	vmand vm2, vm4  }
0x21b: {  	v59 =	vld [tilespmem:$0xC00];
	v22 =	vsel vm6, v22, v14;
	v58 =	vsel vm2, v27, v57;
	v24 =	vsel vm4, v57, v24  }
0x21c: {  	v26 =	vnsel vm0, $0xFF800000, v26;
	vm0 =	vgt.f32 v30, v58;
	v24 =	vsel vm2, v24, v27  }
0x21d: {  	v23 =	vsel vm8, v15, v23;
	vm0 =	vmneg vm0;
	vm3 =	vgt.f32 v30, v24  }
0x21e: {  	v32 =	vld [tilespmem:$0xC10];
	v23 =	vsel vm1, v23, v22;
	v22 =	vsel vm1, v22, v15;
	vm5 =	vmand vm0, vm3  }
0x21f: {  	v31 =	vld [tilespmem:$0x930];
	v23 =	vsel vm4, v16, v23;
	v24 =	vsel vm5, v30, v24;
	v30 =	vsel vm0, v58, v30  }
0x220: {  	v27 =	vld [tilespmem:$0x630];
	v23 =	vsel vm2, v23, v22;
	v24 =	vsel vm0, v24, v58;
	vm3 =	vgt.f32 v59, v30  }
0x221: {  	v22 =	vsel vm2, v22, v16;
	vm3 =	vmneg vm3;
	vm6 =	vgt.f32 v59, v24  }
0x222: {  	v60 =	vld [tilespmem:$0xC20];
	v23 =	vsel vm5, v17, v23;
	vm5 =	vcmask $0x1338;
	vm6 =	vmand vm3, vm6  }
0x223: {  	v62 =	vld [tilespmem:$0x7B0];
	[tilespmem:$0xAB0] =	vst v25;
	v23 =	vsel vm0, v23, v22;
	v25 =	vsel vm3, v30, v59;
	v24 =	vsel vm6, v59, v24  }
0x224: {  	v61 =	vld [tilespmem:$0xAB0];
	v22 =	vsel vm0, v22, v17;
	vm1 =	vgt.f32 v32, v25;
	v24 =	vsel vm3, v24, v30  }
0x225: {  	[tilespmem:$0xC30] =	vst v26;
	v27 =	vsub.f32 v31, v27;
	vm1 =	vmneg vm1;
	vm4 =	vgt.f32 v32, v24  }
0x226: {  	v63 =	vld [tilespmem:$0xC30];
	v23 =	vsel vm6, v18, v23;
	v26 =	vsel vm1, v25, v32;
	vm2 =	vmand vm1, vm4  }
0x227: {  	v23 =	vsel vm3, v23, v22;
	vm0 =	vgt.f32 v60, v26;
	v24 =	vsel vm2, v32, v24  }
0x228: {  	v22 =	vsel vm3, v22, v18;
	vm0 =	vmneg vm0;
	v24 =	vsel vm1, v24, v25  }
0x229: {  	v23 =	vsel vm2, v19, v23;
	v25 =	vsub.f32 v61, v62;
	vm4 =	vgt.f32 v60, v24  }
0x22a: {  	v28 =	vsel vm0, v26, v60;
	v23 =	vsel vm1, v23, v22;
	vm4 =	vmand vm0, vm4  }
0x22b: {  	v22 =	vsel vm1, v22, v19;
	vm2 =	vgt.f32 v63, v28;
	v24 =	vsel vm4, v60, v24  }
0x22c: {  	vm2 =	vmneg vm2;
	v23 =	vsel vm4, v20, v23;
	v24 =	vsel vm0, v24, v26  }
0x22d: {  	s28 =	sshll.u32 s0, $0x6;
	vm4 =	vcmask $0x1F18;
	v26 =	vmul.f32 v25, v27;
	vm3 =	vgt.f32 v63, v24  }
0x22e: {  	s29 =	sshrl.u32 s28, $0x2;
	v25 =	vsel vm0, v23, v22;
	vm1 =	vmand vm2, vm3;
	vm3 =	vcmask $0xF38  }
0x22f: {  	s6 =	sadd.s32 s5, s6;
	[dreg:$0x6] =	wrdreg s29;
	s30 =	simm.s32 $0xF80;
	v23 =	vsel vm1, v63, v24;
	v24 =	vsel vm0, v22, v20;
	v22 =	vsel vm1, v21, v25  }
0x230: {  	s5 =	sadd.s32 $0x258, s5;
	[dreg:$0x7] =	wrdreg s30;
	s31 =	simm.s32 $0x2;
	v25 =	vsel vm2, v28, v63;
	vm0 =	vcmask $0x338;
	vm1 =	vcmask $0x738  }
0x231: {  	s8 =	simm.s32 $0x680;
	[dreg:$0x8] =	wrdreg s31;
	s9 =	simm.s32 $0x800;
	vm3 =	vmor vm3, vm4;
	v23 =	vsel vm2, v23, v28;
	v22 =	vsel vm2, v22, v24  }
0x232: {  	s10 =	simm.s32 $0x980;
	s11 =	simm.s32 $0x1;
	s12 =	simm.s32 $0x1000;
	v24 =	vsel vm2, v24, v21;
	vm0 =	vmor vm0, vm4;
	vm2 =	vcmask $0xB38  }
0x233: {  	s13 =	simm.s32 $0xE00;
	s14 =	simm.s32 $0x0;
	s7 =	simm.s32 $0x500;
	[tilespmem:$0xDB0] =	vst v26;
	vm1 =	vmor vm1, vm4;
	vm2 =	vmor vm2, vm4;
	vm4 =	vmor vm5, vm4  }
.LBB2_1:
0x234: {  	(xrf0) =	vmax.scan.msk.f32 $0xffff, v25;
	_ =	sdelay $0x5  }
0x235: {  	v26, _, _ =	vpop (xrf0)  }
0x236: {  	v26 =	vbroadcast v26, $0xF;
	_ =	sdelay $0x1  }
0x237: {  	vm5 =	veq.f32 v25, v26  }
0x238: {  	v27 =	vnsel vm5, $0x4E6E6B28, v24  }
0x239: {  	(xrf0) =	vmin.scan.msk.f32 $0xffff, v27;
	_ =	sdelay $0x5  }
0x23a: {  	v27, _, _ =	vpop (xrf0)  }
0x23b: {  	v28 =	vbroadcast v27, $0xF;
	_ =	sdelay $0x1  }
0x23c: {  	vm6 =	veq.f32 v24, v28  }
0x23d: {  	vm5 =	vmand vm5, vm6  }
0x23e: {  	v23 =	vsel vm5, v23, v25  }
0x23f: {  	(xrf0) =	vmax.scan.msk.f32 $0xffff, v23;
	_ =	sdelay $0x5  }
0x240: {  	v25, _, _ =	vpop (xrf0)  }
0x241: {  	v25 =	vbroadcast v25, $0xF;
	_ =	sdelay $0x1  }
0x242: {  	v22 =	vsel vm5, v22, v24;
	vm5 =	veq.f32 v23, v25  }
0x243: {  	v22 =	vnsel vm5, $0x4E6E6B28, v22  }
0x244: {  	(xrf0) =	vmin.scan.msk.f32 $0xffff, v22;
	_ =	sdelay $0x5  }
0x245: {  	(v2sf) =	vpush v27, $0xF;
	v22, _, _ =	vpop (xrf0)  }
0x246: {  	(v2sf) =	vpush v22, $0xF;
	_ =	sdelay $0xd  }
0x247: {  	s15 =	spop (v2sf)  }
0x248: {  	s15 =	ssub.f32 s15, s4;
	s16 =	spop (v2sf)  }
0x249: {  	s16 =	ssub.f32 s16, s4  }
0x24a: {  	s15 =	scvt.f32.s32 s15  }
0x24b: {  	s16 =	scvt.f32.s32 s16  }
0x24c: {  	v23 =	vmov s15  }
0x24d: {  	p1 =	sgt.s32 s16, $0x0  }
0x24e: {  	s16 =	simm.s32 @!p1 $0x0  }
0x24f: {  	s21 =	smin.u32 s16, $0x13F  }
0x250: {  	v24 =	vmov s21  }
0x251: {  	v27 =	vld.idx.msk [tilespmem:v23+s7+$0x0], $0xffff;
	v24 =	vbroadcast v24, $0x0  }
0x252: {  	v29 =	vld.idx.msk [tilespmem:v23+s8+$0x0], $0xffff  }
0x253: {  	vm12 =	vmmov $0x1;
	v30 =	vld.idx.msk [tilespmem:v23+s9+$0x0], $0xffff  }
0x254: {  	v26 =	vnsel vm12, $0x0, v26;
	v23 =	vld.idx.msk [tilespmem:v23+s10+$0x0], $0xffff  }
0x255: {  	v26 =	vsel vm0, v26, v28  }
0x256: {  	v26 =	vsel vm1, v26, v27  }
0x257: {  	v26 =	vsel vm2, v26, v29;
	v27 =	vld.idx.msk [tilespmem:v24+s7+$0x0], $0xffff  }
0x258: {  	v26 =	vsel vm3, v26, v30;
	v44 =	vld.idx.msk [tilespmem:v24+s8+$0x0], $0xffff  }
0x259: {  	vm5 =	vcmask $0x1F38;
	v22 =	vbroadcast v22, $0xF;
	v23 =	vsel vm4, v26, v23;
	v45 =	vld.idx.msk [tilespmem:v24+s9+$0x0], $0xffff  }
0x25a: {  	v23 =	vsel vm5, v23, v25;
	vm5 =	vcmask $0x2338;
	v24 =	vld.idx.msk [tilespmem:v24+s10+$0x0], $0xffff  }
0x25b: {  	v22 =	vsel vm5, v23, v22;
	vm5 =	vcmask $0x2738  }
0x25c: {  	v22 =	vsel vm5, v22, v27;
	vm5 =	vcmask $0x2B38  }
0x25d: {  	v22 =	vsel vm5, v22, v44  }
0x25e: {  	s22 =	rddreg [dreg:$0x5];
	s17 =	sand.u32 $0x100, s2;
	v22 =	vsel vm9, v22, v45  }
0x25f: {  	s23 =	rddreg [dreg:$0x6];
	s15 =	sadd.s32 s17, s22;
	v22 =	vsel vm10, v22, v24  }
0x260: {  	s18 =	rddreg [dreg:$0x7];
	s16 =	sadd.s32 s23, s15;
	[tilespmem:$0xF80] =	vst v22  }
0x261: {  	[spmem:s16] =	stream.linear.scatter [tilespmem:s18], [sflag:$0x1], $0x10, $0x38;
	[tilespmem:$0x1120] =	vst v63  }
0x262: {  	_ =	swait.ge [sflag:s11], $0x10  }
0x263: {  	v0 =	vlaneseq.u32;
	[sflag:s11] =	ssyncset.done $0x0  }
0x264: {  	v27 =	vmul.u32 $0x10, v0;
	[sflag:s11] =	ssyncadd.s32 $0xFFFFFFF0  }
0x265: {  	[bflag:$0x0] =	sbarrier.arrive $0xFFFF  }
0x266: {  	[tilespmem:s12], [sflag:$0x1] =	stream.linear.gather [spmem:s15], $0x100, $0x38;
	[tilespmem:$0x1120] =	vst v63  }
0x267: {  	_ =	swait.ge [sflag:s11], $0x100  }
0x268: {  	[sflag:s11] =	ssyncset.done $0x0  }
0x269: {  	[sflag:s11] =	ssyncadd.s32 $0xFFFFFF00  }
0x26a: {  	v46 =	vld.idx.msk [tilespmem:v27+s12+$0x0], $0xffff;
	_ =	sdelay $0x4  }
0x26b: {  	v22 =	vor.u32 $0x1, v27;
	(xrf0) =	vmax.scan.msk.f32 $0xffff, v46;
	_ =	sdelay $0x4  }
0x26c: {  	v47 =	vld.idx.msk [tilespmem:v22+s12+$0x0], $0xffff  }
0x26d: {  	v22, _, _ =	vpop (xrf0)  }
0x26e: {  	v23 =	vbroadcast v22, $0xF;
	_ =	sdelay $0x1  }
0x26f: {  	vm5 =	veq.f32 v46, v23  }
0x270: {  	v23 =	vnsel vm5, $0x4E6E6B28, v47  }
0x271: {  	(xrf0) =	vmin.scan.msk.f32 $0xffff, v23;
	_ =	sdelay $0x5  }
0x272: {  	(v2sf) =	vpush v22, $0xF;
	v22, _, _ =	vpop (xrf0)  }
0x273: {  	(v2sf) =	vpush v22, $0xF;
	_ =	sdelay $0xd  }
0x274: {  	s15 =	spop (v2sf)  }
0x275: {  	s24 =	spop (v2sf)  }
0x276: {  	s16 =	scvt.f32.s32 s24;
	_ =	sdelay $0x1  }
0x277: {  	s25 =	smulhi.u32 $0x66666667, s16;
	s26 =	sshra.s32 s16, $0x1F  }
0x278: {  	s18 =	smul.u32 $0x66666667, s26;
	_ =	sdelay $0x1  }
0x279: {  	s17 =	sadd.s32 s18, s25  }
0x27a: {  	s18 =	sshrl.u32 s17, $0x1F;
	s17 =	sshra.s32 s17, $0x7  }
0x27b: {  	s17 =	sadd.s32 s18, s17  }
0x27c: {  	s18 =	smul.u32 $0xFFFFFEC0, s17  }
0x27d: {  	v32 =	vor.u32 $0x5, v27;
	s19 =	ssub.s32 $0x0, s16  }
0x27e: {  	v23 =	vor.u32 $0x3, v27;
	p5 =	slt.s32 s16, $0x1;
	p2 =	sne.s32 s18, s19  }
0x27f: {  	v33 =	vor.u32 $0xA, v27;
	p1 =	por !p5, !p2  }
0x280: {  	v34 =	vor.u32 $0xB, v27;
	s18 =	simm.s32 $0x1;
	p1 =	por !p1, !p1  }
0x281: {  	v35 =	vor.u32 $0xC, v27;
	s18 =	simm.s32 @!p1 $0x0  }
0x282: {  	v38 =	vor.u32 $0xD, v27;
	v32 =	vld.idx.msk [tilespmem:v32+s12+$0x0], $0xffff;
	s17 =	ssub.s32 s17, s18  }
0x283: {  	v31 =	vld.idx.msk [tilespmem:v23+s12+$0x0], $0xffff;
	v23 =	vor.u32 $0x4, v27;
	s17 =	sshll.u32 s17, $0x4  }
0x284: {  	v33 =	vld.idx.msk [tilespmem:v33+s12+$0x0], $0xffff;
	v22 =	vor.u32 $0x2, v27;
	v24 =	vmov s17  }
0x285: {  	v34 =	vld.idx.msk [tilespmem:v34+s12+$0x0], $0xffff;
	v25 =	vor.u32 $0x2, v24  }
0x286: {  	v35 =	vld.idx.msk [tilespmem:v35+s12+$0x0], $0xffff;
	v26 =	vor.u32 $0x3, v24  }
0x287: {  	v49 =	vld.idx.msk [tilespmem:v38+s12+$0x0], $0xffff;
	v48 =	vor.u32 $0x4, v24  }
0x288: {  	v37 =	vld.idx.msk [tilespmem:v23+s12+$0x0], $0xffff;
	v24 =	vor.u32 $0x5, v24  }
0x289: {  	v22 =	vld.idx.msk [tilespmem:v22+s12+$0x0], $0xffff  }
0x28a: {  	v25 =	vld.idx.msk [tilespmem:v25+s12+$0x0], $0xffff  }
0x28b: {  	v26 =	vld.idx.msk [tilespmem:v26+s12+$0x0], $0xffff  }
0x28c: {  	v30 =	vld.idx.msk [tilespmem:v48+s12+$0x0], $0xffff  }
0x28d: {  	v36 =	vld.idx.msk [tilespmem:v24+s12+$0x0], $0xffff;
	_ =	sdelay $0x1  }
0x28e: {  	v40 =	vsub.f32 v32, v31;
	v39 =	vsub.f32 v37, v22;
	p2 =	sgt.f32 s15, $-1.000000020e+30  }
0x28f: {  	v53 =	vsub.f32 v35, v33;
	v54 =	vsub.f32 v49, v34  }
0x290: {  	v52 =	vmul.f32 v40, v39;
	v23 =	vpsel !p2, $0x0, v25;
	v25 =	vpsel !p2, $0x0, v30  }
0x291: {  	v24 =	vpsel !p2, $0x0, v26;
	v26 =	vpsel !p2, $0x0, v36;
	v50 =	vsub.f32 v25, v23  }
0x292: {  	v51 =	vsub.f32 v26, v24;
	v22 =	vmax.f32 v22, v23;
	v37 =	vmin.f32 v37, v25  }
0x293: {  	v31 =	vmax.f32 v31, v24;
	v32 =	vmin.f32 v32, v26;
	v33 =	vmax.f32 v33, v23  }
0x294: {  	v34 =	vmax.f32 v34, v24;
	v35 =	vmin.f32 v35, v25;
	v37 =	vsub.f32 v37, v22  }
0x295: {  	v30 =	vmin.f32 v49, v26;
	v31 =	vsub.f32 v32, v31;
	v33 =	vsub.f32 v35, v33  }
0x296: {  	v30 =	vsub.f32 v30, v34;
	v32 =	vmul.f32 v54, v53;
	v22 =	vmul.f32 v51, v50  }
0x297: {  	v37 =	vmax.f32 v37, $0.0e+00;
	v31 =	vmax.f32 v31, $0.0e+00;
	v33 =	vmax.f32 v33, $0.0e+00  }
0x298: {  	v30 =	vmax.f32 v30, $0.0e+00;
	v31 =	vmul.f32 v31, v37;
	v55 =	vadd.f32 v22, v52  }
0x299: {  	v30 =	vmul.f32 v30, v33;
	v32 =	vadd.f32 v22, v32  }
0x29a: {  	v56 =	vsub.f32 v55, v31  }
0x29b: {  	v32 =	vsub.f32 v32, v30  }
0x29c: {  	v33 =	vadd.f32 $9.999999970e-07, v56  }
0x29d: {  	v32 =	vadd.f32 $9.999999970e-07, v32  }
0x29e: {  	(erf) = vrcp.f32 v33  }
0x29f: {  	(erf) = vrcp.f32 v32;
	_ =	sdelay $0x1  }
0x2a0: {  	v57 =	vor.u32 $0x8, v27;
	_ =	sdelay $0x4  }
0x2a1: {  	v32 =	vld.idx.msk [tilespmem:v57+s12+$0x0], $0xffff  }
0x2a2: {  	v33 =	vpop (erf)  }
0x2a3: {  	v58 =	vpop (erf)  }
0x2a4: {  	v30 =	vmul.f32 v58, v30  }
0x2a5: {  	vm6 =	vmmov vm11;
	v31 =	vmul.f32 v33, v31  }
0x2a6: {  	vm14 =	vgt.f32 v46, $-1.000000020e+30;
	vm13 =	vgt.f32 v32, $-1.000000020e+30;
	vm7 =	vgt.f32 v30, $5.000000000e-01  }
0x2a7: {  	vm6 =	vmneg @p2 vm6;
	vm5 =	vgt.f32 v31, $5.000000000e-01;
	vm7 =	vmand vm13, vm7  }
0x2a8: {  	vm5 =	vmand vm14, vm5;
	vm7 =	vmand vm6, vm7  }
0x2a9: {  	v0 =	vimm.f32 $0.0e+00;
	v27 =	vor.u32 $0x9, v27;
	vm13 =	vmand vm5, vm7  }
0x2aa: {  	vm5 =	vmand vm6, vm5;
	v60 =	vsel vm7, $0xFF800000, v32;
	v59 =	vsel vm13, $0x3F800000, v0  }
0x2ab: {  	v28 =	vsel vm5, v60, v46;
	(xrf0) =	vmax.scan.msk.f32 $0xffff, v59  }
0x2ac: {  	(xrf0) =	vmax.scan.msk.f32 $0xffff, v28;
	_ =	sdelay $0x2  }
0x2ad: {  	v27 =	vld.idx.msk [tilespmem:v27+s12+$0x0], $0xffff;
	_ =	sdelay $0x1  }
0x2ae: {  	v30, _, _ =	vpop (xrf0)  }
0x2af: {  	v61, _, _ =	vpop (xrf0)  }
0x2b0: {  	v62 =	vbroadcast v61, $0xF  }
0x2b1: {  	v27 =	vsel vm7, $0x4E6E6B28, v27  }
0x2b2: {  	v27 =	vsel vm5, v27, v47;
	vm5 =	veq.f32 v28, v62  }
0x2b3: {  	v27 =	vnsel vm5, $0x4E6E6B28, v27  }
0x2b4: {  	(xrf0) =	vmin.scan.msk.f32 $0xffff, v27;
	_ =	sdelay $0x4  }
0x2b5: {  	(v2sf) =	vpush v30, $0xF  }
0x2b6: {  	(v2sf) =	vpush v61, $0xF;
	v27, _, _ =	vpop (xrf0)  }
0x2b7: {  	(v2sf) =	vpush v27, $0xF;
	_ =	sdelay $0xc  }
0x2b8: {  	s28 =	spop (v2sf)  }
0x2b9: {  	s17 =	spop (v2sf)  }
0x2ba: {  	s29 =	spop (v2sf)  }
0x2bb: {  	s19 =	scvt.f32.s32 s29;
	_ =	sdelay $0x1  }
0x2bc: {  	p1 =	sgt.s32 s19, $0x0  }
0x2bd: {  	p3 =	slt.s32 s19, $0x1;
	s19 =	simm.s32 @!p1 $0x0  }
0x2be: {  	s19 =	smin.u32 s19, $0x13FF  }
0x2bf: {  	s20 =	smul.u32 $0xFFFFCCCD, s19;
	_ =	sdelay $0x1  }
0x2c0: {  	s21 =	sand.u32 $0xFFC0, s20  }
0x2c1: {  	s20 =	sshll.u32 s20, $0xA;
	s21 =	sshrl.u32 s21, $0x6  }
0x2c2: {  	s20 =	sor.u32 s20, s21  }
0x2c3: {  	s20 =	sand.u32 $0xFFFF, s20  }
0x2c4: {  	p6 =	sgt.u32 s20, $0xCC  }
0x2c5: {  	s30 =	smul.u32 $0xCCD, s19;
	p1 =	por !p3, !p6  }
0x2c6: {  	s21 =	simm.s32 $0x1;
	p1 =	por !p1, !p1  }
0x2c7: {  	s20 =	sshrl.u32 s30, $0x14;
	s21 =	simm.s32 @!p1 $0x0  }
0x2c8: {  	s20 =	ssub.s32 s20, s21  }
0x2c9: {  	s20 =	sshll.u32 s20, $0x4  }
0x2ca: {  	v63 =	vmov s20  }
0x2cb: {  	p4 =	sgt.f32 s28, $0.0e+00;
	v40 =	vor.u32 $0x1, v63  }
0x2cc: {  	s16 =	ssub.s32 s16, s3;
	p5 =	sne.s32 s14, $0x63;
	v41 =	vor.u32 $0x2, v63  }
0x2cd: {  	s18 =	ssub.s32 s19, s3;
	p3 =	slt.u32 s16, $0x140;
	p1 =	por !p4, !p4;
	v42 =	vor.u32 $0xA, v63  }
0x2ce: {  	vm5 =	vmmov vm11;
	p6 =	slt.u32 s18, $0x140;
	p4 =	sgt.s32 s16, $0x0;
	p1 =	por !p5, !p1;
	v43 =	vor.u32 $0x3, v63  }
0x2cf: {  	vm5 =	vmneg @p3 vm5;
	s16 =	simm.s32 @!p4 $0x0;
	p5 =	sgt.s32 s18, $0x0;
	p1 =	por !p1, !p1;
	v44 =	vor.u32 $0xB, v63  }
0x2d0: {  	vm6 =	vmmov vm11;
	vm5 =	vmand vm5, vm12;
	s16 =	smin.u32 s16, $0x13F;
	s18 =	simm.s32 @!p5 $0x0;
	p5 =	por !p1, !p6;
	v45 =	vor.u32 $0x4, v63;
	v29 =	vld.idx.msk [tilespmem:v40+s12+$0x0], $0xffff  }
0x2d1: {  	v48 =	vmov s16;
	s31 =	smin.u32 s18, $0x13F;
	v46 =	vor.u32 $0xC, v63;
	v47 =	vor.u32 $0x5, v63;
	p3 =	por !p5, !p5;
	v30 =	vld.idx.msk [tilespmem:v41+s12+$0x0], $0xffff  }
0x2d2: {  	v37 =	vbroadcast v48, $0x0;
	v49 =	vmov s31;
	vm6 =	vmneg @p3 vm6;
	v31 =	vld.idx.msk [tilespmem:v42+s12+$0x0], $0xffff  }
0x2d3: {  	v28 =	vor.u32 $0xD, v63;
	v38 =	vbroadcast v49, $0x0;
	vm6 =	vmand vm6, vm12;
	v32 =	vld.idx.msk [tilespmem:v43+s12+$0x0], $0xffff  }
0x2d4: {  	v33 =	vld.idx.msk [tilespmem:v44+s12+$0x0], $0xffff  }
0x2d5: {  	p3 =	sgt.f32 s17, $-1.000000020e+30;
	v34 =	vld.idx.msk [tilespmem:v45+s12+$0x0], $0xffff  }
0x2d6: {  	s15 =	simm.s32 @!p2 $0x0;
	v35 =	vld.idx.msk [tilespmem:v46+s12+$0x0], $0xffff  }
0x2d7: {  	v50 =	vmov s15;
	s17 =	simm.s32 @!p3 $0x0;
	v36 =	vld.idx.msk [tilespmem:v47+s12+$0x0], $0xffff  }
0x2d8: {  	v51 =	vmov s17;
	v28 =	vld.idx.msk [tilespmem:v28+s12+$0x0], $0xffff;
	[tilespmem:v37+s13+$0x0] =	vst.idx.msk vm5, v50  }
0x2d9: {  	[tilespmem:v38+s13+$0x0] =	vst.idx.msk vm6, v51  }
0x2da: {  	v37 =	vld [tilespmem:$0x500]  }
0x2db: {  	v27 =	vbroadcast v27, $0xF;
	v38 =	vld [tilespmem:$0x680]  }
0x2dc: {  	v39 =	vld [tilespmem:$0x800]  }
0x2dd: {  	p6 =	por !p3, !p1;
	v52 =	vld [tilespmem:$0x980];
	vm5 =	veq.f32 v29, v27  }
0x2de: {  	p2 =	por !p6, !p6;
	v55 =	vld [tilespmem:$0xC80];
	v27 =	vsel vm5, v30, v31;
	v29 =	vsel vm5, v32, v33  }
0x2df: {  	v53 =	vsel vm5, v34, v35;
	v54 =	vsel vm5, v36, v28;
	v28 =	vpsel !p2, $0x0, v27  }
0x2e0: {  	v48 =	vld [tilespmem:$0x690];
	v29 =	vpsel !p2, $0x0, v29;
	v30 =	vpsel !p2, $0x0, v53;
	v31 =	vpsel !p2, $0x0, v54  }
0x2e1: {  	v60 =	vsub.f32 v30, v28;
	v61 =	vsub.f32 v31, v29  }
0x2e2: {  	v63 =	vld [tilespmem:$0x510];
	v27 =	vmax.f32 v37, v23;
	v56 =	vmin.f32 v39, v25;
	v57 =	vmax.f32 v38, v24  }
0x2e3: {  	v53 =	vld [tilespmem:$0x990];
	v58 =	vmin.f32 v52, v26;
	v62 =	vadd.f32 v55, v22;
	v37 =	vmax.f32 v37, v28  }
0x2e4: {  	v42 =	vld [tilespmem:$0x520];
	v38 =	vmax.f32 v38, v29;
	v39 =	vmin.f32 v39, v30;
	v40 =	vmin.f32 v52, v31  }
0x2e5: {  	v54 =	vld [tilespmem:$0xC90];
	v43 =	vmax.f32 v48, v24;
	v27 =	vsub.f32 v56, v27;
	v59 =	vsub.f32 v58, v57  }
0x2e6: {  	v52 =	vld [tilespmem:$0x810];
	v34 =	vmax.f32 v48, v29;
	v37 =	vsub.f32 v39, v37;
	v38 =	vsub.f32 v40, v38  }
0x2e7: {  	v48 =	vld [tilespmem:$0xCA0];
	v39 =	vmax.f32 v63, v28;
	v27 =	vmax.f32 v27, $0.0e+00;
	v33 =	vmax.f32 v59, $0.0e+00  }
0x2e8: {  	v56 =	vld [tilespmem:$0x820];
	v50 =	vmax.f32 v37, $0.0e+00;
	v51 =	vmax.f32 v38, $0.0e+00;
	v44 =	vmin.f32 v53, v26  }
0x2e9: {  	v57 =	vld [tilespmem:$0x6A0];
	v37 =	vmin.f32 v53, v31;
	v33 =	vmul.f32 v33, v27;
	v27 =	vmul.f32 v61, v60  }
0x2ea: {  	v58 =	vld [tilespmem:$0x9A0];
	v36 =	vmul.f32 v51, v50;
	v43 =	vsub.f32 v44, v43;
	v34 =	vsub.f32 v37, v34  }
0x2eb: {  	v60 =	vmax.f32 v42, v23;
	v42 =	vmax.f32 v42, v28;
	v41 =	vmin.f32 v52, v25  }
0x2ec: {  	v38 =	vmin.f32 v52, v30;
	v52 =	vadd.f32 v48, v22;
	v49 =	vsub.f32 v62, v33  }
0x2ed: {  	v32 =	vadd.f32 v27, v55;
	v55 =	vmax.f32 v63, v23;
	v38 =	vsub.f32 v38, v39  }
0x2ee: {  	v43 =	vmax.f32 v43, $0.0e+00;
	v34 =	vmax.f32 v34, $0.0e+00;
	v61 =	vmin.f32 v56, v25  }
0x2ef: {  	v62 =	vadd.f32 v54, v22;
	v45 =	vmin.f32 v58, v26;
	v44 =	vmax.f32 v57, v29  }
0x2f0: {  	v39 =	vmin.f32 v58, v31;
	v40 =	vsub.f32 v41, v55;
	v63 =	vsub.f32 v61, v60  }
0x2f1: {  	v41 =	vmin.f32 v56, v30;
	v39 =	vsub.f32 v39, v44;
	v32 =	vsub.f32 v32, v36  }
0x2f2: {  	v35 =	vadd.f32 $9.999999970e-07, v49;
	v59 =	vmax.f32 v38, $0.0e+00;
	v49 =	vmax.f32 v57, v24  }
0x2f3: {  	v40 =	vmax.f32 v40, $0.0e+00;
	v34 =	vmul.f32 v34, v59;
	v32 =	vadd.f32 $9.999999970e-07, v32  }
0x2f4: {  	v53 =	vld [tilespmem:$0x830];
	v41 =	vsub.f32 v41, v42;
	(erf) = vrcp.f32 v35;
	v37 =	vmul.f32 v43, v40  }
0x2f5: {  	v51 =	vld [tilespmem:$0x530];
	v35 =	vadd.f32 v27, v54;
	v40 =	vsub.f32 v45, v49;
	(erf) = vrcp.f32 v32  }
0x2f6: {  	v38 =	vadd.f32 v48, v27;
	v39 =	vmax.f32 v39, $0.0e+00;
	v50 =	vsub.f32 v62, v37  }
0x2f7: {  	v55 =	vld [tilespmem:$0x6B0];
	v32 =	vmax.f32 v63, $0.0e+00;
	v40 =	vmax.f32 v40, $0.0e+00;
	v35 =	vsub.f32 v35, v34  }
0x2f8: {  	v46 =	vld [tilespmem:$0x9B0];
	v41 =	vmax.f32 v41, $0.0e+00;
	v40 =	vmul.f32 v40, v32;
	v42 =	vadd.f32 $9.999999970e-07, v50  }
0x2f9: {  	v60 =	vmin.f32 v53, v25;
	v39 =	vmul.f32 v39, v41;
	v35 =	vadd.f32 $9.999999970e-07, v35  }
0x2fa: {  	v59 =	vmax.f32 v51, v23;
	v43 =	vsub.f32 v52, v40;
	(erf) = vrcp.f32 v42  }
0x2fb: {  	v61 =	vsub.f32 v60, v59;
	v38 =	vsub.f32 v38, v39;
	(erf) = vrcp.f32 v35  }
0x2fc: {  	v49 =	vmin.f32 v53, v30;
	v48 =	vmax.f32 v55, v29;
	v57 =	vadd.f32 $9.999999970e-07, v43  }
0x2fd: {  	v62 =	vld [tilespmem:$0xCB0];
	v32 =	vmax.f32 v51, v28;
	v50 =	vmin.f32 v46, v31;
	v58 =	vadd.f32 $9.999999970e-07, v38;
	v54 =	vpop (erf)  }
0x2fe: {  	v32 =	vsub.f32 v49, v32;
	v38 =	vsub.f32 v50, v48;
	(erf) = vrcp.f32 v57;
	v56 =	vpop (erf)  }
0x2ff: {  	v45 =	vmin.f32 v46, v26;
	(erf) = vrcp.f32 v58;
	v36 =	vmul.f32 v56, v36  }
0x300: {  	v47 =	vld [tilespmem:$0xB00];
	v63 =	vmax.f32 v55, v24;
	v53 =	vmax.f32 v32, $0.0e+00;
	v38 =	vmax.f32 v38, $0.0e+00  }
0x301: {  	v33 =	vmul.f32 v54, v33;
	vm6 =	vgt.f32 v36, $5.000000000e-01;
	v36 =	vsub.f32 v45, v63  }
0x302: {  	v35 =	vadd.f32 v62, v27;
	v38 =	vmul.f32 v38, v53  }
0x303: {  	v55 =	vld [tilespmem:$0xB10];
	vm5 =	vgt.f32 v33, $5.000000000e-01;
	v33 =	vmax.f32 v61, $0.0e+00;
	v51 =	vpop (erf);
	v36 =	vmax.f32 v36, $0.0e+00  }
0x304: {  	v35 =	vsub.f32 v35, v38;
	v63 =	vld [tilespmem:$0x540];
	vm5 =	vmor vm5, vm6;
	v54 =	vpop (erf);
	v36 =	vmul.f32 v36, v33  }
0x305: {  	v32 =	vsel vm5, $0xFF800000, v47;
	v33 =	vmul.f32 v51, v37;
	v34 =	vmul.f32 v54, v34  }
0x306: {  	v52 =	vadd.f32 v62, v22;
	v35 =	vadd.f32 $9.999999970e-07, v35;
	vm5 =	vgt.f32 v32, $-Inf;
	v54 =	vld [tilespmem:$0x6C0]  }
0x307: {  	v58 =	vnsel vm5, $0xFF800000, v32;
	v59 =	vpop (erf);
	vm6 =	vgt.f32 v33, $5.000000000e-01;
	vm7 =	vgt.f32 v34, $5.000000000e-01  }
0x308: {  	v56 =	vsub.f32 v52, v36;
	v40 =	vmul.f32 v59, v40;
	v60 =	vpop (erf);
	vm5 =	vmor vm6, vm7  }
0x309: {  	v61 =	vld [tilespmem:$0xB20];
	v62 =	vmul.f32 v60, v39;
	v60 =	vmax.f32 v63, v23;
	v33 =	vsel vm5, $0xFF800000, v55  }
0x30a: {  	v57 =	vadd.f32 $9.999999970e-07, v56;
	v55 =	vld [tilespmem:$0x840];
	vm5 =	vgt.f32 v33, v58;
	vm6 =	vgt.f32 v33, $-Inf  }
0x30b: {  	v56 =	vld [tilespmem:$0x9C0];
	vm7 =	vgt.f32 v62, $5.000000000e-01;
	v48 =	vmax.f32 v54, v24;
	v41 =	vmax.f32 v54, v29  }
0x30c: {  	v59 =	vld [tilespmem:$0xCC0];
	(erf) = vrcp.f32 v57;
	vm13 =	vmneg vm5;
	vm5 =	vlt.f32 v33, $-Inf  }
0x30d: {  	(erf) = vrcp.f32 v35;
	vm5 =	vmor vm6, vm5;
	vm6 =	vgt.f32 v40, $5.000000000e-01  }
0x30e: {  	v53 =	vsel vm13, v58, v33;
	vm5 =	vmand vm5, vm13;
	vm6 =	vmor vm6, vm7  }
0x30f: {  	v62 =	vld [tilespmem:$0x850];
	v35 =	vmax.f32 v63, v28;
	v52 =	vnsel vm5, $0xFF800000, v33;
	v34 =	vsel vm6, $0xFF800000, v61  }
0x310: {  	v43 =	vsel vm5, v2, v13;
	v61 =	vmin.f32 v55, v25;
	v49 =	vmin.f32 v56, v26  }
0x311: {  	v39 =	vmin.f32 v55, v30;
	v42 =	vmin.f32 v56, v31;
	v55 =	vadd.f32 v59, v22  }
0x312: {  	v63 =	vld [tilespmem:$0x6D0];
	v37 =	vsel vm13, v52, v58;
	v44 =	vsub.f32 v61, v60;
	v48 =	vsub.f32 v49, v48  }
0x313: {  	v47 =	vld [tilespmem:$0x550];
	vm6 =	vgt.f32 v34, v53;
	v35 =	vsub.f32 v39, v35;
	v41 =	vsub.f32 v42, v41  }
0x314: {  	v52 =	vld [tilespmem:$0x9D0];
	v54 =	vmin.f32 v62, v25;
	vm12 =	vmneg vm6;
	vm6 =	vgt.f32 v34, v37  }
0x315: {  	v51 =	vld [tilespmem:$0x9E0];
	v46 =	vmin.f32 v62, v30;
	vm14 =	vmand vm12, vm6;
	v40 =	vsel vm12, v53, v34  }
0x316: {  	v44 =	vmax.f32 v44, $0.0e+00;
	v48 =	vmax.f32 v48, $0.0e+00;
	v35 =	vmax.f32 v35, $0.0e+00  }
0x317: {  	v41 =	vmax.f32 v41, $0.0e+00;
	v49 =	vmax.f32 v63, v29;
	v37 =	vsel vm14, v34, v37  }
0x318: {  	v41 =	vmul.f32 v41, v35;
	v37 =	vsel vm12, v37, v53;
	v53 =	vmax.f32 v47, v23  }
0x319: {  	v47 =	vmax.f32 v47, v28;
	v56 =	vsub.f32 v54, v53;
	v50 =	vmin.f32 v52, v26  }
0x31a: {  	v57 =	vpop (erf);
	v39 =	vmin.f32 v52, v31;
	v46 =	vsub.f32 v46, v47;
	v53 =	vmin.f32 v51, v31  }
0x31b: {  	v60 =	vld [tilespmem:$0xB30];
	v36 =	vmul.f32 v57, v36;
	v58 =	vpop (erf);
	v57 =	vadd.f32 v59, v27;
	v59 =	vmax.f32 v63, v24  }
0x31c: {  	v39 =	vsub.f32 v39, v49;
	v38 =	vmul.f32 v58, v38;
	v58 =	vld [tilespmem:$0xCD0];
	v35 =	vmax.f32 v56, $0.0e+00  }
0x31d: {  	v49 =	vld [tilespmem:$0x860];
	v45 =	vsub.f32 v50, v59;
	v46 =	vmax.f32 v46, $0.0e+00;
	vm5 =	vgt.f32 v36, $5.000000000e-01  }
0x31e: {  	v36 =	vmul.f32 v48, v44;
	v42 =	vsub.f32 v57, v41;
	v39 =	vmax.f32 v39, $0.0e+00  }
0x31f: {  	v48 =	vld [tilespmem:$0x560];
	v45 =	vmax.f32 v45, $0.0e+00;
	v39 =	vmul.f32 v39, v46;
	vm6 =	vgt.f32 v38, $5.000000000e-01  }
0x320: {  	v61 =	vsub.f32 v55, v36;
	v45 =	vmul.f32 v45, v35;
	vm5 =	vmor vm5, vm6  }
0x321: {  	v46 =	vld [tilespmem:$0x6E0];
	v63 =	vadd.f32 $9.999999970e-07, v42;
	v35 =	vsel vm5, $0xFF800000, v60;
	v62 =	vadd.f32 v58, v22  }
0x322: {  	v52 =	vmin.f32 v49, v30;
	v47 =	vadd.f32 $9.999999970e-07, v61;
	v44 =	vadd.f32 v58, v27  }
0x323: {  	v58 =	vmin.f32 v49, v25;
	vm5 =	vgt.f32 v35, v40;
	vm6 =	vgt.f32 v35, v37  }
0x324: {  	v57 =	vmax.f32 v48, v23;
	vm5 =	vmneg vm5;
	v54 =	vsub.f32 v62, v45  }
0x325: {  	(erf) = vrcp.f32 v47;
	v44 =	vsub.f32 v44, v39;
	v59 =	vsub.f32 v58, v57  }
0x326: {  	v60 =	vld [tilespmem:$0xCE0];
	v61 =	vmax.f32 v46, v24;
	v46 =	vmax.f32 v46, v29;
	(erf) = vrcp.f32 v63  }
0x327: {  	v62 =	vmin.f32 v51, v26;
	v46 =	vsub.f32 v53, v46;
	v55 =	vadd.f32 $9.999999970e-07, v54  }
0x328: {  	v63 =	vmax.f32 v48, v28;
	v56 =	vadd.f32 $9.999999970e-07, v44;
	v44 =	vsub.f32 v62, v61  }
0x329: {  	v38 =	vmax.f32 v59, $0.0e+00;
	v47 =	vsub.f32 v52, v63;
	(erf) = vrcp.f32 v55  }
0x32a: {  	v46 =	vmax.f32 v46, $0.0e+00;
	v44 =	vmax.f32 v44, $0.0e+00;
	(erf) = vrcp.f32 v56  }
0x32b: {  	v55 =	vadd.f32 v60, v22;
	v47 =	vmax.f32 v47, $0.0e+00;
	v38 =	vmul.f32 v44, v38  }
0x32c: {  	vm6 =	vmand vm6, vm5;
	v42 =	vadd.f32 v60, v27;
	v46 =	vmul.f32 v46, v47  }
0x32d: {  	v37 =	vsel vm6, v35, v37;
	v53 =	vsel vm14, v3, v43;
	v58 =	vsub.f32 v55, v38  }
0x32e: {  	v59 =	vsel vm13, v13, v2;
	v61 =	vsel vm5, v40, v35;
	v44 =	vld [tilespmem:$0x870];
	v42 =	vsub.f32 v42, v46;
	v54 =	vpop (erf)  }
0x32f: {  	v57 =	vld [tilespmem:$0xB40];
	v37 =	vsel vm5, v37, v40;
	v60 =	vadd.f32 $9.999999970e-07, v58;
	v56 =	vpop (erf);
	v36 =	vmul.f32 v54, v36  }
0x330: {  	v42 =	vadd.f32 $9.999999970e-07, v42;
	v58 =	vld [tilespmem:$0x9F0];
	v54 =	vsel vm12, v53, v59;
	v41 =	vmul.f32 v56, v41  }
0x331: {  	(erf) = vrcp.f32 v60;
	v56 =	vsel vm12, v59, v3;
	vm7 =	vgt.f32 v36, $5.000000000e-01  }
0x332: {  	(erf) = vrcp.f32 v42;
	v42 =	vsel vm5, v56, v4;
	vm13 =	vgt.f32 v41, $5.000000000e-01;
	v62 =	vpop (erf)  }
0x333: {  	vm7 =	vmor vm7, vm13;
	v45 =	vmul.f32 v62, v45;
	v63 =	vpop (erf);
	v62 =	vmin.f32 v44, v25  }
0x334: {  	v52 =	vld [tilespmem:$0xB50];
	v44 =	vmin.f32 v44, v30;
	v36 =	vsel vm7, $0xFF800000, v57;
	v39 =	vmul.f32 v63, v39  }
0x335: {  	v48 =	vmin.f32 v58, v31;
	vm7 =	vgt.f32 v36, v61;
	vm13 =	vgt.f32 v36, v37  }
0x336: {  	v43 =	vld [tilespmem:$0x570];
	vm14 =	vgt.f32 v45, $5.000000000e-01;
	vm7 =	vmneg vm7;
	vm15 =	vgt.f32 v39, $5.000000000e-01  }
0x337: {  	v39 =	vsel vm6, v4, v54;
	vm13 =	vmand vm13, vm7;
	vm14 =	vmor vm14, vm15  }
0x338: {  	v45 =	vld [tilespmem:$0x6F0];
	v55 =	vsel vm7, v61, v36;
	v39 =	vsel vm5, v39, v56;
	v40 =	vsel vm13, v36, v37  }
0x339: {  	v63 =	vld [tilespmem:$0xCF0];
	v37 =	vsel vm14, $0xFF800000, v52;
	v39 =	vsel vm13, v5, v39;
	v40 =	vsel vm7, v40, v61  }
0x33a: {  	v47 =	vld [tilespmem:$0x580];
	vm12 =	vgt.f32 v37, v55;
	v39 =	vsel vm7, v39, v42;
	v42 =	vsel vm7, v42, v5  }
0x33b: {  	v57 =	vpop (erf);
	v61 =	vmax.f32 v43, v23;
	v43 =	vmax.f32 v43, v28;
	vm6 =	vmneg vm12  }
0x33c: {  	vm12 =	vgt.f32 v37, v40;
	v38 =	vmul.f32 v57, v38;
	v53 =	vsub.f32 v62, v61  }
0x33d: {  	v49 =	vld [tilespmem:$0x700];
	v59 =	vpop (erf);
	v54 =	vmax.f32 v45, v24;
	v45 =	vmax.f32 v45, v29;
	v43 =	vsub.f32 v44, v43  }
0x33e: {  	v61 =	vadd.f32 v63, v27;
	vm12 =	vmand vm12, vm6;
	v46 =	vmul.f32 v59, v46  }
0x33f: {  	v59 =	vadd.f32 v63, v22;
	v63 =	vmax.f32 v47, v23;
	v47 =	vmax.f32 v47, v28  }
0x340: {  	v60 =	vld [tilespmem:$0xB60];
	v40 =	vsel vm12, v37, v40;
	v50 =	vsel vm12, v6, v39;
	v39 =	vsel vm6, v55, v37  }
0x341: {  	vm5 =	vgt.f32 v38, $5.000000000e-01;
	v56 =	vmax.f32 v53, $0.0e+00;
	v43 =	vmax.f32 v43, $0.0e+00  }
0x342: {  	v62 =	vld [tilespmem:$0xD00];
	v53 =	vmax.f32 v49, v24;
	v49 =	vmax.f32 v49, v29;
	v40 =	vsel vm6, v40, v55  }
0x343: {  	vm7 =	vgt.f32 v46, $5.000000000e-01;
	v55 =	vmin.f32 v58, v26;
	v58 =	vsub.f32 v48, v45;
	v45 =	vld [tilespmem:$0x880]  }
0x344: {  	v46 =	vsel vm6, v50, v42;
	vm5 =	vmor vm5, vm7;
	v57 =	vsub.f32 v55, v54  }
0x345: {  	v42 =	vsel vm6, v42, v6;
	v38 =	vsel vm5, $0xFF800000, v60;
	v60 =	vld [tilespmem:$0xA00];
	v44 =	vmax.f32 v58, $0.0e+00  }
0x346: {  	v52 =	vmax.f32 v57, $0.0e+00;
	vm5 =	vgt.f32 v38, v39;
	v43 =	vmul.f32 v44, v43  }
0x347: {  	v50 =	vadd.f32 v62, v27;
	v41 =	vmul.f32 v52, v56;
	vm12 =	vmneg vm5  }
0x348: {  	vm5 =	vgt.f32 v38, v40;
	v44 =	vsub.f32 v61, v43;
	v54 =	vmin.f32 v45, v25  }
0x349: {  	v56 =	vld [tilespmem:$0x590];
	v45 =	vmin.f32 v45, v30;
	v61 =	vadd.f32 v62, v22;
	vm5 =	vmand vm5, vm12  }
0x34a: {  	v48 =	vsub.f32 v59, v41;
	v52 =	vsub.f32 v54, v63;
	v54 =	vld [tilespmem:$0x710];
	v55 =	vmin.f32 v60, v26  }
0x34b: {  	v45 =	vsub.f32 v45, v47;
	v51 =	vmin.f32 v60, v31;
	v53 =	vsub.f32 v55, v53;
	v55 =	vld [tilespmem:$0x890]  }
0x34c: {  	v40 =	vsel vm5, v38, v40;
	v44 =	vadd.f32 $9.999999970e-07, v44;
	v58 =	vsub.f32 v51, v49;
	v49 =	vld [tilespmem:$0xA10]  }
0x34d: {  	v48 =	vadd.f32 $9.999999970e-07, v48;
	v59 =	vmax.f32 v52, $0.0e+00;
	v45 =	vmax.f32 v45, $0.0e+00  }
0x34e: {  	v62 =	vmax.f32 v56, v23;
	v56 =	vmax.f32 v56, v28;
	v60 =	vmax.f32 v53, $0.0e+00  }
0x34f: {  	(erf) = vrcp.f32 v48;
	v47 =	vmax.f32 v58, $0.0e+00;
	v48 =	vmul.f32 v60, v59  }
0x350: {  	v45 =	vmul.f32 v47, v45;
	v57 =	vmax.f32 v54, v24;
	(erf) = vrcp.f32 v44  }
0x351: {  	v47 =	vld [tilespmem:$0xD10];
	v54 =	vmax.f32 v54, v29;
	v63 =	vmin.f32 v55, v25;
	v58 =	vmin.f32 v49, v26  }
0x352: {  	v51 =	vsub.f32 v61, v48;
	v50 =	vsub.f32 v50, v45;
	v55 =	vmin.f32 v55, v30  }
0x353: {  	v49 =	vmin.f32 v49, v31;
	v52 =	vsub.f32 v63, v62;
	v60 =	vsub.f32 v58, v57  }
0x354: {  	v46 =	vsel vm5, v7, v46;
	v57 =	vld [tilespmem:$0x5A0];
	v62 =	vsub.f32 v55, v56;
	v49 =	vsub.f32 v49, v54  }
0x355: {  	v40 =	vsel vm12, v40, v39;
	v55 =	vld [tilespmem:$0x720];
	v51 =	vadd.f32 $9.999999970e-07, v51;
	v50 =	vadd.f32 $9.999999970e-07, v50  }
0x356: {  	v54 =	vld [tilespmem:$0x8A0];
	v52 =	vmax.f32 v52, $0.0e+00;
	v44 =	vmax.f32 v60, $0.0e+00;
	v61 =	vadd.f32 v47, v22  }
0x357: {  	v49 =	vmax.f32 v49, $0.0e+00;
	v44 =	vmul.f32 v44, v52;
	v52 =	vmax.f32 v62, $0.0e+00  }
0x358: {  	v47 =	vadd.f32 v47, v27;
	(erf) = vrcp.f32 v51;
	v49 =	vmul.f32 v49, v52  }
0x359: {  	v56 =	vld [tilespmem:$0xA20];
	(erf) = vrcp.f32 v50;
	v53 =	vsub.f32 v61, v44;
	v63 =	vpop (erf);
	v62 =	vmax.f32 v57, v23  }
0x35a: {  	v59 =	vmax.f32 v55, v24;
	v41 =	vmul.f32 v63, v41;
	v47 =	vsub.f32 v47, v49  }
0x35b: {  	v61 =	vpop (erf);
	v63 =	vmin.f32 v54, v25;
	v54 =	vmin.f32 v54, v30;
	v60 =	vadd.f32 $9.999999970e-07, v53  }
0x35c: {  	v51 =	vld [tilespmem:$0xD20];
	v43 =	vmul.f32 v61, v43;
	v58 =	vsub.f32 v63, v62;
	v61 =	vmax.f32 v57, v28  }
0x35d: {  	v55 =	vmax.f32 v55, v29;
	v47 =	vadd.f32 $9.999999970e-07, v47;
	v53 =	vsub.f32 v54, v61  }
0x35e: {  	v62 =	vld [tilespmem:$0xB70];
	vm6 =	vgt.f32 v41, $5.000000000e-01;
	(erf) = vrcp.f32 v60;
	v60 =	vmin.f32 v56, v26  }
0x35f: {  	v50 =	vmax.f32 v58, $0.0e+00;
	v56 =	vmin.f32 v56, v31;
	vm7 =	vgt.f32 v43, $5.000000000e-01  }
0x360: {  	v52 =	vsub.f32 v60, v59;
	v63 =	vsub.f32 v56, v55;
	(erf) = vrcp.f32 v47  }
0x361: {  	v56 =	vadd.f32 v51, v22;
	v58 =	vmax.f32 v53, $0.0e+00;
	v60 =	vadd.f32 v51, v27  }
0x362: {  	vm6 =	vmor vm6, vm7;
	v51 =	vsel vm12, v39, v38;
	v52 =	vmax.f32 v52, $0.0e+00  }
0x363: {  	v59 =	vmax.f32 v63, $0.0e+00;
	v39 =	vsel vm6, $0xFF800000, v62;
	v61 =	vpop (erf);
	v47 =	vmul.f32 v52, v50  }
0x364: {  	v43 =	vmul.f32 v59, v58;
	vm5 =	vgt.f32 v39, v51;
	vm6 =	vgt.f32 v39, v40;
	v62 =	vpop (erf)  }
0x365: {  	v48 =	vmul.f32 v61, v48;
	vm5 =	vmneg vm5;
	v55 =	vmul.f32 v62, v45  }
0x366: {  	v63 =	vld [tilespmem:$0xB80];
	v41 =	vsub.f32 v56, v47;
	v50 =	vsub.f32 v60, v43;
	vm6 =	vmand vm6, vm5  }
0x367: {  	v56 =	vsel vm12, v46, v42;
	v42 =	vsel vm12, v42, v7;
	v61 =	vsel vm5, v51, v39  }
0x368: {  	v40 =	vsel vm6, v39, v40;
	v45 =	vsel vm6, v8, v56;
	vm6 =	vgt.f32 v48, $5.000000000e-01  }
0x369: {  	vm7 =	vgt.f32 v55, $5.000000000e-01;
	v41 =	vadd.f32 $9.999999970e-07, v41;
	v50 =	vadd.f32 $9.999999970e-07, v50  }
0x36a: {  	v57 =	vsel vm5, v40, v51;
	vm6 =	vmor vm6, vm7;
	v45 =	vsel vm5, v45, v42;
	v58 =	vpop (erf)  }
0x36b: {  	v60 =	vld [tilespmem:$0xB90];
	v42 =	vsel vm5, v42, v8;
	v40 =	vsel vm6, $0xFF800000, v63;
	(erf) = vrcp.f32 v41;
	v59 =	vpop (erf)  }
0x36c: {  	v51 =	vld [tilespmem:$0x5B0];
	v44 =	vmul.f32 v58, v44;
	vm6 =	vgt.f32 v40, v61;
	v41 =	vmul.f32 v59, v49  }
0x36d: {  	vm13 =	vgt.f32 v40, v57;
	(erf) = vrcp.f32 v50;
	vm6 =	vmneg vm6;
	v49 =	vld [tilespmem:$0x8B0]  }
0x36e: {  	vm7 =	vgt.f32 v44, $5.000000000e-01;
	v62 =	vsel vm6, v61, v40;
	vm12 =	vgt.f32 v41, $5.000000000e-01  }
0x36f: {  	v50 =	vsel vm6, v42, v9;
	vm7 =	vmor vm7, vm12;
	vm12 =	vmand vm13, vm6  }
0x370: {  	v41 =	vsel vm7, $0xFF800000, v60;
	v46 =	vsel vm12, v40, v57;
	v45 =	vsel vm12, v9, v45  }
0x371: {  	v60 =	vmax.f32 v51, v23;
	v51 =	vmax.f32 v51, v28;
	vm5 =	vgt.f32 v41, v62  }
0x372: {  	v54 =	vld [tilespmem:$0x8C0];
	v46 =	vsel vm6, v46, v61;
	v45 =	vsel vm6, v45, v42;
	v61 =	vmin.f32 v49, v25  }
0x373: {  	v53 =	vld [tilespmem:$0xA30];
	v49 =	vmin.f32 v49, v30;
	vm5 =	vmneg vm5;
	vm7 =	vgt.f32 v41, v46  }
0x374: {  	v52 =	vld [tilespmem:$0x730];
	v44 =	vsub.f32 v61, v60;
	v49 =	vsub.f32 v49, v51;
	vm6 =	vmand vm7, vm5  }
0x375: {  	v55 =	vld [tilespmem:$0x740];
	v56 =	vpop (erf);
	v58 =	vsel vm6, v41, v46;
	v59 =	vsel vm6, v10, v45  }
0x376: {  	v63 =	vld [tilespmem:$0xBA0];
	v44 =	vmax.f32 v44, $0.0e+00;
	v49 =	vmax.f32 v49, $0.0e+00;
	v57 =	vpop (erf);
	v47 =	vmul.f32 v56, v47  }
0x377: {  	v46 =	vsel vm5, v59, v50;
	v59 =	vmin.f32 v54, v25;
	v43 =	vmul.f32 v57, v43  }
0x378: {  	v54 =	vmin.f32 v54, v30;
	v57 =	vld [tilespmem:$0xA40];
	vm7 =	vgt.f32 v47, $5.000000000e-01;
	v47 =	vsel vm5, v62, v41  }
0x379: {  	v48 =	vld [tilespmem:$0x5C0];
	vm12 =	vgt.f32 v43, $5.000000000e-01;
	v43 =	vsel vm5, v58, v62;
	v62 =	vmax.f32 v52, v24  }
0x37a: {  	v45 =	vld [tilespmem:$0xD30];
	v52 =	vmax.f32 v52, v29;
	v58 =	vmax.f32 v55, v24;
	vm6 =	vmor vm7, vm12  }
0x37b: {  	v42 =	vsel vm6, $0xFF800000, v63;
	v63 =	vmin.f32 v53, v26;
	v53 =	vmin.f32 v53, v31  }
0x37c: {  	vm6 =	vgt.f32 v42, v47;
	v56 =	vsub.f32 v63, v62;
	v52 =	vsub.f32 v53, v52  }
0x37d: {  	v55 =	vmax.f32 v55, v29;
	v63 =	vmin.f32 v57, v31;
	vm12 =	vmneg vm6  }
0x37e: {  	v60 =	vmax.f32 v56, $0.0e+00;
	v52 =	vmax.f32 v52, $0.0e+00;
	v56 =	vmax.f32 v48, v23  }
0x37f: {  	v48 =	vmax.f32 v48, v28;
	v51 =	vmul.f32 v60, v44;
	v44 =	vadd.f32 v45, v22  }
0x380: {  	v53 =	vld [tilespmem:$0xD40];
	v45 =	vadd.f32 v45, v27;
	v60 =	vmin.f32 v57, v26;
	v61 =	vsub.f32 v59, v56  }
0x381: {  	v49 =	vmul.f32 v52, v49;
	v48 =	vsub.f32 v54, v48;
	v54 =	vsub.f32 v63, v55  }
0x382: {  	vm6 =	vgt.f32 v42, v43;
	v62 =	vsub.f32 v60, v58;
	v44 =	vsub.f32 v44, v51  }
0x383: {  	v59 =	vld [tilespmem:$0x5D0];
	v45 =	vsub.f32 v45, v49;
	v48 =	vmax.f32 v48, $0.0e+00;
	v54 =	vmax.f32 v54, $0.0e+00  }
0x384: {  	v60 =	vld [tilespmem:$0x8D0];
	v52 =	vmax.f32 v61, $0.0e+00;
	v56 =	vmax.f32 v62, $0.0e+00;
	v54 =	vmul.f32 v54, v48  }
0x385: {  	v58 =	vadd.f32 $9.999999970e-07, v44;
	v52 =	vmul.f32 v56, v52;
	v56 =	vadd.f32 v53, v22  }
0x386: {  	v44 =	vsel vm5, v50, v10;
	vm5 =	vmand vm6, vm12;
	v50 =	vadd.f32 $9.999999970e-07, v45  }
0x387: {  	v43 =	vsel vm5, v42, v43;
	(erf) = vrcp.f32 v58;
	v56 =	vsub.f32 v56, v52;
	v58 =	vld [tilespmem:$0x750]  }
0x388: {  	v48 =	vadd.f32 v53, v27;
	v61 =	vmax.f32 v59, v23;
	v45 =	vsel vm12, v43, v47;
	v43 =	vld [tilespmem:$0xA50]  }
0x389: {  	v62 =	vmin.f32 v60, v25;
	(erf) = vrcp.f32 v50;
	v50 =	vadd.f32 $9.999999970e-07, v56  }
0x38a: {  	v46 =	vsel vm5, v11, v46;
	v63 =	vsub.f32 v62, v61  }
0x38b: {  	v48 =	vsub.f32 v48, v54;
	v1 =	vsel vm12, v44, v11;
	(erf) = vrcp.f32 v50  }
0x38c: {  	v55 =	vld [tilespmem:$0xD50];
	v50 =	vmax.f32 v63, $0.0e+00;
	v63 =	vmax.f32 v59, v28;
	v61 =	vmax.f32 v58, v24  }
0x38d: {  	v62 =	vmin.f32 v43, v26;
	v58 =	vmax.f32 v58, v29;
	v43 =	vmin.f32 v43, v31  }
0x38e: {  	v56 =	vsub.f32 v62, v61;
	v61 =	vmin.f32 v60, v30;
	v43 =	vsub.f32 v43, v58  }
0x38f: {  	v47 =	vsel vm12, v47, v42;
	v46 =	vsel vm12, v46, v44;
	v59 =	vld [tilespmem:$0x5E0];
	v57 =	vsub.f32 v61, v63  }
0x390: {  	v48 =	vadd.f32 $9.999999970e-07, v48;
	v56 =	vmax.f32 v56, $0.0e+00;
	v43 =	vmax.f32 v43, $0.0e+00  }
0x391: {  	v58 =	vld [tilespmem:$0xBB0];
	v50 =	vmul.f32 v56, v50;
	v53 =	vpop (erf);
	v56 =	vadd.f32 v55, v22;
	v57 =	vmax.f32 v57, $0.0e+00  }
0x392: {  	(erf) = vrcp.f32 v48;
	v62 =	vadd.f32 v55, v27;
	v55 =	vld [tilespmem:$0x760];
	v60 =	vpop (erf);
	v57 =	vmul.f32 v43, v57  }
0x393: {  	v51 =	vmul.f32 v53, v51;
	v49 =	vmul.f32 v60, v49;
	v53 =	vsub.f32 v56, v50;
	v56 =	vld [tilespmem:$0x8E0]  }
0x394: {  	v48 =	vmax.f32 v59, v23;
	v59 =	vmax.f32 v59, v28;
	v60 =	vld [tilespmem:$0xA60];
	v43 =	vsub.f32 v62, v57  }
0x395: {  	vm5 =	vgt.f32 v51, $5.000000000e-01;
	vm6 =	vgt.f32 v49, $5.000000000e-01;
	v63 =	vadd.f32 $9.999999970e-07, v53;
	v61 =	vpop (erf)  }
0x396: {  	vm5 =	vmor vm5, vm6;
	v62 =	vadd.f32 $9.999999970e-07, v43;
	v51 =	vmul.f32 v61, v52  }
0x397: {  	v53 =	vld [tilespmem:$0xD60];
	v61 =	vmax.f32 v55, v24;
	v55 =	vmax.f32 v55, v29;
	(erf) = vrcp.f32 v63  }
0x398: {  	v49 =	vld [tilespmem:$0x5F0];
	v43 =	vsel vm5, $0xFF800000, v58;
	(erf) = vrcp.f32 v62;
	v52 =	vmin.f32 v56, v25  }
0x399: {  	v58 =	vld [tilespmem:$0x770];
	v62 =	vmin.f32 v60, v26;
	v56 =	vmin.f32 v56, v30;
	v60 =	vmin.f32 v60, v31  }
0x39a: {  	vm14 =	vgt.f32 v51, $5.000000000e-01;
	vm5 =	vgt.f32 v43, v47;
	v48 =	vsub.f32 v52, v48;
	v52 =	vld [tilespmem:$0x8F0]  }
0x39b: {  	vm6 =	vgt.f32 v43, v45;
	v61 =	vsub.f32 v62, v61;
	v62 =	vld [tilespmem:$0xA70];
	v56 =	vsub.f32 v56, v59  }
0x39c: {  	v55 =	vsub.f32 v60, v55;
	vm5 =	vmneg vm5;
	v60 =	vadd.f32 v53, v22  }
0x39d: {  	v53 =	vadd.f32 v53, v27;
	vm6 =	vmand vm6, vm5;
	v48 =	vmax.f32 v48, $0.0e+00  }
0x39e: {  	v63 =	vmax.f32 v61, $0.0e+00;
	v55 =	vmax.f32 v55, $0.0e+00;
	v61 =	vmax.f32 v49, v23  }
0x39f: {  	v59 =	vmul.f32 v63, v48;
	v48 =	vmax.f32 v56, $0.0e+00;
	v56 =	vld [tilespmem:$0xD70];
	v63 =	vmin.f32 v52, v25  }
0x3a0: {  	v0 =	vmax.f32 v58, v24;
	v61 =	vsub.f32 v63, v61;
	v63 =	vmin.f32 v62, v26  }
0x3a1: {  	v49 =	vmax.f32 v49, v28;
	v48 =	vmul.f32 v55, v48;
	v55 =	vpop (erf);
	v0 =	vsub.f32 v63, v0  }
0x3a2: {  	v44 =	vsel vm6, v43, v45;
	v51 =	vsub.f32 v60, v59;
	v54 =	vmul.f32 v55, v54  }
0x3a3: {  	v60 =	vld [tilespmem:$0x600];
	v53 =	vsub.f32 v53, v48;
	v55 =	vmax.f32 v61, $0.0e+00;
	v0 =	vmax.f32 v0, $0.0e+00  }
0x3a4: {  	v51 =	vadd.f32 $9.999999970e-07, v51;
	v63 =	vld [tilespmem:$0x780];
	v61 =	vpop (erf);
	v0 =	vmul.f32 v0, v55;
	v55 =	vadd.f32 v56, v22  }
0x3a5: {  	v58 =	vmax.f32 v58, v29;
	v53 =	vadd.f32 $9.999999970e-07, v53;
	v50 =	vmul.f32 v61, v50;
	v61 =	vld [tilespmem:$0x900]  }
0x3a6: {  	vm15 =	vgt.f32 v54, $5.000000000e-01;
	(erf) = vrcp.f32 v51;
	v54 =	vpop (erf);
	v51 =	vsub.f32 v55, v0;
	v55 =	vld [tilespmem:$0xA80]  }
0x3a7: {  	v62 =	vmin.f32 v62, v31;
	v54 =	vmul.f32 v54, v57;
	v57 =	vmin.f32 v52, v30  }
0x3a8: {  	(erf) = vrcp.f32 v53;
	v52 =	vmax.f32 v60, v23;
	v49 =	vsub.f32 v57, v49  }
0x3a9: {  	vm13 =	vgt.f32 v50, $5.000000000e-01;
	v50 =	vadd.f32 $9.999999970e-07, v51;
	v51 =	vsub.f32 v62, v58  }
0x3aa: {  	v58 =	vmax.f32 v63, v24;
	v49 =	vmax.f32 v49, $0.0e+00;
	v53 =	vmin.f32 v61, v25  }
0x3ab: {  	v57 =	vld [tilespmem:$0x610];
	v51 =	vmax.f32 v51, $0.0e+00;
	v62 =	vmin.f32 v55, v26;
	v52 =	vsub.f32 v53, v52  }
0x3ac: {  	v53 =	vld [tilespmem:$0x790];
	v49 =	vmul.f32 v51, v49;
	v51 =	vadd.f32 v56, v27;
	v58 =	vsub.f32 v62, v58  }
0x3ad: {  	v46 =	vsel vm6, v12, v46;
	(erf) = vrcp.f32 v50;
	v55 =	vmin.f32 v55, v31;
	v62 =	vld [tilespmem:$0x910]  }
0x3ae: {  	v52 =	vmax.f32 v52, $0.0e+00;
	v51 =	vsub.f32 v51, v49;
	v58 =	vmax.f32 v58, $0.0e+00  }
0x3af: {  	v50 =	vld [tilespmem:$0xA90];
	v52 =	vmul.f32 v58, v52;
	v58 =	vmax.f32 v60, v28;
	v60 =	vmin.f32 v61, v30  }
0x3b0: {  	v61 =	vmax.f32 v63, v29;
	v51 =	vadd.f32 $9.999999970e-07, v51;
	v58 =	vsub.f32 v60, v58  }
0x3b1: {  	v56 =	vld [tilespmem:$0xD80];
	v55 =	vsub.f32 v55, v61;
	v60 =	vmax.f32 v57, v23;
	v63 =	vmax.f32 v53, v24  }
0x3b2: {  	v57 =	vmax.f32 v57, v28;
	v53 =	vmax.f32 v53, v29;
	v61 =	vmin.f32 v62, v25  }
0x3b3: {  	v62 =	vmin.f32 v62, v30;
	(erf) = vrcp.f32 v51;
	v60 =	vsub.f32 v61, v60  }
0x3b4: {  	v61 =	vmin.f32 v50, v26;
	v45 =	vsub.f32 v62, v57;
	v57 =	vld [tilespmem:$0xD90];
	v58 =	vmax.f32 v58, $0.0e+00  }
0x3b5: {  	v55 =	vmax.f32 v55, $0.0e+00;
	v50 =	vmin.f32 v50, v31;
	v61 =	vsub.f32 v61, v63  }
0x3b6: {  	v63 =	vadd.f32 v56, v22;
	v55 =	vmul.f32 v55, v58;
	v56 =	vadd.f32 v56, v27  }
0x3b7: {  	v50 =	vsub.f32 v50, v53;
	v60 =	vmax.f32 v60, $0.0e+00;
	v45 =	vmax.f32 v45, $0.0e+00  }
0x3b8: {  	v63 =	vsub.f32 v63, v52;
	v61 =	vmax.f32 v61, $0.0e+00;
	v56 =	vsub.f32 v56, v55  }
0x3b9: {  	v51 =	vld [tilespmem:$0x920];
	v50 =	vmax.f32 v50, $0.0e+00;
	v58 =	vmul.f32 v61, v60;
	v60 =	vadd.f32 v57, v22  }
0x3ba: {  	v53 =	vld [tilespmem:$0xBC0];
	v50 =	vmul.f32 v50, v45;
	v45 =	vadd.f32 v57, v27;
	v56 =	vadd.f32 $9.999999970e-07, v56  }
0x3bb: {  	v61 =	vld [tilespmem:$0x620];
	v62 =	vadd.f32 $9.999999970e-07, v63;
	v63 =	vsel vm5, v44, v47;
	v44 =	vsub.f32 v60, v58  }
0x3bc: {  	v46 =	vsel vm5, v46, v1;
	v1 =	vsel vm5, v1, v12;
	v45 =	vsub.f32 v45, v50;
	v60 =	vld [tilespmem:$0xAA0]  }
0x3bd: {  	vm7 =	vmor vm14, vm15;
	v57 =	vld [tilespmem:$0x7A0];
	(erf) = vrcp.f32 v62;
	v62 =	vadd.f32 $9.999999970e-07, v44  }
0x3be: {  	v47 =	vsel vm5, v47, v43;
	(erf) = vrcp.f32 v56;
	v56 =	vpop (erf);
	v45 =	vadd.f32 $9.999999970e-07, v45  }
0x3bf: {  	v44 =	vsel vm7, $0xFF800000, v53;
	v53 =	vmul.f32 v56, v59;
	(erf) = vrcp.f32 v62  }
0x3c0: {  	v62 =	vmin.f32 v51, v25;
	(erf) = vrcp.f32 v45;
	v45 =	vmax.f32 v61, v23  }
0x3c1: {  	v56 =	vld [tilespmem:$0xDA0];
	vm6 =	vgt.f32 v44, v47;
	v45 =	vsub.f32 v62, v45;
	v62 =	vmin.f32 v60, v26  }
0x3c2: {  	v59 =	vmax.f32 v57, v24;
	vm15 =	vmneg vm6;
	vm6 =	vgt.f32 v44, v63  }
0x3c3: {  	vm12 =	vgt.f32 v54, $5.000000000e-01;
	vm5 =	vmand vm6, vm15;
	v54 =	vsub.f32 v62, v59  }
0x3c4: {  	vm12 =	vmor vm13, vm12;
	vm6 =	vgt.f32 v53, $5.000000000e-01;
	v46 =	vsel vm5, v14, v46;
	v62 =	vpop (erf)  }
0x3c5: {  	v45 =	vmax.f32 v45, $0.0e+00;
	v48 =	vmul.f32 v62, v48;
	v59 =	vpop (erf);
	v62 =	vmax.f32 v54, $0.0e+00  }
0x3c6: {  	v0 =	vmul.f32 v59, v0;
	v59 =	vld [tilespmem:$0xBD0];
	v53 =	vmul.f32 v62, v45;
	v45 =	vadd.f32 v56, v22  }
0x3c7: {  	v51 =	vmin.f32 v51, v30;
	v46 =	vsel vm15, v46, v1;
	v54 =	vpop (erf);
	v62 =	vsel vm5, v44, v63  }
0x3c8: {  	vm7 =	vgt.f32 v48, $5.000000000e-01;
	v48 =	vmul.f32 v54, v49;
	v63 =	vpop (erf);
	v54 =	vld [tilespmem:$0x630];
	v45 =	vsub.f32 v45, v53  }
0x3c9: {  	v1 =	vsel vm15, v1, v14;
	vm14 =	vgt.f32 v0, $5.000000000e-01;
	v0 =	vmul.f32 v63, v52;
	v63 =	vpop (erf);
	v52 =	vld [tilespmem:$0x7B0]  }
0x3ca: {  	v49 =	vmul.f32 v63, v55;
	v55 =	vld [tilespmem:$0x930];
	vm13 =	vgt.f32 v48, $5.000000000e-01;
	v48 =	vadd.f32 $9.999999970e-07, v45  }
0x3cb: {  	vm6 =	vmor vm6, vm7;
	v63 =	vld [tilespmem:$0xAB0];
	vm5 =	vgt.f32 v0, $5.000000000e-01;
	v45 =	vsel vm12, $0xFF800000, v59  }
0x3cc: {  	vm12 =	vgt.f32 v49, $5.000000000e-01;
	(erf) = vrcp.f32 v48;
	v48 =	vmax.f32 v61, v28  }
0x3cd: {  	v0 =	vpop (erf);
	v61 =	vmin.f32 v60, v31;
	v23 =	vmax.f32 v54, v23;
	vm5 =	vmor vm5, vm12  }
0x3ce: {  	v0 =	vmul.f32 v0, v58;
	v59 =	vpop (erf);
	v48 =	vsub.f32 v51, v48;
	v24 =	vmax.f32 v52, v24  }
0x3cf: {  	v58 =	vsel vm15, v62, v47;
	v49 =	vmul.f32 v59, v50;
	v50 =	vmax.f32 v57, v29  }
0x3d0: {  	v25 =	vmin.f32 v55, v25;
	v26 =	vmin.f32 v63, v26;
	v59 =	vsel vm15, v47, v44  }
0x3d1: {  	v30 =	vmin.f32 v55, v30;
	v31 =	vmin.f32 v63, v31;
	v50 =	vsub.f32 v61, v50  }
0x3d2: {  	v60 =	vld [tilespmem:$0xDB0];
	vm7 =	vgt.f32 v45, v58;
	v23 =	vsub.f32 v25, v23;
	v24 =	vsub.f32 v26, v24  }
0x3d3: {  	v25 =	vmax.f32 v54, v28;
	v26 =	vmax.f32 v52, v29;
	vm15 =	vgt.f32 v45, v59  }
0x3d4: {  	v62 =	vmax.f32 v48, $0.0e+00;
	v48 =	vadd.f32 v56, v27;
	vm15 =	vmneg vm15  }
0x3d5: {  	v61 =	vld [tilespmem:$0xBE0];
	v25 =	vsub.f32 v30, v25;
	v26 =	vsub.f32 v31, v26;
	vm7 =	vmand vm7, vm15  }
0x3d6: {  	v63 =	vmax.f32 v50, $0.0e+00;
	v23 =	vmax.f32 v23, $0.0e+00;
	v24 =	vmax.f32 v24, $0.0e+00  }
0x3d7: {  	v22 =	vadd.f32 v60, v22;
	v27 =	vadd.f32 v60, v27;
	v47 =	vmul.f32 v63, v62  }
0x3d8: {  	v23 =	vmul.f32 v24, v23;
	v24 =	vsel vm7, v45, v58;
	v25 =	vmax.f32 v25, $0.0e+00  }
0x3d9: {  	v26 =	vmax.f32 v26, $0.0e+00;
	v52 =	vsel vm7, v15, v46;
	vm7 =	vgt.f32 v0, $5.000000000e-01  }
0x3da: {  	v25 =	vmul.f32 v26, v25;
	v26 =	vsel vm15, v59, v45;
	v50 =	vsel vm6, $0xFF800000, v61  }
0x3db: {  	v51 =	vld [tilespmem:$0xBF0];
	v24 =	vsel vm15, v24, v59;
	v28 =	vsub.f32 v48, v47;
	vm6 =	vgt.f32 v50, v26  }
0x3dc: {  	v54 =	vsel vm15, v52, v1;
	v22 =	vsub.f32 v22, v23;
	vm8 =	vmneg vm6  }
0x3dd: {  	v28 =	vadd.f32 $9.999999970e-07, v28;
	vm6 =	vmor vm14, vm13;
	vm13 =	vgt.f32 v50, v24  }
0x3de: {  	v1 =	vsel vm15, v1, v15;
	v55 =	vpop (erf);
	v22 =	vadd.f32 $9.999999970e-07, v22;
	vm13 =	vmand vm13, vm8  }
0x3df: {  	v30 =	vmul.f32 v55, v53;
	(erf) = vrcp.f32 v28;
	v0 =	vsel vm13, v50, v24  }
0x3e0: {  	v24 =	vsub.f32 v27, v25;
	v27 =	vsel vm6, $0xFF800000, v51;
	v28 =	vsel vm13, v16, v54  }
0x3e1: {  	(erf) = vrcp.f32 v22;
	v22 =	vld [tilespmem:$0xC00];
	v0 =	vsel vm8, v0, v26;
	v26 =	vsel vm8, v26, v50  }
0x3e2: {  	v28 =	vsel vm8, v28, v1;
	vm6 =	vgt.f32 v27, v26;
	v24 =	vadd.f32 $9.999999970e-07, v24  }
0x3e3: {  	v1 =	vsel vm8, v1, v16;
	vm14 =	vgt.f32 v27, v0;
	vm6 =	vmneg vm6  }
0x3e4: {  	vm8 =	vgt.f32 v49, $5.000000000e-01;
	vm12 =	vmand vm14, vm6;
	(erf) = vrcp.f32 v24;
	v24 =	vld [tilespmem:$0xC10]  }
0x3e5: {  	[tilespmem:$0xB00] =	vst v32;
	vm7 =	vmor vm7, vm8;
	v0 =	vsel vm12, v27, v0;
	v28 =	vsel vm12, v17, v28  }
0x3e6: {  	[tilespmem:$0xB10] =	vst v33;
	v22 =	vsel vm5, $0xFF800000, v22;
	v0 =	vsel vm6, v0, v26;
	v26 =	vsel vm6, v26, v27  }
0x3e7: {  	[tilespmem:$0xB20] =	vst v34;
	vm12 =	vgt.f32 v30, $5.000000000e-01;
	v28 =	vsel vm6, v28, v1;
	vm5 =	vgt.f32 v22, v26  }
0x3e8: {  	[tilespmem:$0xB30] =	vst v35;
	v1 =	vsel vm6, v1, v17;
	vm13 =	vgt.f32 v22, v0;
	vm5 =	vmneg vm5  }
0x3e9: {  	[tilespmem:$0xB40] =	vst v36;
	v56 =	vpop (erf);
	v24 =	vsel vm7, $0xFF800000, v24;
	vm7 =	vmand vm13, vm5;
	v57 =	vsel vm5, v26, v22  }
0x3ea: {  	[tilespmem:$0xB50] =	vst v37;
	v58 =	vld [tilespmem:$0xC20];
	v31 =	vmul.f32 v56, v47;
	v0 =	vsel vm7, v22, v0;
	vm8 =	vgt.f32 v24, v57  }
0x3eb: {  	[tilespmem:$0xB60] =	vst v38;
	v28 =	vsel vm7, v18, v28;
	v0 =	vsel vm5, v0, v26;
	vm6 =	vmneg vm8  }
0x3ec: {  	[tilespmem:$0xB70] =	vst v39;
	v26 =	vpop (erf);
	vm8 =	vgt.f32 v24, v0;
	vm13 =	vgt.f32 v31, $5.000000000e-01;
	v59 =	vsel vm6, v57, v24  }
0x3ed: {  	[tilespmem:$0xB80] =	vst v40;
	v23 =	vmul.f32 v26, v23;
	v26 =	vsel vm5, v28, v1;
	vm7 =	vmand vm8, vm6  }
0x3ee: {  	[tilespmem:$0xB90] =	vst v41;
	v62 =	vld [tilespmem:$0xC30];
	v1 =	vsel vm5, v1, v18;
	vm8 =	vmor vm12, vm13;
	v61 =	vpop (erf);
	v0 =	vsel vm7, v24, v0  }
0x3ef: {  	[tilespmem:$0xBA0] =	vst v42;
	v60 =	vsel vm8, $0xFF800000, v58;
	v25 =	vmul.f32 v61, v25;
	vm13 =	vgt.f32 v23, $5.000000000e-01  }
0x3f0: {  	s15 =	rddreg [dreg:$0x8];
	[tilespmem:$0xBB0] =	vst v43;
	v23 =	vsel vm7, v19, v26;
	vm8 =	vgt.f32 v60, v59;
	v0 =	vsel vm6, v0, v57  }
0x3f1: {  	s15 =	simm.s32 @!p1 $0x1;
	[tilespmem:$0xBC0] =	vst v44;
	vm8 =	vmneg vm8;
	vm12 =	vgt.f32 v60, v0;
	vm14 =	vgt.f32 v25, $5.000000000e-01  }
0x3f2: {  	s14 =	sadd.s32 s14, s15;
	[tilespmem:$0xBD0] =	vst v45;
	v23 =	vsel vm6, v23, v1;
	vm5 =	vmor vm13, vm14;
	vm12 =	vmand vm12, vm8  }
0x3f3: {  	p1 =	slt.u32 s14, $0x64;
	[tilespmem:$0xBE0] =	vst v50;
	v25 =	vsel vm8, v59, v60;
	v0 =	vsel vm12, v60, v0;
	v63 =	vsel vm5, $0xFF800000, v62  }
.Ltmp0:
0x3f4: {  	[tilespmem:$0xBF0] =	vst v27;
	v1 =	vsel vm6, v1, v19;
	v0 =	vsel vm8, v0, v59;
	vm5 =	vgt.f32 v63, v25;
	(pc) =	sbr.rel @p1 .LBB2_1-.Ltmp0, $4  }
0x3f5: {  	[tilespmem:$0xC00] =	vst v22;
	v23 =	vsel vm12, v20, v23;
	vm5 =	vmneg vm5;
	vm7 =	vgt.f32 v63, v0  }
0x3f6: {  	[tilespmem:$0xC10] =	vst v24;
	v22 =	vsel vm8, v23, v1;
	v1 =	vsel vm8, v1, v20;
	vm6 =	vmand vm7, vm5  }
0x3f7: {  	[tilespmem:$0xC20] =	vst v60;
	v24 =	vsel vm5, v1, v21;
	v0 =	vsel vm6, v63, v0;
	v22 =	vsel vm6, v21, v22  }
0x3f8: {  	s2 =	sadd.s32 $0x100, s2;
	[tilespmem:$0xC30] =	vst v63;
	v23 =	vsel vm5, v0, v25;
	v22 =	vsel vm5, v22, v1;
	v25 =	vsel vm5, v25, v63  }
0x3f9: {  	s2 =	simm.s32 @p0 $0x0;
	s3 =	simm.s32 @p0 $0xE00  }
0x3fa: {  	[hbm4b:s6+s2] =	stream.linear.scatter @p0 [tilespmem:s3], [sflag:$0x1], $0x140, $0x38;
	[tilespmem:$0x1120] =	vst v63  }
0x3fb: {  	s2 =	simm.s32 @p0 $0x1  }
0x3fc: {  	_ =	swait.ge @p0 [sflag:s2], $0x140  }
0x3fd: {  	[sflag:s2] =	ssyncset.done @p0 $0x0  }
0x3fe: {  	s3 =	simm.s32 @!p0 $0xE00;
	[sflag:s2] =	ssyncadd.s32 @p0 $0xFFFFFEC0;
	s2 =	simm.s32 @!p0 $0x0  }
0x3ff: {  	[hbm4b:s5+s2] =	stream.linear.scatter @!p0 [tilespmem:s3], [sflag:$0x1], $0xC8, $0x38;
	[tilespmem:$0x1120] =	vst v63  }
0x400: {  	s2 =	simm.s32 @!p0 $0x1  }
0x401: {  	_ =	swait.ge @!p0 [sflag:s2], $0xC8  }
0x402: {  	[sflag:s2] =	ssyncset.done @!p0 $0x0  }
0x403: {  	[sflag:s2] =	ssyncadd.s32 @!p0 $0xFFFFFF38  }
0x404: {  	_ =	sfence.sel $0x180000  }
0x405: {  	[bflag:$0x0] =	sbarrier.arrive $0xFFFF  }
0x406: {  	p0 =	sne.s32 s0, $0x0;
	_ =	strace $0x90000047  }
0x407: {  	s0 =	sadd.s32 @!p0 $0x100000, s1;
	[bflag:$0x2] =	sbarrier.arrive $0xFFFF  }
0x408: {  	[sflag:s0] =	ssyncadd.tile.s32 @!p0 $0x1;
	_ =	shalt  }
.Lfunc_end2:
_tile_overlayer_lowered:
.L_overlay_start_2:
0x409: {  	(tag) =	ssettag $0x2  }
0x40a: {  	s0 =	rddreg [dreg:$0x0];
	s2 =	stileid.u32  }
0x40b: {  	s1 =	rddreg [dreg:$0x1];
	p0 =	sne.s32 s2, $0x0  }
0x40c: {  	s3 =	rddreg [dreg:$0x2];
	[bflag:$0x3] =	sbarrier.arrive $0xFFFF;
	s2 =	simm.s32 @!p0 $0x1C01  }
0x40d: {  	[timem:s3], [sflag:s2] =	dma.local @!p0 [hbm:s0], s1  }
0x40e: {  	s0 =	simm.s32 @!p0 $0x1  }
0x40f: {  	_ =	swait.ge @!p0 [sflag:s0], s1  }
0x410: {  	s1 =	ssub.s32 @!p0 $0x0, s1;
	[sflag:s0] =	ssyncset.done @!p0 $0x0  }
0x411: {  	[sflag:s0] =	ssyncadd.s32 @!p0 s1  }
0x412: {  	[bflag:$0x3] =	sbarrier.arrive $0xFFFF  }
0x413: {  	_ =	shalt  }

</sc_bundles>
